<compile_context>
chip_gen: v7x
topology: tpu7x:2x2x1
jax: 0.10.2.dev20260603
libtpu: 0.0.44.dev20260713+nightly
codegen_flags: <defaults>
</compile_context>

<pallas_src>
import functools

import jax
import jax.numpy as jnp
from jax import lax
from jax.experimental import pallas as pl
from jax.experimental.pallas import tpu as pltpu
from jax.experimental.pallas import tpu_sc as plsc

N = 10000
D = 128
HALF = 64
E = 320000
P = 100000

NT = 16
NC = 2
CH = 128
ECH = (E // NT) // CH * CH
NCH = ECH // CH
EREM_CH = (E - ECH * NT) // CH
RA = (N // NT) // 8 * 8
NREM = N - RA * NT
BP = 3200
PP = NT * NC * BP



def _elu(x):
    return jnp.where(x > 0, x, jnp.exp(jnp.minimum(x, 0.0)) - 1.0)


def _tc0_body(x_ref, w_ref, b_ref, o_ref):
    o_ref[...] = _elu(
        jnp.dot(x_ref[...], w_ref[...], preferred_element_type=jnp.float32)
        + b_ref[...])


def _node_emb(x, W, b):
    R = 2000
    return pl.pallas_call(
        _tc0_body,
        grid=(N // R,),
        in_specs=[pl.BlockSpec((R, D), lambda i: (i, 0)),
                  pl.BlockSpec((D, D), lambda i: (0, 0)),
                  pl.BlockSpec((1, D), lambda i: (0, 0))],
        out_specs=pl.BlockSpec((R, D), lambda i: (i, 0)),
        out_shape=jax.ShapeDtypeStruct((N, D), jnp.float32),
    )(x, W, b.reshape(1, D))


_RT = 2000
_GT = N // _RT


def _tc12_body(h_ref, w_ref, b_ref, w1_ref, b1_ref, w2_ref, fcw_ref, fcb_ref,
               pw_ref, ne2_ref, uv_ref, sems_v, wp_s):
    i = pl.program_id(0)

    @pl.when(i < _GT)
    def _():
        for t in range(4):
            sem = _elu(
                jnp.dot(h_ref[t], w_ref[t], preferred_element_type=jnp.float32)
                + b_ref[t])
            sems_v[t, pl.ds(i * _RT, _RT)] = sem
            t_ = jnp.tanh(
                jnp.dot(sem, w1_ref[t // 2], preferred_element_type=jnp.float32)
                + b1_ref[t // 2])
            prev = jnp.where(i == 0, 0.0, wp_s[t])
            wp_s[t] = prev + jnp.sum(t_ * w2_ref[t // 2])

    @pl.when(i >= _GT)
    def _():
        sl = pl.ds((i - _GT) * _RT, _RT)
        a0, a1, a2, a3 = (wp_s[0] / N, wp_s[1] / N, wp_s[2] / N, wp_s[3] / N)
        e0 = jnp.exp(a0 - jnp.maximum(a0, a1))
        e1 = jnp.exp(a1 - jnp.maximum(a0, a1))
        e2 = jnp.exp(a2 - jnp.maximum(a2, a3))
        e3 = jnp.exp(a3 - jnp.maximum(a2, a3))
        emb_in = (e0 * sems_v[0, sl] + e1 * sems_v[1, sl]) / (e0 + e1)
        emb_out = (e2 * sems_v[2, sl] + e3 * sems_v[3, sl]) / (e2 + e3)
        ne2 = _elu(
            jnp.dot(emb_in, fcw_ref[0], preferred_element_type=jnp.float32)
            + jnp.dot(emb_out, fcw_ref[1], preferred_element_type=jnp.float32)
            + fcb_ref[...])
        ne2_ref[...] = ne2
        uv_ref[...] = jnp.dot(ne2, pw_ref[...],
                              preferred_element_type=jnp.float32)


def _dense(hsum, Weff, beff, W1, b1, W2, fcWs, fcb, predWcat):
    return pl.pallas_call(
        _tc12_body,
        grid=(2 * _GT,),
        in_specs=[
            pl.BlockSpec((4, _RT, D), lambda i: (0, jnp.minimum(i, _GT - 1), 0)),
            pl.BlockSpec((4, D, D), lambda i: (0, 0, 0)),
            pl.BlockSpec((4, 1, D), lambda i: (0, 0, 0)),
            pl.BlockSpec((2, D, HALF), lambda i: (0, 0, 0)),
            pl.BlockSpec((2, 1, HALF), lambda i: (0, 0, 0)),
            pl.BlockSpec((2, 1, HALF), lambda i: (0, 0, 0)),
            pl.BlockSpec((2, D, D), lambda i: (0, 0, 0)),
            pl.BlockSpec((1, D), lambda i: (0, 0)),
            pl.BlockSpec((D, 4), lambda i: (0, 0)),
        ],
        out_specs=[
            pl.BlockSpec((_RT, D), lambda i: (jnp.maximum(i - _GT, 0), 0)),
            pl.BlockSpec((_RT, 4), lambda i: (jnp.maximum(i - _GT, 0), 0)),
        ],
        out_shape=[jax.ShapeDtypeStruct((N, D), jnp.float32),
                   jax.ShapeDtypeStruct((N, 4), jnp.float32)],
        scratch_shapes=[pltpu.VMEM((4, N, D), jnp.float32),
                        pltpu.SMEM((4,), jnp.float32)],
    )(hsum, Weff, beff, W1, b1, W2, fcWs, fcb, predWcat)



NQ = 6
NRB = 3


def _agg(node_emb, ei_in0, ei_in1, ei_out0, ei_out1):
    mesh = plsc.VectorSubcoreMesh(core_axis_name="c", subcore_axis_name="s")

    @functools.partial(
        pl.kernel, mesh=mesh,
        out_type=jax.ShapeDtypeStruct((4, N, D), jnp.float32),
        scratch_types=[
            [pltpu.VMEM((CH,), jnp.int32) for _ in range(NQ)],
            [pltpu.VMEM((CH,), jnp.int32) for _ in range(NQ)],
            [pltpu.VMEM((CH, D), jnp.float32) for _ in range(NRB)],
            pltpu.VMEM_SHARED((N, D), jnp.float32),
            [pltpu.SemaphoreType.DMA for _ in range(NQ)],
            [pltpu.SemaphoreType.DMA for _ in range(NRB)],
            [pltpu.SemaphoreType.DMA for _ in range(NRB)],
        ],
        compiler_params=pltpu.CompilerParams(use_tc_tiling_on_sc=False, needs_layout_passes=False),
    )
    def k(ne_hbm, in0_hbm, in1_hbm, out0_hbm, out1_hbm, out_hbm,
          sidx, didx, rows, acc, isem, gsem, ssem):
        c = lax.axis_index("c")
        s = lax.axis_index("s")

        def gather(q, b):
            return pltpu.make_async_copy(ne_hbm.at[sidx[q]], rows[b], gsem[b])

        def scat(q, b):
            return pltpu.make_async_copy(rows[b], acc.at[didx[q]], ssem[b])

        def process(ei_hbm):
            ebase = s * ECH

            def idx_cp(base, q):
                return (pltpu.make_async_copy(ei_hbm.at[0, pl.ds(base, CH)],
                                              sidx[q], isem[q]),
                        pltpu.make_async_copy(ei_hbm.at[1, pl.ds(base, CH)],
                                              didx[q], isem[q]))

            def idx_start(base, q):
                a, bb = idx_cp(base, q)
                a.start()
                bb.start()

            def idx_wait(q):
                a, bb = idx_cp(0, q)
                a.wait()
                bb.wait()

            for q in range(4):
                idx_start(ebase + q * CH, q)
            idx_wait(0)
            gather(0, 0).start()
            idx_wait(1)
            gather(1, 1).start()

            def body(k_, _):
                for u in range(NQ):
                    g = k_ * NQ + u
                    b = u % NRB
                    gather(u, b).wait()

                    @pl.when(g >= 1)
                    def _():
                        scat((u + 2) % NQ, (u + 2) % NRB).wait()

                    @pl.when(g + 4 < NCH)
                    def _():
                        idx_start(ebase + (g + 4) * CH, (u + 4) % NQ)

                    @pl.when(g + 2 < NCH)
                    def _():
                        idx_wait((u + 2) % NQ)
                        gather((u + 2) % NQ, (u + 2) % NRB).start()

                    scat(u, b).start(add=True)
                return ()

            lax.fori_loop(0, NCH // NQ, body, ())
            scat(5, 2).wait()

            @pl.when(s < EREM_CH)
            def _():
                rbase = ECH * NT + s * CH
                idx_start(rbase, 0)
                idx_wait(0)
                pltpu.async_copy(ne_hbm.at[sidx[0]], rows[0], gsem[0]).wait()
                pltpu.sync_copy(rows[0], acc.at[didx[0]], add=True)

        def writeback(lidx):
            pltpu.sync_copy(acc.at[pl.ds(s * RA, RA)],
                            out_hbm.at[lidx, pl.ds(s * RA, RA)])

            @pl.when(s == 0)
            def _():
                pltpu.sync_copy(acc.at[pl.ds(RA * NT, NREM)],
                                out_hbm.at[lidx, pl.ds(RA * NT, NREM)])

        for j in range(2):
            pltpu.sync_copy(ne_hbm.at[pl.ds(s * RA, RA)],
                            acc.at[pl.ds(s * RA, RA)])

            @pl.when(s == 0)
            def _():
                pltpu.sync_copy(ne_hbm.at[pl.ds(RA * NT, NREM)],
                                acc.at[pl.ds(RA * NT, NREM)])

            plsc.subcore_barrier()

            @pl.when(c == 0)
            def _():
                process(in0_hbm if j == 0 else in1_hbm)

            @pl.when(c == 1)
            def _():
                process(out0_hbm if j == 0 else out1_hbm)

            plsc.subcore_barrier()

            @pl.when(c == 0)
            def _():
                writeback(j)

            @pl.when(c == 1)
            def _():
                writeback(2 + j)

            plsc.subcore_barrier()

    return k(node_emb, ei_in0, ei_in1, ei_out0, ei_out1)


def _pair_logits(UVflat, eidx_flat):
    mesh = plsc.VectorSubcoreMesh(core_axis_name="c", subcore_axis_name="s")

    @functools.partial(
        pl.kernel, mesh=mesh,
        out_type=jax.ShapeDtypeStruct((2 * PP,), jnp.float32),
        scratch_types=[
            pltpu.VMEM((4 * N,), jnp.float32),
            pltpu.VMEM((BP,), jnp.int32),
            pltpu.VMEM((BP,), jnp.int32),
            pltpu.VMEM((BP,), jnp.float32),
            pltpu.VMEM((BP,), jnp.float32),
        ],
        compiler_params=pltpu.CompilerParams(use_tc_tiling_on_sc=False, needs_layout_passes=False),
    )
    def k(uv_hbm, eidx_hbm, out_hbm, uv_v, i0_v, i1_v, o0_v, o1_v):
        c = lax.axis_index("c")
        s = lax.axis_index("s")
        wid = s * NC + c
        base = wid * BP
        pltpu.sync_copy(uv_hbm, uv_v)
        pltpu.sync_copy(eidx_hbm.at[pl.ds(base, BP)], i0_v)
        pltpu.sync_copy(eidx_hbm.at[pl.ds(PP + base, BP)], i1_v)

        def body(g, _):
            sl = pl.ds(g * 16, 16)
            i0 = i0_v[sl] * 4
            i1 = i1_v[sl] * 4
            u0 = plsc.load_gather(uv_v, [i0])
            v0 = plsc.load_gather(uv_v, [i1 + 2])
            u1 = plsc.load_gather(uv_v, [i0 + 1])
            v1 = plsc.load_gather(uv_v, [i1 + 3])
            o0_v[sl] = u0 + v0
            o1_v[sl] = u1 + v1
            return ()

        lax.fori_loop(0, BP // 16, body, ())
        pltpu.sync_copy(o0_v, out_hbm.at[pl.ds(base, BP)])
        pltpu.sync_copy(o1_v, out_hbm.at[pl.ds(PP + base, BP)])

    return k(UVflat, eidx_flat)



def _edge_cs(edge_feat, fc_edge):
    emb = jax.nn.elu(jnp.squeeze(jnp.matmul(edge_feat, fc_edge), axis=1))
    r1, r2 = jnp.split(emb, 2, axis=-1)
    nrm = jnp.maximum(jnp.sqrt(r1 * r1 + r2 * r2), 1e-12)
    return r1 / nrm, r2 / nrm


def _step_mat(c, s, tag):
    if tag == "in":
        return (c, -s, s * c, c - s * s)
    return (c, s, -c * s, c - s * s)


def _compose(mb, ma):
    b00, b01, b10, b11 = mb
    a00, a01, a10, a11 = ma
    return (b00 * a00 + b01 * a10, b00 * a01 + b01 * a11,
            b10 * a00 + b11 * a10, b10 * a01 + b11 * a11)


def _path_mat(c, s, path, tag):
    mats = {e: _step_mat(c[e - 1], s[e - 1], tag) for e in (1, 2)}
    seq = path if tag == "in" else list(reversed(path))
    M = mats[seq[0]]
    for e in seq[1:]:
        M = _compose(mats[e], M)
    return M


def _weff(M, W):
    m00, m01, m10, m11 = M
    Wt, Wb = W[:HALF], W[HALF:]
    we = m00[:, None] * Wt + m10[:, None] * Wb
    wo = m01[:, None] * Wt + m11[:, None] * Wb
    return jnp.stack([we, wo], axis=1).reshape(D, D)



def kernel(node_feat, fc_node_W, fc_node_b, edge_feat_in, edge_feat_out,
           fc_edge_in, fc_edge_out, gin_in_W, gin_in_b, sa_in_W1, sa_in_b1,
           sa_in_W2, gin_out_W, gin_out_b, sa_out_W1, sa_out_b1, sa_out_W2,
           fc_W, fc_b, pred_W, edge_index_in_0, edge_index_in_1,
           edge_index_out_0, edge_index_out_1, edge_indices):
    node_emb = _node_emb(node_feat, fc_node_W, fc_node_b)

    cin, sin = _edge_cs(edge_feat_in, fc_edge_in)
    cout, sout = _edge_cs(edge_feat_out, fc_edge_out)
    Ms = [_path_mat(cin, sin, [1, 2], "in"),
          _path_mat(cin, sin, [2, 1], "in"),
          _path_mat(cout, sout, [1, 2], "out"),
          _path_mat(cout, sout, [2, 1], "out")]
    Gw = [gin_in_W[0], gin_in_W[1], gin_out_W[0], gin_out_W[1]]
    Weff = jnp.stack([_weff(Ms[i], Gw[i]) for i in range(4)])
    beff = jnp.stack([gin_in_b, gin_out_b]).reshape(4, 1, D)
    W1 = jnp.stack([sa_in_W1, sa_out_W1])
    b1 = jnp.stack([sa_in_b1, sa_out_b1]).reshape(2, 1, HALF)
    W2 = jnp.stack([sa_in_W2, sa_out_W2]).reshape(2, 1, HALF)

    hsum = _agg(node_emb, edge_index_in_0, edge_index_in_1,
                edge_index_out_0, edge_index_out_1)

    fcWs = jnp.stack([fc_W[:D], fc_W[D:]])
    predWcat = jnp.concatenate([pred_W[:D], pred_W[D:]], axis=1)
    node_emb2, UV = _dense(hsum, Weff, beff, W1, b1, W2, fcWs,
                           fc_b.reshape(1, D), predWcat)

    eidx_flat = jnp.pad(edge_indices, ((0, PP - P), (0, 0))).T.reshape(-1)
    lg = _pair_logits(UV.reshape(-1), eidx_flat)
    logits = lg.reshape(2, PP).T[:P]
    return (node_emb2, logits)

# --- scband reference (transcript-rebuilt; emitter-appended) ---
"""Pipeline reference for scband-han-4776003633226 (READ-ONLY COPY).

The authoritative reference and input builder live on the scoring server;
editing this copy changes nothing except your own understanding.
"""

import jax, jax.numpy as jnp
import numpy as np

N = 10000
E = 320000
D = 128
HALF = 64
ETY = 4
EDIM = 16
P = 100000
PATHS = [[1, 2], [2, 1]]


def setup_inputs(seed: int = 0):
    key = jax.random.key(seed)
    ks = jax.random.split(key, 24)

    def f(i, shape):
        return jax.random.normal(ks[i], shape, dtype=jnp.float32) * 0.05

    inp = {}
    inp['node_feat'] = f(0, (N, D))
    inp['fc_node_W'] = f(1, (D, D))
    inp['fc_node_b'] = jnp.zeros((D,), jnp.float32)
    inp['edge_feat_in'] = f(2, (ETY, 1, EDIM))
    inp['edge_feat_out'] = f(3, (ETY, 1, EDIM))
    inp['fc_edge_in'] = f(4, (ETY, EDIM, D))
    inp['fc_edge_out'] = f(5, (ETY, EDIM, D))
    inp['gin_in_W'] = f(6, (2, D, D))
    inp['gin_in_b'] = jnp.zeros((2, D), jnp.float32)
    inp['sa_in_W1'] = f(7, (D, HALF))
    inp['sa_in_b1'] = jnp.zeros((HALF,), jnp.float32)
    inp['sa_in_W2'] = f(8, (HALF, 1))
    inp['gin_out_W'] = f(9, (2, D, D))
    inp['gin_out_b'] = jnp.zeros((2, D), jnp.float32)
    inp['sa_out_W1'] = f(10, (D, HALF))
    inp['sa_out_b1'] = jnp.zeros((HALF,), jnp.float32)
    inp['sa_out_W2'] = f(11, (HALF, 1))
    inp['fc_W'] = f(12, (2 * D, D))
    inp['fc_b'] = jnp.zeros((D,), jnp.float32)
    inp['pred_W'] = f(13, (2 * D, 2))
    inp['edge_index_in_0'] = jax.random.randint(ks[14], (2, E), 0, N, dtype=jnp.int32)
    inp['edge_index_in_1'] = jax.random.randint(ks[15], (2, E), 0, N, dtype=jnp.int32)
    inp['edge_index_out_0'] = jax.random.randint(ks[16], (2, E), 0, N, dtype=jnp.int32)
    inp['edge_index_out_1'] = jax.random.randint(ks[17], (2, E), 0, N, dtype=jnp.int32)
    inp['edge_indices'] = jax.random.randint(ks[18], (P, 2), 0, N, dtype=jnp.int32)
    return inp


def _rotate(h2, r_vec, path, tag):
    t1 = h2[:, :, 0]
    t2 = h2[:, :, 1]
    if tag == 'in':
        for e in path:
            n1 = t1 * r_vec[e - 1, :, 0] - t2 * r_vec[e - 1, :, 1]
            t2 = n1 * r_vec[e - 1, :, 1] + t2 * r_vec[e - 1, :, 0]
            t1 = n1
    else:
        for e in reversed(path):
            n1 = t1 * r_vec[e - 1, :, 0] + t2 * r_vec[e - 1, :, 1]
            t2 = t2 * r_vec[e - 1, :, 0] - n1 * r_vec[e - 1, :, 1]
            t1 = n1
    return jnp.concatenate([t1, t2], axis=-1)


def _gin(h, src, dst, W, b):
    agg = jax.ops.segment_sum(h[src], dst, num_segments=h.shape[0])
    return (h + agg) @ W + b


def _semantic(z, W1, b1, W2):
    w = jnp.tanh(z @ W1 + b1) @ W2
    beta = jax.nn.softmax(jnp.mean(w, axis=0), axis=0)
    return jnp.sum(beta[None, :, :] * z, axis=1)


def _han_layer(edge_list, node_emb, edge_emb, tag, ginW, ginb, saW1, sab1, saW2):
    r1, r2 = jnp.split(edge_emb, 2, axis=-1)
    r_vec = jnp.stack([r1, r2], axis=2)
    nrm = jnp.maximum(jnp.linalg.norm(r_vec, axis=2, keepdims=True), 1e-12)
    r_vec = r_vec / nrm
    h2 = node_emb.reshape(node_emb.shape[0], node_emb.shape[1] // 2, 2)
    sems = []
    for i, ei in enumerate(edge_list):
        h_new = _rotate(h2, r_vec, PATHS[i], tag)
        sems.append(jax.nn.elu(_gin(h_new, ei[0], ei[1], ginW[i], ginb[i])))
    z = jnp.stack(sems, axis=1)
    return _semantic(z, saW1, sab1, saW2)


def reference(node_feat, fc_node_W, fc_node_b, edge_feat_in, edge_feat_out, fc_edge_in, fc_edge_out, gin_in_W, gin_in_b, sa_in_W1, sa_in_b1, sa_in_W2, gin_out_W, gin_out_b, sa_out_W1, sa_out_b1, sa_out_W2, fc_W, fc_b, pred_W, edge_index_in_0, edge_index_in_1, edge_index_out_0, edge_index_out_1, edge_indices):
    node_emb = jax.nn.elu(node_feat @ fc_node_W + fc_node_b)
    edge_emb_in = jax.nn.elu(jnp.squeeze(jnp.matmul(edge_feat_in, fc_edge_in), axis=1))
    edge_emb_out = jax.nn.elu(jnp.squeeze(jnp.matmul(edge_feat_out, fc_edge_out), axis=1))
    emb_in = _han_layer([edge_index_in_0, edge_index_in_1], node_emb, edge_emb_in, 'in', gin_in_W, gin_in_b, sa_in_W1, sa_in_b1, sa_in_W2)
    emb_out = _han_layer([edge_index_out_0, edge_index_out_1], node_emb, edge_emb_out, 'out', gin_out_W, gin_out_b, sa_out_W1, sa_out_b1, sa_out_W2)
    node_emb2 = jax.nn.elu(jnp.concatenate([emb_in, emb_out], axis=-1) @ fc_W + fc_b)
    pair = node_emb2[edge_indices].reshape(edge_indices.shape[0], -1)
    logits = pair @ pred_W
    return (node_emb2, logits)

if __name__ == "__main__":
    import jax
    _d = setup_inputs()
    print(jax.jit(kernel)(*tuple(_d.values())))

</pallas_src>

<mosaic_0001>
#map = affine_map<(d0, d1) -> (0, 0)>
#map1 = affine_map<(d0, d1) -> (0, 0, 0)>
module attributes {stable_mosaic.version = 14 : i64} {
  func.func @k(%arg0: i32, %arg1: i32, %arg2: memref<10000x128xf32, #tpu.memory_space<hbm>>, %arg3: memref<2x320000xi32, #tpu.memory_space<hbm>>, %arg4: memref<2x320000xi32, #tpu.memory_space<hbm>>, %arg5: memref<2x320000xi32, #tpu.memory_space<hbm>>, %arg6: memref<2x320000xi32, #tpu.memory_space<hbm>>, %arg7: memref<4x10000x128xf32, #tpu.memory_space<hbm>>, %arg8: memref<128xi32, #tpu.memory_space<vmem>>, %arg9: memref<128xi32, #tpu.memory_space<vmem>>, %arg10: memref<128xi32, #tpu.memory_space<vmem>>, %arg11: memref<128xi32, #tpu.memory_space<vmem>>, %arg12: memref<128xi32, #tpu.memory_space<vmem>>, %arg13: memref<128xi32, #tpu.memory_space<vmem>>, %arg14: memref<128xi32, #tpu.memory_space<vmem>>, %arg15: memref<128xi32, #tpu.memory_space<vmem>>, %arg16: memref<128xi32, #tpu.memory_space<vmem>>, %arg17: memref<128xi32, #tpu.memory_space<vmem>>, %arg18: memref<128xi32, #tpu.memory_space<vmem>>, %arg19: memref<128xi32, #tpu.memory_space<vmem>>, %arg20: memref<128x128xf32, #tpu.memory_space<vmem>>, %arg21: memref<128x128xf32, #tpu.memory_space<vmem>>, %arg22: memref<128x128xf32, #tpu.memory_space<vmem>>, %arg23: memref<10000x128xf32, #tpu.memory_space<vmem_shared>>, %arg24: memref<!tpu.dma_semaphore, #tpu.memory_space<semaphore_mem>>, %arg25: memref<!tpu.dma_semaphore, #tpu.memory_space<semaphore_mem>>, %arg26: memref<!tpu.dma_semaphore, #tpu.memory_space<semaphore_mem>>, %arg27: memref<!tpu.dma_semaphore, #tpu.memory_space<semaphore_mem>>, %arg28: memref<!tpu.dma_semaphore, #tpu.memory_space<semaphore_mem>>, %arg29: memref<!tpu.dma_semaphore, #tpu.memory_space<semaphore_mem>>, %arg30: memref<!tpu.dma_semaphore, #tpu.memory_space<semaphore_mem>>, %arg31: memref<!tpu.dma_semaphore, #tpu.memory_space<semaphore_mem>>, %arg32: memref<!tpu.dma_semaphore, #tpu.memory_space<semaphore_mem>>, %arg33: memref<!tpu.dma_semaphore, #tpu.memory_space<semaphore_mem>>, %arg34: memref<!tpu.dma_semaphore, #tpu.memory_space<semaphore_mem>>, %arg35: memref<!tpu.dma_semaphore, #tpu.memory_space<semaphore_mem>>) attributes {dimension_semantics = [#tpu.dimension_semantics<core_parallel>, #tpu.dimension_semantics<subcore_parallel>], iteration_bounds = array<i64: 2, 16>, scalar_prefetch = 0 : i64, scratch_operands = 28 : i64, tpu.core_type = #tpu.core_type<sc_vector_subcore>, window_params = [{transform_indices = #map}, {transform_indices = #map}, {transform_indices = #map}, {transform_indices = #map}, {transform_indices = #map}, {transform_indices = #map1}]} {
    %mul3A = arith.constant 624 : i32
    %mul3A_0 = arith.muli %arg1, %mul3A : i32
    %mul3A_1 = arith.constant 624 : i32
    %mul3A_2 = arith.muli %arg1, %mul3A_1 : i32
    "tpu.region"() ({
      %run_scoped3A = tpu.sem_alloc : memref<!tpu.dma_semaphore, #tpu.memory_space<semaphore_mem>>
      %dma_start3A = arith.constant 0 : i32
      %dma_start3A_59 = tpu.memref_slice %arg23[%mul3A_2, %dma_start3A] : memref<10000x128xf32, #tpu.memory_space<vmem_shared>> -> memref<624x128xf32, #tpu.memory_space<vmem_shared>>
      %dma_start3A_60 = arith.constant 0 : i32
      %dma_start3A_61 = tpu.memref_slice %arg2[%mul3A_0, %dma_start3A_60] : memref<10000x128xf32, #tpu.memory_space<hbm>> -> memref<624x128xf32, #tpu.memory_space<hbm>>
      tpu.enqueue_dma source(%dma_start3A_61 : memref<624x128xf32, #tpu.memory_space<hbm>>) target(%dma_start3A_59 : memref<624x128xf32, #tpu.memory_space<vmem_shared>>) target_semaphore(%run_scoped3A : memref<!tpu.dma_semaphore, #tpu.memory_space<semaphore_mem>>)
      %dma_wait3A = arith.constant 0 : i32
      %dma_wait3A_62 = tpu.memref_slice %arg23[%mul3A_2, %dma_wait3A] : memref<10000x128xf32, #tpu.memory_space<vmem_shared>> -> memref<624x128xf32, #tpu.memory_space<vmem_shared>>
      %dma_wait3A_63 = arith.constant 0 : i32
      %dma_wait3A_64 = tpu.memref_slice %arg2[%mul3A_0, %dma_wait3A_63] : memref<10000x128xf32, #tpu.memory_space<hbm>> -> memref<624x128xf32, #tpu.memory_space<hbm>>
      tpu.wait_dma2 semaphore(%run_scoped3A : memref<!tpu.dma_semaphore, #tpu.memory_space<semaphore_mem>>) src(%dma_wait3A_64 : memref<624x128xf32, #tpu.memory_space<hbm>>) dst(%dma_wait3A_62 : memref<624x128xf32, #tpu.memory_space<vmem_shared>>)
      tpu.yield
    }) : () -> ()
    %eq3A = arith.constant 0 : i32
    %eq3A_3 = arith.cmpi eq, %arg1, %eq3A : i32
    %convert_element_type3A = arith.extui %eq3A_3 : i1 to i32
    %cond3A = arith.constant 0 : i32
    %cond3A_4 = arith.cmpi ne, %convert_element_type3A, %cond3A : i32
    scf.if %cond3A_4 {
      "tpu.region"() ({
        %run_scoped3A = tpu.sem_alloc : memref<!tpu.dma_semaphore, #tpu.memory_space<semaphore_mem>>
        %dma_start3A = arith.constant 9984 : i32
        %dma_start3A_59 = arith.constant 0 : i32
        %dma_start3A_60 = tpu.memref_slice %arg23[%dma_start3A, %dma_start3A_59] : memref<10000x128xf32, #tpu.memory_space<vmem_shared>> -> memref<16x128xf32, #tpu.memory_space<vmem_shared>>
        %dma_start3A_61 = arith.constant 9984 : i32
        %dma_start3A_62 = arith.constant 0 : i32
        %dma_start3A_63 = tpu.memref_slice %arg2[%dma_start3A_61, %dma_start3A_62] : memref<10000x128xf32, #tpu.memory_space<hbm>> -> memref<16x128xf32, #tpu.memory_space<hbm>>
        tpu.enqueue_dma source(%dma_start3A_63 : memref<16x128xf32, #tpu.memory_space<hbm>>) target(%dma_start3A_60 : memref<16x128xf32, #tpu.memory_space<vmem_shared>>) target_semaphore(%run_scoped3A : memref<!tpu.dma_semaphore, #tpu.memory_space<semaphore_mem>>)
        %dma_wait3A = arith.constant 9984 : i32
        %dma_wait3A_64 = arith.constant 0 : i32
        %dma_wait3A_65 = tpu.memref_slice %arg23[%dma_wait3A, %dma_wait3A_64] : memref<10000x128xf32, #tpu.memory_space<vmem_shared>> -> memref<16x128xf32, #tpu.memory_space<vmem_shared>>
        %dma_wait3A_66 = arith.constant 9984 : i32
        %dma_wait3A_67 = arith.constant 0 : i32
        %dma_wait3A_68 = tpu.memref_slice %arg2[%dma_wait3A_66, %dma_wait3A_67] : memref<10000x128xf32, #tpu.memory_space<hbm>> -> memref<16x128xf32, #tpu.memory_space<hbm>>
        tpu.wait_dma2 semaphore(%run_scoped3A : memref<!tpu.dma_semaphore, #tpu.memory_space<semaphore_mem>>) src(%dma_wait3A_68 : memref<16x128xf32, #tpu.memory_space<hbm>>) dst(%dma_wait3A_65 : memref<16x128xf32, #tpu.memory_space<vmem_shared>>)
        tpu.yield
      }) : () -> ()
    } else {
    }
    %barrier3A = arith.constant 0 : index
    tpu.barrier barrier_id(%barrier3A)
    %eq3A_5 = arith.constant 0 : i32
    %eq3A_6 = arith.cmpi eq, %arg0, %eq3A_5 : i32
    %convert_element_type3A_7 = arith.extui %eq3A_6 : i1 to i32
    %cond3A_8 = arith.constant 0 : i32
    %cond3A_9 = arith.cmpi ne, %convert_element_type3A_7, %cond3A_8 : i32
    scf.if %cond3A_9 {
      %mul3A_59 = arith.constant 19968 : i32
      %mul3A_60 = arith.muli %arg1, %mul3A_59 : i32
      %add3A = arith.constant 0 : i32
      %add3A_61 = arith.addi %mul3A_60, %add3A : i32
      %dma_start3A = arith.constant 0 : i32
      %dma_start3A_62 = tpu.memref_slice %arg3[%dma_start3A, %add3A_61] : memref<2x320000xi32, #tpu.memory_space<hbm>> -> memref<1x128xi32, #tpu.memory_space<hbm>>
      %dma_start3A_63 = tpu.memref_squeeze %dma_start3A_62 : memref<1x128xi32, #tpu.memory_space<hbm>> -> memref<128xi32, #tpu.memory_space<hbm>>
      %dma_start3A_64 = tpu.memref_slice %arg3[%dma_start3A, %add3A_61] : memref<2x320000xi32, #tpu.memory_space<hbm>> -> memref<1x128xi32, #tpu.memory_space<hbm>>
      %dma_start3A_65 = tpu.memref_squeeze %dma_start3A_64 : memref<1x128xi32, #tpu.memory_space<hbm>> -> memref<128xi32, #tpu.memory_space<hbm>>
      tpu.enqueue_dma source(%dma_start3A_65 : memref<128xi32, #tpu.memory_space<hbm>>) target(%arg8 : memref<128xi32, #tpu.memory_space<vmem>>) target_semaphore(%arg24 : memref<!tpu.dma_semaphore, #tpu.memory_space<semaphore_mem>>)
      %dma_start3A_66 = arith.constant 1 : i32
      %dma_start3A_67 = tpu.memref_slice %arg3[%dma_start3A_66, %add3A_61] : memref<2x320000xi32, #tpu.memory_space<hbm>> -> memref<1x128xi32, #tpu.memory_space<hbm>>
      %dma_start3A_68 = tpu.memref_squeeze %dma_start3A_67 : memref<1x128xi32, #tpu.memory_space<hbm>> -> memref<128xi32, #tpu.memory_space<hbm>>
      %dma_start3A_69 = tpu.memref_slice %arg3[%dma_start3A_66, %add3A_61] : memref<2x320000xi32, #tpu.memory_space<hbm>> -> memref<1x128xi32, #tpu.memory_space<hbm>>
      %dma_start3A_70 = tpu.memref_squeeze %dma_start3A_69 : memref<1x128xi32, #tpu.memory_space<hbm>> -> memref<128xi32, #tpu.memory_space<hbm>>
      tpu.enqueue_dma source(%dma_start3A_70 : memref<128xi32, #tpu.memory_space<hbm>>) target(%arg14 : memref<128xi32, #tpu.memory_space<vmem>>) target_semaphore(%arg24 : memref<!tpu.dma_semaphore, #tpu.memory_space<semaphore_mem>>)
      %add3A_71 = arith.constant 128 : i32
      %add3A_72 = arith.addi %mul3A_60, %add3A_71 : i32
      %dma_start3A_73 = arith.constant 0 : i32
      %dma_start3A_74 = tpu.memref_slice %arg3[%dma_start3A_73, %add3A_72] : memref<2x320000xi32, #tpu.memory_space<hbm>> -> memref<1x128xi32, #tpu.memory_space<hbm>>
      %dma_start3A_75 = tpu.memref_squeeze %dma_start3A_74 : memref<1x128xi32, #tpu.memory_space<hbm>> -> memref<128xi32, #tpu.memory_space<hbm>>
      %dma_start3A_76 = tpu.memref_slice %arg3[%dma_start3A_73, %add3A_72] : memref<2x320000xi32, #tpu.memory_space<hbm>> -> memref<1x128xi32, #tpu.memory_space<hbm>>
      %dma_start3A_77 = tpu.memref_squeeze %dma_start3A_76 : memref<1x128xi32, #tpu.memory_space<hbm>> -> memref<128xi32, #tpu.memory_space<hbm>>
      tpu.enqueue_dma source(%dma_start3A_77 : memref<128xi32, #tpu.memory_space<hbm>>) target(%arg9 : memref<128xi32, #tpu.memory_space<vmem>>) target_semaphore(%arg25 : memref<!tpu.dma_semaphore, #tpu.memory_space<semaphore_mem>>)
      %dma_start3A_78 = arith.constant 1 : i32
      %dma_start3A_79 = tpu.memref_slice %arg3[%dma_start3A_78, %add3A_72] : memref<2x320000xi32, #tpu.memory_space<hbm>> -> memref<1x128xi32, #tpu.memory_space<hbm>>
      %dma_start3A_80 = tpu.memref_squeeze %dma_start3A_79 : memref<1x128xi32, #tpu.memory_space<hbm>> -> memref<128xi32, #tpu.memory_space<hbm>>
      %dma_start3A_81 = tpu.memref_slice %arg3[%dma_start3A_78, %add3A_72] : memref<2x320000xi32, #tpu.memory_space<hbm>> -> memref<1x128xi32, #tpu.memory_space<hbm>>
      %dma_start3A_82 = tpu.memref_squeeze %dma_start3A_81 : memref<1x128xi32, #tpu.memory_space<hbm>> -> memref<128xi32, #tpu.memory_space<hbm>>
      tpu.enqueue_dma source(%dma_start3A_82 : memref<128xi32, #tpu.memory_space<hbm>>) target(%arg15 : memref<128xi32, #tpu.memory_space<vmem>>) target_semaphore(%arg25 : memref<!tpu.dma_semaphore, #tpu.memory_space<semaphore_mem>>)
      %add3A_83 = arith.constant 256 : i32
      %add3A_84 = arith.addi %mul3A_60, %add3A_83 : i32
      %dma_start3A_85 = arith.constant 0 : i32
      %dma_start3A_86 = tpu.memref_slice %arg3[%dma_start3A_85, %add3A_84] : memref<2x320000xi32, #tpu.memory_space<hbm>> -> memref<1x128xi32, #tpu.memory_space<hbm>>
      %dma_start3A_87 = tpu.memref_squeeze %dma_start3A_86 : memref<1x128xi32, #tpu.memory_space<hbm>> -> memref<128xi32, #tpu.memory_space<hbm>>
      %dma_start3A_88 = tpu.memref_slice %arg3[%dma_start3A_85, %add3A_84] : memref<2x320000xi32, #tpu.memory_space<hbm>> -> memref<1x128xi32, #tpu.memory_space<hbm>>
      %dma_start3A_89 = tpu.memref_squeeze %dma_start3A_88 : memref<1x128xi32, #tpu.memory_space<hbm>> -> memref<128xi32, #tpu.memory_space<hbm>>
      tpu.enqueue_dma source(%dma_start3A_89 : memref<128xi32, #tpu.memory_space<hbm>>) target(%arg10 : memref<128xi32, #tpu.memory_space<vmem>>) target_semaphore(%arg26 : memref<!tpu.dma_semaphore, #tpu.memory_space<semaphore_mem>>)
      %dma_start3A_90 = arith.constant 1 : i32
      %dma_start3A_91 = tpu.memref_slice %arg3[%dma_start3A_90, %add3A_84] : memref<2x320000xi32, #tpu.memory_space<hbm>> -> memref<1x128xi32, #tpu.memory_space<hbm>>
      %dma_start3A_92 = tpu.memref_squeeze %dma_start3A_91 : memref<1x128xi32, #tpu.memory_space<hbm>> -> memref<128xi32, #tpu.memory_space<hbm>>
      %dma_start3A_93 = tpu.memref_slice %arg3[%dma_start3A_90, %add3A_84] : memref<2x320000xi32, #tpu.memory_space<hbm>> -> memref<1x128xi32, #tpu.memory_space<hbm>>
      %dma_start3A_94 = tpu.memref_squeeze %dma_start3A_93 : memref<1x128xi32, #tpu.memory_space<hbm>> -> memref<128xi32, #tpu.memory_space<hbm>>
      tpu.enqueue_dma source(%dma_start3A_94 : memref<128xi32, #tpu.memory_space<hbm>>) target(%arg16 : memref<128xi32, #tpu.memory_space<vmem>>) target_semaphore(%arg26 : memref<!tpu.dma_semaphore, #tpu.memory_space<semaphore_mem>>)
      %add3A_95 = arith.constant 384 : i32
      %add3A_96 = arith.addi %mul3A_60, %add3A_95 : i32
      %dma_start3A_97 = arith.constant 0 : i32
      %dma_start3A_98 = tpu.memref_slice %arg3[%dma_start3A_97, %add3A_96] : memref<2x320000xi32, #tpu.memory_space<hbm>> -> memref<1x128xi32, #tpu.memory_space<hbm>>
      %dma_start3A_99 = tpu.memref_squeeze %dma_start3A_98 : memref<1x128xi32, #tpu.memory_space<hbm>> -> memref<128xi32, #tpu.memory_space<hbm>>
      %dma_start3A_100 = tpu.memref_slice %arg3[%dma_start3A_97, %add3A_96] : memref<2x320000xi32, #tpu.memory_space<hbm>> -> memref<1x128xi32, #tpu.memory_space<hbm>>
      %dma_start3A_101 = tpu.memref_squeeze %dma_start3A_100 : memref<1x128xi32, #tpu.memory_space<hbm>> -> memref<128xi32, #tpu.memory_space<hbm>>
      tpu.enqueue_dma source(%dma_start3A_101 : memref<128xi32, #tpu.memory_space<hbm>>) target(%arg11 : memref<128xi32, #tpu.memory_space<vmem>>) target_semaphore(%arg27 : memref<!tpu.dma_semaphore, #tpu.memory_space<semaphore_mem>>)
      %dma_start3A_102 = arith.constant 1 : i32
      %dma_start3A_103 = tpu.memref_slice %arg3[%dma_start3A_102, %add3A_96] : memref<2x320000xi32, #tpu.memory_space<hbm>> -> memref<1x128xi32, #tpu.memory_space<hbm>>
      %dma_start3A_104 = tpu.memref_squeeze %dma_start3A_103 : memref<1x128xi32, #tpu.memory_space<hbm>> -> memref<128xi32, #tpu.memory_space<hbm>>
      %dma_start3A_105 = tpu.memref_slice %arg3[%dma_start3A_102, %add3A_96] : memref<2x320000xi32, #tpu.memory_space<hbm>> -> memref<1x128xi32, #tpu.memory_space<hbm>>
      %dma_start3A_106 = tpu.memref_squeeze %dma_start3A_105 : memref<1x128xi32, #tpu.memory_space<hbm>> -> memref<128xi32, #tpu.memory_space<hbm>>
      tpu.enqueue_dma source(%dma_start3A_106 : memref<128xi32, #tpu.memory_space<hbm>>) target(%arg17 : memref<128xi32, #tpu.memory_space<vmem>>) target_semaphore(%arg27 : memref<!tpu.dma_semaphore, #tpu.memory_space<semaphore_mem>>)
      %dma_wait3A = arith.constant 0 : i32
      %dma_wait3A_107 = arith.constant 0 : i32
      %dma_wait3A_108 = tpu.memref_slice %arg3[%dma_wait3A, %dma_wait3A_107] : memref<2x320000xi32, #tpu.memory_space<hbm>> -> memref<1x128xi32, #tpu.memory_space<hbm>>
      %dma_wait3A_109 = tpu.memref_squeeze %dma_wait3A_108 : memref<1x128xi32, #tpu.memory_space<hbm>> -> memref<128xi32, #tpu.memory_space<hbm>>
      %dma_wait3A_110 = arith.constant 0 : i32
      %dma_wait3A_111 = tpu.memref_slice %arg3[%dma_wait3A, %dma_wait3A_110] : memref<2x320000xi32, #tpu.memory_space<hbm>> -> memref<1x128xi32, #tpu.memory_space<hbm>>
      %dma_wait3A_112 = tpu.memref_squeeze %dma_wait3A_111 : memref<1x128xi32, #tpu.memory_space<hbm>> -> memref<128xi32, #tpu.memory_space<hbm>>
      tpu.wait_dma2 semaphore(%arg24 : memref<!tpu.dma_semaphore, #tpu.memory_space<semaphore_mem>>) src(%dma_wait3A_112 : memref<128xi32, #tpu.memory_space<hbm>>) dst(%arg8 : memref<128xi32, #tpu.memory_space<vmem>>)
      %dma_wait3A_113 = arith.constant 1 : i32
      %dma_wait3A_114 = arith.constant 0 : i32
      %dma_wait3A_115 = tpu.memref_slice %arg3[%dma_wait3A_113, %dma_wait3A_114] : memref<2x320000xi32, #tpu.memory_space<hbm>> -> memref<1x128xi32, #tpu.memory_space<hbm>>
      %dma_wait3A_116 = tpu.memref_squeeze %dma_wait3A_115 : memref<1x128xi32, #tpu.memory_space<hbm>> -> memref<128xi32, #tpu.memory_space<hbm>>
      %dma_wait3A_117 = arith.constant 0 : i32
      %dma_wait3A_118 = tpu.memref_slice %arg3[%dma_wait3A_113, %dma_wait3A_117] : memref<2x320000xi32, #tpu.memory_space<hbm>> -> memref<1x128xi32, #tpu.memory_space<hbm>>
      %dma_wait3A_119 = tpu.memref_squeeze %dma_wait3A_118 : memref<1x128xi32, #tpu.memory_space<hbm>> -> memref<128xi32, #tpu.memory_space<hbm>>
      tpu.wait_dma2 semaphore(%arg24 : memref<!tpu.dma_semaphore, #tpu.memory_space<semaphore_mem>>) src(%dma_wait3A_119 : memref<128xi32, #tpu.memory_space<hbm>>) dst(%arg14 : memref<128xi32, #tpu.memory_space<vmem>>)
      %dma_start3A_120 = arith.constant 0 : i32
      %dma_start3A_121 = arith.constant 0 : i32
      %dma_start3A_122 = tpu.memref_slice %arg2[%dma_start3A_120, %dma_start3A_121] : memref<10000x128xf32, #tpu.memory_space<hbm>> -> memref<10000x128xf32, #tpu.memory_space<hbm>>
      tpu.enqueue_indirect_dma source(%dma_start3A_122 : memref<10000x128xf32, #tpu.memory_space<hbm>>) target(%arg20 : memref<128x128xf32, #tpu.memory_space<vmem>>) offsets(%arg8 : memref<128xi32, #tpu.memory_space<vmem>>) semaphore(%arg30 : memref<!tpu.dma_semaphore, #tpu.memory_space<semaphore_mem>>)
      %dma_wait3A_123 = arith.constant 0 : i32
      %dma_wait3A_124 = arith.constant 0 : i32
      %dma_wait3A_125 = tpu.memref_slice %arg3[%dma_wait3A_123, %dma_wait3A_124] : memref<2x320000xi32, #tpu.memory_space<hbm>> -> memref<1x128xi32, #tpu.memory_space<hbm>>
      %dma_wait3A_126 = tpu.memref_squeeze %dma_wait3A_125 : memref<1x128xi32, #tpu.memory_space<hbm>> -> memref<128xi32, #tpu.memory_space<hbm>>
      %dma_wait3A_127 = arith.constant 0 : i32
      %dma_wait3A_128 = tpu.memref_slice %arg3[%dma_wait3A_123, %dma_wait3A_127] : memref<2x320000xi32, #tpu.memory_space<hbm>> -> memref<1x128xi32, #tpu.memory_space<hbm>>
      %dma_wait3A_129 = tpu.memref_squeeze %dma_wait3A_128 : memref<1x128xi32, #tpu.memory_space<hbm>> -> memref<128xi32, #tpu.memory_space<hbm>>
      tpu.wait_dma2 semaphore(%arg25 : memref<!tpu.dma_semaphore, #tpu.memory_space<semaphore_mem>>) src(%dma_wait3A_129 : memref<128xi32, #tpu.memory_space<hbm>>) dst(%arg9 : memref<128xi32, #tpu.memory_space<vmem>>)
      %dma_wait3A_130 = arith.constant 1 : i32
      %dma_wait3A_131 = arith.constant 0 : i32
      %dma_wait3A_132 = tpu.memref_slice %arg3[%dma_wait3A_130, %dma_wait3A_131] : memref<2x320000xi32, #tpu.memory_space<hbm>> -> memref<1x128xi32, #tpu.memory_space<hbm>>
      %dma_wait3A_133 = tpu.memref_squeeze %dma_wait3A_132 : memref<1x128xi32, #tpu.memory_space<hbm>> -> memref<128xi32, #tpu.memory_space<hbm>>
      %dma_wait3A_134 = arith.constant 0 : i32
      %dma_wait3A_135 = tpu.memref_slice %arg3[%dma_wait3A_130, %dma_wait3A_134] : memref<2x320000xi32, #tpu.memory_space<hbm>> -> memref<1x128xi32, #tpu.memory_space<hbm>>
      %dma_wait3A_136 = tpu.memref_squeeze %dma_wait3A_135 : memref<1x128xi32, #tpu.memory_space<hbm>> -> memref<128xi32, #tpu.memory_space<hbm>>
      tpu.wait_dma2 semaphore(%arg25 : memref<!tpu.dma_semaphore, #tpu.memory_space<semaphore_mem>>) src(%dma_wait3A_136 : memref<128xi32, #tpu.memory_space<hbm>>) dst(%arg15 : memref<128xi32, #tpu.memory_space<vmem>>)
      %dma_start3A_137 = arith.constant 0 : i32
      %dma_start3A_138 = arith.constant 0 : i32
      %dma_start3A_139 = tpu.memref_slice %arg2[%dma_start3A_137, %dma_start3A_138] : memref<10000x128xf32, #tpu.memory_space<hbm>> -> memref<10000x128xf32, #tpu.memory_space<hbm>>
      tpu.enqueue_indirect_dma source(%dma_start3A_139 : memref<10000x128xf32, #tpu.memory_space<hbm>>) target(%arg21 : memref<128x128xf32, #tpu.memory_space<vmem>>) offsets(%arg9 : memref<128xi32, #tpu.memory_space<vmem>>) semaphore(%arg31 : memref<!tpu.dma_semaphore, #tpu.memory_space<semaphore_mem>>)
      %scan3A = arith.constant 0 : i32
      %scan3A_140 = arith.constant 26 : i32
      %scan3A_141 = arith.addi %scan3A, %scan3A_140 : i32
      %scan3A_142 = arith.constant 1 : i32
      scf.for %scan3A_151 = %scan3A to %scan3A_141 step %scan3A_142  : i32 {
        %mul3A_152 = arith.constant 6 : i32
        %mul3A_153 = arith.muli %scan3A_151, %mul3A_152 : i32
        %add3A_154 = arith.constant 0 : i32
        %add3A_155 = arith.addi %mul3A_153, %add3A_154 : i32
        %dma_wait3A_156 = arith.constant 0 : i32
        %dma_wait3A_157 = arith.constant 0 : i32
        %dma_wait3A_158 = tpu.memref_slice %arg2[%dma_wait3A_156, %dma_wait3A_157] : memref<10000x128xf32, #tpu.memory_space<hbm>> -> memref<10000x128xf32, #tpu.memory_space<hbm>>
        tpu.wait_indirect_dma semaphore(%arg30 : memref<!tpu.dma_semaphore, #tpu.memory_space<semaphore_mem>>) src(%dma_wait3A_158 : memref<10000x128xf32, #tpu.memory_space<hbm>>) dst(%arg20 : memref<128x128xf32, #tpu.memory_space<vmem>>)
        %ge3A = arith.constant 1 : i32
        %ge3A_159 = arith.cmpi sge, %add3A_155, %ge3A : i32
        %convert_element_type3A_160 = arith.extui %ge3A_159 : i1 to i32
        %cond3A_161 = arith.constant 0 : i32
        %cond3A_162 = arith.cmpi ne, %convert_element_type3A_160, %cond3A_161 : i32
        scf.if %cond3A_162 {
          %dma_wait3A_325 = arith.constant 0 : i32
          %dma_wait3A_326 = arith.constant 0 : i32
          %dma_wait3A_327 = tpu.memref_slice %arg23[%dma_wait3A_325, %dma_wait3A_326] : memref<10000x128xf32, #tpu.memory_space<vmem_shared>> -> memref<10000x128xf32, #tpu.memory_space<vmem_shared>>
          tpu.wait_indirect_dma semaphore(%arg35 : memref<!tpu.dma_semaphore, #tpu.memory_space<semaphore_mem>>) src(%arg22 : memref<128x128xf32, #tpu.memory_space<vmem>>) dst(%dma_wait3A_327 : memref<10000x128xf32, #tpu.memory_space<vmem_shared>>)
        } else {
        }
        %add3A_163 = arith.constant 4 : i32
        %add3A_164 = arith.addi %add3A_155, %add3A_163 : i32
        %lt3A_165 = arith.constant 156 : i32
        %lt3A_166 = arith.cmpi slt, %add3A_164, %lt3A_165 : i32
        %convert_element_type3A_167 = arith.extui %lt3A_166 : i1 to i32
        %cond3A_168 = arith.constant 0 : i32
        %cond3A_169 = arith.cmpi ne, %convert_element_type3A_167, %cond3A_168 : i32
        scf.if %cond3A_169 {
          %add3A_325 = arith.constant 4 : i32
          %add3A_326 = arith.addi %add3A_155, %add3A_325 : i32
          %mul3A_327 = arith.constant 128 : i32
          %mul3A_328 = arith.muli %add3A_326, %mul3A_327 : i32
          %add3A_329 = arith.addi %mul3A_60, %mul3A_328 : i32
          %dma_start3A_330 = arith.constant 0 : i32
          %dma_start3A_331 = tpu.memref_slice %arg3[%dma_start3A_330, %add3A_329] : memref<2x320000xi32, #tpu.memory_space<hbm>> -> memref<1x128xi32, #tpu.memory_space<hbm>>
          %dma_start3A_332 = tpu.memref_squeeze %dma_start3A_331 : memref<1x128xi32, #tpu.memory_space<hbm>> -> memref<128xi32, #tpu.memory_space<hbm>>
          %dma_start3A_333 = tpu.memref_slice %arg3[%dma_start3A_330, %add3A_329] : memref<2x320000xi32, #tpu.memory_space<hbm>> -> memref<1x128xi32, #tpu.memory_space<hbm>>
          %dma_start3A_334 = tpu.memref_squeeze %dma_start3A_333 : memref<1x128xi32, #tpu.memory_space<hbm>> -> memref<128xi32, #tpu.memory_space<hbm>>
          tpu.enqueue_dma source(%dma_start3A_334 : memref<128xi32, #tpu.memory_space<hbm>>) target(%arg12 : memref<128xi32, #tpu.memory_space<vmem>>) target_semaphore(%arg28 : memref<!tpu.dma_semaphore, #tpu.memory_space<semaphore_mem>>)
          %dma_start3A_335 = arith.constant 1 : i32
          %dma_start3A_336 = tpu.memref_slice %arg3[%dma_start3A_335, %add3A_329] : memref<2x320000xi32, #tpu.memory_space<hbm>> -> memref<1x128xi32, #tpu.memory_space<hbm>>
          %dma_start3A_337 = tpu.memref_squeeze %dma_start3A_336 : memref<1x128xi32, #tpu.memory_space<hbm>> -> memref<128xi32, #tpu.memory_space<hbm>>
          %dma_start3A_338 = tpu.memref_slice %arg3[%dma_start3A_335, %add3A_329] : memref<2x320000xi32, #tpu.memory_space<hbm>> -> memref<1x128xi32, #tpu.memory_space<hbm>>
          %dma_start3A_339 = tpu.memref_squeeze %dma_start3A_338 : memref<1x128xi32, #tpu.memory_space<hbm>> -> memref<128xi32, #tpu.memory_space<hbm>>
          tpu.enqueue_dma source(%dma_start3A_339 : memref<128xi32, #tpu.memory_space<hbm>>) target(%arg18 : memref<128xi32, #tpu.memory_space<vmem>>) target_semaphore(%arg28 : memref<!tpu.dma_semaphore, #tpu.memory_space<semaphore_mem>>)
        } else {
        }
        %add3A_170 = arith.constant 2 : i32
        %add3A_171 = arith.addi %add3A_155, %add3A_170 : i32
        %lt3A_172 = arith.constant 156 : i32
        %lt3A_173 = arith.cmpi slt, %add3A_171, %lt3A_172 : i32
        %convert_element_type3A_174 = arith.extui %lt3A_173 : i1 to i32
        %cond3A_175 = arith.constant 0 : i32
        %cond3A_176 = arith.cmpi ne, %convert_element_type3A_174, %cond3A_175 : i32
        scf.if %cond3A_176 {
          %dma_wait3A_325 = arith.constant 0 : i32
          %dma_wait3A_326 = arith.constant 0 : i32
          %dma_wait3A_327 = tpu.memref_slice %arg3[%dma_wait3A_325, %dma_wait3A_326] : memref<2x320000xi32, #tpu.memory_space<hbm>> -> memref<1x128xi32, #tpu.memory_space<hbm>>
          %dma_wait3A_328 = tpu.memref_squeeze %dma_wait3A_327 : memref<1x128xi32, #tpu.memory_space<hbm>> -> memref<128xi32, #tpu.memory_space<hbm>>
          %dma_wait3A_329 = arith.constant 0 : i32
          %dma_wait3A_330 = tpu.memref_slice %arg3[%dma_wait3A_325, %dma_wait3A_329] : memref<2x320000xi32, #tpu.memory_space<hbm>> -> memref<1x128xi32, #tpu.memory_space<hbm>>
          %dma_wait3A_331 = tpu.memref_squeeze %dma_wait3A_330 : memref<1x128xi32, #tpu.memory_space<hbm>> -> memref<128xi32, #tpu.memory_space<hbm>>
          tpu.wait_dma2 semaphore(%arg26 : memref<!tpu.dma_semaphore, #tpu.memory_space<semaphore_mem>>) src(%dma_wait3A_331 : memref<128xi32, #tpu.memory_space<hbm>>) dst(%arg10 : memref<128xi32, #tpu.memory_space<vmem>>)
          %dma_wait3A_332 = arith.constant 1 : i32
          %dma_wait3A_333 = arith.constant 0 : i32
          %dma_wait3A_334 = tpu.memref_slice %arg3[%dma_wait3A_332, %dma_wait3A_333] : memref<2x320000xi32, #tpu.memory_space<hbm>> -> memref<1x128xi32, #tpu.memory_space<hbm>>
          %dma_wait3A_335 = tpu.memref_squeeze %dma_wait3A_334 : memref<1x128xi32, #tpu.memory_space<hbm>> -> memref<128xi32, #tpu.memory_space<hbm>>
          %dma_wait3A_336 = arith.constant 0 : i32
          %dma_wait3A_337 = tpu.memref_slice %arg3[%dma_wait3A_332, %dma_wait3A_336] : memref<2x320000xi32, #tpu.memory_space<hbm>> -> memref<1x128xi32, #tpu.memory_space<hbm>>
          %dma_wait3A_338 = tpu.memref_squeeze %dma_wait3A_337 : memref<1x128xi32, #tpu.memory_space<hbm>> -> memref<128xi32, #tpu.memory_space<hbm>>
          tpu.wait_dma2 semaphore(%arg26 : memref<!tpu.dma_semaphore, #tpu.memory_space<semaphore_mem>>) src(%dma_wait3A_338 : memref<128xi32, #tpu.memory_space<hbm>>) dst(%arg16 : memref<128xi32, #tpu.memory_space<vmem>>)
          %dma_start3A_339 = arith.constant 0 : i32
          %dma_start3A_340 = arith.constant 0 : i32
          %dma_start3A_341 = tpu.memref_slice %arg2[%dma_start3A_339, %dma_start3A_340] : memref<10000x128xf32, #tpu.memory_space<hbm>> -> memref<10000x128xf32, #tpu.memory_space<hbm>>
          tpu.enqueue_indirect_dma source(%dma_start3A_341 : memref<10000x128xf32, #tpu.memory_space<hbm>>) target(%arg22 : memref<128x128xf32, #tpu.memory_space<vmem>>) offsets(%arg10 : memref<128xi32, #tpu.memory_space<vmem>>) semaphore(%arg32 : memref<!tpu.dma_semaphore, #tpu.memory_space<semaphore_mem>>)
        } else {
        }
        %dma_start3A_177 = arith.constant 0 : i32
        %dma_start3A_178 = arith.constant 0 : i32
        %dma_start3A_179 = tpu.memref_slice %arg23[%dma_start3A_177, %dma_start3A_178] : memref<10000x128xf32, #tpu.memory_space<vmem_shared>> -> memref<10000x128xf32, #tpu.memory_space<vmem_shared>>
        tpu.enqueue_indirect_dma source(%arg20 : memref<128x128xf32, #tpu.memory_space<vmem>>) target(%dma_start3A_179 : memref<10000x128xf32, #tpu.memory_space<vmem_shared>>) offsets(%arg14 : memref<128xi32, #tpu.memory_space<vmem>>) semaphore(%arg33 : memref<!tpu.dma_semaphore, #tpu.memory_space<semaphore_mem>>) {add = true}
        %mul3A_180 = arith.constant 6 : i32
        %mul3A_181 = arith.muli %scan3A_151, %mul3A_180 : i32
        %add3A_182 = arith.constant 1 : i32
        %add3A_183 = arith.addi %mul3A_181, %add3A_182 : i32
        %dma_wait3A_184 = arith.constant 0 : i32
        %dma_wait3A_185 = arith.constant 0 : i32
        %dma_wait3A_186 = tpu.memref_slice %arg2[%dma_wait3A_184, %dma_wait3A_185] : memref<10000x128xf32, #tpu.memory_space<hbm>> -> memref<10000x128xf32, #tpu.memory_space<hbm>>
        tpu.wait_indirect_dma semaphore(%arg31 : memref<!tpu.dma_semaphore, #tpu.memory_space<semaphore_mem>>) src(%dma_wait3A_186 : memref<10000x128xf32, #tpu.memory_space<hbm>>) dst(%arg21 : memref<128x128xf32, #tpu.memory_space<vmem>>)
        %ge3A_187 = arith.constant 1 : i32
        %ge3A_188 = arith.cmpi sge, %add3A_183, %ge3A_187 : i32
        %convert_element_type3A_189 = arith.extui %ge3A_188 : i1 to i32
        %cond3A_190 = arith.constant 0 : i32
        %cond3A_191 = arith.cmpi ne, %convert_element_type3A_189, %cond3A_190 : i32
        scf.if %cond3A_191 {
          %dma_wait3A_325 = arith.constant 0 : i32
          %dma_wait3A_326 = arith.constant 0 : i32
          %dma_wait3A_327 = tpu.memref_slice %arg23[%dma_wait3A_325, %dma_wait3A_326] : memref<10000x128xf32, #tpu.memory_space<vmem_shared>> -> memref<10000x128xf32, #tpu.memory_space<vmem_shared>>
          tpu.wait_indirect_dma semaphore(%arg33 : memref<!tpu.dma_semaphore, #tpu.memory_space<semaphore_mem>>) src(%arg20 : memref<128x128xf32, #tpu.memory_space<vmem>>) dst(%dma_wait3A_327 : memref<10000x128xf32, #tpu.memory_space<vmem_shared>>)
        } else {
        }
        %add3A_192 = arith.constant 4 : i32
        %add3A_193 = arith.addi %add3A_183, %add3A_192 : i32
        %lt3A_194 = arith.constant 156 : i32
        %lt3A_195 = arith.cmpi slt, %add3A_193, %lt3A_194 : i32
        %convert_element_type3A_196 = arith.extui %lt3A_195 : i1 to i32
        %cond3A_197 = arith.constant 0 : i32
        %cond3A_198 = arith.cmpi ne, %convert_element_type3A_196, %cond3A_197 : i32
        scf.if %cond3A_198 {
          %add3A_325 = arith.constant 4 : i32
          %add3A_326 = arith.addi %add3A_183, %add3A_325 : i32
          %mul3A_327 = arith.constant 128 : i32
          %mul3A_328 = arith.muli %add3A_326, %mul3A_327 : i32
          %add3A_329 = arith.addi %mul3A_60, %mul3A_328 : i32
          %dma_start3A_330 = arith.constant 0 : i32
          %dma_start3A_331 = tpu.memref_slice %arg3[%dma_start3A_330, %add3A_329] : memref<2x320000xi32, #tpu.memory_space<hbm>> -> memref<1x128xi32, #tpu.memory_space<hbm>>
          %dma_start3A_332 = tpu.memref_squeeze %dma_start3A_331 : memref<1x128xi32, #tpu.memory_space<hbm>> -> memref<128xi32, #tpu.memory_space<hbm>>
          %dma_start3A_333 = tpu.memref_slice %arg3[%dma_start3A_330, %add3A_329] : memref<2x320000xi32, #tpu.memory_space<hbm>> -> memref<1x128xi32, #tpu.memory_space<hbm>>
          %dma_start3A_334 = tpu.memref_squeeze %dma_start3A_333 : memref<1x128xi32, #tpu.memory_space<hbm>> -> memref<128xi32, #tpu.memory_space<hbm>>
          tpu.enqueue_dma source(%dma_start3A_334 : memref<128xi32, #tpu.memory_space<hbm>>) target(%arg13 : memref<128xi32, #tpu.memory_space<vmem>>) target_semaphore(%arg29 : memref<!tpu.dma_semaphore, #tpu.memory_space<semaphore_mem>>)
          %dma_start3A_335 = arith.constant 1 : i32
          %dma_start3A_336 = tpu.memref_slice %arg3[%dma_start3A_335, %add3A_329] : memref<2x320000xi32, #tpu.memory_space<hbm>> -> memref<1x128xi32, #tpu.memory_space<hbm>>
          %dma_start3A_337 = tpu.memref_squeeze %dma_start3A_336 : memref<1x128xi32, #tpu.memory_space<hbm>> -> memref<128xi32, #tpu.memory_space<hbm>>
          %dma_start3A_338 = tpu.memref_slice %arg3[%dma_start3A_335, %add3A_329] : memref<2x320000xi32, #tpu.memory_space<hbm>> -> memref<1x128xi32, #tpu.memory_space<hbm>>
          %dma_start3A_339 = tpu.memref_squeeze %dma_start3A_338 : memref<1x128xi32, #tpu.memory_space<hbm>> -> memref<128xi32, #tpu.memory_space<hbm>>
          tpu.enqueue_dma source(%dma_start3A_339 : memref<128xi32, #tpu.memory_space<hbm>>) target(%arg19 : memref<128xi32, #tpu.memory_space<vmem>>) target_semaphore(%arg29 : memref<!tpu.dma_semaphore, #tpu.memory_space<semaphore_mem>>)
        } else {
        }
        %add3A_199 = arith.constant 2 : i32
        %add3A_200 = arith.addi %add3A_183, %add3A_199 : i32
        %lt3A_201 = arith.constant 156 : i32
        %lt3A_202 = arith.cmpi slt, %add3A_200, %lt3A_201 : i32
        %convert_element_type3A_203 = arith.extui %lt3A_202 : i1 to i32
        %cond3A_204 = arith.constant 0 : i32
        %cond3A_205 = arith.cmpi ne, %convert_element_type3A_203, %cond3A_204 : i32
        scf.if %cond3A_205 {
          %dma_wait3A_325 = arith.constant 0 : i32
          %dma_wait3A_326 = arith.constant 0 : i32
          %dma_wait3A_327 = tpu.memref_slice %arg3[%dma_wait3A_325, %dma_wait3A_326] : memref<2x320000xi32, #tpu.memory_space<hbm>> -> memref<1x128xi32, #tpu.memory_space<hbm>>
          %dma_wait3A_328 = tpu.memref_squeeze %dma_wait3A_327 : memref<1x128xi32, #tpu.memory_space<hbm>> -> memref<128xi32, #tpu.memory_space<hbm>>
          %dma_wait3A_329 = arith.constant 0 : i32
          %dma_wait3A_330 = tpu.memref_slice %arg3[%dma_wait3A_325, %dma_wait3A_329] : memref<2x320000xi32, #tpu.memory_space<hbm>> -> memref<1x128xi32, #tpu.memory_space<hbm>>
          %dma_wait3A_331 = tpu.memref_squeeze %dma_wait3A_330 : memref<1x128xi32, #tpu.memory_space<hbm>> -> memref<128xi32, #tpu.memory_space<hbm>>
          tpu.wait_dma2 semaphore(%arg27 : memref<!tpu.dma_semaphore, #tpu.memory_space<semaphore_mem>>) src(%dma_wait3A_331 : memref<128xi32, #tpu.memory_space<hbm>>) dst(%arg11 : memref<128xi32, #tpu.memory_space<vmem>>)
          %dma_wait3A_332 = arith.constant 1 : i32
          %dma_wait3A_333 = arith.constant 0 : i32
          %dma_wait3A_334 = tpu.memref_slice %arg3[%dma_wait3A_332, %dma_wait3A_333] : memref<2x320000xi32, #tpu.memory_space<hbm>> -> memref<1x128xi32, #tpu.memory_space<hbm>>
          %dma_wait3A_335 = tpu.memref_squeeze %dma_wait3A_334 : memref<1x128xi32, #tpu.memory_space<hbm>> -> memref<128xi32, #tpu.memory_space<hbm>>
          %dma_wait3A_336 = arith.constant 0 : i32
          %dma_wait3A_337 = tpu.memref_slice %arg3[%dma_wait3A_332, %dma_wait3A_336] : memref<2x320000xi32, #tpu.memory_space<hbm>> -> memref<1x128xi32, #tpu.memory_space<hbm>>
          %dma_wait3A_338 = tpu.memref_squeeze %dma_wait3A_337 : memref<1x128xi32, #tpu.memory_space<hbm>> -> memref<128xi32, #tpu.memory_space<hbm>>
          tpu.wait_dma2 semaphore(%arg27 : memref<!tpu.dma_semaphore, #tpu.memory_space<semaphore_mem>>) src(%dma_wait3A_338 : memref<128xi32, #tpu.memory_space<hbm>>) dst(%arg17 : memref<128xi32, #tpu.memory_space<vmem>>)
          %dma_start3A_339 = arith.constant 0 : i32
          %dma_start3A_340 = arith.constant 0 : i32
          %dma_start3A_341 = tpu.memref_slice %arg2[%dma_start3A_339, %dma_start3A_340] : memref<10000x128xf32, #tpu.memory_space<hbm>> -> memref<10000x128xf32, #tpu.memory_space<hbm>>
          tpu.enqueue_indirect_dma source(%dma_start3A_341 : memref<10000x128xf32, #tpu.memory_space<hbm>>) target(%arg20 : memref<128x128xf32, #tpu.memory_space<vmem>>) offsets(%arg11 : memref<128xi32, #tpu.memory_space<vmem>>) semaphore(%arg30 : memref<!tpu.dma_semaphore, #tpu.memory_space<semaphore_mem>>)
        } else {
        }
        %dma_start3A_206 = arith.constant 0 : i32
        %dma_start3A_207 = arith.constant 0 : i32
        %dma_start3A_208 = tpu.memref_slice %arg23[%dma_start3A_206, %dma_start3A_207] : memref<10000x128xf32, #tpu.memory_space<vmem_shared>> -> memref<10000x128xf32, #tpu.memory_space<vmem_shared>>
        tpu.enqueue_indirect_dma source(%arg21 : memref<128x128xf32, #tpu.memory_space<vmem>>) target(%dma_start3A_208 : memref<10000x128xf32, #tpu.memory_space<vmem_shared>>) offsets(%arg15 : memref<128xi32, #tpu.memory_space<vmem>>) semaphore(%arg34 : memref<!tpu.dma_semaphore, #tpu.memory_space<semaphore_mem>>) {add = true}
        %mul3A_209 = arith.constant 6 : i32
        %mul3A_210 = arith.muli %scan3A_151, %mul3A_209 : i32
        %add3A_211 = arith.constant 2 : i32
        %add3A_212 = arith.addi %mul3A_210, %add3A_211 : i32
        %dma_wait3A_213 = arith.constant 0 : i32
        %dma_wait3A_214 = arith.constant 0 : i32
        %dma_wait3A_215 = tpu.memref_slice %arg2[%dma_wait3A_213, %dma_wait3A_214] : memref<10000x128xf32, #tpu.memory_space<hbm>> -> memref<10000x128xf32, #tpu.memory_space<hbm>>
        tpu.wait_indirect_dma semaphore(%arg32 : memref<!tpu.dma_semaphore, #tpu.memory_space<semaphore_mem>>) src(%dma_wait3A_215 : memref<10000x128xf32, #tpu.memory_space<hbm>>) dst(%arg22 : memref<128x128xf32, #tpu.memory_space<vmem>>)
        %ge3A_216 = arith.constant 1 : i32
        %ge3A_217 = arith.cmpi sge, %add3A_212, %ge3A_216 : i32
        %convert_element_type3A_218 = arith.extui %ge3A_217 : i1 to i32
        %cond3A_219 = arith.constant 0 : i32
        %cond3A_220 = arith.cmpi ne, %convert_element_type3A_218, %cond3A_219 : i32
        scf.if %cond3A_220 {
          %dma_wait3A_325 = arith.constant 0 : i32
          %dma_wait3A_326 = arith.constant 0 : i32
          %dma_wait3A_327 = tpu.memref_slice %arg23[%dma_wait3A_325, %dma_wait3A_326] : memref<10000x128xf32, #tpu.memory_space<vmem_shared>> -> memref<10000x128xf32, #tpu.memory_space<vmem_shared>>
          tpu.wait_indirect_dma semaphore(%arg34 : memref<!tpu.dma_semaphore, #tpu.memory_space<semaphore_mem>>) src(%arg21 : memref<128x128xf32, #tpu.memory_space<vmem>>) dst(%dma_wait3A_327 : memref<10000x128xf32, #tpu.memory_space<vmem_shared>>)
        } else {
        }
        %add3A_221 = arith.constant 4 : i32
        %add3A_222 = arith.addi %add3A_212, %add3A_221 : i32
        %lt3A_223 = arith.constant 156 : i32
        %lt3A_224 = arith.cmpi slt, %add3A_222, %lt3A_223 : i32
        %convert_element_type3A_225 = arith.extui %lt3A_224 : i1 to i32
        %cond3A_226 = arith.constant 0 : i32
        %cond3A_227 = arith.cmpi ne, %convert_element_type3A_225, %cond3A_226 : i32
        scf.if %cond3A_227 {
          %add3A_325 = arith.constant 4 : i32
          %add3A_326 = arith.addi %add3A_212, %add3A_325 : i32
          %mul3A_327 = arith.constant 128 : i32
          %mul3A_328 = arith.muli %add3A_326, %mul3A_327 : i32
          %add3A_329 = arith.addi %mul3A_60, %mul3A_328 : i32
          %dma_start3A_330 = arith.constant 0 : i32
          %dma_start3A_331 = tpu.memref_slice %arg3[%dma_start3A_330, %add3A_329] : memref<2x320000xi32, #tpu.memory_space<hbm>> -> memref<1x128xi32, #tpu.memory_space<hbm>>
          %dma_start3A_332 = tpu.memref_squeeze %dma_start3A_331 : memref<1x128xi32, #tpu.memory_space<hbm>> -> memref<128xi32, #tpu.memory_space<hbm>>
          %dma_start3A_333 = tpu.memref_slice %arg3[%dma_start3A_330, %add3A_329] : memref<2x320000xi32, #tpu.memory_space<hbm>> -> memref<1x128xi32, #tpu.memory_space<hbm>>
          %dma_start3A_334 = tpu.memref_squeeze %dma_start3A_333 : memref<1x128xi32, #tpu.memory_space<hbm>> -> memref<128xi32, #tpu.memory_space<hbm>>
          tpu.enqueue_dma source(%dma_start3A_334 : memref<128xi32, #tpu.memory_space<hbm>>) target(%arg8 : memref<128xi32, #tpu.memory_space<vmem>>) target_semaphore(%arg24 : memref<!tpu.dma_semaphore, #tpu.memory_space<semaphore_mem>>)
          %dma_start3A_335 = arith.constant 1 : i32
          %dma_start3A_336 = tpu.memref_slice %arg3[%dma_start3A_335, %add3A_329] : memref<2x320000xi32, #tpu.memory_space<hbm>> -> memref<1x128xi32, #tpu.memory_space<hbm>>
          %dma_start3A_337 = tpu.memref_squeeze %dma_start3A_336 : memref<1x128xi32, #tpu.memory_space<hbm>> -> memref<128xi32, #tpu.memory_space<hbm>>
          %dma_start3A_338 = tpu.memref_slice %arg3[%dma_start3A_335, %add3A_329] : memref<2x320000xi32, #tpu.memory_space<hbm>> -> memref<1x128xi32, #tpu.memory_space<hbm>>
          %dma_start3A_339 = tpu.memref_squeeze %dma_start3A_338 : memref<1x128xi32, #tpu.memory_space<hbm>> -> memref<128xi32, #tpu.memory_space<hbm>>
          tpu.enqueue_dma source(%dma_start3A_339 : memref<128xi32, #tpu.memory_space<hbm>>) target(%arg14 : memref<128xi32, #tpu.memory_space<vmem>>) target_semaphore(%arg24 : memref<!tpu.dma_semaphore, #tpu.memory_space<semaphore_mem>>)
        } else {
        }
        %add3A_228 = arith.constant 2 : i32
        %add3A_229 = arith.addi %add3A_212, %add3A_228 : i32
        %lt3A_230 = arith.constant 156 : i32
        %lt3A_231 = arith.cmpi slt, %add3A_229, %lt3A_230 : i32
        %convert_element_type3A_232 = arith.extui %lt3A_231 : i1 to i32
        %cond3A_233 = arith.constant 0 : i32
        %cond3A_234 = arith.cmpi ne, %convert_element_type3A_232, %cond3A_233 : i32
        scf.if %cond3A_234 {
          %dma_wait3A_325 = arith.constant 0 : i32
          %dma_wait3A_326 = arith.constant 0 : i32
          %dma_wait3A_327 = tpu.memref_slice %arg3[%dma_wait3A_325, %dma_wait3A_326] : memref<2x320000xi32, #tpu.memory_space<hbm>> -> memref<1x128xi32, #tpu.memory_space<hbm>>
          %dma_wait3A_328 = tpu.memref_squeeze %dma_wait3A_327 : memref<1x128xi32, #tpu.memory_space<hbm>> -> memref<128xi32, #tpu.memory_space<hbm>>
          %dma_wait3A_329 = arith.constant 0 : i32
          %dma_wait3A_330 = tpu.memref_slice %arg3[%dma_wait3A_325, %dma_wait3A_329] : memref<2x320000xi32, #tpu.memory_space<hbm>> -> memref<1x128xi32, #tpu.memory_space<hbm>>
          %dma_wait3A_331 = tpu.memref_squeeze %dma_wait3A_330 : memref<1x128xi32, #tpu.memory_space<hbm>> -> memref<128xi32, #tpu.memory_space<hbm>>
          tpu.wait_dma2 semaphore(%arg28 : memref<!tpu.dma_semaphore, #tpu.memory_space<semaphore_mem>>) src(%dma_wait3A_331 : memref<128xi32, #tpu.memory_space<hbm>>) dst(%arg12 : memref<128xi32, #tpu.memory_space<vmem>>)
          %dma_wait3A_332 = arith.constant 1 : i32
          %dma_wait3A_333 = arith.constant 0 : i32
          %dma_wait3A_334 = tpu.memref_slice %arg3[%dma_wait3A_332, %dma_wait3A_333] : memref<2x320000xi32, #tpu.memory_space<hbm>> -> memref<1x128xi32, #tpu.memory_space<hbm>>
          %dma_wait3A_335 = tpu.memref_squeeze %dma_wait3A_334 : memref<1x128xi32, #tpu.memory_space<hbm>> -> memref<128xi32, #tpu.memory_space<hbm>>
          %dma_wait3A_336 = arith.constant 0 : i32
          %dma_wait3A_337 = tpu.memref_slice %arg3[%dma_wait3A_332, %dma_wait3A_336] : memref<2x320000xi32, #tpu.memory_space<hbm>> -> memref<1x128xi32, #tpu.memory_space<hbm>>
          %dma_wait3A_338 = tpu.memref_squeeze %dma_wait3A_337 : memref<1x128xi32, #tpu.memory_space<hbm>> -> memref<128xi32, #tpu.memory_space<hbm>>
          tpu.wait_dma2 semaphore(%arg28 : memref<!tpu.dma_semaphore, #tpu.memory_space<semaphore_mem>>) src(%dma_wait3A_338 : memref<128xi32, #tpu.memory_space<hbm>>) dst(%arg18 : memref<128xi32, #tpu.memory_space<vmem>>)
          %dma_start3A_339 = arith.constant 0 : i32
          %dma_start3A_340 = arith.constant 0 : i32
          %dma_start3A_341 = tpu.memref_slice %arg2[%dma_start3A_339, %dma_start3A_340] : memref<10000x128xf32, #tpu.memory_space<hbm>> -> memref<10000x128xf32, #tpu.memory_space<hbm>>
          tpu.enqueue_indirect_dma source(%dma_start3A_341 : memref<10000x128xf32, #tpu.memory_space<hbm>>) target(%arg21 : memref<128x128xf32, #tpu.memory_space<vmem>>) offsets(%arg12 : memref<128xi32, #tpu.memory_space<vmem>>) semaphore(%arg31 : memref<!tpu.dma_semaphore, #tpu.memory_space<semaphore_mem>>)
        } else {
        }
        %dma_start3A_235 = arith.constant 0 : i32
        %dma_start3A_236 = arith.constant 0 : i32
        %dma_start3A_237 = tpu.memref_slice %arg23[%dma_start3A_235, %dma_start3A_236] : memref<10000x128xf32, #tpu.memory_space<vmem_shared>> -> memref<10000x128xf32, #tpu.memory_space<vmem_shared>>
        tpu.enqueue_indirect_dma source(%arg22 : memref<128x128xf32, #tpu.memory_space<vmem>>) target(%dma_start3A_237 : memref<10000x128xf32, #tpu.memory_space<vmem_shared>>) offsets(%arg16 : memref<128xi32, #tpu.memory_space<vmem>>) semaphore(%arg35 : memref<!tpu.dma_semaphore, #tpu.memory_space<semaphore_mem>>) {add = true}
        %mul3A_238 = arith.constant 6 : i32
        %mul3A_239 = arith.muli %scan3A_151, %mul3A_238 : i32
        %add3A_240 = arith.constant 3 : i32
        %add3A_241 = arith.addi %mul3A_239, %add3A_240 : i32
        %dma_wait3A_242 = arith.constant 0 : i32
        %dma_wait3A_243 = arith.constant 0 : i32
        %dma_wait3A_244 = tpu.memref_slice %arg2[%dma_wait3A_242, %dma_wait3A_243] : memref<10000x128xf32, #tpu.memory_space<hbm>> -> memref<10000x128xf32, #tpu.memory_space<hbm>>
        tpu.wait_indirect_dma semaphore(%arg30 : memref<!tpu.dma_semaphore, #tpu.memory_space<semaphore_mem>>) src(%dma_wait3A_244 : memref<10000x128xf32, #tpu.memory_space<hbm>>) dst(%arg20 : memref<128x128xf32, #tpu.memory_space<vmem>>)
        %ge3A_245 = arith.constant 1 : i32
        %ge3A_246 = arith.cmpi sge, %add3A_241, %ge3A_245 : i32
        %convert_element_type3A_247 = arith.extui %ge3A_246 : i1 to i32
        %cond3A_248 = arith.constant 0 : i32
        %cond3A_249 = arith.cmpi ne, %convert_element_type3A_247, %cond3A_248 : i32
        scf.if %cond3A_249 {
          %dma_wait3A_325 = arith.constant 0 : i32
          %dma_wait3A_326 = arith.constant 0 : i32
          %dma_wait3A_327 = tpu.memref_slice %arg23[%dma_wait3A_325, %dma_wait3A_326] : memref<10000x128xf32, #tpu.memory_space<vmem_shared>> -> memref<10000x128xf32, #tpu.memory_space<vmem_shared>>
          tpu.wait_indirect_dma semaphore(%arg35 : memref<!tpu.dma_semaphore, #tpu.memory_space<semaphore_mem>>) src(%arg22 : memref<128x128xf32, #tpu.memory_space<vmem>>) dst(%dma_wait3A_327 : memref<10000x128xf32, #tpu.memory_space<vmem_shared>>)
        } else {
        }
        %add3A_250 = arith.constant 4 : i32
        %add3A_251 = arith.addi %add3A_241, %add3A_250 : i32
        %lt3A_252 = arith.constant 156 : i32
        %lt3A_253 = arith.cmpi slt, %add3A_251, %lt3A_252 : i32
        %convert_element_type3A_254 = arith.extui %lt3A_253 : i1 to i32
        %cond3A_255 = arith.constant 0 : i32
        %cond3A_256 = arith.cmpi ne, %convert_element_type3A_254, %cond3A_255 : i32
        scf.if %cond3A_256 {
          %add3A_325 = arith.constant 4 : i32
          %add3A_326 = arith.addi %add3A_241, %add3A_325 : i32
          %mul3A_327 = arith.constant 128 : i32
          %mul3A_328 = arith.muli %add3A_326, %mul3A_327 : i32
          %add3A_329 = arith.addi %mul3A_60, %mul3A_328 : i32
          %dma_start3A_330 = arith.constant 0 : i32
          %dma_start3A_331 = tpu.memref_slice %arg3[%dma_start3A_330, %add3A_329] : memref<2x320000xi32, #tpu.memory_space<hbm>> -> memref<1x128xi32, #tpu.memory_space<hbm>>
          %dma_start3A_332 = tpu.memref_squeeze %dma_start3A_331 : memref<1x128xi32, #tpu.memory_space<hbm>> -> memref<128xi32, #tpu.memory_space<hbm>>
          %dma_start3A_333 = tpu.memref_slice %arg3[%dma_start3A_330, %add3A_329] : memref<2x320000xi32, #tpu.memory_space<hbm>> -> memref<1x128xi32, #tpu.memory_space<hbm>>
          %dma_start3A_334 = tpu.memref_squeeze %dma_start3A_333 : memref<1x128xi32, #tpu.memory_space<hbm>> -> memref<128xi32, #tpu.memory_space<hbm>>
          tpu.enqueue_dma source(%dma_start3A_334 : memref<128xi32, #tpu.memory_space<hbm>>) target(%arg9 : memref<128xi32, #tpu.memory_space<vmem>>) target_semaphore(%arg25 : memref<!tpu.dma_semaphore, #tpu.memory_space<semaphore_mem>>)
          %dma_start3A_335 = arith.constant 1 : i32
          %dma_start3A_336 = tpu.memref_slice %arg3[%dma_start3A_335, %add3A_329] : memref<2x320000xi32, #tpu.memory_space<hbm>> -> memref<1x128xi32, #tpu.memory_space<hbm>>
          %dma_start3A_337 = tpu.memref_squeeze %dma_start3A_336 : memref<1x128xi32, #tpu.memory_space<hbm>> -> memref<128xi32, #tpu.memory_space<hbm>>
          %dma_start3A_338 = tpu.memref_slice %arg3[%dma_start3A_335, %add3A_329] : memref<2x320000xi32, #tpu.memory_space<hbm>> -> memref<1x128xi32, #tpu.memory_space<hbm>>
          %dma_start3A_339 = tpu.memref_squeeze %dma_start3A_338 : memref<1x128xi32, #tpu.memory_space<hbm>> -> memref<128xi32, #tpu.memory_space<hbm>>
          tpu.enqueue_dma source(%dma_start3A_339 : memref<128xi32, #tpu.memory_space<hbm>>) target(%arg15 : memref<128xi32, #tpu.memory_space<vmem>>) target_semaphore(%arg25 : memref<!tpu.dma_semaphore, #tpu.memory_space<semaphore_mem>>)
        } else {
        }
        %add3A_257 = arith.constant 2 : i32
        %add3A_258 = arith.addi %add3A_241, %add3A_257 : i32
        %lt3A_259 = arith.constant 156 : i32
        %lt3A_260 = arith.cmpi slt, %add3A_258, %lt3A_259 : i32
        %convert_element_type3A_261 = arith.extui %lt3A_260 : i1 to i32
        %cond3A_262 = arith.constant 0 : i32
        %cond3A_263 = arith.cmpi ne, %convert_element_type3A_261, %cond3A_262 : i32
        scf.if %cond3A_263 {
          %dma_wait3A_325 = arith.constant 0 : i32
          %dma_wait3A_326 = arith.constant 0 : i32
          %dma_wait3A_327 = tpu.memref_slice %arg3[%dma_wait3A_325, %dma_wait3A_326] : memref<2x320000xi32, #tpu.memory_space<hbm>> -> memref<1x128xi32, #tpu.memory_space<hbm>>
          %dma_wait3A_328 = tpu.memref_squeeze %dma_wait3A_327 : memref<1x128xi32, #tpu.memory_space<hbm>> -> memref<128xi32, #tpu.memory_space<hbm>>
          %dma_wait3A_329 = arith.constant 0 : i32
          %dma_wait3A_330 = tpu.memref_slice %arg3[%dma_wait3A_325, %dma_wait3A_329] : memref<2x320000xi32, #tpu.memory_space<hbm>> -> memref<1x128xi32, #tpu.memory_space<hbm>>
          %dma_wait3A_331 = tpu.memref_squeeze %dma_wait3A_330 : memref<1x128xi32, #tpu.memory_space<hbm>> -> memref<128xi32, #tpu.memory_space<hbm>>
          tpu.wait_dma2 semaphore(%arg29 : memref<!tpu.dma_semaphore, #tpu.memory_space<semaphore_mem>>) src(%dma_wait3A_331 : memref<128xi32, #tpu.memory_space<hbm>>) dst(%arg13 : memref<128xi32, #tpu.memory_space<vmem>>)
          %dma_wait3A_332 = arith.constant 1 : i32
          %dma_wait3A_333 = arith.constant 0 : i32
          %dma_wait3A_334 = tpu.memref_slice %arg3[%dma_wait3A_332, %dma_wait3A_333] : memref<2x320000xi32, #tpu.memory_space<hbm>> -> memref<1x128xi32, #tpu.memory_space<hbm>>
          %dma_wait3A_335 = tpu.memref_squeeze %dma_wait3A_334 : memref<1x128xi32, #tpu.memory_space<hbm>> -> memref<128xi32, #tpu.memory_space<hbm>>
          %dma_wait3A_336 = arith.constant 0 : i32
          %dma_wait3A_337 = tpu.memref_slice %arg3[%dma_wait3A_332, %dma_wait3A_336] : memref<2x320000xi32, #tpu.memory_space<hbm>> -> memref<1x128xi32, #tpu.memory_space<hbm>>
          %dma_wait3A_338 = tpu.memref_squeeze %dma_wait3A_337 : memref<1x128xi32, #tpu.memory_space<hbm>> -> memref<128xi32, #tpu.memory_space<hbm>>
          tpu.wait_dma2 semaphore(%arg29 : memref<!tpu.dma_semaphore, #tpu.memory_space<semaphore_mem>>) src(%dma_wait3A_338 : memref<128xi32, #tpu.memory_space<hbm>>) dst(%arg19 : memref<128xi32, #tpu.memory_space<vmem>>)
          %dma_start3A_339 = arith.constant 0 : i32
          %dma_start3A_340 = arith.constant 0 : i32
          %dma_start3A_341 = tpu.memref_slice %arg2[%dma_start3A_339, %dma_start3A_340] : memref<10000x128xf32, #tpu.memory_space<hbm>> -> memref<10000x128xf32, #tpu.memory_space<hbm>>
          tpu.enqueue_indirect_dma source(%dma_start3A_341 : memref<10000x128xf32, #tpu.memory_space<hbm>>) target(%arg22 : memref<128x128xf32, #tpu.memory_space<vmem>>) offsets(%arg13 : memref<128xi32, #tpu.memory_space<vmem>>) semaphore(%arg32 : memref<!tpu.dma_semaphore, #tpu.memory_space<semaphore_mem>>)
        } else {
        }
        %dma_start3A_264 = arith.constant 0 : i32
        %dma_start3A_265 = arith.constant 0 : i32
        %dma_start3A_266 = tpu.memref_slice %arg23[%dma_start3A_264, %dma_start3A_265] : memref<10000x128xf32, #tpu.memory_space<vmem_shared>> -> memref<10000x128xf32, #tpu.memory_space<vmem_shared>>
        tpu.enqueue_indirect_dma source(%arg20 : memref<128x128xf32, #tpu.memory_space<vmem>>) target(%dma_start3A_266 : memref<10000x128xf32, #tpu.memory_space<vmem_shared>>) offsets(%arg17 : memref<128xi32, #tpu.memory_space<vmem>>) semaphore(%arg33 : memref<!tpu.dma_semaphore, #tpu.memory_space<semaphore_mem>>) {add = true}
        %mul3A_267 = arith.constant 6 : i32
        %mul3A_268 = arith.muli %scan3A_151, %mul3A_267 : i32
        %add3A_269 = arith.constant 4 : i32
        %add3A_270 = arith.addi %mul3A_268, %add3A_269 : i32
        %dma_wait3A_271 = arith.constant 0 : i32
        %dma_wait3A_272 = arith.constant 0 : i32
        %dma_wait3A_273 = tpu.memref_slice %arg2[%dma_wait3A_271, %dma_wait3A_272] : memref<10000x128xf32, #tpu.memory_space<hbm>> -> memref<10000x128xf32, #tpu.memory_space<hbm>>
        tpu.wait_indirect_dma semaphore(%arg31 : memref<!tpu.dma_semaphore, #tpu.memory_space<semaphore_mem>>) src(%dma_wait3A_273 : memref<10000x128xf32, #tpu.memory_space<hbm>>) dst(%arg21 : memref<128x128xf32, #tpu.memory_space<vmem>>)
        %ge3A_274 = arith.constant 1 : i32
        %ge3A_275 = arith.cmpi sge, %add3A_270, %ge3A_274 : i32
        %convert_element_type3A_276 = arith.extui %ge3A_275 : i1 to i32
        %cond3A_277 = arith.constant 0 : i32
        %cond3A_278 = arith.cmpi ne, %convert_element_type3A_276, %cond3A_277 : i32
        scf.if %cond3A_278 {
          %dma_wait3A_325 = arith.constant 0 : i32
          %dma_wait3A_326 = arith.constant 0 : i32
          %dma_wait3A_327 = tpu.memref_slice %arg23[%dma_wait3A_325, %dma_wait3A_326] : memref<10000x128xf32, #tpu.memory_space<vmem_shared>> -> memref<10000x128xf32, #tpu.memory_space<vmem_shared>>
          tpu.wait_indirect_dma semaphore(%arg33 : memref<!tpu.dma_semaphore, #tpu.memory_space<semaphore_mem>>) src(%arg20 : memref<128x128xf32, #tpu.memory_space<vmem>>) dst(%dma_wait3A_327 : memref<10000x128xf32, #tpu.memory_space<vmem_shared>>)
        } else {
        }
        %add3A_279 = arith.constant 4 : i32
        %add3A_280 = arith.addi %add3A_270, %add3A_279 : i32
        %lt3A_281 = arith.constant 156 : i32
        %lt3A_282 = arith.cmpi slt, %add3A_280, %lt3A_281 : i32
        %convert_element_type3A_283 = arith.extui %lt3A_282 : i1 to i32
        %cond3A_284 = arith.constant 0 : i32
        %cond3A_285 = arith.cmpi ne, %convert_element_type3A_283, %cond3A_284 : i32
        scf.if %cond3A_285 {
          %add3A_325 = arith.constant 4 : i32
          %add3A_326 = arith.addi %add3A_270, %add3A_325 : i32
          %mul3A_327 = arith.constant 128 : i32
          %mul3A_328 = arith.muli %add3A_326, %mul3A_327 : i32
          %add3A_329 = arith.addi %mul3A_60, %mul3A_328 : i32
          %dma_start3A_330 = arith.constant 0 : i32
          %dma_start3A_331 = tpu.memref_slice %arg3[%dma_start3A_330, %add3A_329] : memref<2x320000xi32, #tpu.memory_space<hbm>> -> memref<1x128xi32, #tpu.memory_space<hbm>>
          %dma_start3A_332 = tpu.memref_squeeze %dma_start3A_331 : memref<1x128xi32, #tpu.memory_space<hbm>> -> memref<128xi32, #tpu.memory_space<hbm>>
          %dma_start3A_333 = tpu.memref_slice %arg3[%dma_start3A_330, %add3A_329] : memref<2x320000xi32, #tpu.memory_space<hbm>> -> memref<1x128xi32, #tpu.memory_space<hbm>>
          %dma_start3A_334 = tpu.memref_squeeze %dma_start3A_333 : memref<1x128xi32, #tpu.memory_space<hbm>> -> memref<128xi32, #tpu.memory_space<hbm>>
          tpu.enqueue_dma source(%dma_start3A_334 : memref<128xi32, #tpu.memory_space<hbm>>) target(%arg10 : memref<128xi32, #tpu.memory_space<vmem>>) target_semaphore(%arg26 : memref<!tpu.dma_semaphore, #tpu.memory_space<semaphore_mem>>)
          %dma_start3A_335 = arith.constant 1 : i32
          %dma_start3A_336 = tpu.memref_slice %arg3[%dma_start3A_335, %add3A_329] : memref<2x320000xi32, #tpu.memory_space<hbm>> -> memref<1x128xi32, #tpu.memory_space<hbm>>
          %dma_start3A_337 = tpu.memref_squeeze %dma_start3A_336 : memref<1x128xi32, #tpu.memory_space<hbm>> -> memref<128xi32, #tpu.memory_space<hbm>>
          %dma_start3A_338 = tpu.memref_slice %arg3[%dma_start3A_335, %add3A_329] : memref<2x320000xi32, #tpu.memory_space<hbm>> -> memref<1x128xi32, #tpu.memory_space<hbm>>
          %dma_start3A_339 = tpu.memref_squeeze %dma_start3A_338 : memref<1x128xi32, #tpu.memory_space<hbm>> -> memref<128xi32, #tpu.memory_space<hbm>>
          tpu.enqueue_dma source(%dma_start3A_339 : memref<128xi32, #tpu.memory_space<hbm>>) target(%arg16 : memref<128xi32, #tpu.memory_space<vmem>>) target_semaphore(%arg26 : memref<!tpu.dma_semaphore, #tpu.memory_space<semaphore_mem>>)
        } else {
        }
        %add3A_286 = arith.constant 2 : i32
        %add3A_287 = arith.addi %add3A_270, %add3A_286 : i32
        %lt3A_288 = arith.constant 156 : i32
        %lt3A_289 = arith.cmpi slt, %add3A_287, %lt3A_288 : i32
        %convert_element_type3A_290 = arith.extui %lt3A_289 : i1 to i32
        %cond3A_291 = arith.constant 0 : i32
        %cond3A_292 = arith.cmpi ne, %convert_element_type3A_290, %cond3A_291 : i32
        scf.if %cond3A_292 {
          %dma_wait3A_325 = arith.constant 0 : i32
          %dma_wait3A_326 = arith.constant 0 : i32
          %dma_wait3A_327 = tpu.memref_slice %arg3[%dma_wait3A_325, %dma_wait3A_326] : memref<2x320000xi32, #tpu.memory_space<hbm>> -> memref<1x128xi32, #tpu.memory_space<hbm>>
          %dma_wait3A_328 = tpu.memref_squeeze %dma_wait3A_327 : memref<1x128xi32, #tpu.memory_space<hbm>> -> memref<128xi32, #tpu.memory_space<hbm>>
          %dma_wait3A_329 = arith.constant 0 : i32
          %dma_wait3A_330 = tpu.memref_slice %arg3[%dma_wait3A_325, %dma_wait3A_329] : memref<2x320000xi32, #tpu.memory_space<hbm>> -> memref<1x128xi32, #tpu.memory_space<hbm>>
          %dma_wait3A_331 = tpu.memref_squeeze %dma_wait3A_330 : memref<1x128xi32, #tpu.memory_space<hbm>> -> memref<128xi32, #tpu.memory_space<hbm>>
          tpu.wait_dma2 semaphore(%arg24 : memref<!tpu.dma_semaphore, #tpu.memory_space<semaphore_mem>>) src(%dma_wait3A_331 : memref<128xi32, #tpu.memory_space<hbm>>) dst(%arg8 : memref<128xi32, #tpu.memory_space<vmem>>)
          %dma_wait3A_332 = arith.constant 1 : i32
          %dma_wait3A_333 = arith.constant 0 : i32
          %dma_wait3A_334 = tpu.memref_slice %arg3[%dma_wait3A_332, %dma_wait3A_333] : memref<2x320000xi32, #tpu.memory_space<hbm>> -> memref<1x128xi32, #tpu.memory_space<hbm>>
          %dma_wait3A_335 = tpu.memref_squeeze %dma_wait3A_334 : memref<1x128xi32, #tpu.memory_space<hbm>> -> memref<128xi32, #tpu.memory_space<hbm>>
          %dma_wait3A_336 = arith.constant 0 : i32
          %dma_wait3A_337 = tpu.memref_slice %arg3[%dma_wait3A_332, %dma_wait3A_336] : memref<2x320000xi32, #tpu.memory_space<hbm>> -> memref<1x128xi32, #tpu.memory_space<hbm>>
          %dma_wait3A_338 = tpu.memref_squeeze %dma_wait3A_337 : memref<1x128xi32, #tpu.memory_space<hbm>> -> memref<128xi32, #tpu.memory_space<hbm>>
          tpu.wait_dma2 semaphore(%arg24 : memref<!tpu.dma_semaphore, #tpu.memory_space<semaphore_mem>>) src(%dma_wait3A_338 : memref<128xi32, #tpu.memory_space<hbm>>) dst(%arg14 : memref<128xi32, #tpu.memory_space<vmem>>)
          %dma_start3A_339 = arith.constant 0 : i32
          %dma_start3A_340 = arith.constant 0 : i32
          %dma_start3A_341 = tpu.memref_slice %arg2[%dma_start3A_339, %dma_start3A_340] : memref<10000x128xf32, #tpu.memory_space<hbm>> -> memref<10000x128xf32, #tpu.memory_space<hbm>>
          tpu.enqueue_indirect_dma source(%dma_start3A_341 : memref<10000x128xf32, #tpu.memory_space<hbm>>) target(%arg20 : memref<128x128xf32, #tpu.memory_space<vmem>>) offsets(%arg8 : memref<128xi32, #tpu.memory_space<vmem>>) semaphore(%arg30 : memref<!tpu.dma_semaphore, #tpu.memory_space<semaphore_mem>>)
        } else {
        }
        %dma_start3A_293 = arith.constant 0 : i32
        %dma_start3A_294 = arith.constant 0 : i32
        %dma_start3A_295 = tpu.memref_slice %arg23[%dma_start3A_293, %dma_start3A_294] : memref<10000x128xf32, #tpu.memory_space<vmem_shared>> -> memref<10000x128xf32, #tpu.memory_space<vmem_shared>>
        tpu.enqueue_indirect_dma source(%arg21 : memref<128x128xf32, #tpu.memory_space<vmem>>) target(%dma_start3A_295 : memref<10000x128xf32, #tpu.memory_space<vmem_shared>>) offsets(%arg18 : memref<128xi32, #tpu.memory_space<vmem>>) semaphore(%arg34 : memref<!tpu.dma_semaphore, #tpu.memory_space<semaphore_mem>>) {add = true}
        %mul3A_296 = arith.constant 6 : i32
        %mul3A_297 = arith.muli %scan3A_151, %mul3A_296 : i32
        %add3A_298 = arith.constant 5 : i32
        %add3A_299 = arith.addi %mul3A_297, %add3A_298 : i32
        %dma_wait3A_300 = arith.constant 0 : i32
        %dma_wait3A_301 = arith.constant 0 : i32
        %dma_wait3A_302 = tpu.memref_slice %arg2[%dma_wait3A_300, %dma_wait3A_301] : memref<10000x128xf32, #tpu.memory_space<hbm>> -> memref<10000x128xf32, #tpu.memory_space<hbm>>
        tpu.wait_indirect_dma semaphore(%arg32 : memref<!tpu.dma_semaphore, #tpu.memory_space<semaphore_mem>>) src(%dma_wait3A_302 : memref<10000x128xf32, #tpu.memory_space<hbm>>) dst(%arg22 : memref<128x128xf32, #tpu.memory_space<vmem>>)
        %ge3A_303 = arith.constant 1 : i32
        %ge3A_304 = arith.cmpi sge, %add3A_299, %ge3A_303 : i32
        %convert_element_type3A_305 = arith.extui %ge3A_304 : i1 to i32
        %cond3A_306 = arith.constant 0 : i32
        %cond3A_307 = arith.cmpi ne, %convert_element_type3A_305, %cond3A_306 : i32
        scf.if %cond3A_307 {
          %dma_wait3A_325 = arith.constant 0 : i32
          %dma_wait3A_326 = arith.constant 0 : i32
          %dma_wait3A_327 = tpu.memref_slice %arg23[%dma_wait3A_325, %dma_wait3A_326] : memref<10000x128xf32, #tpu.memory_space<vmem_shared>> -> memref<10000x128xf32, #tpu.memory_space<vmem_shared>>
          tpu.wait_indirect_dma semaphore(%arg34 : memref<!tpu.dma_semaphore, #tpu.memory_space<semaphore_mem>>) src(%arg21 : memref<128x128xf32, #tpu.memory_space<vmem>>) dst(%dma_wait3A_327 : memref<10000x128xf32, #tpu.memory_space<vmem_shared>>)
        } else {
        }
        %add3A_308 = arith.constant 4 : i32
        %add3A_309 = arith.addi %add3A_299, %add3A_308 : i32
        %lt3A_310 = arith.constant 156 : i32
        %lt3A_311 = arith.cmpi slt, %add3A_309, %lt3A_310 : i32
        %convert_element_type3A_312 = arith.extui %lt3A_311 : i1 to i32
        %cond3A_313 = arith.constant 0 : i32
        %cond3A_314 = arith.cmpi ne, %convert_element_type3A_312, %cond3A_313 : i32
        scf.if %cond3A_314 {
          %add3A_325 = arith.constant 4 : i32
          %add3A_326 = arith.addi %add3A_299, %add3A_325 : i32
          %mul3A_327 = arith.constant 128 : i32
          %mul3A_328 = arith.muli %add3A_326, %mul3A_327 : i32
          %add3A_329 = arith.addi %mul3A_60, %mul3A_328 : i32
          %dma_start3A_330 = arith.constant 0 : i32
          %dma_start3A_331 = tpu.memref_slice %arg3[%dma_start3A_330, %add3A_329] : memref<2x320000xi32, #tpu.memory_space<hbm>> -> memref<1x128xi32, #tpu.memory_space<hbm>>
          %dma_start3A_332 = tpu.memref_squeeze %dma_start3A_331 : memref<1x128xi32, #tpu.memory_space<hbm>> -> memref<128xi32, #tpu.memory_space<hbm>>
          %dma_start3A_333 = tpu.memref_slice %arg3[%dma_start3A_330, %add3A_329] : memref<2x320000xi32, #tpu.memory_space<hbm>> -> memref<1x128xi32, #tpu.memory_space<hbm>>
          %dma_start3A_334 = tpu.memref_squeeze %dma_start3A_333 : memref<1x128xi32, #tpu.memory_space<hbm>> -> memref<128xi32, #tpu.memory_space<hbm>>
          tpu.enqueue_dma source(%dma_start3A_334 : memref<128xi32, #tpu.memory_space<hbm>>) target(%arg11 : memref<128xi32, #tpu.memory_space<vmem>>) target_semaphore(%arg27 : memref<!tpu.dma_semaphore, #tpu.memory_space<semaphore_mem>>)
          %dma_start3A_335 = arith.constant 1 : i32
          %dma_start3A_336 = tpu.memref_slice %arg3[%dma_start3A_335, %add3A_329] : memref<2x320000xi32, #tpu.memory_space<hbm>> -> memref<1x128xi32, #tpu.memory_space<hbm>>
          %dma_start3A_337 = tpu.memref_squeeze %dma_start3A_336 : memref<1x128xi32, #tpu.memory_space<hbm>> -> memref<128xi32, #tpu.memory_space<hbm>>
          %dma_start3A_338 = tpu.memref_slice %arg3[%dma_start3A_335, %add3A_329] : memref<2x320000xi32, #tpu.memory_space<hbm>> -> memref<1x128xi32, #tpu.memory_space<hbm>>
          %dma_start3A_339 = tpu.memref_squeeze %dma_start3A_338 : memref<1x128xi32, #tpu.memory_space<hbm>> -> memref<128xi32, #tpu.memory_space<hbm>>
          tpu.enqueue_dma source(%dma_start3A_339 : memref<128xi32, #tpu.memory_space<hbm>>) target(%arg17 : memref<128xi32, #tpu.memory_space<vmem>>) target_semaphore(%arg27 : memref<!tpu.dma_semaphore, #tpu.memory_space<semaphore_mem>>)
        } else {
        }
        %add3A_315 = arith.constant 2 : i32
        %add3A_316 = arith.addi %add3A_299, %add3A_315 : i32
        %lt3A_317 = arith.constant 156 : i32
        %lt3A_318 = arith.cmpi slt, %add3A_316, %lt3A_317 : i32
        %convert_element_type3A_319 = arith.extui %lt3A_318 : i1 to i32
        %cond3A_320 = arith.constant 0 : i32
        %cond3A_321 = arith.cmpi ne, %convert_element_type3A_319, %cond3A_320 : i32
        scf.if %cond3A_321 {
          %dma_wait3A_325 = arith.constant 0 : i32
          %dma_wait3A_326 = arith.constant 0 : i32
          %dma_wait3A_327 = tpu.memref_slice %arg3[%dma_wait3A_325, %dma_wait3A_326] : memref<2x320000xi32, #tpu.memory_space<hbm>> -> memref<1x128xi32, #tpu.memory_space<hbm>>
          %dma_wait3A_328 = tpu.memref_squeeze %dma_wait3A_327 : memref<1x128xi32, #tpu.memory_space<hbm>> -> memref<128xi32, #tpu.memory_space<hbm>>
          %dma_wait3A_329 = arith.constant 0 : i32
          %dma_wait3A_330 = tpu.memref_slice %arg3[%dma_wait3A_325, %dma_wait3A_329] : memref<2x320000xi32, #tpu.memory_space<hbm>> -> memref<1x128xi32, #tpu.memory_space<hbm>>
          %dma_wait3A_331 = tpu.memref_squeeze %dma_wait3A_330 : memref<1x128xi32, #tpu.memory_space<hbm>> -> memref<128xi32, #tpu.memory_space<hbm>>
          tpu.wait_dma2 semaphore(%arg25 : memref<!tpu.dma_semaphore, #tpu.memory_space<semaphore_mem>>) src(%dma_wait3A_331 : memref<128xi32, #tpu.memory_space<hbm>>) dst(%arg9 : memref<128xi32, #tpu.memory_space<vmem>>)
          %dma_wait3A_332 = arith.constant 1 : i32
          %dma_wait3A_333 = arith.constant 0 : i32
          %dma_wait3A_334 = tpu.memref_slice %arg3[%dma_wait3A_332, %dma_wait3A_333] : memref<2x320000xi32, #tpu.memory_space<hbm>> -> memref<1x128xi32, #tpu.memory_space<hbm>>
          %dma_wait3A_335 = tpu.memref_squeeze %dma_wait3A_334 : memref<1x128xi32, #tpu.memory_space<hbm>> -> memref<128xi32, #tpu.memory_space<hbm>>
          %dma_wait3A_336 = arith.constant 0 : i32
          %dma_wait3A_337 = tpu.memref_slice %arg3[%dma_wait3A_332, %dma_wait3A_336] : memref<2x320000xi32, #tpu.memory_space<hbm>> -> memref<1x128xi32, #tpu.memory_space<hbm>>
          %dma_wait3A_338 = tpu.memref_squeeze %dma_wait3A_337 : memref<1x128xi32, #tpu.memory_space<hbm>> -> memref<128xi32, #tpu.memory_space<hbm>>
          tpu.wait_dma2 semaphore(%arg25 : memref<!tpu.dma_semaphore, #tpu.memory_space<semaphore_mem>>) src(%dma_wait3A_338 : memref<128xi32, #tpu.memory_space<hbm>>) dst(%arg15 : memref<128xi32, #tpu.memory_space<vmem>>)
          %dma_start3A_339 = arith.constant 0 : i32
          %dma_start3A_340 = arith.constant 0 : i32
          %dma_start3A_341 = tpu.memref_slice %arg2[%dma_start3A_339, %dma_start3A_340] : memref<10000x128xf32, #tpu.memory_space<hbm>> -> memref<10000x128xf32, #tpu.memory_space<hbm>>
          tpu.enqueue_indirect_dma source(%dma_start3A_341 : memref<10000x128xf32, #tpu.memory_space<hbm>>) target(%arg21 : memref<128x128xf32, #tpu.memory_space<vmem>>) offsets(%arg9 : memref<128xi32, #tpu.memory_space<vmem>>) semaphore(%arg31 : memref<!tpu.dma_semaphore, #tpu.memory_space<semaphore_mem>>)
        } else {
        }
        %dma_start3A_322 = arith.constant 0 : i32
        %dma_start3A_323 = arith.constant 0 : i32
        %dma_start3A_324 = tpu.memref_slice %arg23[%dma_start3A_322, %dma_start3A_323] : memref<10000x128xf32, #tpu.memory_space<vmem_shared>> -> memref<10000x128xf32, #tpu.memory_space<vmem_shared>>
        tpu.enqueue_indirect_dma source(%arg22 : memref<128x128xf32, #tpu.memory_space<vmem>>) target(%dma_start3A_324 : memref<10000x128xf32, #tpu.memory_space<vmem_shared>>) offsets(%arg19 : memref<128xi32, #tpu.memory_space<vmem>>) semaphore(%arg35 : memref<!tpu.dma_semaphore, #tpu.memory_space<semaphore_mem>>) {add = true}
      }
      %scan3A_143 = arith.constant 26 : i32
      %dma_wait3A_144 = arith.constant 0 : i32
      %dma_wait3A_145 = arith.constant 0 : i32
      %dma_wait3A_146 = tpu.memref_slice %arg23[%dma_wait3A_144, %dma_wait3A_145] : memref<10000x128xf32, #tpu.memory_space<vmem_shared>> -> memref<10000x128xf32, #tpu.memory_space<vmem_shared>>
      tpu.wait_indirect_dma semaphore(%arg35 : memref<!tpu.dma_semaphore, #tpu.memory_space<semaphore_mem>>) src(%arg22 : memref<128x128xf32, #tpu.memory_space<vmem>>) dst(%dma_wait3A_146 : memref<10000x128xf32, #tpu.memory_space<vmem_shared>>)
      %lt3A = arith.constant 4 : i32
      %lt3A_147 = arith.cmpi slt, %arg1, %lt3A : i32
      %convert_element_type3A_148 = arith.extui %lt3A_147 : i1 to i32
      %cond3A_149 = arith.constant 0 : i32
      %cond3A_150 = arith.cmpi ne, %convert_element_type3A_148, %cond3A_149 : i32
      scf.if %cond3A_150 {
        %mul3A_151 = arith.constant 128 : i32
        %mul3A_152 = arith.muli %arg1, %mul3A_151 : i32
        %add3A_153 = arith.constant 319488 : i32
        %add3A_154 = arith.addi %add3A_153, %mul3A_152 : i32
        %dma_start3A_155 = arith.constant 0 : i32
        %dma_start3A_156 = tpu.memref_slice %arg3[%dma_start3A_155, %add3A_154] : memref<2x320000xi32, #tpu.memory_space<hbm>> -> memref<1x128xi32, #tpu.memory_space<hbm>>
        %dma_start3A_157 = tpu.memref_squeeze %dma_start3A_156 : memref<1x128xi32, #tpu.memory_space<hbm>> -> memref<128xi32, #tpu.memory_space<hbm>>
        %dma_start3A_158 = tpu.memref_slice %arg3[%dma_start3A_155, %add3A_154] : memref<2x320000xi32, #tpu.memory_space<hbm>> -> memref<1x128xi32, #tpu.memory_space<hbm>>
        %dma_start3A_159 = tpu.memref_squeeze %dma_start3A_158 : memref<1x128xi32, #tpu.memory_space<hbm>> -> memref<128xi32, #tpu.memory_space<hbm>>
        tpu.enqueue_dma source(%dma_start3A_159 : memref<128xi32, #tpu.memory_space<hbm>>) target(%arg8 : memref<128xi32, #tpu.memory_space<vmem>>) target_semaphore(%arg24 : memref<!tpu.dma_semaphore, #tpu.memory_space<semaphore_mem>>)
        %dma_start3A_160 = arith.constant 1 : i32
        %dma_start3A_161 = tpu.memref_slice %arg3[%dma_start3A_160, %add3A_154] : memref<2x320000xi32, #tpu.memory_space<hbm>> -> memref<1x128xi32, #tpu.memory_space<hbm>>
        %dma_start3A_162 = tpu.memref_squeeze %dma_start3A_161 : memref<1x128xi32, #tpu.memory_space<hbm>> -> memref<128xi32, #tpu.memory_space<hbm>>
        %dma_start3A_163 = tpu.memref_slice %arg3[%dma_start3A_160, %add3A_154] : memref<2x320000xi32, #tpu.memory_space<hbm>> -> memref<1x128xi32, #tpu.memory_space<hbm>>
        %dma_start3A_164 = tpu.memref_squeeze %dma_start3A_163 : memref<1x128xi32, #tpu.memory_space<hbm>> -> memref<128xi32, #tpu.memory_space<hbm>>
        tpu.enqueue_dma source(%dma_start3A_164 : memref<128xi32, #tpu.memory_space<hbm>>) target(%arg14 : memref<128xi32, #tpu.memory_space<vmem>>) target_semaphore(%arg24 : memref<!tpu.dma_semaphore, #tpu.memory_space<semaphore_mem>>)
        %dma_wait3A_165 = arith.constant 0 : i32
        %dma_wait3A_166 = arith.constant 0 : i32
        %dma_wait3A_167 = tpu.memref_slice %arg3[%dma_wait3A_165, %dma_wait3A_166] : memref<2x320000xi32, #tpu.memory_space<hbm>> -> memref<1x128xi32, #tpu.memory_space<hbm>>
        %dma_wait3A_168 = tpu.memref_squeeze %dma_wait3A_167 : memref<1x128xi32, #tpu.memory_space<hbm>> -> memref<128xi32, #tpu.memory_space<hbm>>
        %dma_wait3A_169 = arith.constant 0 : i32
        %dma_wait3A_170 = tpu.memref_slice %arg3[%dma_wait3A_165, %dma_wait3A_169] : memref<2x320000xi32, #tpu.memory_space<hbm>> -> memref<1x128xi32, #tpu.memory_space<hbm>>
        %dma_wait3A_171 = tpu.memref_squeeze %dma_wait3A_170 : memref<1x128xi32, #tpu.memory_space<hbm>> -> memref<128xi32, #tpu.memory_space<hbm>>
        tpu.wait_dma2 semaphore(%arg24 : memref<!tpu.dma_semaphore, #tpu.memory_space<semaphore_mem>>) src(%dma_wait3A_171 : memref<128xi32, #tpu.memory_space<hbm>>) dst(%arg8 : memref<128xi32, #tpu.memory_space<vmem>>)
        %dma_wait3A_172 = arith.constant 1 : i32
        %dma_wait3A_173 = arith.constant 0 : i32
        %dma_wait3A_174 = tpu.memref_slice %arg3[%dma_wait3A_172, %dma_wait3A_173] : memref<2x320000xi32, #tpu.memory_space<hbm>> -> memref<1x128xi32, #tpu.memory_space<hbm>>
        %dma_wait3A_175 = tpu.memref_squeeze %dma_wait3A_174 : memref<1x128xi32, #tpu.memory_space<hbm>> -> memref<128xi32, #tpu.memory_space<hbm>>
        %dma_wait3A_176 = arith.constant 0 : i32
        %dma_wait3A_177 = tpu.memref_slice %arg3[%dma_wait3A_172, %dma_wait3A_176] : memref<2x320000xi32, #tpu.memory_space<hbm>> -> memref<1x128xi32, #tpu.memory_space<hbm>>
        %dma_wait3A_178 = tpu.memref_squeeze %dma_wait3A_177 : memref<1x128xi32, #tpu.memory_space<hbm>> -> memref<128xi32, #tpu.memory_space<hbm>>
        tpu.wait_dma2 semaphore(%arg24 : memref<!tpu.dma_semaphore, #tpu.memory_space<semaphore_mem>>) src(%dma_wait3A_178 : memref<128xi32, #tpu.memory_space<hbm>>) dst(%arg14 : memref<128xi32, #tpu.memory_space<vmem>>)
        %dma_start3A_179 = arith.constant 0 : i32
        %dma_start3A_180 = arith.constant 0 : i32
        %dma_start3A_181 = tpu.memref_slice %arg2[%dma_start3A_179, %dma_start3A_180] : memref<10000x128xf32, #tpu.memory_space<hbm>> -> memref<10000x128xf32, #tpu.memory_space<hbm>>
        tpu.enqueue_indirect_dma source(%dma_start3A_181 : memref<10000x128xf32, #tpu.memory_space<hbm>>) target(%arg20 : memref<128x128xf32, #tpu.memory_space<vmem>>) offsets(%arg8 : memref<128xi32, #tpu.memory_space<vmem>>) semaphore(%arg30 : memref<!tpu.dma_semaphore, #tpu.memory_space<semaphore_mem>>)
        %dma_wait3A_182 = arith.constant 0 : i32
        %dma_wait3A_183 = arith.constant 0 : i32
        %dma_wait3A_184 = tpu.memref_slice %arg2[%dma_wait3A_182, %dma_wait3A_183] : memref<10000x128xf32, #tpu.memory_space<hbm>> -> memref<10000x128xf32, #tpu.memory_space<hbm>>
        tpu.wait_indirect_dma semaphore(%arg30 : memref<!tpu.dma_semaphore, #tpu.memory_space<semaphore_mem>>) src(%dma_wait3A_184 : memref<10000x128xf32, #tpu.memory_space<hbm>>) dst(%arg20 : memref<128x128xf32, #tpu.memory_space<vmem>>)
        "tpu.region"() ({
          %run_scoped3A = tpu.sem_alloc : memref<!tpu.dma_semaphore, #tpu.memory_space<semaphore_mem>>
          %dma_start3A_185 = arith.constant 0 : i32
          %dma_start3A_186 = arith.constant 0 : i32
          %dma_start3A_187 = tpu.memref_slice %arg23[%dma_start3A_185, %dma_start3A_186] : memref<10000x128xf32, #tpu.memory_space<vmem_shared>> -> memref<10000x128xf32, #tpu.memory_space<vmem_shared>>
          tpu.enqueue_indirect_dma source(%arg20 : memref<128x128xf32, #tpu.memory_space<vmem>>) target(%dma_start3A_187 : memref<10000x128xf32, #tpu.memory_space<vmem_shared>>) offsets(%arg14 : memref<128xi32, #tpu.memory_space<vmem>>) semaphore(%run_scoped3A : memref<!tpu.dma_semaphore, #tpu.memory_space<semaphore_mem>>) {add = true}
          %dma_wait3A_188 = arith.constant 0 : i32
          %dma_wait3A_189 = arith.constant 0 : i32
          %dma_wait3A_190 = tpu.memref_slice %arg23[%dma_wait3A_188, %dma_wait3A_189] : memref<10000x128xf32, #tpu.memory_space<vmem_shared>> -> memref<10000x128xf32, #tpu.memory_space<vmem_shared>>
          tpu.wait_indirect_dma semaphore(%run_scoped3A : memref<!tpu.dma_semaphore, #tpu.memory_space<semaphore_mem>>) src(%arg20 : memref<128x128xf32, #tpu.memory_space<vmem>>) dst(%dma_wait3A_190 : memref<10000x128xf32, #tpu.memory_space<vmem_shared>>)
          tpu.yield
        }) : () -> ()
      } else {
      }
    } else {
    }
    %eq3A_10 = arith.constant 1 : i32
    %eq3A_11 = arith.cmpi eq, %arg0, %eq3A_10 : i32
    %convert_element_type3A_12 = arith.extui %eq3A_11 : i1 to i32
    %cond3A_13 = arith.constant 0 : i32
    %cond3A_14 = arith.cmpi ne, %convert_element_type3A_12, %cond3A_13 : i32
    scf.if %cond3A_14 {
      %mul3A_59 = arith.constant 19968 : i32
      %mul3A_60 = arith.muli %arg1, %mul3A_59 : i32
      %add3A = arith.constant 0 : i32
      %add3A_61 = arith.addi %mul3A_60, %add3A : i32
      %dma_start3A = arith.constant 0 : i32
      %dma_start3A_62 = tpu.memref_slice %arg5[%dma_start3A, %add3A_61] : memref<2x320000xi32, #tpu.memory_space<hbm>> -> memref<1x128xi32, #tpu.memory_space<hbm>>
      %dma_start3A_63 = tpu.memref_squeeze %dma_start3A_62 : memref<1x128xi32, #tpu.memory_space<hbm>> -> memref<128xi32, #tpu.memory_space<hbm>>
      %dma_start3A_64 = tpu.memref_slice %arg5[%dma_start3A, %add3A_61] : memref<2x320000xi32, #tpu.memory_space<hbm>> -> memref<1x128xi32, #tpu.memory_space<hbm>>
      %dma_start3A_65 = tpu.memref_squeeze %dma_start3A_64 : memref<1x128xi32, #tpu.memory_space<hbm>> -> memref<128xi32, #tpu.memory_space<hbm>>
      tpu.enqueue_dma source(%dma_start3A_65 : memref<128xi32, #tpu.memory_space<hbm>>) target(%arg8 : memref<128xi32, #tpu.memory_space<vmem>>) target_semaphore(%arg24 : memref<!tpu.dma_semaphore, #tpu.memory_space<semaphore_mem>>)
      %dma_start3A_66 = arith.constant 1 : i32
      %dma_start3A_67 = tpu.memref_slice %arg5[%dma_start3A_66, %add3A_61] : memref<2x320000xi32, #tpu.memory_space<hbm>> -> memref<1x128xi32, #tpu.memory_space<hbm>>
      %dma_start3A_68 = tpu.memref_squeeze %dma_start3A_67 : memref<1x128xi32, #tpu.memory_space<hbm>> -> memref<128xi32, #tpu.memory_space<hbm>>
      %dma_start3A_69 = tpu.memref_slice %arg5[%dma_start3A_66, %add3A_61] : memref<2x320000xi32, #tpu.memory_space<hbm>> -> memref<1x128xi32, #tpu.memory_space<hbm>>
      %dma_start3A_70 = tpu.memref_squeeze %dma_start3A_69 : memref<1x128xi32, #tpu.memory_space<hbm>> -> memref<128xi32, #tpu.memory_space<hbm>>
      tpu.enqueue_dma source(%dma_start3A_70 : memref<128xi32, #tpu.memory_space<hbm>>) target(%arg14 : memref<128xi32, #tpu.memory_space<vmem>>) target_semaphore(%arg24 : memref<!tpu.dma_semaphore, #tpu.memory_space<semaphore_mem>>)
      %add3A_71 = arith.constant 128 : i32
      %add3A_72 = arith.addi %mul3A_60, %add3A_71 : i32
      %dma_start3A_73 = arith.constant 0 : i32
      %dma_start3A_74 = tpu.memref_slice %arg5[%dma_start3A_73, %add3A_72] : memref<2x320000xi32, #tpu.memory_space<hbm>> -> memref<1x128xi32, #tpu.memory_space<hbm>>
      %dma_start3A_75 = tpu.memref_squeeze %dma_start3A_74 : memref<1x128xi32, #tpu.memory_space<hbm>> -> memref<128xi32, #tpu.memory_space<hbm>>
      %dma_start3A_76 = tpu.memref_slice %arg5[%dma_start3A_73, %add3A_72] : memref<2x320000xi32, #tpu.memory_space<hbm>> -> memref<1x128xi32, #tpu.memory_space<hbm>>
      %dma_start3A_77 = tpu.memref_squeeze %dma_start3A_76 : memref<1x128xi32, #tpu.memory_space<hbm>> -> memref<128xi32, #tpu.memory_space<hbm>>
      tpu.enqueue_dma source(%dma_start3A_77 : memref<128xi32, #tpu.memory_space<hbm>>) target(%arg9 : memref<128xi32, #tpu.memory_space<vmem>>) target_semaphore(%arg25 : memref<!tpu.dma_semaphore, #tpu.memory_space<semaphore_mem>>)
      %dma_start3A_78 = arith.constant 1 : i32
      %dma_start3A_79 = tpu.memref_slice %arg5[%dma_start3A_78, %add3A_72] : memref<2x320000xi32, #tpu.memory_space<hbm>> -> memref<1x128xi32, #tpu.memory_space<hbm>>
      %dma_start3A_80 = tpu.memref_squeeze %dma_start3A_79 : memref<1x128xi32, #tpu.memory_space<hbm>> -> memref<128xi32, #tpu.memory_space<hbm>>
      %dma_start3A_81 = tpu.memref_slice %arg5[%dma_start3A_78, %add3A_72] : memref<2x320000xi32, #tpu.memory_space<hbm>> -> memref<1x128xi32, #tpu.memory_space<hbm>>
      %dma_start3A_82 = tpu.memref_squeeze %dma_start3A_81 : memref<1x128xi32, #tpu.memory_space<hbm>> -> memref<128xi32, #tpu.memory_space<hbm>>
      tpu.enqueue_dma source(%dma_start3A_82 : memref<128xi32, #tpu.memory_space<hbm>>) target(%arg15 : memref<128xi32, #tpu.memory_space<vmem>>) target_semaphore(%arg25 : memref<!tpu.dma_semaphore, #tpu.memory_space<semaphore_mem>>)
      %add3A_83 = arith.constant 256 : i32
      %add3A_84 = arith.addi %mul3A_60, %add3A_83 : i32
      %dma_start3A_85 = arith.constant 0 : i32
      %dma_start3A_86 = tpu.memref_slice %arg5[%dma_start3A_85, %add3A_84] : memref<2x320000xi32, #tpu.memory_space<hbm>> -> memref<1x128xi32, #tpu.memory_space<hbm>>
      %dma_start3A_87 = tpu.memref_squeeze %dma_start3A_86 : memref<1x128xi32, #tpu.memory_space<hbm>> -> memref<128xi32, #tpu.memory_space<hbm>>
      %dma_start3A_88 = tpu.memref_slice %arg5[%dma_start3A_85, %add3A_84] : memref<2x320000xi32, #tpu.memory_space<hbm>> -> memref<1x128xi32, #tpu.memory_space<hbm>>
      %dma_start3A_89 = tpu.memref_squeeze %dma_start3A_88 : memref<1x128xi32, #tpu.memory_space<hbm>> -> memref<128xi32, #tpu.memory_space<hbm>>
      tpu.enqueue_dma source(%dma_start3A_89 : memref<128xi32, #tpu.memory_space<hbm>>) target(%arg10 : memref<128xi32, #tpu.memory_space<vmem>>) target_semaphore(%arg26 : memref<!tpu.dma_semaphore, #tpu.memory_space<semaphore_mem>>)
      %dma_start3A_90 = arith.constant 1 : i32
      %dma_start3A_91 = tpu.memref_slice %arg5[%dma_start3A_90, %add3A_84] : memref<2x320000xi32, #tpu.memory_space<hbm>> -> memref<1x128xi32, #tpu.memory_space<hbm>>
      %dma_start3A_92 = tpu.memref_squeeze %dma_start3A_91 : memref<1x128xi32, #tpu.memory_space<hbm>> -> memref<128xi32, #tpu.memory_space<hbm>>
      %dma_start3A_93 = tpu.memref_slice %arg5[%dma_start3A_90, %add3A_84] : memref<2x320000xi32, #tpu.memory_space<hbm>> -> memref<1x128xi32, #tpu.memory_space<hbm>>
      %dma_start3A_94 = tpu.memref_squeeze %dma_start3A_93 : memref<1x128xi32, #tpu.memory_space<hbm>> -> memref<128xi32, #tpu.memory_space<hbm>>
      tpu.enqueue_dma source(%dma_start3A_94 : memref<128xi32, #tpu.memory_space<hbm>>) target(%arg16 : memref<128xi32, #tpu.memory_space<vmem>>) target_semaphore(%arg26 : memref<!tpu.dma_semaphore, #tpu.memory_space<semaphore_mem>>)
      %add3A_95 = arith.constant 384 : i32
      %add3A_96 = arith.addi %mul3A_60, %add3A_95 : i32
      %dma_start3A_97 = arith.constant 0 : i32
      %dma_start3A_98 = tpu.memref_slice %arg5[%dma_start3A_97, %add3A_96] : memref<2x320000xi32, #tpu.memory_space<hbm>> -> memref<1x128xi32, #tpu.memory_space<hbm>>
      %dma_start3A_99 = tpu.memref_squeeze %dma_start3A_98 : memref<1x128xi32, #tpu.memory_space<hbm>> -> memref<128xi32, #tpu.memory_space<hbm>>
      %dma_start3A_100 = tpu.memref_slice %arg5[%dma_start3A_97, %add3A_96] : memref<2x320000xi32, #tpu.memory_space<hbm>> -> memref<1x128xi32, #tpu.memory_space<hbm>>
      %dma_start3A_101 = tpu.memref_squeeze %dma_start3A_100 : memref<1x128xi32, #tpu.memory_space<hbm>> -> memref<128xi32, #tpu.memory_space<hbm>>
      tpu.enqueue_dma source(%dma_start3A_101 : memref<128xi32, #tpu.memory_space<hbm>>) target(%arg11 : memref<128xi32, #tpu.memory_space<vmem>>) target_semaphore(%arg27 : memref<!tpu.dma_semaphore, #tpu.memory_space<semaphore_mem>>)
      %dma_start3A_102 = arith.constant 1 : i32
      %dma_start3A_103 = tpu.memref_slice %arg5[%dma_start3A_102, %add3A_96] : memref<2x320000xi32, #tpu.memory_space<hbm>> -> memref<1x128xi32, #tpu.memory_space<hbm>>
      %dma_start3A_104 = tpu.memref_squeeze %dma_start3A_103 : memref<1x128xi32, #tpu.memory_space<hbm>> -> memref<128xi32, #tpu.memory_space<hbm>>
      %dma_start3A_105 = tpu.memref_slice %arg5[%dma_start3A_102, %add3A_96] : memref<2x320000xi32, #tpu.memory_space<hbm>> -> memref<1x128xi32, #tpu.memory_space<hbm>>
      %dma_start3A_106 = tpu.memref_squeeze %dma_start3A_105 : memref<1x128xi32, #tpu.memory_space<hbm>> -> memref<128xi32, #tpu.memory_space<hbm>>
      tpu.enqueue_dma source(%dma_start3A_106 : memref<128xi32, #tpu.memory_space<hbm>>) target(%arg17 : memref<128xi32, #tpu.memory_space<vmem>>) target_semaphore(%arg27 : memref<!tpu.dma_semaphore, #tpu.memory_space<semaphore_mem>>)
      %dma_wait3A = arith.constant 0 : i32
      %dma_wait3A_107 = arith.constant 0 : i32
      %dma_wait3A_108 = tpu.memref_slice %arg5[%dma_wait3A, %dma_wait3A_107] : memref<2x320000xi32, #tpu.memory_space<hbm>> -> memref<1x128xi32, #tpu.memory_space<hbm>>
      %dma_wait3A_109 = tpu.memref_squeeze %dma_wait3A_108 : memref<1x128xi32, #tpu.memory_space<hbm>> -> memref<128xi32, #tpu.memory_space<hbm>>
      %dma_wait3A_110 = arith.constant 0 : i32
      %dma_wait3A_111 = tpu.memref_slice %arg5[%dma_wait3A, %dma_wait3A_110] : memref<2x320000xi32, #tpu.memory_space<hbm>> -> memref<1x128xi32, #tpu.memory_space<hbm>>
      %dma_wait3A_112 = tpu.memref_squeeze %dma_wait3A_111 : memref<1x128xi32, #tpu.memory_space<hbm>> -> memref<128xi32, #tpu.memory_space<hbm>>
      tpu.wait_dma2 semaphore(%arg24 : memref<!tpu.dma_semaphore, #tpu.memory_space<semaphore_mem>>) src(%dma_wait3A_112 : memref<128xi32, #tpu.memory_space<hbm>>) dst(%arg8 : memref<128xi32, #tpu.memory_space<vmem>>)
      %dma_wait3A_113 = arith.constant 1 : i32
      %dma_wait3A_114 = arith.constant 0 : i32
      %dma_wait3A_115 = tpu.memref_slice %arg5[%dma_wait3A_113, %dma_wait3A_114] : memref<2x320000xi32, #tpu.memory_space<hbm>> -> memref<1x128xi32, #tpu.memory_space<hbm>>
      %dma_wait3A_116 = tpu.memref_squeeze %dma_wait3A_115 : memref<1x128xi32, #tpu.memory_space<hbm>> -> memref<128xi32, #tpu.memory_space<hbm>>
      %dma_wait3A_117 = arith.constant 0 : i32
      %dma_wait3A_118 = tpu.memref_slice %arg5[%dma_wait3A_113, %dma_wait3A_117] : memref<2x320000xi32, #tpu.memory_space<hbm>> -> memref<1x128xi32, #tpu.memory_space<hbm>>
      %dma_wait3A_119 = tpu.memref_squeeze %dma_wait3A_118 : memref<1x128xi32, #tpu.memory_space<hbm>> -> memref<128xi32, #tpu.memory_space<hbm>>
      tpu.wait_dma2 semaphore(%arg24 : memref<!tpu.dma_semaphore, #tpu.memory_space<semaphore_mem>>) src(%dma_wait3A_119 : memref<128xi32, #tpu.memory_space<hbm>>) dst(%arg14 : memref<128xi32, #tpu.memory_space<vmem>>)
      %dma_start3A_120 = arith.constant 0 : i32
      %dma_start3A_121 = arith.constant 0 : i32
      %dma_start3A_122 = tpu.memref_slice %arg2[%dma_start3A_120, %dma_start3A_121] : memref<10000x128xf32, #tpu.memory_space<hbm>> -> memref<10000x128xf32, #tpu.memory_space<hbm>>
      tpu.enqueue_indirect_dma source(%dma_start3A_122 : memref<10000x128xf32, #tpu.memory_space<hbm>>) target(%arg20 : memref<128x128xf32, #tpu.memory_space<vmem>>) offsets(%arg8 : memref<128xi32, #tpu.memory_space<vmem>>) semaphore(%arg30 : memref<!tpu.dma_semaphore, #tpu.memory_space<semaphore_mem>>)
      %dma_wait3A_123 = arith.constant 0 : i32
      %dma_wait3A_124 = arith.constant 0 : i32
      %dma_wait3A_125 = tpu.memref_slice %arg5[%dma_wait3A_123, %dma_wait3A_124] : memref<2x320000xi32, #tpu.memory_space<hbm>> -> memref<1x128xi32, #tpu.memory_space<hbm>>
      %dma_wait3A_126 = tpu.memref_squeeze %dma_wait3A_125 : memref<1x128xi32, #tpu.memory_space<hbm>> -> memref<128xi32, #tpu.memory_space<hbm>>
      %dma_wait3A_127 = arith.constant 0 : i32
      %dma_wait3A_128 = tpu.memref_slice %arg5[%dma_wait3A_123, %dma_wait3A_127] : memref<2x320000xi32, #tpu.memory_space<hbm>> -> memref<1x128xi32, #tpu.memory_space<hbm>>
      %dma_wait3A_129 = tpu.memref_squeeze %dma_wait3A_128 : memref<1x128xi32, #tpu.memory_space<hbm>> -> memref<128xi32, #tpu.memory_space<hbm>>
      tpu.wait_dma2 semaphore(%arg25 : memref<!tpu.dma_semaphore, #tpu.memory_space<semaphore_mem>>) src(%dma_wait3A_129 : memref<128xi32, #tpu.memory_space<hbm>>) dst(%arg9 : memref<128xi32, #tpu.memory_space<vmem>>)
      %dma_wait3A_130 = arith.constant 1 : i32
      %dma_wait3A_131 = arith.constant 0 : i32
      %dma_wait3A_132 = tpu.memref_slice %arg5[%dma_wait3A_130, %dma_wait3A_131] : memref<2x320000xi32, #tpu.memory_space<hbm>> -> memref<1x128xi32, #tpu.memory_space<hbm>>
      %dma_wait3A_133 = tpu.memref_squeeze %dma_wait3A_132 : memref<1x128xi32, #tpu.memory_space<hbm>> -> memref<128xi32, #tpu.memory_space<hbm>>
      %dma_wait3A_134 = arith.constant 0 : i32
      %dma_wait3A_135 = tpu.memref_slice %arg5[%dma_wait3A_130, %dma_wait3A_134] : memref<2x320000xi32, #tpu.memory_space<hbm>> -> memref<1x128xi32, #tpu.memory_space<hbm>>
      %dma_wait3A_136 = tpu.memref_squeeze %dma_wait3A_135 : memref<1x128xi32, #tpu.memory_space<hbm>> -> memref<128xi32, #tpu.memory_space<hbm>>
      tpu.wait_dma2 semaphore(%arg25 : memref<!tpu.dma_semaphore, #tpu.memory_space<semaphore_mem>>) src(%dma_wait3A_136 : memref<128xi32, #tpu.memory_space<hbm>>) dst(%arg15 : memref<128xi32, #tpu.memory_space<vmem>>)
      %dma_start3A_137 = arith.constant 0 : i32
      %dma_start3A_138 = arith.constant 0 : i32
      %dma_start3A_139 = tpu.memref_slice %arg2[%dma_start3A_137, %dma_start3A_138] : memref<10000x128xf32, #tpu.memory_space<hbm>> -> memref<10000x128xf32, #tpu.memory_space<hbm>>
      tpu.enqueue_indirect_dma source(%dma_start3A_139 : memref<10000x128xf32, #tpu.memory_space<hbm>>) target(%arg21 : memref<128x128xf32, #tpu.memory_space<vmem>>) offsets(%arg9 : memref<128xi32, #tpu.memory_space<vmem>>) semaphore(%arg31 : memref<!tpu.dma_semaphore, #tpu.memory_space<semaphore_mem>>)
      %scan3A = arith.constant 0 : i32
      %scan3A_140 = arith.constant 26 : i32
      %scan3A_141 = arith.addi %scan3A, %scan3A_140 : i32
      %scan3A_142 = arith.constant 1 : i32
      scf.for %scan3A_151 = %scan3A to %scan3A_141 step %scan3A_142  : i32 {
        %mul3A_152 = arith.constant 6 : i32
        %mul3A_153 = arith.muli %scan3A_151, %mul3A_152 : i32
        %add3A_154 = arith.constant 0 : i32
        %add3A_155 = arith.addi %mul3A_153, %add3A_154 : i32
        %dma_wait3A_156 = arith.constant 0 : i32
        %dma_wait3A_157 = arith.constant 0 : i32
        %dma_wait3A_158 = tpu.memref_slice %arg2[%dma_wait3A_156, %dma_wait3A_157] : memref<10000x128xf32, #tpu.memory_space<hbm>> -> memref<10000x128xf32, #tpu.memory_space<hbm>>
        tpu.wait_indirect_dma semaphore(%arg30 : memref<!tpu.dma_semaphore, #tpu.memory_space<semaphore_mem>>) src(%dma_wait3A_158 : memref<10000x128xf32, #tpu.memory_space<hbm>>) dst(%arg20 : memref<128x128xf32, #tpu.memory_space<vmem>>)
        %ge3A = arith.constant 1 : i32
        %ge3A_159 = arith.cmpi sge, %add3A_155, %ge3A : i32
        %convert_element_type3A_160 = arith.extui %ge3A_159 : i1 to i32
        %cond3A_161 = arith.constant 0 : i32
        %cond3A_162 = arith.cmpi ne, %convert_element_type3A_160, %cond3A_161 : i32
        scf.if %cond3A_162 {
          %dma_wait3A_325 = arith.constant 0 : i32
          %dma_wait3A_326 = arith.constant 0 : i32
          %dma_wait3A_327 = tpu.memref_slice %arg23[%dma_wait3A_325, %dma_wait3A_326] : memref<10000x128xf32, #tpu.memory_space<vmem_shared>> -> memref<10000x128xf32, #tpu.memory_space<vmem_shared>>
          tpu.wait_indirect_dma semaphore(%arg35 : memref<!tpu.dma_semaphore, #tpu.memory_space<semaphore_mem>>) src(%arg22 : memref<128x128xf32, #tpu.memory_space<vmem>>) dst(%dma_wait3A_327 : memref<10000x128xf32, #tpu.memory_space<vmem_shared>>)
        } else {
        }
        %add3A_163 = arith.constant 4 : i32
        %add3A_164 = arith.addi %add3A_155, %add3A_163 : i32
        %lt3A_165 = arith.constant 156 : i32
        %lt3A_166 = arith.cmpi slt, %add3A_164, %lt3A_165 : i32
        %convert_element_type3A_167 = arith.extui %lt3A_166 : i1 to i32
        %cond3A_168 = arith.constant 0 : i32
        %cond3A_169 = arith.cmpi ne, %convert_element_type3A_167, %cond3A_168 : i32
        scf.if %cond3A_169 {
          %add3A_325 = arith.constant 4 : i32
          %add3A_326 = arith.addi %add3A_155, %add3A_325 : i32
          %mul3A_327 = arith.constant 128 : i32
          %mul3A_328 = arith.muli %add3A_326, %mul3A_327 : i32
          %add3A_329 = arith.addi %mul3A_60, %mul3A_328 : i32
          %dma_start3A_330 = arith.constant 0 : i32
          %dma_start3A_331 = tpu.memref_slice %arg5[%dma_start3A_330, %add3A_329] : memref<2x320000xi32, #tpu.memory_space<hbm>> -> memref<1x128xi32, #tpu.memory_space<hbm>>
          %dma_start3A_332 = tpu.memref_squeeze %dma_start3A_331 : memref<1x128xi32, #tpu.memory_space<hbm>> -> memref<128xi32, #tpu.memory_space<hbm>>
          %dma_start3A_333 = tpu.memref_slice %arg5[%dma_start3A_330, %add3A_329] : memref<2x320000xi32, #tpu.memory_space<hbm>> -> memref<1x128xi32, #tpu.memory_space<hbm>>
          %dma_start3A_334 = tpu.memref_squeeze %dma_start3A_333 : memref<1x128xi32, #tpu.memory_space<hbm>> -> memref<128xi32, #tpu.memory_space<hbm>>
          tpu.enqueue_dma source(%dma_start3A_334 : memref<128xi32, #tpu.memory_space<hbm>>) target(%arg12 : memref<128xi32, #tpu.memory_space<vmem>>) target_semaphore(%arg28 : memref<!tpu.dma_semaphore, #tpu.memory_space<semaphore_mem>>)
          %dma_start3A_335 = arith.constant 1 : i32
          %dma_start3A_336 = tpu.memref_slice %arg5[%dma_start3A_335, %add3A_329] : memref<2x320000xi32, #tpu.memory_space<hbm>> -> memref<1x128xi32, #tpu.memory_space<hbm>>
          %dma_start3A_337 = tpu.memref_squeeze %dma_start3A_336 : memref<1x128xi32, #tpu.memory_space<hbm>> -> memref<128xi32, #tpu.memory_space<hbm>>
          %dma_start3A_338 = tpu.memref_slice %arg5[%dma_start3A_335, %add3A_329] : memref<2x320000xi32, #tpu.memory_space<hbm>> -> memref<1x128xi32, #tpu.memory_space<hbm>>
          %dma_start3A_339 = tpu.memref_squeeze %dma_start3A_338 : memref<1x128xi32, #tpu.memory_space<hbm>> -> memref<128xi32, #tpu.memory_space<hbm>>
          tpu.enqueue_dma source(%dma_start3A_339 : memref<128xi32, #tpu.memory_space<hbm>>) target(%arg18 : memref<128xi32, #tpu.memory_space<vmem>>) target_semaphore(%arg28 : memref<!tpu.dma_semaphore, #tpu.memory_space<semaphore_mem>>)
        } else {
        }
        %add3A_170 = arith.constant 2 : i32
        %add3A_171 = arith.addi %add3A_155, %add3A_170 : i32
        %lt3A_172 = arith.constant 156 : i32
        %lt3A_173 = arith.cmpi slt, %add3A_171, %lt3A_172 : i32
        %convert_element_type3A_174 = arith.extui %lt3A_173 : i1 to i32
        %cond3A_175 = arith.constant 0 : i32
        %cond3A_176 = arith.cmpi ne, %convert_element_type3A_174, %cond3A_175 : i32
        scf.if %cond3A_176 {
          %dma_wait3A_325 = arith.constant 0 : i32
          %dma_wait3A_326 = arith.constant 0 : i32
          %dma_wait3A_327 = tpu.memref_slice %arg5[%dma_wait3A_325, %dma_wait3A_326] : memref<2x320000xi32, #tpu.memory_space<hbm>> -> memref<1x128xi32, #tpu.memory_space<hbm>>
          %dma_wait3A_328 = tpu.memref_squeeze %dma_wait3A_327 : memref<1x128xi32, #tpu.memory_space<hbm>> -> memref<128xi32, #tpu.memory_space<hbm>>
          %dma_wait3A_329 = arith.constant 0 : i32
          %dma_wait3A_330 = tpu.memref_slice %arg5[%dma_wait3A_325, %dma_wait3A_329] : memref<2x320000xi32, #tpu.memory_space<hbm>> -> memref<1x128xi32, #tpu.memory_space<hbm>>
          %dma_wait3A_331 = tpu.memref_squeeze %dma_wait3A_330 : memref<1x128xi32, #tpu.memory_space<hbm>> -> memref<128xi32, #tpu.memory_space<hbm>>
          tpu.wait_dma2 semaphore(%arg26 : memref<!tpu.dma_semaphore, #tpu.memory_space<semaphore_mem>>) src(%dma_wait3A_331 : memref<128xi32, #tpu.memory_space<hbm>>) dst(%arg10 : memref<128xi32, #tpu.memory_space<vmem>>)
          %dma_wait3A_332 = arith.constant 1 : i32
          %dma_wait3A_333 = arith.constant 0 : i32
          %dma_wait3A_334 = tpu.memref_slice %arg5[%dma_wait3A_332, %dma_wait3A_333] : memref<2x320000xi32, #tpu.memory_space<hbm>> -> memref<1x128xi32, #tpu.memory_space<hbm>>
          %dma_wait3A_335 = tpu.memref_squeeze %dma_wait3A_334 : memref<1x128xi32, #tpu.memory_space<hbm>> -> memref<128xi32, #tpu.memory_space<hbm>>
          %dma_wait3A_336 = arith.constant 0 : i32
          %dma_wait3A_337 = tpu.memref_slice %arg5[%dma_wait3A_332, %dma_wait3A_336] : memref<2x320000xi32, #tpu.memory_space<hbm>> -> memref<1x128xi32, #tpu.memory_space<hbm>>
          %dma_wait3A_338 = tpu.memref_squeeze %dma_wait3A_337 : memref<1x128xi32, #tpu.memory_space<hbm>> -> memref<128xi32, #tpu.memory_space<hbm>>
          tpu.wait_dma2 semaphore(%arg26 : memref<!tpu.dma_semaphore, #tpu.memory_space<semaphore_mem>>) src(%dma_wait3A_338 : memref<128xi32, #tpu.memory_space<hbm>>) dst(%arg16 : memref<128xi32, #tpu.memory_space<vmem>>)
          %dma_start3A_339 = arith.constant 0 : i32
          %dma_start3A_340 = arith.constant 0 : i32
          %dma_start3A_341 = tpu.memref_slice %arg2[%dma_start3A_339, %dma_start3A_340] : memref<10000x128xf32, #tpu.memory_space<hbm>> -> memref<10000x128xf32, #tpu.memory_space<hbm>>
          tpu.enqueue_indirect_dma source(%dma_start3A_341 : memref<10000x128xf32, #tpu.memory_space<hbm>>) target(%arg22 : memref<128x128xf32, #tpu.memory_space<vmem>>) offsets(%arg10 : memref<128xi32, #tpu.memory_space<vmem>>) semaphore(%arg32 : memref<!tpu.dma_semaphore, #tpu.memory_space<semaphore_mem>>)
        } else {
        }
        %dma_start3A_177 = arith.constant 0 : i32
        %dma_start3A_178 = arith.constant 0 : i32
        %dma_start3A_179 = tpu.memref_slice %arg23[%dma_start3A_177, %dma_start3A_178] : memref<10000x128xf32, #tpu.memory_space<vmem_shared>> -> memref<10000x128xf32, #tpu.memory_space<vmem_shared>>
        tpu.enqueue_indirect_dma source(%arg20 : memref<128x128xf32, #tpu.memory_space<vmem>>) target(%dma_start3A_179 : memref<10000x128xf32, #tpu.memory_space<vmem_shared>>) offsets(%arg14 : memref<128xi32, #tpu.memory_space<vmem>>) semaphore(%arg33 : memref<!tpu.dma_semaphore, #tpu.memory_space<semaphore_mem>>) {add = true}
        %mul3A_180 = arith.constant 6 : i32
        %mul3A_181 = arith.muli %scan3A_151, %mul3A_180 : i32
        %add3A_182 = arith.constant 1 : i32
        %add3A_183 = arith.addi %mul3A_181, %add3A_182 : i32
        %dma_wait3A_184 = arith.constant 0 : i32
        %dma_wait3A_185 = arith.constant 0 : i32
        %dma_wait3A_186 = tpu.memref_slice %arg2[%dma_wait3A_184, %dma_wait3A_185] : memref<10000x128xf32, #tpu.memory_space<hbm>> -> memref<10000x128xf32, #tpu.memory_space<hbm>>
        tpu.wait_indirect_dma semaphore(%arg31 : memref<!tpu.dma_semaphore, #tpu.memory_space<semaphore_mem>>) src(%dma_wait3A_186 : memref<10000x128xf32, #tpu.memory_space<hbm>>) dst(%arg21 : memref<128x128xf32, #tpu.memory_space<vmem>>)
        %ge3A_187 = arith.constant 1 : i32
        %ge3A_188 = arith.cmpi sge, %add3A_183, %ge3A_187 : i32
        %convert_element_type3A_189 = arith.extui %ge3A_188 : i1 to i32
        %cond3A_190 = arith.constant 0 : i32
        %cond3A_191 = arith.cmpi ne, %convert_element_type3A_189, %cond3A_190 : i32
        scf.if %cond3A_191 {
          %dma_wait3A_325 = arith.constant 0 : i32
          %dma_wait3A_326 = arith.constant 0 : i32
          %dma_wait3A_327 = tpu.memref_slice %arg23[%dma_wait3A_325, %dma_wait3A_326] : memref<10000x128xf32, #tpu.memory_space<vmem_shared>> -> memref<10000x128xf32, #tpu.memory_space<vmem_shared>>
          tpu.wait_indirect_dma semaphore(%arg33 : memref<!tpu.dma_semaphore, #tpu.memory_space<semaphore_mem>>) src(%arg20 : memref<128x128xf32, #tpu.memory_space<vmem>>) dst(%dma_wait3A_327 : memref<10000x128xf32, #tpu.memory_space<vmem_shared>>)
        } else {
        }
        %add3A_192 = arith.constant 4 : i32
        %add3A_193 = arith.addi %add3A_183, %add3A_192 : i32
        %lt3A_194 = arith.constant 156 : i32
        %lt3A_195 = arith.cmpi slt, %add3A_193, %lt3A_194 : i32
        %convert_element_type3A_196 = arith.extui %lt3A_195 : i1 to i32
        %cond3A_197 = arith.constant 0 : i32
        %cond3A_198 = arith.cmpi ne, %convert_element_type3A_196, %cond3A_197 : i32
        scf.if %cond3A_198 {
          %add3A_325 = arith.constant 4 : i32
          %add3A_326 = arith.addi %add3A_183, %add3A_325 : i32
          %mul3A_327 = arith.constant 128 : i32
          %mul3A_328 = arith.muli %add3A_326, %mul3A_327 : i32
          %add3A_329 = arith.addi %mul3A_60, %mul3A_328 : i32
          %dma_start3A_330 = arith.constant 0 : i32
          %dma_start3A_331 = tpu.memref_slice %arg5[%dma_start3A_330, %add3A_329] : memref<2x320000xi32, #tpu.memory_space<hbm>> -> memref<1x128xi32, #tpu.memory_space<hbm>>
          %dma_start3A_332 = tpu.memref_squeeze %dma_start3A_331 : memref<1x128xi32, #tpu.memory_space<hbm>> -> memref<128xi32, #tpu.memory_space<hbm>>
          %dma_start3A_333 = tpu.memref_slice %arg5[%dma_start3A_330, %add3A_329] : memref<2x320000xi32, #tpu.memory_space<hbm>> -> memref<1x128xi32, #tpu.memory_space<hbm>>
          %dma_start3A_334 = tpu.memref_squeeze %dma_start3A_333 : memref<1x128xi32, #tpu.memory_space<hbm>> -> memref<128xi32, #tpu.memory_space<hbm>>
          tpu.enqueue_dma source(%dma_start3A_334 : memref<128xi32, #tpu.memory_space<hbm>>) target(%arg13 : memref<128xi32, #tpu.memory_space<vmem>>) target_semaphore(%arg29 : memref<!tpu.dma_semaphore, #tpu.memory_space<semaphore_mem>>)
          %dma_start3A_335 = arith.constant 1 : i32
          %dma_start3A_336 = tpu.memref_slice %arg5[%dma_start3A_335, %add3A_329] : memref<2x320000xi32, #tpu.memory_space<hbm>> -> memref<1x128xi32, #tpu.memory_space<hbm>>
          %dma_start3A_337 = tpu.memref_squeeze %dma_start3A_336 : memref<1x128xi32, #tpu.memory_space<hbm>> -> memref<128xi32, #tpu.memory_space<hbm>>
          %dma_start3A_338 = tpu.memref_slice %arg5[%dma_start3A_335, %add3A_329] : memref<2x320000xi32, #tpu.memory_space<hbm>> -> memref<1x128xi32, #tpu.memory_space<hbm>>
          %dma_start3A_339 = tpu.memref_squeeze %dma_start3A_338 : memref<1x128xi32, #tpu.memory_space<hbm>> -> memref<128xi32, #tpu.memory_space<hbm>>
          tpu.enqueue_dma source(%dma_start3A_339 : memref<128xi32, #tpu.memory_space<hbm>>) target(%arg19 : memref<128xi32, #tpu.memory_space<vmem>>) target_semaphore(%arg29 : memref<!tpu.dma_semaphore, #tpu.memory_space<semaphore_mem>>)
        } else {
        }
        %add3A_199 = arith.constant 2 : i32
        %add3A_200 = arith.addi %add3A_183, %add3A_199 : i32
        %lt3A_201 = arith.constant 156 : i32
        %lt3A_202 = arith.cmpi slt, %add3A_200, %lt3A_201 : i32
        %convert_element_type3A_203 = arith.extui %lt3A_202 : i1 to i32
        %cond3A_204 = arith.constant 0 : i32
        %cond3A_205 = arith.cmpi ne, %convert_element_type3A_203, %cond3A_204 : i32
        scf.if %cond3A_205 {
          %dma_wait3A_325 = arith.constant 0 : i32
          %dma_wait3A_326 = arith.constant 0 : i32
          %dma_wait3A_327 = tpu.memref_slice %arg5[%dma_wait3A_325, %dma_wait3A_326] : memref<2x320000xi32, #tpu.memory_space<hbm>> -> memref<1x128xi32, #tpu.memory_space<hbm>>
          %dma_wait3A_328 = tpu.memref_squeeze %dma_wait3A_327 : memref<1x128xi32, #tpu.memory_space<hbm>> -> memref<128xi32, #tpu.memory_space<hbm>>
          %dma_wait3A_329 = arith.constant 0 : i32
          %dma_wait3A_330 = tpu.memref_slice %arg5[%dma_wait3A_325, %dma_wait3A_329] : memref<2x320000xi32, #tpu.memory_space<hbm>> -> memref<1x128xi32, #tpu.memory_space<hbm>>
          %dma_wait3A_331 = tpu.memref_squeeze %dma_wait3A_330 : memref<1x128xi32, #tpu.memory_space<hbm>> -> memref<128xi32, #tpu.memory_space<hbm>>
          tpu.wait_dma2 semaphore(%arg27 : memref<!tpu.dma_semaphore, #tpu.memory_space<semaphore_mem>>) src(%dma_wait3A_331 : memref<128xi32, #tpu.memory_space<hbm>>) dst(%arg11 : memref<128xi32, #tpu.memory_space<vmem>>)
          %dma_wait3A_332 = arith.constant 1 : i32
          %dma_wait3A_333 = arith.constant 0 : i32
          %dma_wait3A_334 = tpu.memref_slice %arg5[%dma_wait3A_332, %dma_wait3A_333] : memref<2x320000xi32, #tpu.memory_space<hbm>> -> memref<1x128xi32, #tpu.memory_space<hbm>>
          %dma_wait3A_335 = tpu.memref_squeeze %dma_wait3A_334 : memref<1x128xi32, #tpu.memory_space<hbm>> -> memref<128xi32, #tpu.memory_space<hbm>>
          %dma_wait3A_336 = arith.constant 0 : i32
          %dma_wait3A_337 = tpu.memref_slice %arg5[%dma_wait3A_332, %dma_wait3A_336] : memref<2x320000xi32, #tpu.memory_space<hbm>> -> memref<1x128xi32, #tpu.memory_space<hbm>>
          %dma_wait3A_338 = tpu.memref_squeeze %dma_wait3A_337 : memref<1x128xi32, #tpu.memory_space<hbm>> -> memref<128xi32, #tpu.memory_space<hbm>>
          tpu.wait_dma2 semaphore(%arg27 : memref<!tpu.dma_semaphore, #tpu.memory_space<semaphore_mem>>) src(%dma_wait3A_338 : memref<128xi32, #tpu.memory_space<hbm>>) dst(%arg17 : memref<128xi32, #tpu.memory_space<vmem>>)
          %dma_start3A_339 = arith.constant 0 : i32
          %dma_start3A_340 = arith.constant 0 : i32
          %dma_start3A_341 = tpu.memref_slice %arg2[%dma_start3A_339, %dma_start3A_340] : memref<10000x128xf32, #tpu.memory_space<hbm>> -> memref<10000x128xf32, #tpu.memory_space<hbm>>
          tpu.enqueue_indirect_dma source(%dma_start3A_341 : memref<10000x128xf32, #tpu.memory_space<hbm>>) target(%arg20 : memref<128x128xf32, #tpu.memory_space<vmem>>) offsets(%arg11 : memref<128xi32, #tpu.memory_space<vmem>>) semaphore(%arg30 : memref<!tpu.dma_semaphore, #tpu.memory_space<semaphore_mem>>)
        } else {
        }
        %dma_start3A_206 = arith.constant 0 : i32
        %dma_start3A_207 = arith.constant 0 : i32
        %dma_start3A_208 = tpu.memref_slice %arg23[%dma_start3A_206, %dma_start3A_207] : memref<10000x128xf32, #tpu.memory_space<vmem_shared>> -> memref<10000x128xf32, #tpu.memory_space<vmem_shared>>
        tpu.enqueue_indirect_dma source(%arg21 : memref<128x128xf32, #tpu.memory_space<vmem>>) target(%dma_start3A_208 : memref<10000x128xf32, #tpu.memory_space<vmem_shared>>) offsets(%arg15 : memref<128xi32, #tpu.memory_space<vmem>>) semaphore(%arg34 : memref<!tpu.dma_semaphore, #tpu.memory_space<semaphore_mem>>) {add = true}
        %mul3A_209 = arith.constant 6 : i32
        %mul3A_210 = arith.muli %scan3A_151, %mul3A_209 : i32
        %add3A_211 = arith.constant 2 : i32
        %add3A_212 = arith.addi %mul3A_210, %add3A_211 : i32
        %dma_wait3A_213 = arith.constant 0 : i32
        %dma_wait3A_214 = arith.constant 0 : i32
        %dma_wait3A_215 = tpu.memref_slice %arg2[%dma_wait3A_213, %dma_wait3A_214] : memref<10000x128xf32, #tpu.memory_space<hbm>> -> memref<10000x128xf32, #tpu.memory_space<hbm>>
        tpu.wait_indirect_dma semaphore(%arg32 : memref<!tpu.dma_semaphore, #tpu.memory_space<semaphore_mem>>) src(%dma_wait3A_215 : memref<10000x128xf32, #tpu.memory_space<hbm>>) dst(%arg22 : memref<128x128xf32, #tpu.memory_space<vmem>>)
        %ge3A_216 = arith.constant 1 : i32
        %ge3A_217 = arith.cmpi sge, %add3A_212, %ge3A_216 : i32
        %convert_element_type3A_218 = arith.extui %ge3A_217 : i1 to i32
        %cond3A_219 = arith.constant 0 : i32
        %cond3A_220 = arith.cmpi ne, %convert_element_type3A_218, %cond3A_219 : i32
        scf.if %cond3A_220 {
          %dma_wait3A_325 = arith.constant 0 : i32
          %dma_wait3A_326 = arith.constant 0 : i32
          %dma_wait3A_327 = tpu.memref_slice %arg23[%dma_wait3A_325, %dma_wait3A_326] : memref<10000x128xf32, #tpu.memory_space<vmem_shared>> -> memref<10000x128xf32, #tpu.memory_space<vmem_shared>>
          tpu.wait_indirect_dma semaphore(%arg34 : memref<!tpu.dma_semaphore, #tpu.memory_space<semaphore_mem>>) src(%arg21 : memref<128x128xf32, #tpu.memory_space<vmem>>) dst(%dma_wait3A_327 : memref<10000x128xf32, #tpu.memory_space<vmem_shared>>)
        } else {
        }
        %add3A_221 = arith.constant 4 : i32
        %add3A_222 = arith.addi %add3A_212, %add3A_221 : i32
        %lt3A_223 = arith.constant 156 : i32
        %lt3A_224 = arith.cmpi slt, %add3A_222, %lt3A_223 : i32
        %convert_element_type3A_225 = arith.extui %lt3A_224 : i1 to i32
        %cond3A_226 = arith.constant 0 : i32
        %cond3A_227 = arith.cmpi ne, %convert_element_type3A_225, %cond3A_226 : i32
        scf.if %cond3A_227 {
          %add3A_325 = arith.constant 4 : i32
          %add3A_326 = arith.addi %add3A_212, %add3A_325 : i32
          %mul3A_327 = arith.constant 128 : i32
          %mul3A_328 = arith.muli %add3A_326, %mul3A_327 : i32
          %add3A_329 = arith.addi %mul3A_60, %mul3A_328 : i32
          %dma_start3A_330 = arith.constant 0 : i32
          %dma_start3A_331 = tpu.memref_slice %arg5[%dma_start3A_330, %add3A_329] : memref<2x320000xi32, #tpu.memory_space<hbm>> -> memref<1x128xi32, #tpu.memory_space<hbm>>
          %dma_start3A_332 = tpu.memref_squeeze %dma_start3A_331 : memref<1x128xi32, #tpu.memory_space<hbm>> -> memref<128xi32, #tpu.memory_space<hbm>>
          %dma_start3A_333 = tpu.memref_slice %arg5[%dma_start3A_330, %add3A_329] : memref<2x320000xi32, #tpu.memory_space<hbm>> -> memref<1x128xi32, #tpu.memory_space<hbm>>
          %dma_start3A_334 = tpu.memref_squeeze %dma_start3A_333 : memref<1x128xi32, #tpu.memory_space<hbm>> -> memref<128xi32, #tpu.memory_space<hbm>>
          tpu.enqueue_dma source(%dma_start3A_334 : memref<128xi32, #tpu.memory_space<hbm>>) target(%arg8 : memref<128xi32, #tpu.memory_space<vmem>>) target_semaphore(%arg24 : memref<!tpu.dma_semaphore, #tpu.memory_space<semaphore_mem>>)
          %dma_start3A_335 = arith.constant 1 : i32
          %dma_start3A_336 = tpu.memref_slice %arg5[%dma_start3A_335, %add3A_329] : memref<2x320000xi32, #tpu.memory_space<hbm>> -> memref<1x128xi32, #tpu.memory_space<hbm>>
          %dma_start3A_337 = tpu.memref_squeeze %dma_start3A_336 : memref<1x128xi32, #tpu.memory_space<hbm>> -> memref<128xi32, #tpu.memory_space<hbm>>
          %dma_start3A_338 = tpu.memref_slice %arg5[%dma_start3A_335, %add3A_329] : memref<2x320000xi32, #tpu.memory_space<hbm>> -> memref<1x128xi32, #tpu.memory_space<hbm>>
          %dma_start3A_339 = tpu.memref_squeeze %dma_start3A_338 : memref<1x128xi32, #tpu.memory_space<hbm>> -> memref<128xi32, #tpu.memory_space<hbm>>
          tpu.enqueue_dma source(%dma_start3A_339 : memref<128xi32, #tpu.memory_space<hbm>>) target(%arg14 : memref<128xi32, #tpu.memory_space<vmem>>) target_semaphore(%arg24 : memref<!tpu.dma_semaphore, #tpu.memory_space<semaphore_mem>>)
        } else {
        }
        %add3A_228 = arith.constant 2 : i32
        %add3A_229 = arith.addi %add3A_212, %add3A_228 : i32
        %lt3A_230 = arith.constant 156 : i32
        %lt3A_231 = arith.cmpi slt, %add3A_229, %lt3A_230 : i32
        %convert_element_type3A_232 = arith.extui %lt3A_231 : i1 to i32
        %cond3A_233 = arith.constant 0 : i32
        %cond3A_234 = arith.cmpi ne, %convert_element_type3A_232, %cond3A_233 : i32
        scf.if %cond3A_234 {
          %dma_wait3A_325 = arith.constant 0 : i32
          %dma_wait3A_326 = arith.constant 0 : i32
          %dma_wait3A_327 = tpu.memref_slice %arg5[%dma_wait3A_325, %dma_wait3A_326] : memref<2x320000xi32, #tpu.memory_space<hbm>> -> memref<1x128xi32, #tpu.memory_space<hbm>>
          %dma_wait3A_328 = tpu.memref_squeeze %dma_wait3A_327 : memref<1x128xi32, #tpu.memory_space<hbm>> -> memref<128xi32, #tpu.memory_space<hbm>>
          %dma_wait3A_329 = arith.constant 0 : i32
          %dma_wait3A_330 = tpu.memref_slice %arg5[%dma_wait3A_325, %dma_wait3A_329] : memref<2x320000xi32, #tpu.memory_space<hbm>> -> memref<1x128xi32, #tpu.memory_space<hbm>>
          %dma_wait3A_331 = tpu.memref_squeeze %dma_wait3A_330 : memref<1x128xi32, #tpu.memory_space<hbm>> -> memref<128xi32, #tpu.memory_space<hbm>>
          tpu.wait_dma2 semaphore(%arg28 : memref<!tpu.dma_semaphore, #tpu.memory_space<semaphore_mem>>) src(%dma_wait3A_331 : memref<128xi32, #tpu.memory_space<hbm>>) dst(%arg12 : memref<128xi32, #tpu.memory_space<vmem>>)
          %dma_wait3A_332 = arith.constant 1 : i32
          %dma_wait3A_333 = arith.constant 0 : i32
          %dma_wait3A_334 = tpu.memref_slice %arg5[%dma_wait3A_332, %dma_wait3A_333] : memref<2x320000xi32, #tpu.memory_space<hbm>> -> memref<1x128xi32, #tpu.memory_space<hbm>>
          %dma_wait3A_335 = tpu.memref_squeeze %dma_wait3A_334 : memref<1x128xi32, #tpu.memory_space<hbm>> -> memref<128xi32, #tpu.memory_space<hbm>>
          %dma_wait3A_336 = arith.constant 0 : i32
          %dma_wait3A_337 = tpu.memref_slice %arg5[%dma_wait3A_332, %dma_wait3A_336] : memref<2x320000xi32, #tpu.memory_space<hbm>> -> memref<1x128xi32, #tpu.memory_space<hbm>>
          %dma_wait3A_338 = tpu.memref_squeeze %dma_wait3A_337 : memref<1x128xi32, #tpu.memory_space<hbm>> -> memref<128xi32, #tpu.memory_space<hbm>>
          tpu.wait_dma2 semaphore(%arg28 : memref<!tpu.dma_semaphore, #tpu.memory_space<semaphore_mem>>) src(%dma_wait3A_338 : memref<128xi32, #tpu.memory_space<hbm>>) dst(%arg18 : memref<128xi32, #tpu.memory_space<vmem>>)
          %dma_start3A_339 = arith.constant 0 : i32
          %dma_start3A_340 = arith.constant 0 : i32
          %dma_start3A_341 = tpu.memref_slice %arg2[%dma_start3A_339, %dma_start3A_340] : memref<10000x128xf32, #tpu.memory_space<hbm>> -> memref<10000x128xf32, #tpu.memory_space<hbm>>
          tpu.enqueue_indirect_dma source(%dma_start3A_341 : memref<10000x128xf32, #tpu.memory_space<hbm>>) target(%arg21 : memref<128x128xf32, #tpu.memory_space<vmem>>) offsets(%arg12 : memref<128xi32, #tpu.memory_space<vmem>>) semaphore(%arg31 : memref<!tpu.dma_semaphore, #tpu.memory_space<semaphore_mem>>)
        } else {
        }
        %dma_start3A_235 = arith.constant 0 : i32
        %dma_start3A_236 = arith.constant 0 : i32
        %dma_start3A_237 = tpu.memref_slice %arg23[%dma_start3A_235, %dma_start3A_236] : memref<10000x128xf32, #tpu.memory_space<vmem_shared>> -> memref<10000x128xf32, #tpu.memory_space<vmem_shared>>
        tpu.enqueue_indirect_dma source(%arg22 : memref<128x128xf32, #tpu.memory_space<vmem>>) target(%dma_start3A_237 : memref<10000x128xf32, #tpu.memory_space<vmem_shared>>) offsets(%arg16 : memref<128xi32, #tpu.memory_space<vmem>>) semaphore(%arg35 : memref<!tpu.dma_semaphore, #tpu.memory_space<semaphore_mem>>) {add = true}
        %mul3A_238 = arith.constant 6 : i32
        %mul3A_239 = arith.muli %scan3A_151, %mul3A_238 : i32
        %add3A_240 = arith.constant 3 : i32
        %add3A_241 = arith.addi %mul3A_239, %add3A_240 : i32
        %dma_wait3A_242 = arith.constant 0 : i32
        %dma_wait3A_243 = arith.constant 0 : i32
        %dma_wait3A_244 = tpu.memref_slice %arg2[%dma_wait3A_242, %dma_wait3A_243] : memref<10000x128xf32, #tpu.memory_space<hbm>> -> memref<10000x128xf32, #tpu.memory_space<hbm>>
        tpu.wait_indirect_dma semaphore(%arg30 : memref<!tpu.dma_semaphore, #tpu.memory_space<semaphore_mem>>) src(%dma_wait3A_244 : memref<10000x128xf32, #tpu.memory_space<hbm>>) dst(%arg20 : memref<128x128xf32, #tpu.memory_space<vmem>>)
        %ge3A_245 = arith.constant 1 : i32
        %ge3A_246 = arith.cmpi sge, %add3A_241, %ge3A_245 : i32
        %convert_element_type3A_247 = arith.extui %ge3A_246 : i1 to i32
        %cond3A_248 = arith.constant 0 : i32
        %cond3A_249 = arith.cmpi ne, %convert_element_type3A_247, %cond3A_248 : i32
        scf.if %cond3A_249 {
          %dma_wait3A_325 = arith.constant 0 : i32
          %dma_wait3A_326 = arith.constant 0 : i32
          %dma_wait3A_327 = tpu.memref_slice %arg23[%dma_wait3A_325, %dma_wait3A_326] : memref<10000x128xf32, #tpu.memory_space<vmem_shared>> -> memref<10000x128xf32, #tpu.memory_space<vmem_shared>>
          tpu.wait_indirect_dma semaphore(%arg35 : memref<!tpu.dma_semaphore, #tpu.memory_space<semaphore_mem>>) src(%arg22 : memref<128x128xf32, #tpu.memory_space<vmem>>) dst(%dma_wait3A_327 : memref<10000x128xf32, #tpu.memory_space<vmem_shared>>)
        } else {
        }
        %add3A_250 = arith.constant 4 : i32
        %add3A_251 = arith.addi %add3A_241, %add3A_250 : i32
        %lt3A_252 = arith.constant 156 : i32
        %lt3A_253 = arith.cmpi slt, %add3A_251, %lt3A_252 : i32
        %convert_element_type3A_254 = arith.extui %lt3A_253 : i1 to i32
        %cond3A_255 = arith.constant 0 : i32
        %cond3A_256 = arith.cmpi ne, %convert_element_type3A_254, %cond3A_255 : i32
        scf.if %cond3A_256 {
          %add3A_325 = arith.constant 4 : i32
          %add3A_326 = arith.addi %add3A_241, %add3A_325 : i32
          %mul3A_327 = arith.constant 128 : i32
          %mul3A_328 = arith.muli %add3A_326, %mul3A_327 : i32
          %add3A_329 = arith.addi %mul3A_60, %mul3A_328 : i32
          %dma_start3A_330 = arith.constant 0 : i32
          %dma_start3A_331 = tpu.memref_slice %arg5[%dma_start3A_330, %add3A_329] : memref<2x320000xi32, #tpu.memory_space<hbm>> -> memref<1x128xi32, #tpu.memory_space<hbm>>
          %dma_start3A_332 = tpu.memref_squeeze %dma_start3A_331 : memref<1x128xi32, #tpu.memory_space<hbm>> -> memref<128xi32, #tpu.memory_space<hbm>>
          %dma_start3A_333 = tpu.memref_slice %arg5[%dma_start3A_330, %add3A_329] : memref<2x320000xi32, #tpu.memory_space<hbm>> -> memref<1x128xi32, #tpu.memory_space<hbm>>
          %dma_start3A_334 = tpu.memref_squeeze %dma_start3A_333 : memref<1x128xi32, #tpu.memory_space<hbm>> -> memref<128xi32, #tpu.memory_space<hbm>>
          tpu.enqueue_dma source(%dma_start3A_334 : memref<128xi32, #tpu.memory_space<hbm>>) target(%arg9 : memref<128xi32, #tpu.memory_space<vmem>>) target_semaphore(%arg25 : memref<!tpu.dma_semaphore, #tpu.memory_space<semaphore_mem>>)
          %dma_start3A_335 = arith.constant 1 : i32
          %dma_start3A_336 = tpu.memref_slice %arg5[%dma_start3A_335, %add3A_329] : memref<2x320000xi32, #tpu.memory_space<hbm>> -> memref<1x128xi32, #tpu.memory_space<hbm>>
          %dma_start3A_337 = tpu.memref_squeeze %dma_start3A_336 : memref<1x128xi32, #tpu.memory_space<hbm>> -> memref<128xi32, #tpu.memory_space<hbm>>
          %dma_start3A_338 = tpu.memref_slice %arg5[%dma_start3A_335, %add3A_329] : memref<2x320000xi32, #tpu.memory_space<hbm>> -> memref<1x128xi32, #tpu.memory_space<hbm>>
          %dma_start3A_339 = tpu.memref_squeeze %dma_start3A_338 : memref<1x128xi32, #tpu.memory_space<hbm>> -> memref<128xi32, #tpu.memory_space<hbm>>
          tpu.enqueue_dma source(%dma_start3A_339 : memref<128xi32, #tpu.memory_space<hbm>>) target(%arg15 : memref<128xi32, #tpu.memory_space<vmem>>) target_semaphore(%arg25 : memref<!tpu.dma_semaphore, #tpu.memory_space<semaphore_mem>>)
        } else {
        }
        %add3A_257 = arith.constant 2 : i32
        %add3A_258 = arith.addi %add3A_241, %add3A_257 : i32
        %lt3A_259 = arith.constant 156 : i32
        %lt3A_260 = arith.cmpi slt, %add3A_258, %lt3A_259 : i32
        %convert_element_type3A_261 = arith.extui %lt3A_260 : i1 to i32
        %cond3A_262 = arith.constant 0 : i32
        %cond3A_263 = arith.cmpi ne, %convert_element_type3A_261, %cond3A_262 : i32
        scf.if %cond3A_263 {
          %dma_wait3A_325 = arith.constant 0 : i32
          %dma_wait3A_326 = arith.constant 0 : i32
          %dma_wait3A_327 = tpu.memref_slice %arg5[%dma_wait3A_325, %dma_wait3A_326] : memref<2x320000xi32, #tpu.memory_space<hbm>> -> memref<1x128xi32, #tpu.memory_space<hbm>>
          %dma_wait3A_328 = tpu.memref_squeeze %dma_wait3A_327 : memref<1x128xi32, #tpu.memory_space<hbm>> -> memref<128xi32, #tpu.memory_space<hbm>>
          %dma_wait3A_329 = arith.constant 0 : i32
          %dma_wait3A_330 = tpu.memref_slice %arg5[%dma_wait3A_325, %dma_wait3A_329] : memref<2x320000xi32, #tpu.memory_space<hbm>> -> memref<1x128xi32, #tpu.memory_space<hbm>>
          %dma_wait3A_331 = tpu.memref_squeeze %dma_wait3A_330 : memref<1x128xi32, #tpu.memory_space<hbm>> -> memref<128xi32, #tpu.memory_space<hbm>>
          tpu.wait_dma2 semaphore(%arg29 : memref<!tpu.dma_semaphore, #tpu.memory_space<semaphore_mem>>) src(%dma_wait3A_331 : memref<128xi32, #tpu.memory_space<hbm>>) dst(%arg13 : memref<128xi32, #tpu.memory_space<vmem>>)
          %dma_wait3A_332 = arith.constant 1 : i32
          %dma_wait3A_333 = arith.constant 0 : i32
          %dma_wait3A_334 = tpu.memref_slice %arg5[%dma_wait3A_332, %dma_wait3A_333] : memref<2x320000xi32, #tpu.memory_space<hbm>> -> memref<1x128xi32, #tpu.memory_space<hbm>>
          %dma_wait3A_335 = tpu.memref_squeeze %dma_wait3A_334 : memref<1x128xi32, #tpu.memory_space<hbm>> -> memref<128xi32, #tpu.memory_space<hbm>>
          %dma_wait3A_336 = arith.constant 0 : i32
          %dma_wait3A_337 = tpu.memref_slice %arg5[%dma_wait3A_332, %dma_wait3A_336] : memref<2x320000xi32, #tpu.memory_space<hbm>> -> memref<1x128xi32, #tpu.memory_space<hbm>>
          %dma_wait3A_338 = tpu.memref_squeeze %dma_wait3A_337 : memref<1x128xi32, #tpu.memory_space<hbm>> -> memref<128xi32, #tpu.memory_space<hbm>>
          tpu.wait_dma2 semaphore(%arg29 : memref<!tpu.dma_semaphore, #tpu.memory_space<semaphore_mem>>) src(%dma_wait3A_338 : memref<128xi32, #tpu.memory_space<hbm>>) dst(%arg19 : memref<128xi32, #tpu.memory_space<vmem>>)
          %dma_start3A_339 = arith.constant 0 : i32
          %dma_start3A_340 = arith.constant 0 : i32
          %dma_start3A_341 = tpu.memref_slice %arg2[%dma_start3A_339, %dma_start3A_340] : memref<10000x128xf32, #tpu.memory_space<hbm>> -> memref<10000x128xf32, #tpu.memory_space<hbm>>
          tpu.enqueue_indirect_dma source(%dma_start3A_341 : memref<10000x128xf32, #tpu.memory_space<hbm>>) target(%arg22 : memref<128x128xf32, #tpu.memory_space<vmem>>) offsets(%arg13 : memref<128xi32, #tpu.memory_space<vmem>>) semaphore(%arg32 : memref<!tpu.dma_semaphore, #tpu.memory_space<semaphore_mem>>)
        } else {
        }
        %dma_start3A_264 = arith.constant 0 : i32
        %dma_start3A_265 = arith.constant 0 : i32
        %dma_start3A_266 = tpu.memref_slice %arg23[%dma_start3A_264, %dma_start3A_265] : memref<10000x128xf32, #tpu.memory_space<vmem_shared>> -> memref<10000x128xf32, #tpu.memory_space<vmem_shared>>
        tpu.enqueue_indirect_dma source(%arg20 : memref<128x128xf32, #tpu.memory_space<vmem>>) target(%dma_start3A_266 : memref<10000x128xf32, #tpu.memory_space<vmem_shared>>) offsets(%arg17 : memref<128xi32, #tpu.memory_space<vmem>>) semaphore(%arg33 : memref<!tpu.dma_semaphore, #tpu.memory_space<semaphore_mem>>) {add = true}
        %mul3A_267 = arith.constant 6 : i32
        %mul3A_268 = arith.muli %scan3A_151, %mul3A_267 : i32
        %add3A_269 = arith.constant 4 : i32
        %add3A_270 = arith.addi %mul3A_268, %add3A_269 : i32
        %dma_wait3A_271 = arith.constant 0 : i32
        %dma_wait3A_272 = arith.constant 0 : i32
        %dma_wait3A_273 = tpu.memref_slice %arg2[%dma_wait3A_271, %dma_wait3A_272] : memref<10000x128xf32, #tpu.memory_space<hbm>> -> memref<10000x128xf32, #tpu.memory_space<hbm>>
        tpu.wait_indirect_dma semaphore(%arg31 : memref<!tpu.dma_semaphore, #tpu.memory_space<semaphore_mem>>) src(%dma_wait3A_273 : memref<10000x128xf32, #tpu.memory_space<hbm>>) dst(%arg21 : memref<128x128xf32, #tpu.memory_space<vmem>>)
        %ge3A_274 = arith.constant 1 : i32
        %ge3A_275 = arith.cmpi sge, %add3A_270, %ge3A_274 : i32
        %convert_element_type3A_276 = arith.extui %ge3A_275 : i1 to i32
        %cond3A_277 = arith.constant 0 : i32
        %cond3A_278 = arith.cmpi ne, %convert_element_type3A_276, %cond3A_277 : i32
        scf.if %cond3A_278 {
          %dma_wait3A_325 = arith.constant 0 : i32
          %dma_wait3A_326 = arith.constant 0 : i32
          %dma_wait3A_327 = tpu.memref_slice %arg23[%dma_wait3A_325, %dma_wait3A_326] : memref<10000x128xf32, #tpu.memory_space<vmem_shared>> -> memref<10000x128xf32, #tpu.memory_space<vmem_shared>>
          tpu.wait_indirect_dma semaphore(%arg33 : memref<!tpu.dma_semaphore, #tpu.memory_space<semaphore_mem>>) src(%arg20 : memref<128x128xf32, #tpu.memory_space<vmem>>) dst(%dma_wait3A_327 : memref<10000x128xf32, #tpu.memory_space<vmem_shared>>)
        } else {
        }
        %add3A_279 = arith.constant 4 : i32
        %add3A_280 = arith.addi %add3A_270, %add3A_279 : i32
        %lt3A_281 = arith.constant 156 : i32
        %lt3A_282 = arith.cmpi slt, %add3A_280, %lt3A_281 : i32
        %convert_element_type3A_283 = arith.extui %lt3A_282 : i1 to i32
        %cond3A_284 = arith.constant 0 : i32
        %cond3A_285 = arith.cmpi ne, %convert_element_type3A_283, %cond3A_284 : i32
        scf.if %cond3A_285 {
          %add3A_325 = arith.constant 4 : i32
          %add3A_326 = arith.addi %add3A_270, %add3A_325 : i32
          %mul3A_327 = arith.constant 128 : i32
          %mul3A_328 = arith.muli %add3A_326, %mul3A_327 : i32
          %add3A_329 = arith.addi %mul3A_60, %mul3A_328 : i32
          %dma_start3A_330 = arith.constant 0 : i32
          %dma_start3A_331 = tpu.memref_slice %arg5[%dma_start3A_330, %add3A_329] : memref<2x320000xi32, #tpu.memory_space<hbm>> -> memref<1x128xi32, #tpu.memory_space<hbm>>
          %dma_start3A_332 = tpu.memref_squeeze %dma_start3A_331 : memref<1x128xi32, #tpu.memory_space<hbm>> -> memref<128xi32, #tpu.memory_space<hbm>>
          %dma_start3A_333 = tpu.memref_slice %arg5[%dma_start3A_330, %add3A_329] : memref<2x320000xi32, #tpu.memory_space<hbm>> -> memref<1x128xi32, #tpu.memory_space<hbm>>
          %dma_start3A_334 = tpu.memref_squeeze %dma_start3A_333 : memref<1x128xi32, #tpu.memory_space<hbm>> -> memref<128xi32, #tpu.memory_space<hbm>>
          tpu.enqueue_dma source(%dma_start3A_334 : memref<128xi32, #tpu.memory_space<hbm>>) target(%arg10 : memref<128xi32, #tpu.memory_space<vmem>>) target_semaphore(%arg26 : memref<!tpu.dma_semaphore, #tpu.memory_space<semaphore_mem>>)
          %dma_start3A_335 = arith.constant 1 : i32
          %dma_start3A_336 = tpu.memref_slice %arg5[%dma_start3A_335, %add3A_329] : memref<2x320000xi32, #tpu.memory_space<hbm>> -> memref<1x128xi32, #tpu.memory_space<hbm>>
          %dma_start3A_337 = tpu.memref_squeeze %dma_start3A_336 : memref<1x128xi32, #tpu.memory_space<hbm>> -> memref<128xi32, #tpu.memory_space<hbm>>
          %dma_start3A_338 = tpu.memref_slice %arg5[%dma_start3A_335, %add3A_329] : memref<2x320000xi32, #tpu.memory_space<hbm>> -> memref<1x128xi32, #tpu.memory_space<hbm>>
          %dma_start3A_339 = tpu.memref_squeeze %dma_start3A_338 : memref<1x128xi32, #tpu.memory_space<hbm>> -> memref<128xi32, #tpu.memory_space<hbm>>
          tpu.enqueue_dma source(%dma_start3A_339 : memref<128xi32, #tpu.memory_space<hbm>>) target(%arg16 : memref<128xi32, #tpu.memory_space<vmem>>) target_semaphore(%arg26 : memref<!tpu.dma_semaphore, #tpu.memory_space<semaphore_mem>>)
        } else {
        }
        %add3A_286 = arith.constant 2 : i32
        %add3A_287 = arith.addi %add3A_270, %add3A_286 : i32
        %lt3A_288 = arith.constant 156 : i32
        %lt3A_289 = arith.cmpi slt, %add3A_287, %lt3A_288 : i32
        %convert_element_type3A_290 = arith.extui %lt3A_289 : i1 to i32
        %cond3A_291 = arith.constant 0 : i32
        %cond3A_292 = arith.cmpi ne, %convert_element_type3A_290, %cond3A_291 : i32
        scf.if %cond3A_292 {
          %dma_wait3A_325 = arith.constant 0 : i32
          %dma_wait3A_326 = arith.constant 0 : i32
          %dma_wait3A_327 = tpu.memref_slice %arg5[%dma_wait3A_325, %dma_wait3A_326] : memref<2x320000xi32, #tpu.memory_space<hbm>> -> memref<1x128xi32, #tpu.memory_space<hbm>>
          %dma_wait3A_328 = tpu.memref_squeeze %dma_wait3A_327 : memref<1x128xi32, #tpu.memory_space<hbm>> -> memref<128xi32, #tpu.memory_space<hbm>>
          %dma_wait3A_329 = arith.constant 0 : i32
          %dma_wait3A_330 = tpu.memref_slice %arg5[%dma_wait3A_325, %dma_wait3A_329] : memref<2x320000xi32, #tpu.memory_space<hbm>> -> memref<1x128xi32, #tpu.memory_space<hbm>>
          %dma_wait3A_331 = tpu.memref_squeeze %dma_wait3A_330 : memref<1x128xi32, #tpu.memory_space<hbm>> -> memref<128xi32, #tpu.memory_space<hbm>>
          tpu.wait_dma2 semaphore(%arg24 : memref<!tpu.dma_semaphore, #tpu.memory_space<semaphore_mem>>) src(%dma_wait3A_331 : memref<128xi32, #tpu.memory_space<hbm>>) dst(%arg8 : memref<128xi32, #tpu.memory_space<vmem>>)
          %dma_wait3A_332 = arith.constant 1 : i32
          %dma_wait3A_333 = arith.constant 0 : i32
          %dma_wait3A_334 = tpu.memref_slice %arg5[%dma_wait3A_332, %dma_wait3A_333] : memref<2x320000xi32, #tpu.memory_space<hbm>> -> memref<1x128xi32, #tpu.memory_space<hbm>>
          %dma_wait3A_335 = tpu.memref_squeeze %dma_wait3A_334 : memref<1x128xi32, #tpu.memory_space<hbm>> -> memref<128xi32, #tpu.memory_space<hbm>>
          %dma_wait3A_336 = arith.constant 0 : i32
          %dma_wait3A_337 = tpu.memref_slice %arg5[%dma_wait3A_332, %dma_wait3A_336] : memref<2x320000xi32, #tpu.memory_space<hbm>> -> memref<1x128xi32, #tpu.memory_space<hbm>>
          %dma_wait3A_338 = tpu.memref_squeeze %dma_wait3A_337 : memref<1x128xi32, #tpu.memory_space<hbm>> -> memref<128xi32, #tpu.memory_space<hbm>>
          tpu.wait_dma2 semaphore(%arg24 : memref<!tpu.dma_semaphore, #tpu.memory_space<semaphore_mem>>) src(%dma_wait3A_338 : memref<128xi32, #tpu.memory_space<hbm>>) dst(%arg14 : memref<128xi32, #tpu.memory_space<vmem>>)
          %dma_start3A_339 = arith.constant 0 : i32
          %dma_start3A_340 = arith.constant 0 : i32
          %dma_start3A_341 = tpu.memref_slice %arg2[%dma_start3A_339, %dma_start3A_340] : memref<10000x128xf32, #tpu.memory_space<hbm>> -> memref<10000x128xf32, #tpu.memory_space<hbm>>
          tpu.enqueue_indirect_dma source(%dma_start3A_341 : memref<10000x128xf32, #tpu.memory_space<hbm>>) target(%arg20 : memref<128x128xf32, #tpu.memory_space<vmem>>) offsets(%arg8 : memref<128xi32, #tpu.memory_space<vmem>>) semaphore(%arg30 : memref<!tpu.dma_semaphore, #tpu.memory_space<semaphore_mem>>)
        } else {
        }
        %dma_start3A_293 = arith.constant 0 : i32
        %dma_start3A_294 = arith.constant 0 : i32
        %dma_start3A_295 = tpu.memref_slice %arg23[%dma_start3A_293, %dma_start3A_294] : memref<10000x128xf32, #tpu.memory_space<vmem_shared>> -> memref<10000x128xf32, #tpu.memory_space<vmem_shared>>
        tpu.enqueue_indirect_dma source(%arg21 : memref<128x128xf32, #tpu.memory_space<vmem>>) target(%dma_start3A_295 : memref<10000x128xf32, #tpu.memory_space<vmem_shared>>) offsets(%arg18 : memref<128xi32, #tpu.memory_space<vmem>>) semaphore(%arg34 : memref<!tpu.dma_semaphore, #tpu.memory_space<semaphore_mem>>) {add = true}
        %mul3A_296 = arith.constant 6 : i32
        %mul3A_297 = arith.muli %scan3A_151, %mul3A_296 : i32
        %add3A_298 = arith.constant 5 : i32
        %add3A_299 = arith.addi %mul3A_297, %add3A_298 : i32
        %dma_wait3A_300 = arith.constant 0 : i32
        %dma_wait3A_301 = arith.constant 0 : i32
        %dma_wait3A_302 = tpu.memref_slice %arg2[%dma_wait3A_300, %dma_wait3A_301] : memref<10000x128xf32, #tpu.memory_space<hbm>> -> memref<10000x128xf32, #tpu.memory_space<hbm>>
        tpu.wait_indirect_dma semaphore(%arg32 : memref<!tpu.dma_semaphore, #tpu.memory_space<semaphore_mem>>) src(%dma_wait3A_302 : memref<10000x128xf32, #tpu.memory_space<hbm>>) dst(%arg22 : memref<128x128xf32, #tpu.memory_space<vmem>>)
        %ge3A_303 = arith.constant 1 : i32
        %ge3A_304 = arith.cmpi sge, %add3A_299, %ge3A_303 : i32
        %convert_element_type3A_305 = arith.extui %ge3A_304 : i1 to i32
        %cond3A_306 = arith.constant 0 : i32
        %cond3A_307 = arith.cmpi ne, %convert_element_type3A_305, %cond3A_306 : i32
        scf.if %cond3A_307 {
          %dma_wait3A_325 = arith.constant 0 : i32
          %dma_wait3A_326 = arith.constant 0 : i32
          %dma_wait3A_327 = tpu.memref_slice %arg23[%dma_wait3A_325, %dma_wait3A_326] : memref<10000x128xf32, #tpu.memory_space<vmem_shared>> -> memref<10000x128xf32, #tpu.memory_space<vmem_shared>>
          tpu.wait_indirect_dma semaphore(%arg34 : memref<!tpu.dma_semaphore, #tpu.memory_space<semaphore_mem>>) src(%arg21 : memref<128x128xf32, #tpu.memory_space<vmem>>) dst(%dma_wait3A_327 : memref<10000x128xf32, #tpu.memory_space<vmem_shared>>)
        } else {
        }
        %add3A_308 = arith.constant 4 : i32
        %add3A_309 = arith.addi %add3A_299, %add3A_308 : i32
        %lt3A_310 = arith.constant 156 : i32
        %lt3A_311 = arith.cmpi slt, %add3A_309, %lt3A_310 : i32
        %convert_element_type3A_312 = arith.extui %lt3A_311 : i1 to i32
        %cond3A_313 = arith.constant 0 : i32
        %cond3A_314 = arith.cmpi ne, %convert_element_type3A_312, %cond3A_313 : i32
        scf.if %cond3A_314 {
          %add3A_325 = arith.constant 4 : i32
          %add3A_326 = arith.addi %add3A_299, %add3A_325 : i32
          %mul3A_327 = arith.constant 128 : i32
          %mul3A_328 = arith.muli %add3A_326, %mul3A_327 : i32
          %add3A_329 = arith.addi %mul3A_60, %mul3A_328 : i32
          %dma_start3A_330 = arith.constant 0 : i32
          %dma_start3A_331 = tpu.memref_slice %arg5[%dma_start3A_330, %add3A_329] : memref<2x320000xi32, #tpu.memory_space<hbm>> -> memref<1x128xi32, #tpu.memory_space<hbm>>
          %dma_start3A_332 = tpu.memref_squeeze %dma_start3A_331 : memref<1x128xi32, #tpu.memory_space<hbm>> -> memref<128xi32, #tpu.memory_space<hbm>>
          %dma_start3A_333 = tpu.memref_slice %arg5[%dma_start3A_330, %add3A_329] : memref<2x320000xi32, #tpu.memory_space<hbm>> -> memref<1x128xi32, #tpu.memory_space<hbm>>
          %dma_start3A_334 = tpu.memref_squeeze %dma_start3A_333 : memref<1x128xi32, #tpu.memory_space<hbm>> -> memref<128xi32, #tpu.memory_space<hbm>>
          tpu.enqueue_dma source(%dma_start3A_334 : memref<128xi32, #tpu.memory_space<hbm>>) target(%arg11 : memref<128xi32, #tpu.memory_space<vmem>>) target_semaphore(%arg27 : memref<!tpu.dma_semaphore, #tpu.memory_space<semaphore_mem>>)
          %dma_start3A_335 = arith.constant 1 : i32
          %dma_start3A_336 = tpu.memref_slice %arg5[%dma_start3A_335, %add3A_329] : memref<2x320000xi32, #tpu.memory_space<hbm>> -> memref<1x128xi32, #tpu.memory_space<hbm>>
          %dma_start3A_337 = tpu.memref_squeeze %dma_start3A_336 : memref<1x128xi32, #tpu.memory_space<hbm>> -> memref<128xi32, #tpu.memory_space<hbm>>
          %dma_start3A_338 = tpu.memref_slice %arg5[%dma_start3A_335, %add3A_329] : memref<2x320000xi32, #tpu.memory_space<hbm>> -> memref<1x128xi32, #tpu.memory_space<hbm>>
          %dma_start3A_339 = tpu.memref_squeeze %dma_start3A_338 : memref<1x128xi32, #tpu.memory_space<hbm>> -> memref<128xi32, #tpu.memory_space<hbm>>
          tpu.enqueue_dma source(%dma_start3A_339 : memref<128xi32, #tpu.memory_space<hbm>>) target(%arg17 : memref<128xi32, #tpu.memory_space<vmem>>) target_semaphore(%arg27 : memref<!tpu.dma_semaphore, #tpu.memory_space<semaphore_mem>>)
        } else {
        }
        %add3A_315 = arith.constant 2 : i32
        %add3A_316 = arith.addi %add3A_299, %add3A_315 : i32
        %lt3A_317 = arith.constant 156 : i32
        %lt3A_318 = arith.cmpi slt, %add3A_316, %lt3A_317 : i32
        %convert_element_type3A_319 = arith.extui %lt3A_318 : i1 to i32
        %cond3A_320 = arith.constant 0 : i32
        %cond3A_321 = arith.cmpi ne, %convert_element_type3A_319, %cond3A_320 : i32
        scf.if %cond3A_321 {
          %dma_wait3A_325 = arith.constant 0 : i32
          %dma_wait3A_326 = arith.constant 0 : i32
          %dma_wait3A_327 = tpu.memref_slice %arg5[%dma_wait3A_325, %dma_wait3A_326] : memref<2x320000xi32, #tpu.memory_space<hbm>> -> memref<1x128xi32, #tpu.memory_space<hbm>>
          %dma_wait3A_328 = tpu.memref_squeeze %dma_wait3A_327 : memref<1x128xi32, #tpu.memory_space<hbm>> -> memref<128xi32, #tpu.memory_space<hbm>>
          %dma_wait3A_329 = arith.constant 0 : i32
          %dma_wait3A_330 = tpu.memref_slice %arg5[%dma_wait3A_325, %dma_wait3A_329] : memref<2x320000xi32, #tpu.memory_space<hbm>> -> memref<1x128xi32, #tpu.memory_space<hbm>>
          %dma_wait3A_331 = tpu.memref_squeeze %dma_wait3A_330 : memref<1x128xi32, #tpu.memory_space<hbm>> -> memref<128xi32, #tpu.memory_space<hbm>>
          tpu.wait_dma2 semaphore(%arg25 : memref<!tpu.dma_semaphore, #tpu.memory_space<semaphore_mem>>) src(%dma_wait3A_331 : memref<128xi32, #tpu.memory_space<hbm>>) dst(%arg9 : memref<128xi32, #tpu.memory_space<vmem>>)
          %dma_wait3A_332 = arith.constant 1 : i32
          %dma_wait3A_333 = arith.constant 0 : i32
          %dma_wait3A_334 = tpu.memref_slice %arg5[%dma_wait3A_332, %dma_wait3A_333] : memref<2x320000xi32, #tpu.memory_space<hbm>> -> memref<1x128xi32, #tpu.memory_space<hbm>>
          %dma_wait3A_335 = tpu.memref_squeeze %dma_wait3A_334 : memref<1x128xi32, #tpu.memory_space<hbm>> -> memref<128xi32, #tpu.memory_space<hbm>>
          %dma_wait3A_336 = arith.constant 0 : i32
          %dma_wait3A_337 = tpu.memref_slice %arg5[%dma_wait3A_332, %dma_wait3A_336] : memref<2x320000xi32, #tpu.memory_space<hbm>> -> memref<1x128xi32, #tpu.memory_space<hbm>>
          %dma_wait3A_338 = tpu.memref_squeeze %dma_wait3A_337 : memref<1x128xi32, #tpu.memory_space<hbm>> -> memref<128xi32, #tpu.memory_space<hbm>>
          tpu.wait_dma2 semaphore(%arg25 : memref<!tpu.dma_semaphore, #tpu.memory_space<semaphore_mem>>) src(%dma_wait3A_338 : memref<128xi32, #tpu.memory_space<hbm>>) dst(%arg15 : memref<128xi32, #tpu.memory_space<vmem>>)
          %dma_start3A_339 = arith.constant 0 : i32
          %dma_start3A_340 = arith.constant 0 : i32
          %dma_start3A_341 = tpu.memref_slice %arg2[%dma_start3A_339, %dma_start3A_340] : memref<10000x128xf32, #tpu.memory_space<hbm>> -> memref<10000x128xf32, #tpu.memory_space<hbm>>
          tpu.enqueue_indirect_dma source(%dma_start3A_341 : memref<10000x128xf32, #tpu.memory_space<hbm>>) target(%arg21 : memref<128x128xf32, #tpu.memory_space<vmem>>) offsets(%arg9 : memref<128xi32, #tpu.memory_space<vmem>>) semaphore(%arg31 : memref<!tpu.dma_semaphore, #tpu.memory_space<semaphore_mem>>)
        } else {
        }
        %dma_start3A_322 = arith.constant 0 : i32
        %dma_start3A_323 = arith.constant 0 : i32
        %dma_start3A_324 = tpu.memref_slice %arg23[%dma_start3A_322, %dma_start3A_323] : memref<10000x128xf32, #tpu.memory_space<vmem_shared>> -> memref<10000x128xf32, #tpu.memory_space<vmem_shared>>
        tpu.enqueue_indirect_dma source(%arg22 : memref<128x128xf32, #tpu.memory_space<vmem>>) target(%dma_start3A_324 : memref<10000x128xf32, #tpu.memory_space<vmem_shared>>) offsets(%arg19 : memref<128xi32, #tpu.memory_space<vmem>>) semaphore(%arg35 : memref<!tpu.dma_semaphore, #tpu.memory_space<semaphore_mem>>) {add = true}
      }
      %scan3A_143 = arith.constant 26 : i32
      %dma_wait3A_144 = arith.constant 0 : i32
      %dma_wait3A_145 = arith.constant 0 : i32
      %dma_wait3A_146 = tpu.memref_slice %arg23[%dma_wait3A_144, %dma_wait3A_145] : memref<10000x128xf32, #tpu.memory_space<vmem_shared>> -> memref<10000x128xf32, #tpu.memory_space<vmem_shared>>
      tpu.wait_indirect_dma semaphore(%arg35 : memref<!tpu.dma_semaphore, #tpu.memory_space<semaphore_mem>>) src(%arg22 : memref<128x128xf32, #tpu.memory_space<vmem>>) dst(%dma_wait3A_146 : memref<10000x128xf32, #tpu.memory_space<vmem_shared>>)
      %lt3A = arith.constant 4 : i32
      %lt3A_147 = arith.cmpi slt, %arg1, %lt3A : i32
      %convert_element_type3A_148 = arith.extui %lt3A_147 : i1 to i32
      %cond3A_149 = arith.constant 0 : i32
      %cond3A_150 = arith.cmpi ne, %convert_element_type3A_148, %cond3A_149 : i32
      scf.if %cond3A_150 {
        %mul3A_151 = arith.constant 128 : i32
        %mul3A_152 = arith.muli %arg1, %mul3A_151 : i32
        %add3A_153 = arith.constant 319488 : i32
        %add3A_154 = arith.addi %add3A_153, %mul3A_152 : i32
        %dma_start3A_155 = arith.constant 0 : i32
        %dma_start3A_156 = tpu.memref_slice %arg5[%dma_start3A_155, %add3A_154] : memref<2x320000xi32, #tpu.memory_space<hbm>> -> memref<1x128xi32, #tpu.memory_space<hbm>>
        %dma_start3A_157 = tpu.memref_squeeze %dma_start3A_156 : memref<1x128xi32, #tpu.memory_space<hbm>> -> memref<128xi32, #tpu.memory_space<hbm>>
        %dma_start3A_158 = tpu.memref_slice %arg5[%dma_start3A_155, %add3A_154] : memref<2x320000xi32, #tpu.memory_space<hbm>> -> memref<1x128xi32, #tpu.memory_space<hbm>>
        %dma_start3A_159 = tpu.memref_squeeze %dma_start3A_158 : memref<1x128xi32, #tpu.memory_space<hbm>> -> memref<128xi32, #tpu.memory_space<hbm>>
        tpu.enqueue_dma source(%dma_start3A_159 : memref<128xi32, #tpu.memory_space<hbm>>) target(%arg8 : memref<128xi32, #tpu.memory_space<vmem>>) target_semaphore(%arg24 : memref<!tpu.dma_semaphore, #tpu.memory_space<semaphore_mem>>)
        %dma_start3A_160 = arith.constant 1 : i32
        %dma_start3A_161 = tpu.memref_slice %arg5[%dma_start3A_160, %add3A_154] : memref<2x320000xi32, #tpu.memory_space<hbm>> -> memref<1x128xi32, #tpu.memory_space<hbm>>
        %dma_start3A_162 = tpu.memref_squeeze %dma_start3A_161 : memref<1x128xi32, #tpu.memory_space<hbm>> -> memref<128xi32, #tpu.memory_space<hbm>>
        %dma_start3A_163 = tpu.memref_slice %arg5[%dma_start3A_160, %add3A_154] : memref<2x320000xi32, #tpu.memory_space<hbm>> -> memref<1x128xi32, #tpu.memory_space<hbm>>
        %dma_start3A_164 = tpu.memref_squeeze %dma_start3A_163 : memref<1x128xi32, #tpu.memory_space<hbm>> -> memref<128xi32, #tpu.memory_space<hbm>>
        tpu.enqueue_dma source(%dma_start3A_164 : memref<128xi32, #tpu.memory_space<hbm>>) target(%arg14 : memref<128xi32, #tpu.memory_space<vmem>>) target_semaphore(%arg24 : memref<!tpu.dma_semaphore, #tpu.memory_space<semaphore_mem>>)
        %dma_wait3A_165 = arith.constant 0 : i32
        %dma_wait3A_166 = arith.constant 0 : i32
        %dma_wait3A_167 = tpu.memref_slice %arg5[%dma_wait3A_165, %dma_wait3A_166] : memref<2x320000xi32, #tpu.memory_space<hbm>> -> memref<1x128xi32, #tpu.memory_space<hbm>>
        %dma_wait3A_168 = tpu.memref_squeeze %dma_wait3A_167 : memref<1x128xi32, #tpu.memory_space<hbm>> -> memref<128xi32, #tpu.memory_space<hbm>>
        %dma_wait3A_169 = arith.constant 0 : i32
        %dma_wait3A_170 = tpu.memref_slice %arg5[%dma_wait3A_165, %dma_wait3A_169] : memref<2x320000xi32, #tpu.memory_space<hbm>> -> memref<1x128xi32, #tpu.memory_space<hbm>>
        %dma_wait3A_171 = tpu.memref_squeeze %dma_wait3A_170 : memref<1x128xi32, #tpu.memory_space<hbm>> -> memref<128xi32, #tpu.memory_space<hbm>>
        tpu.wait_dma2 semaphore(%arg24 : memref<!tpu.dma_semaphore, #tpu.memory_space<semaphore_mem>>) src(%dma_wait3A_171 : memref<128xi32, #tpu.memory_space<hbm>>) dst(%arg8 : memref<128xi32, #tpu.memory_space<vmem>>)
        %dma_wait3A_172 = arith.constant 1 : i32
        %dma_wait3A_173 = arith.constant 0 : i32
        %dma_wait3A_174 = tpu.memref_slice %arg5[%dma_wait3A_172, %dma_wait3A_173] : memref<2x320000xi32, #tpu.memory_space<hbm>> -> memref<1x128xi32, #tpu.memory_space<hbm>>
        %dma_wait3A_175 = tpu.memref_squeeze %dma_wait3A_174 : memref<1x128xi32, #tpu.memory_space<hbm>> -> memref<128xi32, #tpu.memory_space<hbm>>
        %dma_wait3A_176 = arith.constant 0 : i32
        %dma_wait3A_177 = tpu.memref_slice %arg5[%dma_wait3A_172, %dma_wait3A_176] : memref<2x320000xi32, #tpu.memory_space<hbm>> -> memref<1x128xi32, #tpu.memory_space<hbm>>
        %dma_wait3A_178 = tpu.memref_squeeze %dma_wait3A_177 : memref<1x128xi32, #tpu.memory_space<hbm>> -> memref<128xi32, #tpu.memory_space<hbm>>
        tpu.wait_dma2 semaphore(%arg24 : memref<!tpu.dma_semaphore, #tpu.memory_space<semaphore_mem>>) src(%dma_wait3A_178 : memref<128xi32, #tpu.memory_space<hbm>>) dst(%arg14 : memref<128xi32, #tpu.memory_space<vmem>>)
        %dma_start3A_179 = arith.constant 0 : i32
        %dma_start3A_180 = arith.constant 0 : i32
        %dma_start3A_181 = tpu.memref_slice %arg2[%dma_start3A_179, %dma_start3A_180] : memref<10000x128xf32, #tpu.memory_space<hbm>> -> memref<10000x128xf32, #tpu.memory_space<hbm>>
        tpu.enqueue_indirect_dma source(%dma_start3A_181 : memref<10000x128xf32, #tpu.memory_space<hbm>>) target(%arg20 : memref<128x128xf32, #tpu.memory_space<vmem>>) offsets(%arg8 : memref<128xi32, #tpu.memory_space<vmem>>) semaphore(%arg30 : memref<!tpu.dma_semaphore, #tpu.memory_space<semaphore_mem>>)
        %dma_wait3A_182 = arith.constant 0 : i32
        %dma_wait3A_183 = arith.constant 0 : i32
        %dma_wait3A_184 = tpu.memref_slice %arg2[%dma_wait3A_182, %dma_wait3A_183] : memref<10000x128xf32, #tpu.memory_space<hbm>> -> memref<10000x128xf32, #tpu.memory_space<hbm>>
        tpu.wait_indirect_dma semaphore(%arg30 : memref<!tpu.dma_semaphore, #tpu.memory_space<semaphore_mem>>) src(%dma_wait3A_184 : memref<10000x128xf32, #tpu.memory_space<hbm>>) dst(%arg20 : memref<128x128xf32, #tpu.memory_space<vmem>>)
        "tpu.region"() ({
          %run_scoped3A = tpu.sem_alloc : memref<!tpu.dma_semaphore, #tpu.memory_space<semaphore_mem>>
          %dma_start3A_185 = arith.constant 0 : i32
          %dma_start3A_186 = arith.constant 0 : i32
          %dma_start3A_187 = tpu.memref_slice %arg23[%dma_start3A_185, %dma_start3A_186] : memref<10000x128xf32, #tpu.memory_space<vmem_shared>> -> memref<10000x128xf32, #tpu.memory_space<vmem_shared>>
          tpu.enqueue_indirect_dma source(%arg20 : memref<128x128xf32, #tpu.memory_space<vmem>>) target(%dma_start3A_187 : memref<10000x128xf32, #tpu.memory_space<vmem_shared>>) offsets(%arg14 : memref<128xi32, #tpu.memory_space<vmem>>) semaphore(%run_scoped3A : memref<!tpu.dma_semaphore, #tpu.memory_space<semaphore_mem>>) {add = true}
          %dma_wait3A_188 = arith.constant 0 : i32
          %dma_wait3A_189 = arith.constant 0 : i32
          %dma_wait3A_190 = tpu.memref_slice %arg23[%dma_wait3A_188, %dma_wait3A_189] : memref<10000x128xf32, #tpu.memory_space<vmem_shared>> -> memref<10000x128xf32, #tpu.memory_space<vmem_shared>>
          tpu.wait_indirect_dma semaphore(%run_scoped3A : memref<!tpu.dma_semaphore, #tpu.memory_space<semaphore_mem>>) src(%arg20 : memref<128x128xf32, #tpu.memory_space<vmem>>) dst(%dma_wait3A_190 : memref<10000x128xf32, #tpu.memory_space<vmem_shared>>)
          tpu.yield
        }) : () -> ()
      } else {
      }
    } else {
    }
    %barrier3A_15 = arith.constant 0 : index
    tpu.barrier barrier_id(%barrier3A_15)
    %eq3A_16 = arith.constant 0 : i32
    %eq3A_17 = arith.cmpi eq, %arg0, %eq3A_16 : i32
    %convert_element_type3A_18 = arith.extui %eq3A_17 : i1 to i32
    %cond3A_19 = arith.constant 0 : i32
    %cond3A_20 = arith.cmpi ne, %convert_element_type3A_18, %cond3A_19 : i32
    scf.if %cond3A_20 {
      %mul3A_59 = arith.constant 624 : i32
      %mul3A_60 = arith.muli %arg1, %mul3A_59 : i32
      %mul3A_61 = arith.constant 624 : i32
      %mul3A_62 = arith.muli %arg1, %mul3A_61 : i32
      %run_scoped3A = arith.constant 0 : i32
      "tpu.region"() ({
        %run_scoped3A_68 = tpu.sem_alloc : memref<!tpu.dma_semaphore, #tpu.memory_space<semaphore_mem>>
        %dma_start3A = arith.constant 0 : i32
        %dma_start3A_69 = tpu.memref_slice %arg7[%run_scoped3A, %mul3A_62, %dma_start3A] : memref<4x10000x128xf32, #tpu.memory_space<hbm>> -> memref<1x624x128xf32, #tpu.memory_space<hbm>>
        %dma_start3A_70 = tpu.memref_squeeze %dma_start3A_69 : memref<1x624x128xf32, #tpu.memory_space<hbm>> -> memref<624x128xf32, #tpu.memory_space<hbm>>
        %dma_start3A_71 = arith.constant 0 : i32
        %dma_start3A_72 = tpu.memref_slice %arg23[%mul3A_60, %dma_start3A_71] : memref<10000x128xf32, #tpu.memory_space<vmem_shared>> -> memref<624x128xf32, #tpu.memory_space<vmem_shared>>
        tpu.enqueue_dma source(%dma_start3A_72 : memref<624x128xf32, #tpu.memory_space<vmem_shared>>) target(%dma_start3A_70 : memref<624x128xf32, #tpu.memory_space<hbm>>) target_semaphore(%run_scoped3A_68 : memref<!tpu.dma_semaphore, #tpu.memory_space<semaphore_mem>>)
        %dma_wait3A = arith.constant 0 : i32
        %dma_wait3A_73 = tpu.memref_slice %arg7[%run_scoped3A, %mul3A_62, %dma_wait3A] : memref<4x10000x128xf32, #tpu.memory_space<hbm>> -> memref<1x624x128xf32, #tpu.memory_space<hbm>>
        %dma_wait3A_74 = tpu.memref_squeeze %dma_wait3A_73 : memref<1x624x128xf32, #tpu.memory_space<hbm>> -> memref<624x128xf32, #tpu.memory_space<hbm>>
        %dma_wait3A_75 = arith.constant 0 : i32
        %dma_wait3A_76 = tpu.memref_slice %arg23[%mul3A_60, %dma_wait3A_75] : memref<10000x128xf32, #tpu.memory_space<vmem_shared>> -> memref<624x128xf32, #tpu.memory_space<vmem_shared>>
        tpu.wait_dma2 semaphore(%run_scoped3A_68 : memref<!tpu.dma_semaphore, #tpu.memory_space<semaphore_mem>>) src(%dma_wait3A_76 : memref<624x128xf32, #tpu.memory_space<vmem_shared>>) dst(%dma_wait3A_74 : memref<624x128xf32, #tpu.memory_space<hbm>>)
        tpu.yield
      }) : () -> ()
      %eq3A_63 = arith.constant 0 : i32
      %eq3A_64 = arith.cmpi eq, %arg1, %eq3A_63 : i32
      %convert_element_type3A_65 = arith.extui %eq3A_64 : i1 to i32
      %cond3A_66 = arith.constant 0 : i32
      %cond3A_67 = arith.cmpi ne, %convert_element_type3A_65, %cond3A_66 : i32
      scf.if %cond3A_67 {
        %run_scoped3A_68 = arith.constant 0 : i32
        "tpu.region"() ({
          %run_scoped3A_69 = tpu.sem_alloc : memref<!tpu.dma_semaphore, #tpu.memory_space<semaphore_mem>>
          %dma_start3A = arith.constant 9984 : i32
          %dma_start3A_70 = arith.constant 0 : i32
          %dma_start3A_71 = tpu.memref_slice %arg7[%run_scoped3A_68, %dma_start3A, %dma_start3A_70] : memref<4x10000x128xf32, #tpu.memory_space<hbm>> -> memref<1x16x128xf32, #tpu.memory_space<hbm>>
          %dma_start3A_72 = tpu.memref_squeeze %dma_start3A_71 : memref<1x16x128xf32, #tpu.memory_space<hbm>> -> memref<16x128xf32, #tpu.memory_space<hbm>>
          %dma_start3A_73 = arith.constant 9984 : i32
          %dma_start3A_74 = arith.constant 0 : i32
          %dma_start3A_75 = tpu.memref_slice %arg23[%dma_start3A_73, %dma_start3A_74] : memref<10000x128xf32, #tpu.memory_space<vmem_shared>> -> memref<16x128xf32, #tpu.memory_space<vmem_shared>>
          tpu.enqueue_dma source(%dma_start3A_75 : memref<16x128xf32, #tpu.memory_space<vmem_shared>>) target(%dma_start3A_72 : memref<16x128xf32, #tpu.memory_space<hbm>>) target_semaphore(%run_scoped3A_69 : memref<!tpu.dma_semaphore, #tpu.memory_space<semaphore_mem>>)
          %dma_wait3A = arith.constant 9984 : i32
          %dma_wait3A_76 = arith.constant 0 : i32
          %dma_wait3A_77 = tpu.memref_slice %arg7[%run_scoped3A_68, %dma_wait3A, %dma_wait3A_76] : memref<4x10000x128xf32, #tpu.memory_space<hbm>> -> memref<1x16x128xf32, #tpu.memory_space<hbm>>
          %dma_wait3A_78 = tpu.memref_squeeze %dma_wait3A_77 : memref<1x16x128xf32, #tpu.memory_space<hbm>> -> memref<16x128xf32, #tpu.memory_space<hbm>>
          %dma_wait3A_79 = arith.constant 9984 : i32
          %dma_wait3A_80 = arith.constant 0 : i32
          %dma_wait3A_81 = tpu.memref_slice %arg23[%dma_wait3A_79, %dma_wait3A_80] : memref<10000x128xf32, #tpu.memory_space<vmem_shared>> -> memref<16x128xf32, #tpu.memory_space<vmem_shared>>
          tpu.wait_dma2 semaphore(%run_scoped3A_69 : memref<!tpu.dma_semaphore, #tpu.memory_space<semaphore_mem>>) src(%dma_wait3A_81 : memref<16x128xf32, #tpu.memory_space<vmem_shared>>) dst(%dma_wait3A_78 : memref<16x128xf32, #tpu.memory_space<hbm>>)
          tpu.yield
        }) : () -> ()
      } else {
      }
    } else {
    }
    %eq3A_21 = arith.constant 1 : i32
    %eq3A_22 = arith.cmpi eq, %arg0, %eq3A_21 : i32
    %convert_element_type3A_23 = arith.extui %eq3A_22 : i1 to i32
    %cond3A_24 = arith.constant 0 : i32
    %cond3A_25 = arith.cmpi ne, %convert_element_type3A_23, %cond3A_24 : i32
    scf.if %cond3A_25 {
      %mul3A_59 = arith.constant 624 : i32
      %mul3A_60 = arith.muli %arg1, %mul3A_59 : i32
      %mul3A_61 = arith.constant 624 : i32
      %mul3A_62 = arith.muli %arg1, %mul3A_61 : i32
      %run_scoped3A = arith.constant 2 : i32
      "tpu.region"() ({
        %run_scoped3A_68 = tpu.sem_alloc : memref<!tpu.dma_semaphore, #tpu.memory_space<semaphore_mem>>
        %dma_start3A = arith.constant 0 : i32
        %dma_start3A_69 = tpu.memref_slice %arg7[%run_scoped3A, %mul3A_62, %dma_start3A] : memref<4x10000x128xf32, #tpu.memory_space<hbm>> -> memref<1x624x128xf32, #tpu.memory_space<hbm>>
        %dma_start3A_70 = tpu.memref_squeeze %dma_start3A_69 : memref<1x624x128xf32, #tpu.memory_space<hbm>> -> memref<624x128xf32, #tpu.memory_space<hbm>>
        %dma_start3A_71 = arith.constant 0 : i32
        %dma_start3A_72 = tpu.memref_slice %arg23[%mul3A_60, %dma_start3A_71] : memref<10000x128xf32, #tpu.memory_space<vmem_shared>> -> memref<624x128xf32, #tpu.memory_space<vmem_shared>>
        tpu.enqueue_dma source(%dma_start3A_72 : memref<624x128xf32, #tpu.memory_space<vmem_shared>>) target(%dma_start3A_70 : memref<624x128xf32, #tpu.memory_space<hbm>>) target_semaphore(%run_scoped3A_68 : memref<!tpu.dma_semaphore, #tpu.memory_space<semaphore_mem>>)
        %dma_wait3A = arith.constant 0 : i32
        %dma_wait3A_73 = tpu.memref_slice %arg7[%run_scoped3A, %mul3A_62, %dma_wait3A] : memref<4x10000x128xf32, #tpu.memory_space<hbm>> -> memref<1x624x128xf32, #tpu.memory_space<hbm>>
        %dma_wait3A_74 = tpu.memref_squeeze %dma_wait3A_73 : memref<1x624x128xf32, #tpu.memory_space<hbm>> -> memref<624x128xf32, #tpu.memory_space<hbm>>
        %dma_wait3A_75 = arith.constant 0 : i32
        %dma_wait3A_76 = tpu.memref_slice %arg23[%mul3A_60, %dma_wait3A_75] : memref<10000x128xf32, #tpu.memory_space<vmem_shared>> -> memref<624x128xf32, #tpu.memory_space<vmem_shared>>
        tpu.wait_dma2 semaphore(%run_scoped3A_68 : memref<!tpu.dma_semaphore, #tpu.memory_space<semaphore_mem>>) src(%dma_wait3A_76 : memref<624x128xf32, #tpu.memory_space<vmem_shared>>) dst(%dma_wait3A_74 : memref<624x128xf32, #tpu.memory_space<hbm>>)
        tpu.yield
      }) : () -> ()
      %eq3A_63 = arith.constant 0 : i32
      %eq3A_64 = arith.cmpi eq, %arg1, %eq3A_63 : i32
      %convert_element_type3A_65 = arith.extui %eq3A_64 : i1 to i32
      %cond3A_66 = arith.constant 0 : i32
      %cond3A_67 = arith.cmpi ne, %convert_element_type3A_65, %cond3A_66 : i32
      scf.if %cond3A_67 {
        %run_scoped3A_68 = arith.constant 2 : i32
        "tpu.region"() ({
          %run_scoped3A_69 = tpu.sem_alloc : memref<!tpu.dma_semaphore, #tpu.memory_space<semaphore_mem>>
          %dma_start3A = arith.constant 9984 : i32
          %dma_start3A_70 = arith.constant 0 : i32
          %dma_start3A_71 = tpu.memref_slice %arg7[%run_scoped3A_68, %dma_start3A, %dma_start3A_70] : memref<4x10000x128xf32, #tpu.memory_space<hbm>> -> memref<1x16x128xf32, #tpu.memory_space<hbm>>
          %dma_start3A_72 = tpu.memref_squeeze %dma_start3A_71 : memref<1x16x128xf32, #tpu.memory_space<hbm>> -> memref<16x128xf32, #tpu.memory_space<hbm>>
          %dma_start3A_73 = arith.constant 9984 : i32
          %dma_start3A_74 = arith.constant 0 : i32
          %dma_start3A_75 = tpu.memref_slice %arg23[%dma_start3A_73, %dma_start3A_74] : memref<10000x128xf32, #tpu.memory_space<vmem_shared>> -> memref<16x128xf32, #tpu.memory_space<vmem_shared>>
          tpu.enqueue_dma source(%dma_start3A_75 : memref<16x128xf32, #tpu.memory_space<vmem_shared>>) target(%dma_start3A_72 : memref<16x128xf32, #tpu.memory_space<hbm>>) target_semaphore(%run_scoped3A_69 : memref<!tpu.dma_semaphore, #tpu.memory_space<semaphore_mem>>)
          %dma_wait3A = arith.constant 9984 : i32
          %dma_wait3A_76 = arith.constant 0 : i32
          %dma_wait3A_77 = tpu.memref_slice %arg7[%run_scoped3A_68, %dma_wait3A, %dma_wait3A_76] : memref<4x10000x128xf32, #tpu.memory_space<hbm>> -> memref<1x16x128xf32, #tpu.memory_space<hbm>>
          %dma_wait3A_78 = tpu.memref_squeeze %dma_wait3A_77 : memref<1x16x128xf32, #tpu.memory_space<hbm>> -> memref<16x128xf32, #tpu.memory_space<hbm>>
          %dma_wait3A_79 = arith.constant 9984 : i32
          %dma_wait3A_80 = arith.constant 0 : i32
          %dma_wait3A_81 = tpu.memref_slice %arg23[%dma_wait3A_79, %dma_wait3A_80] : memref<10000x128xf32, #tpu.memory_space<vmem_shared>> -> memref<16x128xf32, #tpu.memory_space<vmem_shared>>
          tpu.wait_dma2 semaphore(%run_scoped3A_69 : memref<!tpu.dma_semaphore, #tpu.memory_space<semaphore_mem>>) src(%dma_wait3A_81 : memref<16x128xf32, #tpu.memory_space<vmem_shared>>) dst(%dma_wait3A_78 : memref<16x128xf32, #tpu.memory_space<hbm>>)
          tpu.yield
        }) : () -> ()
      } else {
      }
    } else {
    }
    %barrier3A_26 = arith.constant 0 : index
    tpu.barrier barrier_id(%barrier3A_26)
    %mul3A_27 = arith.constant 624 : i32
    %mul3A_28 = arith.muli %arg1, %mul3A_27 : i32
    %mul3A_29 = arith.constant 624 : i32
    %mul3A_30 = arith.muli %arg1, %mul3A_29 : i32
    "tpu.region"() ({
      %run_scoped3A = tpu.sem_alloc : memref<!tpu.dma_semaphore, #tpu.memory_space<semaphore_mem>>
      %dma_start3A = arith.constant 0 : i32
      %dma_start3A_59 = tpu.memref_slice %arg23[%mul3A_30, %dma_start3A] : memref<10000x128xf32, #tpu.memory_space<vmem_shared>> -> memref<624x128xf32, #tpu.memory_space<vmem_shared>>
      %dma_start3A_60 = arith.constant 0 : i32
      %dma_start3A_61 = tpu.memref_slice %arg2[%mul3A_28, %dma_start3A_60] : memref<10000x128xf32, #tpu.memory_space<hbm>> -> memref<624x128xf32, #tpu.memory_space<hbm>>
      tpu.enqueue_dma source(%dma_start3A_61 : memref<624x128xf32, #tpu.memory_space<hbm>>) target(%dma_start3A_59 : memref<624x128xf32, #tpu.memory_space<vmem_shared>>) target_semaphore(%run_scoped3A : memref<!tpu.dma_semaphore, #tpu.memory_space<semaphore_mem>>)
      %dma_wait3A = arith.constant 0 : i32
      %dma_wait3A_62 = tpu.memref_slice %arg23[%mul3A_30, %dma_wait3A] : memref<10000x128xf32, #tpu.memory_space<vmem_shared>> -> memref<624x128xf32, #tpu.memory_space<vmem_shared>>
      %dma_wait3A_63 = arith.constant 0 : i32
      %dma_wait3A_64 = tpu.memref_slice %arg2[%mul3A_28, %dma_wait3A_63] : memref<10000x128xf32, #tpu.memory_space<hbm>> -> memref<624x128xf32, #tpu.memory_space<hbm>>
      tpu.wait_dma2 semaphore(%run_scoped3A : memref<!tpu.dma_semaphore, #tpu.memory_space<semaphore_mem>>) src(%dma_wait3A_64 : memref<624x128xf32, #tpu.memory_space<hbm>>) dst(%dma_wait3A_62 : memref<624x128xf32, #tpu.memory_space<vmem_shared>>)
      tpu.yield
    }) : () -> ()
    %eq3A_31 = arith.constant 0 : i32
    %eq3A_32 = arith.cmpi eq, %arg1, %eq3A_31 : i32
    %convert_element_type3A_33 = arith.extui %eq3A_32 : i1 to i32
    %cond3A_34 = arith.constant 0 : i32
    %cond3A_35 = arith.cmpi ne, %convert_element_type3A_33, %cond3A_34 : i32
    scf.if %cond3A_35 {
      "tpu.region"() ({
        %run_scoped3A = tpu.sem_alloc : memref<!tpu.dma_semaphore, #tpu.memory_space<semaphore_mem>>
        %dma_start3A = arith.constant 9984 : i32
        %dma_start3A_59 = arith.constant 0 : i32
        %dma_start3A_60 = tpu.memref_slice %arg23[%dma_start3A, %dma_start3A_59] : memref<10000x128xf32, #tpu.memory_space<vmem_shared>> -> memref<16x128xf32, #tpu.memory_space<vmem_shared>>
        %dma_start3A_61 = arith.constant 9984 : i32
        %dma_start3A_62 = arith.constant 0 : i32
        %dma_start3A_63 = tpu.memref_slice %arg2[%dma_start3A_61, %dma_start3A_62] : memref<10000x128xf32, #tpu.memory_space<hbm>> -> memref<16x128xf32, #tpu.memory_space<hbm>>
        tpu.enqueue_dma source(%dma_start3A_63 : memref<16x128xf32, #tpu.memory_space<hbm>>) target(%dma_start3A_60 : memref<16x128xf32, #tpu.memory_space<vmem_shared>>) target_semaphore(%run_scoped3A : memref<!tpu.dma_semaphore, #tpu.memory_space<semaphore_mem>>)
        %dma_wait3A = arith.constant 9984 : i32
        %dma_wait3A_64 = arith.constant 0 : i32
        %dma_wait3A_65 = tpu.memref_slice %arg23[%dma_wait3A, %dma_wait3A_64] : memref<10000x128xf32, #tpu.memory_space<vmem_shared>> -> memref<16x128xf32, #tpu.memory_space<vmem_shared>>
        %dma_wait3A_66 = arith.constant 9984 : i32
        %dma_wait3A_67 = arith.constant 0 : i32
        %dma_wait3A_68 = tpu.memref_slice %arg2[%dma_wait3A_66, %dma_wait3A_67] : memref<10000x128xf32, #tpu.memory_space<hbm>> -> memref<16x128xf32, #tpu.memory_space<hbm>>
        tpu.wait_dma2 semaphore(%run_scoped3A : memref<!tpu.dma_semaphore, #tpu.memory_space<semaphore_mem>>) src(%dma_wait3A_68 : memref<16x128xf32, #tpu.memory_space<hbm>>) dst(%dma_wait3A_65 : memref<16x128xf32, #tpu.memory_space<vmem_shared>>)
        tpu.yield
      }) : () -> ()
    } else {
    }
    %barrier3A_36 = arith.constant 0 : index
    tpu.barrier barrier_id(%barrier3A_36)
    %eq3A_37 = arith.constant 0 : i32
    %eq3A_38 = arith.cmpi eq, %arg0, %eq3A_37 : i32
    %convert_element_type3A_39 = arith.extui %eq3A_38 : i1 to i32
    %cond3A_40 = arith.constant 0 : i32
    %cond3A_41 = arith.cmpi ne, %convert_element_type3A_39, %cond3A_40 : i32
    scf.if %cond3A_41 {
      %mul3A_59 = arith.constant 19968 : i32
      %mul3A_60 = arith.muli %arg1, %mul3A_59 : i32
      %add3A = arith.constant 0 : i32
      %add3A_61 = arith.addi %mul3A_60, %add3A : i32
      %dma_start3A = arith.constant 0 : i32
      %dma_start3A_62 = tpu.memref_slice %arg4[%dma_start3A, %add3A_61] : memref<2x320000xi32, #tpu.memory_space<hbm>> -> memref<1x128xi32, #tpu.memory_space<hbm>>
      %dma_start3A_63 = tpu.memref_squeeze %dma_start3A_62 : memref<1x128xi32, #tpu.memory_space<hbm>> -> memref<128xi32, #tpu.memory_space<hbm>>
      %dma_start3A_64 = tpu.memref_slice %arg4[%dma_start3A, %add3A_61] : memref<2x320000xi32, #tpu.memory_space<hbm>> -> memref<1x128xi32, #tpu.memory_space<hbm>>
      %dma_start3A_65 = tpu.memref_squeeze %dma_start3A_64 : memref<1x128xi32, #tpu.memory_space<hbm>> -> memref<128xi32, #tpu.memory_space<hbm>>
      tpu.enqueue_dma source(%dma_start3A_65 : memref<128xi32, #tpu.memory_space<hbm>>) target(%arg8 : memref<128xi32, #tpu.memory_space<vmem>>) target_semaphore(%arg24 : memref<!tpu.dma_semaphore, #tpu.memory_space<semaphore_mem>>)
      %dma_start3A_66 = arith.constant 1 : i32
      %dma_start3A_67 = tpu.memref_slice %arg4[%dma_start3A_66, %add3A_61] : memref<2x320000xi32, #tpu.memory_space<hbm>> -> memref<1x128xi32, #tpu.memory_space<hbm>>
      %dma_start3A_68 = tpu.memref_squeeze %dma_start3A_67 : memref<1x128xi32, #tpu.memory_space<hbm>> -> memref<128xi32, #tpu.memory_space<hbm>>
      %dma_start3A_69 = tpu.memref_slice %arg4[%dma_start3A_66, %add3A_61] : memref<2x320000xi32, #tpu.memory_space<hbm>> -> memref<1x128xi32, #tpu.memory_space<hbm>>
      %dma_start3A_70 = tpu.memref_squeeze %dma_start3A_69 : memref<1x128xi32, #tpu.memory_space<hbm>> -> memref<128xi32, #tpu.memory_space<hbm>>
      tpu.enqueue_dma source(%dma_start3A_70 : memref<128xi32, #tpu.memory_space<hbm>>) target(%arg14 : memref<128xi32, #tpu.memory_space<vmem>>) target_semaphore(%arg24 : memref<!tpu.dma_semaphore, #tpu.memory_space<semaphore_mem>>)
      %add3A_71 = arith.constant 128 : i32
      %add3A_72 = arith.addi %mul3A_60, %add3A_71 : i32
      %dma_start3A_73 = arith.constant 0 : i32
      %dma_start3A_74 = tpu.memref_slice %arg4[%dma_start3A_73, %add3A_72] : memref<2x320000xi32, #tpu.memory_space<hbm>> -> memref<1x128xi32, #tpu.memory_space<hbm>>
      %dma_start3A_75 = tpu.memref_squeeze %dma_start3A_74 : memref<1x128xi32, #tpu.memory_space<hbm>> -> memref<128xi32, #tpu.memory_space<hbm>>
      %dma_start3A_76 = tpu.memref_slice %arg4[%dma_start3A_73, %add3A_72] : memref<2x320000xi32, #tpu.memory_space<hbm>> -> memref<1x128xi32, #tpu.memory_space<hbm>>
      %dma_start3A_77 = tpu.memref_squeeze %dma_start3A_76 : memref<1x128xi32, #tpu.memory_space<hbm>> -> memref<128xi32, #tpu.memory_space<hbm>>
      tpu.enqueue_dma source(%dma_start3A_77 : memref<128xi32, #tpu.memory_space<hbm>>) target(%arg9 : memref<128xi32, #tpu.memory_space<vmem>>) target_semaphore(%arg25 : memref<!tpu.dma_semaphore, #tpu.memory_space<semaphore_mem>>)
      %dma_start3A_78 = arith.constant 1 : i32
      %dma_start3A_79 = tpu.memref_slice %arg4[%dma_start3A_78, %add3A_72] : memref<2x320000xi32, #tpu.memory_space<hbm>> -> memref<1x128xi32, #tpu.memory_space<hbm>>
      %dma_start3A_80 = tpu.memref_squeeze %dma_start3A_79 : memref<1x128xi32, #tpu.memory_space<hbm>> -> memref<128xi32, #tpu.memory_space<hbm>>
      %dma_start3A_81 = tpu.memref_slice %arg4[%dma_start3A_78, %add3A_72] : memref<2x320000xi32, #tpu.memory_space<hbm>> -> memref<1x128xi32, #tpu.memory_space<hbm>>
      %dma_start3A_82 = tpu.memref_squeeze %dma_start3A_81 : memref<1x128xi32, #tpu.memory_space<hbm>> -> memref<128xi32, #tpu.memory_space<hbm>>
      tpu.enqueue_dma source(%dma_start3A_82 : memref<128xi32, #tpu.memory_space<hbm>>) target(%arg15 : memref<128xi32, #tpu.memory_space<vmem>>) target_semaphore(%arg25 : memref<!tpu.dma_semaphore, #tpu.memory_space<semaphore_mem>>)
      %add3A_83 = arith.constant 256 : i32
      %add3A_84 = arith.addi %mul3A_60, %add3A_83 : i32
      %dma_start3A_85 = arith.constant 0 : i32
      %dma_start3A_86 = tpu.memref_slice %arg4[%dma_start3A_85, %add3A_84] : memref<2x320000xi32, #tpu.memory_space<hbm>> -> memref<1x128xi32, #tpu.memory_space<hbm>>
      %dma_start3A_87 = tpu.memref_squeeze %dma_start3A_86 : memref<1x128xi32, #tpu.memory_space<hbm>> -> memref<128xi32, #tpu.memory_space<hbm>>
      %dma_start3A_88 = tpu.memref_slice %arg4[%dma_start3A_85, %add3A_84] : memref<2x320000xi32, #tpu.memory_space<hbm>> -> memref<1x128xi32, #tpu.memory_space<hbm>>
      %dma_start3A_89 = tpu.memref_squeeze %dma_start3A_88 : memref<1x128xi32, #tpu.memory_space<hbm>> -> memref<128xi32, #tpu.memory_space<hbm>>
      tpu.enqueue_dma source(%dma_start3A_89 : memref<128xi32, #tpu.memory_space<hbm>>) target(%arg10 : memref<128xi32, #tpu.memory_space<vmem>>) target_semaphore(%arg26 : memref<!tpu.dma_semaphore, #tpu.memory_space<semaphore_mem>>)
      %dma_start3A_90 = arith.constant 1 : i32
      %dma_start3A_91 = tpu.memref_slice %arg4[%dma_start3A_90, %add3A_84] : memref<2x320000xi32, #tpu.memory_space<hbm>> -> memref<1x128xi32, #tpu.memory_space<hbm>>
      %dma_start3A_92 = tpu.memref_squeeze %dma_start3A_91 : memref<1x128xi32, #tpu.memory_space<hbm>> -> memref<128xi32, #tpu.memory_space<hbm>>
      %dma_start3A_93 = tpu.memref_slice %arg4[%dma_start3A_90, %add3A_84] : memref<2x320000xi32, #tpu.memory_space<hbm>> -> memref<1x128xi32, #tpu.memory_space<hbm>>
      %dma_start3A_94 = tpu.memref_squeeze %dma_start3A_93 : memref<1x128xi32, #tpu.memory_space<hbm>> -> memref<128xi32, #tpu.memory_space<hbm>>
      tpu.enqueue_dma source(%dma_start3A_94 : memref<128xi32, #tpu.memory_space<hbm>>) target(%arg16 : memref<128xi32, #tpu.memory_space<vmem>>) target_semaphore(%arg26 : memref<!tpu.dma_semaphore, #tpu.memory_space<semaphore_mem>>)
      %add3A_95 = arith.constant 384 : i32
      %add3A_96 = arith.addi %mul3A_60, %add3A_95 : i32
      %dma_start3A_97 = arith.constant 0 : i32
      %dma_start3A_98 = tpu.memref_slice %arg4[%dma_start3A_97, %add3A_96] : memref<2x320000xi32, #tpu.memory_space<hbm>> -> memref<1x128xi32, #tpu.memory_space<hbm>>
      %dma_start3A_99 = tpu.memref_squeeze %dma_start3A_98 : memref<1x128xi32, #tpu.memory_space<hbm>> -> memref<128xi32, #tpu.memory_space<hbm>>
      %dma_start3A_100 = tpu.memref_slice %arg4[%dma_start3A_97, %add3A_96] : memref<2x320000xi32, #tpu.memory_space<hbm>> -> memref<1x128xi32, #tpu.memory_space<hbm>>
      %dma_start3A_101 = tpu.memref_squeeze %dma_start3A_100 : memref<1x128xi32, #tpu.memory_space<hbm>> -> memref<128xi32, #tpu.memory_space<hbm>>
      tpu.enqueue_dma source(%dma_start3A_101 : memref<128xi32, #tpu.memory_space<hbm>>) target(%arg11 : memref<128xi32, #tpu.memory_space<vmem>>) target_semaphore(%arg27 : memref<!tpu.dma_semaphore, #tpu.memory_space<semaphore_mem>>)
      %dma_start3A_102 = arith.constant 1 : i32
      %dma_start3A_103 = tpu.memref_slice %arg4[%dma_start3A_102, %add3A_96] : memref<2x320000xi32, #tpu.memory_space<hbm>> -> memref<1x128xi32, #tpu.memory_space<hbm>>
      %dma_start3A_104 = tpu.memref_squeeze %dma_start3A_103 : memref<1x128xi32, #tpu.memory_space<hbm>> -> memref<128xi32, #tpu.memory_space<hbm>>
      %dma_start3A_105 = tpu.memref_slice %arg4[%dma_start3A_102, %add3A_96] : memref<2x320000xi32, #tpu.memory_space<hbm>> -> memref<1x128xi32, #tpu.memory_space<hbm>>
      %dma_start3A_106 = tpu.memref_squeeze %dma_start3A_105 : memref<1x128xi32, #tpu.memory_space<hbm>> -> memref<128xi32, #tpu.memory_space<hbm>>
      tpu.enqueue_dma source(%dma_start3A_106 : memref<128xi32, #tpu.memory_space<hbm>>) target(%arg17 : memref<128xi32, #tpu.memory_space<vmem>>) target_semaphore(%arg27 : memref<!tpu.dma_semaphore, #tpu.memory_space<semaphore_mem>>)
      %dma_wait3A = arith.constant 0 : i32
      %dma_wait3A_107 = arith.constant 0 : i32
      %dma_wait3A_108 = tpu.memref_slice %arg4[%dma_wait3A, %dma_wait3A_107] : memref<2x320000xi32, #tpu.memory_space<hbm>> -> memref<1x128xi32, #tpu.memory_space<hbm>>
      %dma_wait3A_109 = tpu.memref_squeeze %dma_wait3A_108 : memref<1x128xi32, #tpu.memory_space<hbm>> -> memref<128xi32, #tpu.memory_space<hbm>>
      %dma_wait3A_110 = arith.constant 0 : i32
      %dma_wait3A_111 = tpu.memref_slice %arg4[%dma_wait3A, %dma_wait3A_110] : memref<2x320000xi32, #tpu.memory_space<hbm>> -> memref<1x128xi32, #tpu.memory_space<hbm>>
      %dma_wait3A_112 = tpu.memref_squeeze %dma_wait3A_111 : memref<1x128xi32, #tpu.memory_space<hbm>> -> memref<128xi32, #tpu.memory_space<hbm>>
      tpu.wait_dma2 semaphore(%arg24 : memref<!tpu.dma_semaphore, #tpu.memory_space<semaphore_mem>>) src(%dma_wait3A_112 : memref<128xi32, #tpu.memory_space<hbm>>) dst(%arg8 : memref<128xi32, #tpu.memory_space<vmem>>)
      %dma_wait3A_113 = arith.constant 1 : i32
      %dma_wait3A_114 = arith.constant 0 : i32
      %dma_wait3A_115 = tpu.memref_slice %arg4[%dma_wait3A_113, %dma_wait3A_114] : memref<2x320000xi32, #tpu.memory_space<hbm>> -> memref<1x128xi32, #tpu.memory_space<hbm>>
      %dma_wait3A_116 = tpu.memref_squeeze %dma_wait3A_115 : memref<1x128xi32, #tpu.memory_space<hbm>> -> memref<128xi32, #tpu.memory_space<hbm>>
      %dma_wait3A_117 = arith.constant 0 : i32
      %dma_wait3A_118 = tpu.memref_slice %arg4[%dma_wait3A_113, %dma_wait3A_117] : memref<2x320000xi32, #tpu.memory_space<hbm>> -> memref<1x128xi32, #tpu.memory_space<hbm>>
      %dma_wait3A_119 = tpu.memref_squeeze %dma_wait3A_118 : memref<1x128xi32, #tpu.memory_space<hbm>> -> memref<128xi32, #tpu.memory_space<hbm>>
      tpu.wait_dma2 semaphore(%arg24 : memref<!tpu.dma_semaphore, #tpu.memory_space<semaphore_mem>>) src(%dma_wait3A_119 : memref<128xi32, #tpu.memory_space<hbm>>) dst(%arg14 : memref<128xi32, #tpu.memory_space<vmem>>)
      %dma_start3A_120 = arith.constant 0 : i32
      %dma_start3A_121 = arith.constant 0 : i32
      %dma_start3A_122 = tpu.memref_slice %arg2[%dma_start3A_120, %dma_start3A_121] : memref<10000x128xf32, #tpu.memory_space<hbm>> -> memref<10000x128xf32, #tpu.memory_space<hbm>>
      tpu.enqueue_indirect_dma source(%dma_start3A_122 : memref<10000x128xf32, #tpu.memory_space<hbm>>) target(%arg20 : memref<128x128xf32, #tpu.memory_space<vmem>>) offsets(%arg8 : memref<128xi32, #tpu.memory_space<vmem>>) semaphore(%arg30 : memref<!tpu.dma_semaphore, #tpu.memory_space<semaphore_mem>>)
      %dma_wait3A_123 = arith.constant 0 : i32
      %dma_wait3A_124 = arith.constant 0 : i32
      %dma_wait3A_125 = tpu.memref_slice %arg4[%dma_wait3A_123, %dma_wait3A_124] : memref<2x320000xi32, #tpu.memory_space<hbm>> -> memref<1x128xi32, #tpu.memory_space<hbm>>
      %dma_wait3A_126 = tpu.memref_squeeze %dma_wait3A_125 : memref<1x128xi32, #tpu.memory_space<hbm>> -> memref<128xi32, #tpu.memory_space<hbm>>
      %dma_wait3A_127 = arith.constant 0 : i32
      %dma_wait3A_128 = tpu.memref_slice %arg4[%dma_wait3A_123, %dma_wait3A_127] : memref<2x320000xi32, #tpu.memory_space<hbm>> -> memref<1x128xi32, #tpu.memory_space<hbm>>
      %dma_wait3A_129 = tpu.memref_squeeze %dma_wait3A_128 : memref<1x128xi32, #tpu.memory_space<hbm>> -> memref<128xi32, #tpu.memory_space<hbm>>
      tpu.wait_dma2 semaphore(%arg25 : memref<!tpu.dma_semaphore, #tpu.memory_space<semaphore_mem>>) src(%dma_wait3A_129 : memref<128xi32, #tpu.memory_space<hbm>>) dst(%arg9 : memref<128xi32, #tpu.memory_space<vmem>>)
      %dma_wait3A_130 = arith.constant 1 : i32
      %dma_wait3A_131 = arith.constant 0 : i32
      %dma_wait3A_132 = tpu.memref_slice %arg4[%dma_wait3A_130, %dma_wait3A_131] : memref<2x320000xi32, #tpu.memory_space<hbm>> -> memref<1x128xi32, #tpu.memory_space<hbm>>
      %dma_wait3A_133 = tpu.memref_squeeze %dma_wait3A_132 : memref<1x128xi32, #tpu.memory_space<hbm>> -> memref<128xi32, #tpu.memory_space<hbm>>
      %dma_wait3A_134 = arith.constant 0 : i32
      %dma_wait3A_135 = tpu.memref_slice %arg4[%dma_wait3A_130, %dma_wait3A_134] : memref<2x320000xi32, #tpu.memory_space<hbm>> -> memref<1x128xi32, #tpu.memory_space<hbm>>
      %dma_wait3A_136 = tpu.memref_squeeze %dma_wait3A_135 : memref<1x128xi32, #tpu.memory_space<hbm>> -> memref<128xi32, #tpu.memory_space<hbm>>
      tpu.wait_dma2 semaphore(%arg25 : memref<!tpu.dma_semaphore, #tpu.memory_space<semaphore_mem>>) src(%dma_wait3A_136 : memref<128xi32, #tpu.memory_space<hbm>>) dst(%arg15 : memref<128xi32, #tpu.memory_space<vmem>>)
      %dma_start3A_137 = arith.constant 0 : i32
      %dma_start3A_138 = arith.constant 0 : i32
      %dma_start3A_139 = tpu.memref_slice %arg2[%dma_start3A_137, %dma_start3A_138] : memref<10000x128xf32, #tpu.memory_space<hbm>> -> memref<10000x128xf32, #tpu.memory_space<hbm>>
      tpu.enqueue_indirect_dma source(%dma_start3A_139 : memref<10000x128xf32, #tpu.memory_space<hbm>>) target(%arg21 : memref<128x128xf32, #tpu.memory_space<vmem>>) offsets(%arg9 : memref<128xi32, #tpu.memory_space<vmem>>) semaphore(%arg31 : memref<!tpu.dma_semaphore, #tpu.memory_space<semaphore_mem>>)
      %scan3A = arith.constant 0 : i32
      %scan3A_140 = arith.constant 26 : i32
      %scan3A_141 = arith.addi %scan3A, %scan3A_140 : i32
      %scan3A_142 = arith.constant 1 : i32
      scf.for %scan3A_151 = %scan3A to %scan3A_141 step %scan3A_142  : i32 {
        %mul3A_152 = arith.constant 6 : i32
        %mul3A_153 = arith.muli %scan3A_151, %mul3A_152 : i32
        %add3A_154 = arith.constant 0 : i32
        %add3A_155 = arith.addi %mul3A_153, %add3A_154 : i32
        %dma_wait3A_156 = arith.constant 0 : i32
        %dma_wait3A_157 = arith.constant 0 : i32
        %dma_wait3A_158 = tpu.memref_slice %arg2[%dma_wait3A_156, %dma_wait3A_157] : memref<10000x128xf32, #tpu.memory_space<hbm>> -> memref<10000x128xf32, #tpu.memory_space<hbm>>
        tpu.wait_indirect_dma semaphore(%arg30 : memref<!tpu.dma_semaphore, #tpu.memory_space<semaphore_mem>>) src(%dma_wait3A_158 : memref<10000x128xf32, #tpu.memory_space<hbm>>) dst(%arg20 : memref<128x128xf32, #tpu.memory_space<vmem>>)
        %ge3A = arith.constant 1 : i32
        %ge3A_159 = arith.cmpi sge, %add3A_155, %ge3A : i32
        %convert_element_type3A_160 = arith.extui %ge3A_159 : i1 to i32
        %cond3A_161 = arith.constant 0 : i32
        %cond3A_162 = arith.cmpi ne, %convert_element_type3A_160, %cond3A_161 : i32
        scf.if %cond3A_162 {
          %dma_wait3A_325 = arith.constant 0 : i32
          %dma_wait3A_326 = arith.constant 0 : i32
          %dma_wait3A_327 = tpu.memref_slice %arg23[%dma_wait3A_325, %dma_wait3A_326] : memref<10000x128xf32, #tpu.memory_space<vmem_shared>> -> memref<10000x128xf32, #tpu.memory_space<vmem_shared>>
          tpu.wait_indirect_dma semaphore(%arg35 : memref<!tpu.dma_semaphore, #tpu.memory_space<semaphore_mem>>) src(%arg22 : memref<128x128xf32, #tpu.memory_space<vmem>>) dst(%dma_wait3A_327 : memref<10000x128xf32, #tpu.memory_space<vmem_shared>>)
        } else {
        }
        %add3A_163 = arith.constant 4 : i32
        %add3A_164 = arith.addi %add3A_155, %add3A_163 : i32
        %lt3A_165 = arith.constant 156 : i32
        %lt3A_166 = arith.cmpi slt, %add3A_164, %lt3A_165 : i32
        %convert_element_type3A_167 = arith.extui %lt3A_166 : i1 to i32
        %cond3A_168 = arith.constant 0 : i32
        %cond3A_169 = arith.cmpi ne, %convert_element_type3A_167, %cond3A_168 : i32
        scf.if %cond3A_169 {
          %add3A_325 = arith.constant 4 : i32
          %add3A_326 = arith.addi %add3A_155, %add3A_325 : i32
          %mul3A_327 = arith.constant 128 : i32
          %mul3A_328 = arith.muli %add3A_326, %mul3A_327 : i32
          %add3A_329 = arith.addi %mul3A_60, %mul3A_328 : i32
          %dma_start3A_330 = arith.constant 0 : i32
          %dma_start3A_331 = tpu.memref_slice %arg4[%dma_start3A_330, %add3A_329] : memref<2x320000xi32, #tpu.memory_space<hbm>> -> memref<1x128xi32, #tpu.memory_space<hbm>>
          %dma_start3A_332 = tpu.memref_squeeze %dma_start3A_331 : memref<1x128xi32, #tpu.memory_space<hbm>> -> memref<128xi32, #tpu.memory_space<hbm>>
          %dma_start3A_333 = tpu.memref_slice %arg4[%dma_start3A_330, %add3A_329] : memref<2x320000xi32, #tpu.memory_space<hbm>> -> memref<1x128xi32, #tpu.memory_space<hbm>>
          %dma_start3A_334 = tpu.memref_squeeze %dma_start3A_333 : memref<1x128xi32, #tpu.memory_space<hbm>> -> memref<128xi32, #tpu.memory_space<hbm>>
          tpu.enqueue_dma source(%dma_start3A_334 : memref<128xi32, #tpu.memory_space<hbm>>) target(%arg12 : memref<128xi32, #tpu.memory_space<vmem>>) target_semaphore(%arg28 : memref<!tpu.dma_semaphore, #tpu.memory_space<semaphore_mem>>)
          %dma_start3A_335 = arith.constant 1 : i32
          %dma_start3A_336 = tpu.memref_slice %arg4[%dma_start3A_335, %add3A_329] : memref<2x320000xi32, #tpu.memory_space<hbm>> -> memref<1x128xi32, #tpu.memory_space<hbm>>
          %dma_start3A_337 = tpu.memref_squeeze %dma_start3A_336 : memref<1x128xi32, #tpu.memory_space<hbm>> -> memref<128xi32, #tpu.memory_space<hbm>>
          %dma_start3A_338 = tpu.memref_slice %arg4[%dma_start3A_335, %add3A_329] : memref<2x320000xi32, #tpu.memory_space<hbm>> -> memref<1x128xi32, #tpu.memory_space<hbm>>
          %dma_start3A_339 = tpu.memref_squeeze %dma_start3A_338 : memref<1x128xi32, #tpu.memory_space<hbm>> -> memref<128xi32, #tpu.memory_space<hbm>>
          tpu.enqueue_dma source(%dma_start3A_339 : memref<128xi32, #tpu.memory_space<hbm>>) target(%arg18 : memref<128xi32, #tpu.memory_space<vmem>>) target_semaphore(%arg28 : memref<!tpu.dma_semaphore, #tpu.memory_space<semaphore_mem>>)
        } else {
        }
        %add3A_170 = arith.constant 2 : i32
        %add3A_171 = arith.addi %add3A_155, %add3A_170 : i32
        %lt3A_172 = arith.constant 156 : i32
        %lt3A_173 = arith.cmpi slt, %add3A_171, %lt3A_172 : i32
        %convert_element_type3A_174 = arith.extui %lt3A_173 : i1 to i32
        %cond3A_175 = arith.constant 0 : i32
        %cond3A_176 = arith.cmpi ne, %convert_element_type3A_174, %cond3A_175 : i32
        scf.if %cond3A_176 {
          %dma_wait3A_325 = arith.constant 0 : i32
          %dma_wait3A_326 = arith.constant 0 : i32
          %dma_wait3A_327 = tpu.memref_slice %arg4[%dma_wait3A_325, %dma_wait3A_326] : memref<2x320000xi32, #tpu.memory_space<hbm>> -> memref<1x128xi32, #tpu.memory_space<hbm>>
          %dma_wait3A_328 = tpu.memref_squeeze %dma_wait3A_327 : memref<1x128xi32, #tpu.memory_space<hbm>> -> memref<128xi32, #tpu.memory_space<hbm>>
          %dma_wait3A_329 = arith.constant 0 : i32
          %dma_wait3A_330 = tpu.memref_slice %arg4[%dma_wait3A_325, %dma_wait3A_329] : memref<2x320000xi32, #tpu.memory_space<hbm>> -> memref<1x128xi32, #tpu.memory_space<hbm>>
          %dma_wait3A_331 = tpu.memref_squeeze %dma_wait3A_330 : memref<1x128xi32, #tpu.memory_space<hbm>> -> memref<128xi32, #tpu.memory_space<hbm>>
          tpu.wait_dma2 semaphore(%arg26 : memref<!tpu.dma_semaphore, #tpu.memory_space<semaphore_mem>>) src(%dma_wait3A_331 : memref<128xi32, #tpu.memory_space<hbm>>) dst(%arg10 : memref<128xi32, #tpu.memory_space<vmem>>)
          %dma_wait3A_332 = arith.constant 1 : i32
          %dma_wait3A_333 = arith.constant 0 : i32
          %dma_wait3A_334 = tpu.memref_slice %arg4[%dma_wait3A_332, %dma_wait3A_333] : memref<2x320000xi32, #tpu.memory_space<hbm>> -> memref<1x128xi32, #tpu.memory_space<hbm>>
          %dma_wait3A_335 = tpu.memref_squeeze %dma_wait3A_334 : memref<1x128xi32, #tpu.memory_space<hbm>> -> memref<128xi32, #tpu.memory_space<hbm>>
          %dma_wait3A_336 = arith.constant 0 : i32
          %dma_wait3A_337 = tpu.memref_slice %arg4[%dma_wait3A_332, %dma_wait3A_336] : memref<2x320000xi32, #tpu.memory_space<hbm>> -> memref<1x128xi32, #tpu.memory_space<hbm>>
          %dma_wait3A_338 = tpu.memref_squeeze %dma_wait3A_337 : memref<1x128xi32, #tpu.memory_space<hbm>> -> memref<128xi32, #tpu.memory_space<hbm>>
          tpu.wait_dma2 semaphore(%arg26 : memref<!tpu.dma_semaphore, #tpu.memory_space<semaphore_mem>>) src(%dma_wait3A_338 : memref<128xi32, #tpu.memory_space<hbm>>) dst(%arg16 : memref<128xi32, #tpu.memory_space<vmem>>)
          %dma_start3A_339 = arith.constant 0 : i32
          %dma_start3A_340 = arith.constant 0 : i32
          %dma_start3A_341 = tpu.memref_slice %arg2[%dma_start3A_339, %dma_start3A_340] : memref<10000x128xf32, #tpu.memory_space<hbm>> -> memref<10000x128xf32, #tpu.memory_space<hbm>>
          tpu.enqueue_indirect_dma source(%dma_start3A_341 : memref<10000x128xf32, #tpu.memory_space<hbm>>) target(%arg22 : memref<128x128xf32, #tpu.memory_space<vmem>>) offsets(%arg10 : memref<128xi32, #tpu.memory_space<vmem>>) semaphore(%arg32 : memref<!tpu.dma_semaphore, #tpu.memory_space<semaphore_mem>>)
        } else {
        }
        %dma_start3A_177 = arith.constant 0 : i32
        %dma_start3A_178 = arith.constant 0 : i32
        %dma_start3A_179 = tpu.memref_slice %arg23[%dma_start3A_177, %dma_start3A_178] : memref<10000x128xf32, #tpu.memory_space<vmem_shared>> -> memref<10000x128xf32, #tpu.memory_space<vmem_shared>>
        tpu.enqueue_indirect_dma source(%arg20 : memref<128x128xf32, #tpu.memory_space<vmem>>) target(%dma_start3A_179 : memref<10000x128xf32, #tpu.memory_space<vmem_shared>>) offsets(%arg14 : memref<128xi32, #tpu.memory_space<vmem>>) semaphore(%arg33 : memref<!tpu.dma_semaphore, #tpu.memory_space<semaphore_mem>>) {add = true}
        %mul3A_180 = arith.constant 6 : i32
        %mul3A_181 = arith.muli %scan3A_151, %mul3A_180 : i32
        %add3A_182 = arith.constant 1 : i32
        %add3A_183 = arith.addi %mul3A_181, %add3A_182 : i32
        %dma_wait3A_184 = arith.constant 0 : i32
        %dma_wait3A_185 = arith.constant 0 : i32
        %dma_wait3A_186 = tpu.memref_slice %arg2[%dma_wait3A_184, %dma_wait3A_185] : memref<10000x128xf32, #tpu.memory_space<hbm>> -> memref<10000x128xf32, #tpu.memory_space<hbm>>
        tpu.wait_indirect_dma semaphore(%arg31 : memref<!tpu.dma_semaphore, #tpu.memory_space<semaphore_mem>>) src(%dma_wait3A_186 : memref<10000x128xf32, #tpu.memory_space<hbm>>) dst(%arg21 : memref<128x128xf32, #tpu.memory_space<vmem>>)
        %ge3A_187 = arith.constant 1 : i32
        %ge3A_188 = arith.cmpi sge, %add3A_183, %ge3A_187 : i32
        %convert_element_type3A_189 = arith.extui %ge3A_188 : i1 to i32
        %cond3A_190 = arith.constant 0 : i32
        %cond3A_191 = arith.cmpi ne, %convert_element_type3A_189, %cond3A_190 : i32
        scf.if %cond3A_191 {
          %dma_wait3A_325 = arith.constant 0 : i32
          %dma_wait3A_326 = arith.constant 0 : i32
          %dma_wait3A_327 = tpu.memref_slice %arg23[%dma_wait3A_325, %dma_wait3A_326] : memref<10000x128xf32, #tpu.memory_space<vmem_shared>> -> memref<10000x128xf32, #tpu.memory_space<vmem_shared>>
          tpu.wait_indirect_dma semaphore(%arg33 : memref<!tpu.dma_semaphore, #tpu.memory_space<semaphore_mem>>) src(%arg20 : memref<128x128xf32, #tpu.memory_space<vmem>>) dst(%dma_wait3A_327 : memref<10000x128xf32, #tpu.memory_space<vmem_shared>>)
        } else {
        }
        %add3A_192 = arith.constant 4 : i32
        %add3A_193 = arith.addi %add3A_183, %add3A_192 : i32
        %lt3A_194 = arith.constant 156 : i32
        %lt3A_195 = arith.cmpi slt, %add3A_193, %lt3A_194 : i32
        %convert_element_type3A_196 = arith.extui %lt3A_195 : i1 to i32
        %cond3A_197 = arith.constant 0 : i32
        %cond3A_198 = arith.cmpi ne, %convert_element_type3A_196, %cond3A_197 : i32
        scf.if %cond3A_198 {
          %add3A_325 = arith.constant 4 : i32
          %add3A_326 = arith.addi %add3A_183, %add3A_325 : i32
          %mul3A_327 = arith.constant 128 : i32
          %mul3A_328 = arith.muli %add3A_326, %mul3A_327 : i32
          %add3A_329 = arith.addi %mul3A_60, %mul3A_328 : i32
          %dma_start3A_330 = arith.constant 0 : i32
          %dma_start3A_331 = tpu.memref_slice %arg4[%dma_start3A_330, %add3A_329] : memref<2x320000xi32, #tpu.memory_space<hbm>> -> memref<1x128xi32, #tpu.memory_space<hbm>>
          %dma_start3A_332 = tpu.memref_squeeze %dma_start3A_331 : memref<1x128xi32, #tpu.memory_space<hbm>> -> memref<128xi32, #tpu.memory_space<hbm>>
          %dma_start3A_333 = tpu.memref_slice %arg4[%dma_start3A_330, %add3A_329] : memref<2x320000xi32, #tpu.memory_space<hbm>> -> memref<1x128xi32, #tpu.memory_space<hbm>>
          %dma_start3A_334 = tpu.memref_squeeze %dma_start3A_333 : memref<1x128xi32, #tpu.memory_space<hbm>> -> memref<128xi32, #tpu.memory_space<hbm>>
          tpu.enqueue_dma source(%dma_start3A_334 : memref<128xi32, #tpu.memory_space<hbm>>) target(%arg13 : memref<128xi32, #tpu.memory_space<vmem>>) target_semaphore(%arg29 : memref<!tpu.dma_semaphore, #tpu.memory_space<semaphore_mem>>)
          %dma_start3A_335 = arith.constant 1 : i32
          %dma_start3A_336 = tpu.memref_slice %arg4[%dma_start3A_335, %add3A_329] : memref<2x320000xi32, #tpu.memory_space<hbm>> -> memref<1x128xi32, #tpu.memory_space<hbm>>
          %dma_start3A_337 = tpu.memref_squeeze %dma_start3A_336 : memref<1x128xi32, #tpu.memory_space<hbm>> -> memref<128xi32, #tpu.memory_space<hbm>>
          %dma_start3A_338 = tpu.memref_slice %arg4[%dma_start3A_335, %add3A_329] : memref<2x320000xi32, #tpu.memory_space<hbm>> -> memref<1x128xi32, #tpu.memory_space<hbm>>
          %dma_start3A_339 = tpu.memref_squeeze %dma_start3A_338 : memref<1x128xi32, #tpu.memory_space<hbm>> -> memref<128xi32, #tpu.memory_space<hbm>>
          tpu.enqueue_dma source(%dma_start3A_339 : memref<128xi32, #tpu.memory_space<hbm>>) target(%arg19 : memref<128xi32, #tpu.memory_space<vmem>>) target_semaphore(%arg29 : memref<!tpu.dma_semaphore, #tpu.memory_space<semaphore_mem>>)
        } else {
        }
        %add3A_199 = arith.constant 2 : i32
        %add3A_200 = arith.addi %add3A_183, %add3A_199 : i32
        %lt3A_201 = arith.constant 156 : i32
        %lt3A_202 = arith.cmpi slt, %add3A_200, %lt3A_201 : i32
        %convert_element_type3A_203 = arith.extui %lt3A_202 : i1 to i32
        %cond3A_204 = arith.constant 0 : i32
        %cond3A_205 = arith.cmpi ne, %convert_element_type3A_203, %cond3A_204 : i32
        scf.if %cond3A_205 {
          %dma_wait3A_325 = arith.constant 0 : i32
          %dma_wait3A_326 = arith.constant 0 : i32
          %dma_wait3A_327 = tpu.memref_slice %arg4[%dma_wait3A_325, %dma_wait3A_326] : memref<2x320000xi32, #tpu.memory_space<hbm>> -> memref<1x128xi32, #tpu.memory_space<hbm>>
          %dma_wait3A_328 = tpu.memref_squeeze %dma_wait3A_327 : memref<1x128xi32, #tpu.memory_space<hbm>> -> memref<128xi32, #tpu.memory_space<hbm>>
          %dma_wait3A_329 = arith.constant 0 : i32
          %dma_wait3A_330 = tpu.memref_slice %arg4[%dma_wait3A_325, %dma_wait3A_329] : memref<2x320000xi32, #tpu.memory_space<hbm>> -> memref<1x128xi32, #tpu.memory_space<hbm>>
          %dma_wait3A_331 = tpu.memref_squeeze %dma_wait3A_330 : memref<1x128xi32, #tpu.memory_space<hbm>> -> memref<128xi32, #tpu.memory_space<hbm>>
          tpu.wait_dma2 semaphore(%arg27 : memref<!tpu.dma_semaphore, #tpu.memory_space<semaphore_mem>>) src(%dma_wait3A_331 : memref<128xi32, #tpu.memory_space<hbm>>) dst(%arg11 : memref<128xi32, #tpu.memory_space<vmem>>)
          %dma_wait3A_332 = arith.constant 1 : i32
          %dma_wait3A_333 = arith.constant 0 : i32
          %dma_wait3A_334 = tpu.memref_slice %arg4[%dma_wait3A_332, %dma_wait3A_333] : memref<2x320000xi32, #tpu.memory_space<hbm>> -> memref<1x128xi32, #tpu.memory_space<hbm>>
          %dma_wait3A_335 = tpu.memref_squeeze %dma_wait3A_334 : memref<1x128xi32, #tpu.memory_space<hbm>> -> memref<128xi32, #tpu.memory_space<hbm>>
          %dma_wait3A_336 = arith.constant 0 : i32
          %dma_wait3A_337 = tpu.memref_slice %arg4[%dma_wait3A_332, %dma_wait3A_336] : memref<2x320000xi32, #tpu.memory_space<hbm>> -> memref<1x128xi32, #tpu.memory_space<hbm>>
          %dma_wait3A_338 = tpu.memref_squeeze %dma_wait3A_337 : memref<1x128xi32, #tpu.memory_space<hbm>> -> memref<128xi32, #tpu.memory_space<hbm>>
          tpu.wait_dma2 semaphore(%arg27 : memref<!tpu.dma_semaphore, #tpu.memory_space<semaphore_mem>>) src(%dma_wait3A_338 : memref<128xi32, #tpu.memory_space<hbm>>) dst(%arg17 : memref<128xi32, #tpu.memory_space<vmem>>)
          %dma_start3A_339 = arith.constant 0 : i32
          %dma_start3A_340 = arith.constant 0 : i32
          %dma_start3A_341 = tpu.memref_slice %arg2[%dma_start3A_339, %dma_start3A_340] : memref<10000x128xf32, #tpu.memory_space<hbm>> -> memref<10000x128xf32, #tpu.memory_space<hbm>>
          tpu.enqueue_indirect_dma source(%dma_start3A_341 : memref<10000x128xf32, #tpu.memory_space<hbm>>) target(%arg20 : memref<128x128xf32, #tpu.memory_space<vmem>>) offsets(%arg11 : memref<128xi32, #tpu.memory_space<vmem>>) semaphore(%arg30 : memref<!tpu.dma_semaphore, #tpu.memory_space<semaphore_mem>>)
        } else {
        }
        %dma_start3A_206 = arith.constant 0 : i32
        %dma_start3A_207 = arith.constant 0 : i32
        %dma_start3A_208 = tpu.memref_slice %arg23[%dma_start3A_206, %dma_start3A_207] : memref<10000x128xf32, #tpu.memory_space<vmem_shared>> -> memref<10000x128xf32, #tpu.memory_space<vmem_shared>>
        tpu.enqueue_indirect_dma source(%arg21 : memref<128x128xf32, #tpu.memory_space<vmem>>) target(%dma_start3A_208 : memref<10000x128xf32, #tpu.memory_space<vmem_shared>>) offsets(%arg15 : memref<128xi32, #tpu.memory_space<vmem>>) semaphore(%arg34 : memref<!tpu.dma_semaphore, #tpu.memory_space<semaphore_mem>>) {add = true}
        %mul3A_209 = arith.constant 6 : i32
        %mul3A_210 = arith.muli %scan3A_151, %mul3A_209 : i32
        %add3A_211 = arith.constant 2 : i32
        %add3A_212 = arith.addi %mul3A_210, %add3A_211 : i32
        %dma_wait3A_213 = arith.constant 0 : i32
        %dma_wait3A_214 = arith.constant 0 : i32
        %dma_wait3A_215 = tpu.memref_slice %arg2[%dma_wait3A_213, %dma_wait3A_214] : memref<10000x128xf32, #tpu.memory_space<hbm>> -> memref<10000x128xf32, #tpu.memory_space<hbm>>
        tpu.wait_indirect_dma semaphore(%arg32 : memref<!tpu.dma_semaphore, #tpu.memory_space<semaphore_mem>>) src(%dma_wait3A_215 : memref<10000x128xf32, #tpu.memory_space<hbm>>) dst(%arg22 : memref<128x128xf32, #tpu.memory_space<vmem>>)
        %ge3A_216 = arith.constant 1 : i32
        %ge3A_217 = arith.cmpi sge, %add3A_212, %ge3A_216 : i32
        %convert_element_type3A_218 = arith.extui %ge3A_217 : i1 to i32
        %cond3A_219 = arith.constant 0 : i32
        %cond3A_220 = arith.cmpi ne, %convert_element_type3A_218, %cond3A_219 : i32
        scf.if %cond3A_220 {
          %dma_wait3A_325 = arith.constant 0 : i32
          %dma_wait3A_326 = arith.constant 0 : i32
          %dma_wait3A_327 = tpu.memref_slice %arg23[%dma_wait3A_325, %dma_wait3A_326] : memref<10000x128xf32, #tpu.memory_space<vmem_shared>> -> memref<10000x128xf32, #tpu.memory_space<vmem_shared>>
          tpu.wait_indirect_dma semaphore(%arg34 : memref<!tpu.dma_semaphore, #tpu.memory_space<semaphore_mem>>) src(%arg21 : memref<128x128xf32, #tpu.memory_space<vmem>>) dst(%dma_wait3A_327 : memref<10000x128xf32, #tpu.memory_space<vmem_shared>>)
        } else {
        }
        %add3A_221 = arith.constant 4 : i32
        %add3A_222 = arith.addi %add3A_212, %add3A_221 : i32
        %lt3A_223 = arith.constant 156 : i32
        %lt3A_224 = arith.cmpi slt, %add3A_222, %lt3A_223 : i32
        %convert_element_type3A_225 = arith.extui %lt3A_224 : i1 to i32
        %cond3A_226 = arith.constant 0 : i32
        %cond3A_227 = arith.cmpi ne, %convert_element_type3A_225, %cond3A_226 : i32
        scf.if %cond3A_227 {
          %add3A_325 = arith.constant 4 : i32
          %add3A_326 = arith.addi %add3A_212, %add3A_325 : i32
          %mul3A_327 = arith.constant 128 : i32
          %mul3A_328 = arith.muli %add3A_326, %mul3A_327 : i32
          %add3A_329 = arith.addi %mul3A_60, %mul3A_328 : i32
          %dma_start3A_330 = arith.constant 0 : i32
          %dma_start3A_331 = tpu.memref_slice %arg4[%dma_start3A_330, %add3A_329] : memref<2x320000xi32, #tpu.memory_space<hbm>> -> memref<1x128xi32, #tpu.memory_space<hbm>>
          %dma_start3A_332 = tpu.memref_squeeze %dma_start3A_331 : memref<1x128xi32, #tpu.memory_space<hbm>> -> memref<128xi32, #tpu.memory_space<hbm>>
          %dma_start3A_333 = tpu.memref_slice %arg4[%dma_start3A_330, %add3A_329] : memref<2x320000xi32, #tpu.memory_space<hbm>> -> memref<1x128xi32, #tpu.memory_space<hbm>>
          %dma_start3A_334 = tpu.memref_squeeze %dma_start3A_333 : memref<1x128xi32, #tpu.memory_space<hbm>> -> memref<128xi32, #tpu.memory_space<hbm>>
          tpu.enqueue_dma source(%dma_start3A_334 : memref<128xi32, #tpu.memory_space<hbm>>) target(%arg8 : memref<128xi32, #tpu.memory_space<vmem>>) target_semaphore(%arg24 : memref<!tpu.dma_semaphore, #tpu.memory_space<semaphore_mem>>)
          %dma_start3A_335 = arith.constant 1 : i32
          %dma_start3A_336 = tpu.memref_slice %arg4[%dma_start3A_335, %add3A_329] : memref<2x320000xi32, #tpu.memory_space<hbm>> -> memref<1x128xi32, #tpu.memory_space<hbm>>
          %dma_start3A_337 = tpu.memref_squeeze %dma_start3A_336 : memref<1x128xi32, #tpu.memory_space<hbm>> -> memref<128xi32, #tpu.memory_space<hbm>>
          %dma_start3A_338 = tpu.memref_slice %arg4[%dma_start3A_335, %add3A_329] : memref<2x320000xi32, #tpu.memory_space<hbm>> -> memref<1x128xi32, #tpu.memory_space<hbm>>
          %dma_start3A_339 = tpu.memref_squeeze %dma_start3A_338 : memref<1x128xi32, #tpu.memory_space<hbm>> -> memref<128xi32, #tpu.memory_space<hbm>>
          tpu.enqueue_dma source(%dma_start3A_339 : memref<128xi32, #tpu.memory_space<hbm>>) target(%arg14 : memref<128xi32, #tpu.memory_space<vmem>>) target_semaphore(%arg24 : memref<!tpu.dma_semaphore, #tpu.memory_space<semaphore_mem>>)
        } else {
        }
        %add3A_228 = arith.constant 2 : i32
        %add3A_229 = arith.addi %add3A_212, %add3A_228 : i32
        %lt3A_230 = arith.constant 156 : i32
        %lt3A_231 = arith.cmpi slt, %add3A_229, %lt3A_230 : i32
        %convert_element_type3A_232 = arith.extui %lt3A_231 : i1 to i32
        %cond3A_233 = arith.constant 0 : i32
        %cond3A_234 = arith.cmpi ne, %convert_element_type3A_232, %cond3A_233 : i32
        scf.if %cond3A_234 {
          %dma_wait3A_325 = arith.constant 0 : i32
          %dma_wait3A_326 = arith.constant 0 : i32
          %dma_wait3A_327 = tpu.memref_slice %arg4[%dma_wait3A_325, %dma_wait3A_326] : memref<2x320000xi32, #tpu.memory_space<hbm>> -> memref<1x128xi32, #tpu.memory_space<hbm>>
          %dma_wait3A_328 = tpu.memref_squeeze %dma_wait3A_327 : memref<1x128xi32, #tpu.memory_space<hbm>> -> memref<128xi32, #tpu.memory_space<hbm>>
          %dma_wait3A_329 = arith.constant 0 : i32
          %dma_wait3A_330 = tpu.memref_slice %arg4[%dma_wait3A_325, %dma_wait3A_329] : memref<2x320000xi32, #tpu.memory_space<hbm>> -> memref<1x128xi32, #tpu.memory_space<hbm>>
          %dma_wait3A_331 = tpu.memref_squeeze %dma_wait3A_330 : memref<1x128xi32, #tpu.memory_space<hbm>> -> memref<128xi32, #tpu.memory_space<hbm>>
          tpu.wait_dma2 semaphore(%arg28 : memref<!tpu.dma_semaphore, #tpu.memory_space<semaphore_mem>>) src(%dma_wait3A_331 : memref<128xi32, #tpu.memory_space<hbm>>) dst(%arg12 : memref<128xi32, #tpu.memory_space<vmem>>)
          %dma_wait3A_332 = arith.constant 1 : i32
          %dma_wait3A_333 = arith.constant 0 : i32
          %dma_wait3A_334 = tpu.memref_slice %arg4[%dma_wait3A_332, %dma_wait3A_333] : memref<2x320000xi32, #tpu.memory_space<hbm>> -> memref<1x128xi32, #tpu.memory_space<hbm>>
          %dma_wait3A_335 = tpu.memref_squeeze %dma_wait3A_334 : memref<1x128xi32, #tpu.memory_space<hbm>> -> memref<128xi32, #tpu.memory_space<hbm>>
          %dma_wait3A_336 = arith.constant 0 : i32
          %dma_wait3A_337 = tpu.memref_slice %arg4[%dma_wait3A_332, %dma_wait3A_336] : memref<2x320000xi32, #tpu.memory_space<hbm>> -> memref<1x128xi32, #tpu.memory_space<hbm>>
          %dma_wait3A_338 = tpu.memref_squeeze %dma_wait3A_337 : memref<1x128xi32, #tpu.memory_space<hbm>> -> memref<128xi32, #tpu.memory_space<hbm>>
          tpu.wait_dma2 semaphore(%arg28 : memref<!tpu.dma_semaphore, #tpu.memory_space<semaphore_mem>>) src(%dma_wait3A_338 : memref<128xi32, #tpu.memory_space<hbm>>) dst(%arg18 : memref<128xi32, #tpu.memory_space<vmem>>)
          %dma_start3A_339 = arith.constant 0 : i32
          %dma_start3A_340 = arith.constant 0 : i32
          %dma_start3A_341 = tpu.memref_slice %arg2[%dma_start3A_339, %dma_start3A_340] : memref<10000x128xf32, #tpu.memory_space<hbm>> -> memref<10000x128xf32, #tpu.memory_space<hbm>>
          tpu.enqueue_indirect_dma source(%dma_start3A_341 : memref<10000x128xf32, #tpu.memory_space<hbm>>) target(%arg21 : memref<128x128xf32, #tpu.memory_space<vmem>>) offsets(%arg12 : memref<128xi32, #tpu.memory_space<vmem>>) semaphore(%arg31 : memref<!tpu.dma_semaphore, #tpu.memory_space<semaphore_mem>>)
        } else {
        }
        %dma_start3A_235 = arith.constant 0 : i32
        %dma_start3A_236 = arith.constant 0 : i32
        %dma_start3A_237 = tpu.memref_slice %arg23[%dma_start3A_235, %dma_start3A_236] : memref<10000x128xf32, #tpu.memory_space<vmem_shared>> -> memref<10000x128xf32, #tpu.memory_space<vmem_shared>>
        tpu.enqueue_indirect_dma source(%arg22 : memref<128x128xf32, #tpu.memory_space<vmem>>) target(%dma_start3A_237 : memref<10000x128xf32, #tpu.memory_space<vmem_shared>>) offsets(%arg16 : memref<128xi32, #tpu.memory_space<vmem>>) semaphore(%arg35 : memref<!tpu.dma_semaphore, #tpu.memory_space<semaphore_mem>>) {add = true}
        %mul3A_238 = arith.constant 6 : i32
        %mul3A_239 = arith.muli %scan3A_151, %mul3A_238 : i32
        %add3A_240 = arith.constant 3 : i32
        %add3A_241 = arith.addi %mul3A_239, %add3A_240 : i32
        %dma_wait3A_242 = arith.constant 0 : i32
        %dma_wait3A_243 = arith.constant 0 : i32
        %dma_wait3A_244 = tpu.memref_slice %arg2[%dma_wait3A_242, %dma_wait3A_243] : memref<10000x128xf32, #tpu.memory_space<hbm>> -> memref<10000x128xf32, #tpu.memory_space<hbm>>
        tpu.wait_indirect_dma semaphore(%arg30 : memref<!tpu.dma_semaphore, #tpu.memory_space<semaphore_mem>>) src(%dma_wait3A_244 : memref<10000x128xf32, #tpu.memory_space<hbm>>) dst(%arg20 : memref<128x128xf32, #tpu.memory_space<vmem>>)
        %ge3A_245 = arith.constant 1 : i32
        %ge3A_246 = arith.cmpi sge, %add3A_241, %ge3A_245 : i32
        %convert_element_type3A_247 = arith.extui %ge3A_246 : i1 to i32
        %cond3A_248 = arith.constant 0 : i32
        %cond3A_249 = arith.cmpi ne, %convert_element_type3A_247, %cond3A_248 : i32
        scf.if %cond3A_249 {
          %dma_wait3A_325 = arith.constant 0 : i32
          %dma_wait3A_326 = arith.constant 0 : i32
          %dma_wait3A_327 = tpu.memref_slice %arg23[%dma_wait3A_325, %dma_wait3A_326] : memref<10000x128xf32, #tpu.memory_space<vmem_shared>> -> memref<10000x128xf32, #tpu.memory_space<vmem_shared>>
          tpu.wait_indirect_dma semaphore(%arg35 : memref<!tpu.dma_semaphore, #tpu.memory_space<semaphore_mem>>) src(%arg22 : memref<128x128xf32, #tpu.memory_space<vmem>>) dst(%dma_wait3A_327 : memref<10000x128xf32, #tpu.memory_space<vmem_shared>>)
        } else {
        }
        %add3A_250 = arith.constant 4 : i32
        %add3A_251 = arith.addi %add3A_241, %add3A_250 : i32
        %lt3A_252 = arith.constant 156 : i32
        %lt3A_253 = arith.cmpi slt, %add3A_251, %lt3A_252 : i32
        %convert_element_type3A_254 = arith.extui %lt3A_253 : i1 to i32
        %cond3A_255 = arith.constant 0 : i32
        %cond3A_256 = arith.cmpi ne, %convert_element_type3A_254, %cond3A_255 : i32
        scf.if %cond3A_256 {
          %add3A_325 = arith.constant 4 : i32
          %add3A_326 = arith.addi %add3A_241, %add3A_325 : i32
          %mul3A_327 = arith.constant 128 : i32
          %mul3A_328 = arith.muli %add3A_326, %mul3A_327 : i32
          %add3A_329 = arith.addi %mul3A_60, %mul3A_328 : i32
          %dma_start3A_330 = arith.constant 0 : i32
          %dma_start3A_331 = tpu.memref_slice %arg4[%dma_start3A_330, %add3A_329] : memref<2x320000xi32, #tpu.memory_space<hbm>> -> memref<1x128xi32, #tpu.memory_space<hbm>>
          %dma_start3A_332 = tpu.memref_squeeze %dma_start3A_331 : memref<1x128xi32, #tpu.memory_space<hbm>> -> memref<128xi32, #tpu.memory_space<hbm>>
          %dma_start3A_333 = tpu.memref_slice %arg4[%dma_start3A_330, %add3A_329] : memref<2x320000xi32, #tpu.memory_space<hbm>> -> memref<1x128xi32, #tpu.memory_space<hbm>>
          %dma_start3A_334 = tpu.memref_squeeze %dma_start3A_333 : memref<1x128xi32, #tpu.memory_space<hbm>> -> memref<128xi32, #tpu.memory_space<hbm>>
          tpu.enqueue_dma source(%dma_start3A_334 : memref<128xi32, #tpu.memory_space<hbm>>) target(%arg9 : memref<128xi32, #tpu.memory_space<vmem>>) target_semaphore(%arg25 : memref<!tpu.dma_semaphore, #tpu.memory_space<semaphore_mem>>)
          %dma_start3A_335 = arith.constant 1 : i32
          %dma_start3A_336 = tpu.memref_slice %arg4[%dma_start3A_335, %add3A_329] : memref<2x320000xi32, #tpu.memory_space<hbm>> -> memref<1x128xi32, #tpu.memory_space<hbm>>
          %dma_start3A_337 = tpu.memref_squeeze %dma_start3A_336 : memref<1x128xi32, #tpu.memory_space<hbm>> -> memref<128xi32, #tpu.memory_space<hbm>>
          %dma_start3A_338 = tpu.memref_slice %arg4[%dma_start3A_335, %add3A_329] : memref<2x320000xi32, #tpu.memory_space<hbm>> -> memref<1x128xi32, #tpu.memory_space<hbm>>
          %dma_start3A_339 = tpu.memref_squeeze %dma_start3A_338 : memref<1x128xi32, #tpu.memory_space<hbm>> -> memref<128xi32, #tpu.memory_space<hbm>>
          tpu.enqueue_dma source(%dma_start3A_339 : memref<128xi32, #tpu.memory_space<hbm>>) target(%arg15 : memref<128xi32, #tpu.memory_space<vmem>>) target_semaphore(%arg25 : memref<!tpu.dma_semaphore, #tpu.memory_space<semaphore_mem>>)
        } else {
        }
        %add3A_257 = arith.constant 2 : i32
        %add3A_258 = arith.addi %add3A_241, %add3A_257 : i32
        %lt3A_259 = arith.constant 156 : i32
        %lt3A_260 = arith.cmpi slt, %add3A_258, %lt3A_259 : i32
        %convert_element_type3A_261 = arith.extui %lt3A_260 : i1 to i32
        %cond3A_262 = arith.constant 0 : i32
        %cond3A_263 = arith.cmpi ne, %convert_element_type3A_261, %cond3A_262 : i32
        scf.if %cond3A_263 {
          %dma_wait3A_325 = arith.constant 0 : i32
          %dma_wait3A_326 = arith.constant 0 : i32
          %dma_wait3A_327 = tpu.memref_slice %arg4[%dma_wait3A_325, %dma_wait3A_326] : memref<2x320000xi32, #tpu.memory_space<hbm>> -> memref<1x128xi32, #tpu.memory_space<hbm>>
          %dma_wait3A_328 = tpu.memref_squeeze %dma_wait3A_327 : memref<1x128xi32, #tpu.memory_space<hbm>> -> memref<128xi32, #tpu.memory_space<hbm>>
          %dma_wait3A_329 = arith.constant 0 : i32
          %dma_wait3A_330 = tpu.memref_slice %arg4[%dma_wait3A_325, %dma_wait3A_329] : memref<2x320000xi32, #tpu.memory_space<hbm>> -> memref<1x128xi32, #tpu.memory_space<hbm>>
          %dma_wait3A_331 = tpu.memref_squeeze %dma_wait3A_330 : memref<1x128xi32, #tpu.memory_space<hbm>> -> memref<128xi32, #tpu.memory_space<hbm>>
          tpu.wait_dma2 semaphore(%arg29 : memref<!tpu.dma_semaphore, #tpu.memory_space<semaphore_mem>>) src(%dma_wait3A_331 : memref<128xi32, #tpu.memory_space<hbm>>) dst(%arg13 : memref<128xi32, #tpu.memory_space<vmem>>)
          %dma_wait3A_332 = arith.constant 1 : i32
          %dma_wait3A_333 = arith.constant 0 : i32
          %dma_wait3A_334 = tpu.memref_slice %arg4[%dma_wait3A_332, %dma_wait3A_333] : memref<2x320000xi32, #tpu.memory_space<hbm>> -> memref<1x128xi32, #tpu.memory_space<hbm>>
          %dma_wait3A_335 = tpu.memref_squeeze %dma_wait3A_334 : memref<1x128xi32, #tpu.memory_space<hbm>> -> memref<128xi32, #tpu.memory_space<hbm>>
          %dma_wait3A_336 = arith.constant 0 : i32
          %dma_wait3A_337 = tpu.memref_slice %arg4[%dma_wait3A_332, %dma_wait3A_336] : memref<2x320000xi32, #tpu.memory_space<hbm>> -> memref<1x128xi32, #tpu.memory_space<hbm>>
          %dma_wait3A_338 = tpu.memref_squeeze %dma_wait3A_337 : memref<1x128xi32, #tpu.memory_space<hbm>> -> memref<128xi32, #tpu.memory_space<hbm>>
          tpu.wait_dma2 semaphore(%arg29 : memref<!tpu.dma_semaphore, #tpu.memory_space<semaphore_mem>>) src(%dma_wait3A_338 : memref<128xi32, #tpu.memory_space<hbm>>) dst(%arg19 : memref<128xi32, #tpu.memory_space<vmem>>)
          %dma_start3A_339 = arith.constant 0 : i32
          %dma_start3A_340 = arith.constant 0 : i32
          %dma_start3A_341 = tpu.memref_slice %arg2[%dma_start3A_339, %dma_start3A_340] : memref<10000x128xf32, #tpu.memory_space<hbm>> -> memref<10000x128xf32, #tpu.memory_space<hbm>>
          tpu.enqueue_indirect_dma source(%dma_start3A_341 : memref<10000x128xf32, #tpu.memory_space<hbm>>) target(%arg22 : memref<128x128xf32, #tpu.memory_space<vmem>>) offsets(%arg13 : memref<128xi32, #tpu.memory_space<vmem>>) semaphore(%arg32 : memref<!tpu.dma_semaphore, #tpu.memory_space<semaphore_mem>>)
        } else {
        }
        %dma_start3A_264 = arith.constant 0 : i32
        %dma_start3A_265 = arith.constant 0 : i32
        %dma_start3A_266 = tpu.memref_slice %arg23[%dma_start3A_264, %dma_start3A_265] : memref<10000x128xf32, #tpu.memory_space<vmem_shared>> -> memref<10000x128xf32, #tpu.memory_space<vmem_shared>>
        tpu.enqueue_indirect_dma source(%arg20 : memref<128x128xf32, #tpu.memory_space<vmem>>) target(%dma_start3A_266 : memref<10000x128xf32, #tpu.memory_space<vmem_shared>>) offsets(%arg17 : memref<128xi32, #tpu.memory_space<vmem>>) semaphore(%arg33 : memref<!tpu.dma_semaphore, #tpu.memory_space<semaphore_mem>>) {add = true}
        %mul3A_267 = arith.constant 6 : i32
        %mul3A_268 = arith.muli %scan3A_151, %mul3A_267 : i32
        %add3A_269 = arith.constant 4 : i32
        %add3A_270 = arith.addi %mul3A_268, %add3A_269 : i32
        %dma_wait3A_271 = arith.constant 0 : i32
        %dma_wait3A_272 = arith.constant 0 : i32
        %dma_wait3A_273 = tpu.memref_slice %arg2[%dma_wait3A_271, %dma_wait3A_272] : memref<10000x128xf32, #tpu.memory_space<hbm>> -> memref<10000x128xf32, #tpu.memory_space<hbm>>
        tpu.wait_indirect_dma semaphore(%arg31 : memref<!tpu.dma_semaphore, #tpu.memory_space<semaphore_mem>>) src(%dma_wait3A_273 : memref<10000x128xf32, #tpu.memory_space<hbm>>) dst(%arg21 : memref<128x128xf32, #tpu.memory_space<vmem>>)
        %ge3A_274 = arith.constant 1 : i32
        %ge3A_275 = arith.cmpi sge, %add3A_270, %ge3A_274 : i32
        %convert_element_type3A_276 = arith.extui %ge3A_275 : i1 to i32
        %cond3A_277 = arith.constant 0 : i32
        %cond3A_278 = arith.cmpi ne, %convert_element_type3A_276, %cond3A_277 : i32
        scf.if %cond3A_278 {
          %dma_wait3A_325 = arith.constant 0 : i32
          %dma_wait3A_326 = arith.constant 0 : i32
          %dma_wait3A_327 = tpu.memref_slice %arg23[%dma_wait3A_325, %dma_wait3A_326] : memref<10000x128xf32, #tpu.memory_space<vmem_shared>> -> memref<10000x128xf32, #tpu.memory_space<vmem_shared>>
          tpu.wait_indirect_dma semaphore(%arg33 : memref<!tpu.dma_semaphore, #tpu.memory_space<semaphore_mem>>) src(%arg20 : memref<128x128xf32, #tpu.memory_space<vmem>>) dst(%dma_wait3A_327 : memref<10000x128xf32, #tpu.memory_space<vmem_shared>>)
        } else {
        }
        %add3A_279 = arith.constant 4 : i32
        %add3A_280 = arith.addi %add3A_270, %add3A_279 : i32
        %lt3A_281 = arith.constant 156 : i32
        %lt3A_282 = arith.cmpi slt, %add3A_280, %lt3A_281 : i32
        %convert_element_type3A_283 = arith.extui %lt3A_282 : i1 to i32
        %cond3A_284 = arith.constant 0 : i32
        %cond3A_285 = arith.cmpi ne, %convert_element_type3A_283, %cond3A_284 : i32
        scf.if %cond3A_285 {
          %add3A_325 = arith.constant 4 : i32
          %add3A_326 = arith.addi %add3A_270, %add3A_325 : i32
          %mul3A_327 = arith.constant 128 : i32
          %mul3A_328 = arith.muli %add3A_326, %mul3A_327 : i32
          %add3A_329 = arith.addi %mul3A_60, %mul3A_328 : i32
          %dma_start3A_330 = arith.constant 0 : i32
          %dma_start3A_331 = tpu.memref_slice %arg4[%dma_start3A_330, %add3A_329] : memref<2x320000xi32, #tpu.memory_space<hbm>> -> memref<1x128xi32, #tpu.memory_space<hbm>>
          %dma_start3A_332 = tpu.memref_squeeze %dma_start3A_331 : memref<1x128xi32, #tpu.memory_space<hbm>> -> memref<128xi32, #tpu.memory_space<hbm>>
          %dma_start3A_333 = tpu.memref_slice %arg4[%dma_start3A_330, %add3A_329] : memref<2x320000xi32, #tpu.memory_space<hbm>> -> memref<1x128xi32, #tpu.memory_space<hbm>>
          %dma_start3A_334 = tpu.memref_squeeze %dma_start3A_333 : memref<1x128xi32, #tpu.memory_space<hbm>> -> memref<128xi32, #tpu.memory_space<hbm>>
          tpu.enqueue_dma source(%dma_start3A_334 : memref<128xi32, #tpu.memory_space<hbm>>) target(%arg10 : memref<128xi32, #tpu.memory_space<vmem>>) target_semaphore(%arg26 : memref<!tpu.dma_semaphore, #tpu.memory_space<semaphore_mem>>)
          %dma_start3A_335 = arith.constant 1 : i32
          %dma_start3A_336 = tpu.memref_slice %arg4[%dma_start3A_335, %add3A_329] : memref<2x320000xi32, #tpu.memory_space<hbm>> -> memref<1x128xi32, #tpu.memory_space<hbm>>
          %dma_start3A_337 = tpu.memref_squeeze %dma_start3A_336 : memref<1x128xi32, #tpu.memory_space<hbm>> -> memref<128xi32, #tpu.memory_space<hbm>>
          %dma_start3A_338 = tpu.memref_slice %arg4[%dma_start3A_335, %add3A_329] : memref<2x320000xi32, #tpu.memory_space<hbm>> -> memref<1x128xi32, #tpu.memory_space<hbm>>
          %dma_start3A_339 = tpu.memref_squeeze %dma_start3A_338 : memref<1x128xi32, #tpu.memory_space<hbm>> -> memref<128xi32, #tpu.memory_space<hbm>>
          tpu.enqueue_dma source(%dma_start3A_339 : memref<128xi32, #tpu.memory_space<hbm>>) target(%arg16 : memref<128xi32, #tpu.memory_space<vmem>>) target_semaphore(%arg26 : memref<!tpu.dma_semaphore, #tpu.memory_space<semaphore_mem>>)
        } else {
        }
        %add3A_286 = arith.constant 2 : i32
        %add3A_287 = arith.addi %add3A_270, %add3A_286 : i32
        %lt3A_288 = arith.constant 156 : i32
        %lt3A_289 = arith.cmpi slt, %add3A_287, %lt3A_288 : i32
        %convert_element_type3A_290 = arith.extui %lt3A_289 : i1 to i32
        %cond3A_291 = arith.constant 0 : i32
        %cond3A_292 = arith.cmpi ne, %convert_element_type3A_290, %cond3A_291 : i32
        scf.if %cond3A_292 {
          %dma_wait3A_325 = arith.constant 0 : i32
          %dma_wait3A_326 = arith.constant 0 : i32
          %dma_wait3A_327 = tpu.memref_slice %arg4[%dma_wait3A_325, %dma_wait3A_326] : memref<2x320000xi32, #tpu.memory_space<hbm>> -> memref<1x128xi32, #tpu.memory_space<hbm>>
          %dma_wait3A_328 = tpu.memref_squeeze %dma_wait3A_327 : memref<1x128xi32, #tpu.memory_space<hbm>> -> memref<128xi32, #tpu.memory_space<hbm>>
          %dma_wait3A_329 = arith.constant 0 : i32
          %dma_wait3A_330 = tpu.memref_slice %arg4[%dma_wait3A_325, %dma_wait3A_329] : memref<2x320000xi32, #tpu.memory_space<hbm>> -> memref<1x128xi32, #tpu.memory_space<hbm>>
          %dma_wait3A_331 = tpu.memref_squeeze %dma_wait3A_330 : memref<1x128xi32, #tpu.memory_space<hbm>> -> memref<128xi32, #tpu.memory_space<hbm>>
          tpu.wait_dma2 semaphore(%arg24 : memref<!tpu.dma_semaphore, #tpu.memory_space<semaphore_mem>>) src(%dma_wait3A_331 : memref<128xi32, #tpu.memory_space<hbm>>) dst(%arg8 : memref<128xi32, #tpu.memory_space<vmem>>)
          %dma_wait3A_332 = arith.constant 1 : i32
          %dma_wait3A_333 = arith.constant 0 : i32
          %dma_wait3A_334 = tpu.memref_slice %arg4[%dma_wait3A_332, %dma_wait3A_333] : memref<2x320000xi32, #tpu.memory_space<hbm>> -> memref<1x128xi32, #tpu.memory_space<hbm>>
          %dma_wait3A_335 = tpu.memref_squeeze %dma_wait3A_334 : memref<1x128xi32, #tpu.memory_space<hbm>> -> memref<128xi32, #tpu.memory_space<hbm>>
          %dma_wait3A_336 = arith.constant 0 : i32
          %dma_wait3A_337 = tpu.memref_slice %arg4[%dma_wait3A_332, %dma_wait3A_336] : memref<2x320000xi32, #tpu.memory_space<hbm>> -> memref<1x128xi32, #tpu.memory_space<hbm>>
          %dma_wait3A_338 = tpu.memref_squeeze %dma_wait3A_337 : memref<1x128xi32, #tpu.memory_space<hbm>> -> memref<128xi32, #tpu.memory_space<hbm>>
          tpu.wait_dma2 semaphore(%arg24 : memref<!tpu.dma_semaphore, #tpu.memory_space<semaphore_mem>>) src(%dma_wait3A_338 : memref<128xi32, #tpu.memory_space<hbm>>) dst(%arg14 : memref<128xi32, #tpu.memory_space<vmem>>)
          %dma_start3A_339 = arith.constant 0 : i32
          %dma_start3A_340 = arith.constant 0 : i32
          %dma_start3A_341 = tpu.memref_slice %arg2[%dma_start3A_339, %dma_start3A_340] : memref<10000x128xf32, #tpu.memory_space<hbm>> -> memref<10000x128xf32, #tpu.memory_space<hbm>>
          tpu.enqueue_indirect_dma source(%dma_start3A_341 : memref<10000x128xf32, #tpu.memory_space<hbm>>) target(%arg20 : memref<128x128xf32, #tpu.memory_space<vmem>>) offsets(%arg8 : memref<128xi32, #tpu.memory_space<vmem>>) semaphore(%arg30 : memref<!tpu.dma_semaphore, #tpu.memory_space<semaphore_mem>>)
        } else {
        }
        %dma_start3A_293 = arith.constant 0 : i32
        %dma_start3A_294 = arith.constant 0 : i32
        %dma_start3A_295 = tpu.memref_slice %arg23[%dma_start3A_293, %dma_start3A_294] : memref<10000x128xf32, #tpu.memory_space<vmem_shared>> -> memref<10000x128xf32, #tpu.memory_space<vmem_shared>>
        tpu.enqueue_indirect_dma source(%arg21 : memref<128x128xf32, #tpu.memory_space<vmem>>) target(%dma_start3A_295 : memref<10000x128xf32, #tpu.memory_space<vmem_shared>>) offsets(%arg18 : memref<128xi32, #tpu.memory_space<vmem>>) semaphore(%arg34 : memref<!tpu.dma_semaphore, #tpu.memory_space<semaphore_mem>>) {add = true}
        %mul3A_296 = arith.constant 6 : i32
        %mul3A_297 = arith.muli %scan3A_151, %mul3A_296 : i32
        %add3A_298 = arith.constant 5 : i32
        %add3A_299 = arith.addi %mul3A_297, %add3A_298 : i32
        %dma_wait3A_300 = arith.constant 0 : i32
        %dma_wait3A_301 = arith.constant 0 : i32
        %dma_wait3A_302 = tpu.memref_slice %arg2[%dma_wait3A_300, %dma_wait3A_301] : memref<10000x128xf32, #tpu.memory_space<hbm>> -> memref<10000x128xf32, #tpu.memory_space<hbm>>
        tpu.wait_indirect_dma semaphore(%arg32 : memref<!tpu.dma_semaphore, #tpu.memory_space<semaphore_mem>>) src(%dma_wait3A_302 : memref<10000x128xf32, #tpu.memory_space<hbm>>) dst(%arg22 : memref<128x128xf32, #tpu.memory_space<vmem>>)
        %ge3A_303 = arith.constant 1 : i32
        %ge3A_304 = arith.cmpi sge, %add3A_299, %ge3A_303 : i32
        %convert_element_type3A_305 = arith.extui %ge3A_304 : i1 to i32
        %cond3A_306 = arith.constant 0 : i32
        %cond3A_307 = arith.cmpi ne, %convert_element_type3A_305, %cond3A_306 : i32
        scf.if %cond3A_307 {
          %dma_wait3A_325 = arith.constant 0 : i32
          %dma_wait3A_326 = arith.constant 0 : i32
          %dma_wait3A_327 = tpu.memref_slice %arg23[%dma_wait3A_325, %dma_wait3A_326] : memref<10000x128xf32, #tpu.memory_space<vmem_shared>> -> memref<10000x128xf32, #tpu.memory_space<vmem_shared>>
          tpu.wait_indirect_dma semaphore(%arg34 : memref<!tpu.dma_semaphore, #tpu.memory_space<semaphore_mem>>) src(%arg21 : memref<128x128xf32, #tpu.memory_space<vmem>>) dst(%dma_wait3A_327 : memref<10000x128xf32, #tpu.memory_space<vmem_shared>>)
        } else {
        }
        %add3A_308 = arith.constant 4 : i32
        %add3A_309 = arith.addi %add3A_299, %add3A_308 : i32
        %lt3A_310 = arith.constant 156 : i32
        %lt3A_311 = arith.cmpi slt, %add3A_309, %lt3A_310 : i32
        %convert_element_type3A_312 = arith.extui %lt3A_311 : i1 to i32
        %cond3A_313 = arith.constant 0 : i32
        %cond3A_314 = arith.cmpi ne, %convert_element_type3A_312, %cond3A_313 : i32
        scf.if %cond3A_314 {
          %add3A_325 = arith.constant 4 : i32
          %add3A_326 = arith.addi %add3A_299, %add3A_325 : i32
          %mul3A_327 = arith.constant 128 : i32
          %mul3A_328 = arith.muli %add3A_326, %mul3A_327 : i32
          %add3A_329 = arith.addi %mul3A_60, %mul3A_328 : i32
          %dma_start3A_330 = arith.constant 0 : i32
          %dma_start3A_331 = tpu.memref_slice %arg4[%dma_start3A_330, %add3A_329] : memref<2x320000xi32, #tpu.memory_space<hbm>> -> memref<1x128xi32, #tpu.memory_space<hbm>>
          %dma_start3A_332 = tpu.memref_squeeze %dma_start3A_331 : memref<1x128xi32, #tpu.memory_space<hbm>> -> memref<128xi32, #tpu.memory_space<hbm>>
          %dma_start3A_333 = tpu.memref_slice %arg4[%dma_start3A_330, %add3A_329] : memref<2x320000xi32, #tpu.memory_space<hbm>> -> memref<1x128xi32, #tpu.memory_space<hbm>>
          %dma_start3A_334 = tpu.memref_squeeze %dma_start3A_333 : memref<1x128xi32, #tpu.memory_space<hbm>> -> memref<128xi32, #tpu.memory_space<hbm>>
          tpu.enqueue_dma source(%dma_start3A_334 : memref<128xi32, #tpu.memory_space<hbm>>) target(%arg11 : memref<128xi32, #tpu.memory_space<vmem>>) target_semaphore(%arg27 : memref<!tpu.dma_semaphore, #tpu.memory_space<semaphore_mem>>)
          %dma_start3A_335 = arith.constant 1 : i32
          %dma_start3A_336 = tpu.memref_slice %arg4[%dma_start3A_335, %add3A_329] : memref<2x320000xi32, #tpu.memory_space<hbm>> -> memref<1x128xi32, #tpu.memory_space<hbm>>
          %dma_start3A_337 = tpu.memref_squeeze %dma_start3A_336 : memref<1x128xi32, #tpu.memory_space<hbm>> -> memref<128xi32, #tpu.memory_space<hbm>>
          %dma_start3A_338 = tpu.memref_slice %arg4[%dma_start3A_335, %add3A_329] : memref<2x320000xi32, #tpu.memory_space<hbm>> -> memref<1x128xi32, #tpu.memory_space<hbm>>
          %dma_start3A_339 = tpu.memref_squeeze %dma_start3A_338 : memref<1x128xi32, #tpu.memory_space<hbm>> -> memref<128xi32, #tpu.memory_space<hbm>>
          tpu.enqueue_dma source(%dma_start3A_339 : memref<128xi32, #tpu.memory_space<hbm>>) target(%arg17 : memref<128xi32, #tpu.memory_space<vmem>>) target_semaphore(%arg27 : memref<!tpu.dma_semaphore, #tpu.memory_space<semaphore_mem>>)
        } else {
        }
        %add3A_315 = arith.constant 2 : i32
        %add3A_316 = arith.addi %add3A_299, %add3A_315 : i32
        %lt3A_317 = arith.constant 156 : i32
        %lt3A_318 = arith.cmpi slt, %add3A_316, %lt3A_317 : i32
        %convert_element_type3A_319 = arith.extui %lt3A_318 : i1 to i32
        %cond3A_320 = arith.constant 0 : i32
        %cond3A_321 = arith.cmpi ne, %convert_element_type3A_319, %cond3A_320 : i32
        scf.if %cond3A_321 {
          %dma_wait3A_325 = arith.constant 0 : i32
          %dma_wait3A_326 = arith.constant 0 : i32
          %dma_wait3A_327 = tpu.memref_slice %arg4[%dma_wait3A_325, %dma_wait3A_326] : memref<2x320000xi32, #tpu.memory_space<hbm>> -> memref<1x128xi32, #tpu.memory_space<hbm>>
          %dma_wait3A_328 = tpu.memref_squeeze %dma_wait3A_327 : memref<1x128xi32, #tpu.memory_space<hbm>> -> memref<128xi32, #tpu.memory_space<hbm>>
          %dma_wait3A_329 = arith.constant 0 : i32
          %dma_wait3A_330 = tpu.memref_slice %arg4[%dma_wait3A_325, %dma_wait3A_329] : memref<2x320000xi32, #tpu.memory_space<hbm>> -> memref<1x128xi32, #tpu.memory_space<hbm>>
          %dma_wait3A_331 = tpu.memref_squeeze %dma_wait3A_330 : memref<1x128xi32, #tpu.memory_space<hbm>> -> memref<128xi32, #tpu.memory_space<hbm>>
          tpu.wait_dma2 semaphore(%arg25 : memref<!tpu.dma_semaphore, #tpu.memory_space<semaphore_mem>>) src(%dma_wait3A_331 : memref<128xi32, #tpu.memory_space<hbm>>) dst(%arg9 : memref<128xi32, #tpu.memory_space<vmem>>)
          %dma_wait3A_332 = arith.constant 1 : i32
          %dma_wait3A_333 = arith.constant 0 : i32
          %dma_wait3A_334 = tpu.memref_slice %arg4[%dma_wait3A_332, %dma_wait3A_333] : memref<2x320000xi32, #tpu.memory_space<hbm>> -> memref<1x128xi32, #tpu.memory_space<hbm>>
          %dma_wait3A_335 = tpu.memref_squeeze %dma_wait3A_334 : memref<1x128xi32, #tpu.memory_space<hbm>> -> memref<128xi32, #tpu.memory_space<hbm>>
          %dma_wait3A_336 = arith.constant 0 : i32
          %dma_wait3A_337 = tpu.memref_slice %arg4[%dma_wait3A_332, %dma_wait3A_336] : memref<2x320000xi32, #tpu.memory_space<hbm>> -> memref<1x128xi32, #tpu.memory_space<hbm>>
          %dma_wait3A_338 = tpu.memref_squeeze %dma_wait3A_337 : memref<1x128xi32, #tpu.memory_space<hbm>> -> memref<128xi32, #tpu.memory_space<hbm>>
          tpu.wait_dma2 semaphore(%arg25 : memref<!tpu.dma_semaphore, #tpu.memory_space<semaphore_mem>>) src(%dma_wait3A_338 : memref<128xi32, #tpu.memory_space<hbm>>) dst(%arg15 : memref<128xi32, #tpu.memory_space<vmem>>)
          %dma_start3A_339 = arith.constant 0 : i32
          %dma_start3A_340 = arith.constant 0 : i32
          %dma_start3A_341 = tpu.memref_slice %arg2[%dma_start3A_339, %dma_start3A_340] : memref<10000x128xf32, #tpu.memory_space<hbm>> -> memref<10000x128xf32, #tpu.memory_space<hbm>>
          tpu.enqueue_indirect_dma source(%dma_start3A_341 : memref<10000x128xf32, #tpu.memory_space<hbm>>) target(%arg21 : memref<128x128xf32, #tpu.memory_space<vmem>>) offsets(%arg9 : memref<128xi32, #tpu.memory_space<vmem>>) semaphore(%arg31 : memref<!tpu.dma_semaphore, #tpu.memory_space<semaphore_mem>>)
        } else {
        }
        %dma_start3A_322 = arith.constant 0 : i32
        %dma_start3A_323 = arith.constant 0 : i32
        %dma_start3A_324 = tpu.memref_slice %arg23[%dma_start3A_322, %dma_start3A_323] : memref<10000x128xf32, #tpu.memory_space<vmem_shared>> -> memref<10000x128xf32, #tpu.memory_space<vmem_shared>>
        tpu.enqueue_indirect_dma source(%arg22 : memref<128x128xf32, #tpu.memory_space<vmem>>) target(%dma_start3A_324 : memref<10000x128xf32, #tpu.memory_space<vmem_shared>>) offsets(%arg19 : memref<128xi32, #tpu.memory_space<vmem>>) semaphore(%arg35 : memref<!tpu.dma_semaphore, #tpu.memory_space<semaphore_mem>>) {add = true}
      }
      %scan3A_143 = arith.constant 26 : i32
      %dma_wait3A_144 = arith.constant 0 : i32
      %dma_wait3A_145 = arith.constant 0 : i32
      %dma_wait3A_146 = tpu.memref_slice %arg23[%dma_wait3A_144, %dma_wait3A_145] : memref<10000x128xf32, #tpu.memory_space<vmem_shared>> -> memref<10000x128xf32, #tpu.memory_space<vmem_shared>>
      tpu.wait_indirect_dma semaphore(%arg35 : memref<!tpu.dma_semaphore, #tpu.memory_space<semaphore_mem>>) src(%arg22 : memref<128x128xf32, #tpu.memory_space<vmem>>) dst(%dma_wait3A_146 : memref<10000x128xf32, #tpu.memory_space<vmem_shared>>)
      %lt3A = arith.constant 4 : i32
      %lt3A_147 = arith.cmpi slt, %arg1, %lt3A : i32
      %convert_element_type3A_148 = arith.extui %lt3A_147 : i1 to i32
      %cond3A_149 = arith.constant 0 : i32
      %cond3A_150 = arith.cmpi ne, %convert_element_type3A_148, %cond3A_149 : i32
      scf.if %cond3A_150 {
        %mul3A_151 = arith.constant 128 : i32
        %mul3A_152 = arith.muli %arg1, %mul3A_151 : i32
        %add3A_153 = arith.constant 319488 : i32
        %add3A_154 = arith.addi %add3A_153, %mul3A_152 : i32
        %dma_start3A_155 = arith.constant 0 : i32
        %dma_start3A_156 = tpu.memref_slice %arg4[%dma_start3A_155, %add3A_154] : memref<2x320000xi32, #tpu.memory_space<hbm>> -> memref<1x128xi32, #tpu.memory_space<hbm>>
        %dma_start3A_157 = tpu.memref_squeeze %dma_start3A_156 : memref<1x128xi32, #tpu.memory_space<hbm>> -> memref<128xi32, #tpu.memory_space<hbm>>
        %dma_start3A_158 = tpu.memref_slice %arg4[%dma_start3A_155, %add3A_154] : memref<2x320000xi32, #tpu.memory_space<hbm>> -> memref<1x128xi32, #tpu.memory_space<hbm>>
        %dma_start3A_159 = tpu.memref_squeeze %dma_start3A_158 : memref<1x128xi32, #tpu.memory_space<hbm>> -> memref<128xi32, #tpu.memory_space<hbm>>
        tpu.enqueue_dma source(%dma_start3A_159 : memref<128xi32, #tpu.memory_space<hbm>>) target(%arg8 : memref<128xi32, #tpu.memory_space<vmem>>) target_semaphore(%arg24 : memref<!tpu.dma_semaphore, #tpu.memory_space<semaphore_mem>>)
        %dma_start3A_160 = arith.constant 1 : i32
        %dma_start3A_161 = tpu.memref_slice %arg4[%dma_start3A_160, %add3A_154] : memref<2x320000xi32, #tpu.memory_space<hbm>> -> memref<1x128xi32, #tpu.memory_space<hbm>>
        %dma_start3A_162 = tpu.memref_squeeze %dma_start3A_161 : memref<1x128xi32, #tpu.memory_space<hbm>> -> memref<128xi32, #tpu.memory_space<hbm>>
        %dma_start3A_163 = tpu.memref_slice %arg4[%dma_start3A_160, %add3A_154] : memref<2x320000xi32, #tpu.memory_space<hbm>> -> memref<1x128xi32, #tpu.memory_space<hbm>>
        %dma_start3A_164 = tpu.memref_squeeze %dma_start3A_163 : memref<1x128xi32, #tpu.memory_space<hbm>> -> memref<128xi32, #tpu.memory_space<hbm>>
        tpu.enqueue_dma source(%dma_start3A_164 : memref<128xi32, #tpu.memory_space<hbm>>) target(%arg14 : memref<128xi32, #tpu.memory_space<vmem>>) target_semaphore(%arg24 : memref<!tpu.dma_semaphore, #tpu.memory_space<semaphore_mem>>)
        %dma_wait3A_165 = arith.constant 0 : i32
        %dma_wait3A_166 = arith.constant 0 : i32
        %dma_wait3A_167 = tpu.memref_slice %arg4[%dma_wait3A_165, %dma_wait3A_166] : memref<2x320000xi32, #tpu.memory_space<hbm>> -> memref<1x128xi32, #tpu.memory_space<hbm>>
        %dma_wait3A_168 = tpu.memref_squeeze %dma_wait3A_167 : memref<1x128xi32, #tpu.memory_space<hbm>> -> memref<128xi32, #tpu.memory_space<hbm>>
        %dma_wait3A_169 = arith.constant 0 : i32
        %dma_wait3A_170 = tpu.memref_slice %arg4[%dma_wait3A_165, %dma_wait3A_169] : memref<2x320000xi32, #tpu.memory_space<hbm>> -> memref<1x128xi32, #tpu.memory_space<hbm>>
        %dma_wait3A_171 = tpu.memref_squeeze %dma_wait3A_170 : memref<1x128xi32, #tpu.memory_space<hbm>> -> memref<128xi32, #tpu.memory_space<hbm>>
        tpu.wait_dma2 semaphore(%arg24 : memref<!tpu.dma_semaphore, #tpu.memory_space<semaphore_mem>>) src(%dma_wait3A_171 : memref<128xi32, #tpu.memory_space<hbm>>) dst(%arg8 : memref<128xi32, #tpu.memory_space<vmem>>)
        %dma_wait3A_172 = arith.constant 1 : i32
        %dma_wait3A_173 = arith.constant 0 : i32
        %dma_wait3A_174 = tpu.memref_slice %arg4[%dma_wait3A_172, %dma_wait3A_173] : memref<2x320000xi32, #tpu.memory_space<hbm>> -> memref<1x128xi32, #tpu.memory_space<hbm>>
        %dma_wait3A_175 = tpu.memref_squeeze %dma_wait3A_174 : memref<1x128xi32, #tpu.memory_space<hbm>> -> memref<128xi32, #tpu.memory_space<hbm>>
        %dma_wait3A_176 = arith.constant 0 : i32
        %dma_wait3A_177 = tpu.memref_slice %arg4[%dma_wait3A_172, %dma_wait3A_176] : memref<2x320000xi32, #tpu.memory_space<hbm>> -> memref<1x128xi32, #tpu.memory_space<hbm>>
        %dma_wait3A_178 = tpu.memref_squeeze %dma_wait3A_177 : memref<1x128xi32, #tpu.memory_space<hbm>> -> memref<128xi32, #tpu.memory_space<hbm>>
        tpu.wait_dma2 semaphore(%arg24 : memref<!tpu.dma_semaphore, #tpu.memory_space<semaphore_mem>>) src(%dma_wait3A_178 : memref<128xi32, #tpu.memory_space<hbm>>) dst(%arg14 : memref<128xi32, #tpu.memory_space<vmem>>)
        %dma_start3A_179 = arith.constant 0 : i32
        %dma_start3A_180 = arith.constant 0 : i32
        %dma_start3A_181 = tpu.memref_slice %arg2[%dma_start3A_179, %dma_start3A_180] : memref<10000x128xf32, #tpu.memory_space<hbm>> -> memref<10000x128xf32, #tpu.memory_space<hbm>>
        tpu.enqueue_indirect_dma source(%dma_start3A_181 : memref<10000x128xf32, #tpu.memory_space<hbm>>) target(%arg20 : memref<128x128xf32, #tpu.memory_space<vmem>>) offsets(%arg8 : memref<128xi32, #tpu.memory_space<vmem>>) semaphore(%arg30 : memref<!tpu.dma_semaphore, #tpu.memory_space<semaphore_mem>>)
        %dma_wait3A_182 = arith.constant 0 : i32
        %dma_wait3A_183 = arith.constant 0 : i32
        %dma_wait3A_184 = tpu.memref_slice %arg2[%dma_wait3A_182, %dma_wait3A_183] : memref<10000x128xf32, #tpu.memory_space<hbm>> -> memref<10000x128xf32, #tpu.memory_space<hbm>>
        tpu.wait_indirect_dma semaphore(%arg30 : memref<!tpu.dma_semaphore, #tpu.memory_space<semaphore_mem>>) src(%dma_wait3A_184 : memref<10000x128xf32, #tpu.memory_space<hbm>>) dst(%arg20 : memref<128x128xf32, #tpu.memory_space<vmem>>)
        "tpu.region"() ({
          %run_scoped3A = tpu.sem_alloc : memref<!tpu.dma_semaphore, #tpu.memory_space<semaphore_mem>>
          %dma_start3A_185 = arith.constant 0 : i32
          %dma_start3A_186 = arith.constant 0 : i32
          %dma_start3A_187 = tpu.memref_slice %arg23[%dma_start3A_185, %dma_start3A_186] : memref<10000x128xf32, #tpu.memory_space<vmem_shared>> -> memref<10000x128xf32, #tpu.memory_space<vmem_shared>>
          tpu.enqueue_indirect_dma source(%arg20 : memref<128x128xf32, #tpu.memory_space<vmem>>) target(%dma_start3A_187 : memref<10000x128xf32, #tpu.memory_space<vmem_shared>>) offsets(%arg14 : memref<128xi32, #tpu.memory_space<vmem>>) semaphore(%run_scoped3A : memref<!tpu.dma_semaphore, #tpu.memory_space<semaphore_mem>>) {add = true}
          %dma_wait3A_188 = arith.constant 0 : i32
          %dma_wait3A_189 = arith.constant 0 : i32
          %dma_wait3A_190 = tpu.memref_slice %arg23[%dma_wait3A_188, %dma_wait3A_189] : memref<10000x128xf32, #tpu.memory_space<vmem_shared>> -> memref<10000x128xf32, #tpu.memory_space<vmem_shared>>
          tpu.wait_indirect_dma semaphore(%run_scoped3A : memref<!tpu.dma_semaphore, #tpu.memory_space<semaphore_mem>>) src(%arg20 : memref<128x128xf32, #tpu.memory_space<vmem>>) dst(%dma_wait3A_190 : memref<10000x128xf32, #tpu.memory_space<vmem_shared>>)
          tpu.yield
        }) : () -> ()
      } else {
      }
    } else {
    }
    %eq3A_42 = arith.constant 1 : i32
    %eq3A_43 = arith.cmpi eq, %arg0, %eq3A_42 : i32
    %convert_element_type3A_44 = arith.extui %eq3A_43 : i1 to i32
    %cond3A_45 = arith.constant 0 : i32
    %cond3A_46 = arith.cmpi ne, %convert_element_type3A_44, %cond3A_45 : i32
    scf.if %cond3A_46 {
      %mul3A_59 = arith.constant 19968 : i32
      %mul3A_60 = arith.muli %arg1, %mul3A_59 : i32
      %add3A = arith.constant 0 : i32
      %add3A_61 = arith.addi %mul3A_60, %add3A : i32
      %dma_start3A = arith.constant 0 : i32
      %dma_start3A_62 = tpu.memref_slice %arg6[%dma_start3A, %add3A_61] : memref<2x320000xi32, #tpu.memory_space<hbm>> -> memref<1x128xi32, #tpu.memory_space<hbm>>
      %dma_start3A_63 = tpu.memref_squeeze %dma_start3A_62 : memref<1x128xi32, #tpu.memory_space<hbm>> -> memref<128xi32, #tpu.memory_space<hbm>>
      %dma_start3A_64 = tpu.memref_slice %arg6[%dma_start3A, %add3A_61] : memref<2x320000xi32, #tpu.memory_space<hbm>> -> memref<1x128xi32, #tpu.memory_space<hbm>>
      %dma_start3A_65 = tpu.memref_squeeze %dma_start3A_64 : memref<1x128xi32, #tpu.memory_space<hbm>> -> memref<128xi32, #tpu.memory_space<hbm>>
      tpu.enqueue_dma source(%dma_start3A_65 : memref<128xi32, #tpu.memory_space<hbm>>) target(%arg8 : memref<128xi32, #tpu.memory_space<vmem>>) target_semaphore(%arg24 : memref<!tpu.dma_semaphore, #tpu.memory_space<semaphore_mem>>)
      %dma_start3A_66 = arith.constant 1 : i32
      %dma_start3A_67 = tpu.memref_slice %arg6[%dma_start3A_66, %add3A_61] : memref<2x320000xi32, #tpu.memory_space<hbm>> -> memref<1x128xi32, #tpu.memory_space<hbm>>
      %dma_start3A_68 = tpu.memref_squeeze %dma_start3A_67 : memref<1x128xi32, #tpu.memory_space<hbm>> -> memref<128xi32, #tpu.memory_space<hbm>>
      %dma_start3A_69 = tpu.memref_slice %arg6[%dma_start3A_66, %add3A_61] : memref<2x320000xi32, #tpu.memory_space<hbm>> -> memref<1x128xi32, #tpu.memory_space<hbm>>
      %dma_start3A_70 = tpu.memref_squeeze %dma_start3A_69 : memref<1x128xi32, #tpu.memory_space<hbm>> -> memref<128xi32, #tpu.memory_space<hbm>>
      tpu.enqueue_dma source(%dma_start3A_70 : memref<128xi32, #tpu.memory_space<hbm>>) target(%arg14 : memref<128xi32, #tpu.memory_space<vmem>>) target_semaphore(%arg24 : memref<!tpu.dma_semaphore, #tpu.memory_space<semaphore_mem>>)
      %add3A_71 = arith.constant 128 : i32
      %add3A_72 = arith.addi %mul3A_60, %add3A_71 : i32
      %dma_start3A_73 = arith.constant 0 : i32
      %dma_start3A_74 = tpu.memref_slice %arg6[%dma_start3A_73, %add3A_72] : memref<2x320000xi32, #tpu.memory_space<hbm>> -> memref<1x128xi32, #tpu.memory_space<hbm>>
      %dma_start3A_75 = tpu.memref_squeeze %dma_start3A_74 : memref<1x128xi32, #tpu.memory_space<hbm>> -> memref<128xi32, #tpu.memory_space<hbm>>
      %dma_start3A_76 = tpu.memref_slice %arg6[%dma_start3A_73, %add3A_72] : memref<2x320000xi32, #tpu.memory_space<hbm>> -> memref<1x128xi32, #tpu.memory_space<hbm>>
      %dma_start3A_77 = tpu.memref_squeeze %dma_start3A_76 : memref<1x128xi32, #tpu.memory_space<hbm>> -> memref<128xi32, #tpu.memory_space<hbm>>
      tpu.enqueue_dma source(%dma_start3A_77 : memref<128xi32, #tpu.memory_space<hbm>>) target(%arg9 : memref<128xi32, #tpu.memory_space<vmem>>) target_semaphore(%arg25 : memref<!tpu.dma_semaphore, #tpu.memory_space<semaphore_mem>>)
      %dma_start3A_78 = arith.constant 1 : i32
      %dma_start3A_79 = tpu.memref_slice %arg6[%dma_start3A_78, %add3A_72] : memref<2x320000xi32, #tpu.memory_space<hbm>> -> memref<1x128xi32, #tpu.memory_space<hbm>>
      %dma_start3A_80 = tpu.memref_squeeze %dma_start3A_79 : memref<1x128xi32, #tpu.memory_space<hbm>> -> memref<128xi32, #tpu.memory_space<hbm>>
      %dma_start3A_81 = tpu.memref_slice %arg6[%dma_start3A_78, %add3A_72] : memref<2x320000xi32, #tpu.memory_space<hbm>> -> memref<1x128xi32, #tpu.memory_space<hbm>>
      %dma_start3A_82 = tpu.memref_squeeze %dma_start3A_81 : memref<1x128xi32, #tpu.memory_space<hbm>> -> memref<128xi32, #tpu.memory_space<hbm>>
      tpu.enqueue_dma source(%dma_start3A_82 : memref<128xi32, #tpu.memory_space<hbm>>) target(%arg15 : memref<128xi32, #tpu.memory_space<vmem>>) target_semaphore(%arg25 : memref<!tpu.dma_semaphore, #tpu.memory_space<semaphore_mem>>)
      %add3A_83 = arith.constant 256 : i32
      %add3A_84 = arith.addi %mul3A_60, %add3A_83 : i32
      %dma_start3A_85 = arith.constant 0 : i32
      %dma_start3A_86 = tpu.memref_slice %arg6[%dma_start3A_85, %add3A_84] : memref<2x320000xi32, #tpu.memory_space<hbm>> -> memref<1x128xi32, #tpu.memory_space<hbm>>
      %dma_start3A_87 = tpu.memref_squeeze %dma_start3A_86 : memref<1x128xi32, #tpu.memory_space<hbm>> -> memref<128xi32, #tpu.memory_space<hbm>>
      %dma_start3A_88 = tpu.memref_slice %arg6[%dma_start3A_85, %add3A_84] : memref<2x320000xi32, #tpu.memory_space<hbm>> -> memref<1x128xi32, #tpu.memory_space<hbm>>
      %dma_start3A_89 = tpu.memref_squeeze %dma_start3A_88 : memref<1x128xi32, #tpu.memory_space<hbm>> -> memref<128xi32, #tpu.memory_space<hbm>>
      tpu.enqueue_dma source(%dma_start3A_89 : memref<128xi32, #tpu.memory_space<hbm>>) target(%arg10 : memref<128xi32, #tpu.memory_space<vmem>>) target_semaphore(%arg26 : memref<!tpu.dma_semaphore, #tpu.memory_space<semaphore_mem>>)
      %dma_start3A_90 = arith.constant 1 : i32
      %dma_start3A_91 = tpu.memref_slice %arg6[%dma_start3A_90, %add3A_84] : memref<2x320000xi32, #tpu.memory_space<hbm>> -> memref<1x128xi32, #tpu.memory_space<hbm>>
      %dma_start3A_92 = tpu.memref_squeeze %dma_start3A_91 : memref<1x128xi32, #tpu.memory_space<hbm>> -> memref<128xi32, #tpu.memory_space<hbm>>
      %dma_start3A_93 = tpu.memref_slice %arg6[%dma_start3A_90, %add3A_84] : memref<2x320000xi32, #tpu.memory_space<hbm>> -> memref<1x128xi32, #tpu.memory_space<hbm>>
      %dma_start3A_94 = tpu.memref_squeeze %dma_start3A_93 : memref<1x128xi32, #tpu.memory_space<hbm>> -> memref<128xi32, #tpu.memory_space<hbm>>
      tpu.enqueue_dma source(%dma_start3A_94 : memref<128xi32, #tpu.memory_space<hbm>>) target(%arg16 : memref<128xi32, #tpu.memory_space<vmem>>) target_semaphore(%arg26 : memref<!tpu.dma_semaphore, #tpu.memory_space<semaphore_mem>>)
      %add3A_95 = arith.constant 384 : i32
      %add3A_96 = arith.addi %mul3A_60, %add3A_95 : i32
      %dma_start3A_97 = arith.constant 0 : i32
      %dma_start3A_98 = tpu.memref_slice %arg6[%dma_start3A_97, %add3A_96] : memref<2x320000xi32, #tpu.memory_space<hbm>> -> memref<1x128xi32, #tpu.memory_space<hbm>>
      %dma_start3A_99 = tpu.memref_squeeze %dma_start3A_98 : memref<1x128xi32, #tpu.memory_space<hbm>> -> memref<128xi32, #tpu.memory_space<hbm>>
      %dma_start3A_100 = tpu.memref_slice %arg6[%dma_start3A_97, %add3A_96] : memref<2x320000xi32, #tpu.memory_space<hbm>> -> memref<1x128xi32, #tpu.memory_space<hbm>>
      %dma_start3A_101 = tpu.memref_squeeze %dma_start3A_100 : memref<1x128xi32, #tpu.memory_space<hbm>> -> memref<128xi32, #tpu.memory_space<hbm>>
      tpu.enqueue_dma source(%dma_start3A_101 : memref<128xi32, #tpu.memory_space<hbm>>) target(%arg11 : memref<128xi32, #tpu.memory_space<vmem>>) target_semaphore(%arg27 : memref<!tpu.dma_semaphore, #tpu.memory_space<semaphore_mem>>)
      %dma_start3A_102 = arith.constant 1 : i32
      %dma_start3A_103 = tpu.memref_slice %arg6[%dma_start3A_102, %add3A_96] : memref<2x320000xi32, #tpu.memory_space<hbm>> -> memref<1x128xi32, #tpu.memory_space<hbm>>
      %dma_start3A_104 = tpu.memref_squeeze %dma_start3A_103 : memref<1x128xi32, #tpu.memory_space<hbm>> -> memref<128xi32, #tpu.memory_space<hbm>>
      %dma_start3A_105 = tpu.memref_slice %arg6[%dma_start3A_102, %add3A_96] : memref<2x320000xi32, #tpu.memory_space<hbm>> -> memref<1x128xi32, #tpu.memory_space<hbm>>
      %dma_start3A_106 = tpu.memref_squeeze %dma_start3A_105 : memref<1x128xi32, #tpu.memory_space<hbm>> -> memref<128xi32, #tpu.memory_space<hbm>>
      tpu.enqueue_dma source(%dma_start3A_106 : memref<128xi32, #tpu.memory_space<hbm>>) target(%arg17 : memref<128xi32, #tpu.memory_space<vmem>>) target_semaphore(%arg27 : memref<!tpu.dma_semaphore, #tpu.memory_space<semaphore_mem>>)
      %dma_wait3A = arith.constant 0 : i32
      %dma_wait3A_107 = arith.constant 0 : i32
      %dma_wait3A_108 = tpu.memref_slice %arg6[%dma_wait3A, %dma_wait3A_107] : memref<2x320000xi32, #tpu.memory_space<hbm>> -> memref<1x128xi32, #tpu.memory_space<hbm>>
      %dma_wait3A_109 = tpu.memref_squeeze %dma_wait3A_108 : memref<1x128xi32, #tpu.memory_space<hbm>> -> memref<128xi32, #tpu.memory_space<hbm>>
      %dma_wait3A_110 = arith.constant 0 : i32
      %dma_wait3A_111 = tpu.memref_slice %arg6[%dma_wait3A, %dma_wait3A_110] : memref<2x320000xi32, #tpu.memory_space<hbm>> -> memref<1x128xi32, #tpu.memory_space<hbm>>
      %dma_wait3A_112 = tpu.memref_squeeze %dma_wait3A_111 : memref<1x128xi32, #tpu.memory_space<hbm>> -> memref<128xi32, #tpu.memory_space<hbm>>
      tpu.wait_dma2 semaphore(%arg24 : memref<!tpu.dma_semaphore, #tpu.memory_space<semaphore_mem>>) src(%dma_wait3A_112 : memref<128xi32, #tpu.memory_space<hbm>>) dst(%arg8 : memref<128xi32, #tpu.memory_space<vmem>>)
      %dma_wait3A_113 = arith.constant 1 : i32
      %dma_wait3A_114 = arith.constant 0 : i32
      %dma_wait3A_115 = tpu.memref_slice %arg6[%dma_wait3A_113, %dma_wait3A_114] : memref<2x320000xi32, #tpu.memory_space<hbm>> -> memref<1x128xi32, #tpu.memory_space<hbm>>
      %dma_wait3A_116 = tpu.memref_squeeze %dma_wait3A_115 : memref<1x128xi32, #tpu.memory_space<hbm>> -> memref<128xi32, #tpu.memory_space<hbm>>
      %dma_wait3A_117 = arith.constant 0 : i32
      %dma_wait3A_118 = tpu.memref_slice %arg6[%dma_wait3A_113, %dma_wait3A_117] : memref<2x320000xi32, #tpu.memory_space<hbm>> -> memref<1x128xi32, #tpu.memory_space<hbm>>
      %dma_wait3A_119 = tpu.memref_squeeze %dma_wait3A_118 : memref<1x128xi32, #tpu.memory_space<hbm>> -> memref<128xi32, #tpu.memory_space<hbm>>
      tpu.wait_dma2 semaphore(%arg24 : memref<!tpu.dma_semaphore, #tpu.memory_space<semaphore_mem>>) src(%dma_wait3A_119 : memref<128xi32, #tpu.memory_space<hbm>>) dst(%arg14 : memref<128xi32, #tpu.memory_space<vmem>>)
      %dma_start3A_120 = arith.constant 0 : i32
      %dma_start3A_121 = arith.constant 0 : i32
      %dma_start3A_122 = tpu.memref_slice %arg2[%dma_start3A_120, %dma_start3A_121] : memref<10000x128xf32, #tpu.memory_space<hbm>> -> memref<10000x128xf32, #tpu.memory_space<hbm>>
      tpu.enqueue_indirect_dma source(%dma_start3A_122 : memref<10000x128xf32, #tpu.memory_space<hbm>>) target(%arg20 : memref<128x128xf32, #tpu.memory_space<vmem>>) offsets(%arg8 : memref<128xi32, #tpu.memory_space<vmem>>) semaphore(%arg30 : memref<!tpu.dma_semaphore, #tpu.memory_space<semaphore_mem>>)
      %dma_wait3A_123 = arith.constant 0 : i32
      %dma_wait3A_124 = arith.constant 0 : i32
      %dma_wait3A_125 = tpu.memref_slice %arg6[%dma_wait3A_123, %dma_wait3A_124] : memref<2x320000xi32, #tpu.memory_space<hbm>> -> memref<1x128xi32, #tpu.memory_space<hbm>>
      %dma_wait3A_126 = tpu.memref_squeeze %dma_wait3A_125 : memref<1x128xi32, #tpu.memory_space<hbm>> -> memref<128xi32, #tpu.memory_space<hbm>>
      %dma_wait3A_127 = arith.constant 0 : i32
      %dma_wait3A_128 = tpu.memref_slice %arg6[%dma_wait3A_123, %dma_wait3A_127] : memref<2x320000xi32, #tpu.memory_space<hbm>> -> memref<1x128xi32, #tpu.memory_space<hbm>>
      %dma_wait3A_129 = tpu.memref_squeeze %dma_wait3A_128 : memref<1x128xi32, #tpu.memory_space<hbm>> -> memref<128xi32, #tpu.memory_space<hbm>>
      tpu.wait_dma2 semaphore(%arg25 : memref<!tpu.dma_semaphore, #tpu.memory_space<semaphore_mem>>) src(%dma_wait3A_129 : memref<128xi32, #tpu.memory_space<hbm>>) dst(%arg9 : memref<128xi32, #tpu.memory_space<vmem>>)
      %dma_wait3A_130 = arith.constant 1 : i32
      %dma_wait3A_131 = arith.constant 0 : i32
      %dma_wait3A_132 = tpu.memref_slice %arg6[%dma_wait3A_130, %dma_wait3A_131] : memref<2x320000xi32, #tpu.memory_space<hbm>> -> memref<1x128xi32, #tpu.memory_space<hbm>>
      %dma_wait3A_133 = tpu.memref_squeeze %dma_wait3A_132 : memref<1x128xi32, #tpu.memory_space<hbm>> -> memref<128xi32, #tpu.memory_space<hbm>>
      %dma_wait3A_134 = arith.constant 0 : i32
      %dma_wait3A_135 = tpu.memref_slice %arg6[%dma_wait3A_130, %dma_wait3A_134] : memref<2x320000xi32, #tpu.memory_space<hbm>> -> memref<1x128xi32, #tpu.memory_space<hbm>>
      %dma_wait3A_136 = tpu.memref_squeeze %dma_wait3A_135 : memref<1x128xi32, #tpu.memory_space<hbm>> -> memref<128xi32, #tpu.memory_space<hbm>>
      tpu.wait_dma2 semaphore(%arg25 : memref<!tpu.dma_semaphore, #tpu.memory_space<semaphore_mem>>) src(%dma_wait3A_136 : memref<128xi32, #tpu.memory_space<hbm>>) dst(%arg15 : memref<128xi32, #tpu.memory_space<vmem>>)
      %dma_start3A_137 = arith.constant 0 : i32
      %dma_start3A_138 = arith.constant 0 : i32
      %dma_start3A_139 = tpu.memref_slice %arg2[%dma_start3A_137, %dma_start3A_138] : memref<10000x128xf32, #tpu.memory_space<hbm>> -> memref<10000x128xf32, #tpu.memory_space<hbm>>
      tpu.enqueue_indirect_dma source(%dma_start3A_139 : memref<10000x128xf32, #tpu.memory_space<hbm>>) target(%arg21 : memref<128x128xf32, #tpu.memory_space<vmem>>) offsets(%arg9 : memref<128xi32, #tpu.memory_space<vmem>>) semaphore(%arg31 : memref<!tpu.dma_semaphore, #tpu.memory_space<semaphore_mem>>)
      %scan3A = arith.constant 0 : i32
      %scan3A_140 = arith.constant 26 : i32
      %scan3A_141 = arith.addi %scan3A, %scan3A_140 : i32
      %scan3A_142 = arith.constant 1 : i32
      scf.for %scan3A_151 = %scan3A to %scan3A_141 step %scan3A_142  : i32 {
        %mul3A_152 = arith.constant 6 : i32
        %mul3A_153 = arith.muli %scan3A_151, %mul3A_152 : i32
        %add3A_154 = arith.constant 0 : i32
        %add3A_155 = arith.addi %mul3A_153, %add3A_154 : i32
        %dma_wait3A_156 = arith.constant 0 : i32
        %dma_wait3A_157 = arith.constant 0 : i32
        %dma_wait3A_158 = tpu.memref_slice %arg2[%dma_wait3A_156, %dma_wait3A_157] : memref<10000x128xf32, #tpu.memory_space<hbm>> -> memref<10000x128xf32, #tpu.memory_space<hbm>>
        tpu.wait_indirect_dma semaphore(%arg30 : memref<!tpu.dma_semaphore, #tpu.memory_space<semaphore_mem>>) src(%dma_wait3A_158 : memref<10000x128xf32, #tpu.memory_space<hbm>>) dst(%arg20 : memref<128x128xf32, #tpu.memory_space<vmem>>)
        %ge3A = arith.constant 1 : i32
        %ge3A_159 = arith.cmpi sge, %add3A_155, %ge3A : i32
        %convert_element_type3A_160 = arith.extui %ge3A_159 : i1 to i32
        %cond3A_161 = arith.constant 0 : i32
        %cond3A_162 = arith.cmpi ne, %convert_element_type3A_160, %cond3A_161 : i32
        scf.if %cond3A_162 {
          %dma_wait3A_325 = arith.constant 0 : i32
          %dma_wait3A_326 = arith.constant 0 : i32
          %dma_wait3A_327 = tpu.memref_slice %arg23[%dma_wait3A_325, %dma_wait3A_326] : memref<10000x128xf32, #tpu.memory_space<vmem_shared>> -> memref<10000x128xf32, #tpu.memory_space<vmem_shared>>
          tpu.wait_indirect_dma semaphore(%arg35 : memref<!tpu.dma_semaphore, #tpu.memory_space<semaphore_mem>>) src(%arg22 : memref<128x128xf32, #tpu.memory_space<vmem>>) dst(%dma_wait3A_327 : memref<10000x128xf32, #tpu.memory_space<vmem_shared>>)
        } else {
        }
        %add3A_163 = arith.constant 4 : i32
        %add3A_164 = arith.addi %add3A_155, %add3A_163 : i32
        %lt3A_165 = arith.constant 156 : i32
        %lt3A_166 = arith.cmpi slt, %add3A_164, %lt3A_165 : i32
        %convert_element_type3A_167 = arith.extui %lt3A_166 : i1 to i32
        %cond3A_168 = arith.constant 0 : i32
        %cond3A_169 = arith.cmpi ne, %convert_element_type3A_167, %cond3A_168 : i32
        scf.if %cond3A_169 {
          %add3A_325 = arith.constant 4 : i32
          %add3A_326 = arith.addi %add3A_155, %add3A_325 : i32
          %mul3A_327 = arith.constant 128 : i32
          %mul3A_328 = arith.muli %add3A_326, %mul3A_327 : i32
          %add3A_329 = arith.addi %mul3A_60, %mul3A_328 : i32
          %dma_start3A_330 = arith.constant 0 : i32
          %dma_start3A_331 = tpu.memref_slice %arg6[%dma_start3A_330, %add3A_329] : memref<2x320000xi32, #tpu.memory_space<hbm>> -> memref<1x128xi32, #tpu.memory_space<hbm>>
          %dma_start3A_332 = tpu.memref_squeeze %dma_start3A_331 : memref<1x128xi32, #tpu.memory_space<hbm>> -> memref<128xi32, #tpu.memory_space<hbm>>
          %dma_start3A_333 = tpu.memref_slice %arg6[%dma_start3A_330, %add3A_329] : memref<2x320000xi32, #tpu.memory_space<hbm>> -> memref<1x128xi32, #tpu.memory_space<hbm>>
          %dma_start3A_334 = tpu.memref_squeeze %dma_start3A_333 : memref<1x128xi32, #tpu.memory_space<hbm>> -> memref<128xi32, #tpu.memory_space<hbm>>
          tpu.enqueue_dma source(%dma_start3A_334 : memref<128xi32, #tpu.memory_space<hbm>>) target(%arg12 : memref<128xi32, #tpu.memory_space<vmem>>) target_semaphore(%arg28 : memref<!tpu.dma_semaphore, #tpu.memory_space<semaphore_mem>>)
          %dma_start3A_335 = arith.constant 1 : i32
          %dma_start3A_336 = tpu.memref_slice %arg6[%dma_start3A_335, %add3A_329] : memref<2x320000xi32, #tpu.memory_space<hbm>> -> memref<1x128xi32, #tpu.memory_space<hbm>>
          %dma_start3A_337 = tpu.memref_squeeze %dma_start3A_336 : memref<1x128xi32, #tpu.memory_space<hbm>> -> memref<128xi32, #tpu.memory_space<hbm>>
          %dma_start3A_338 = tpu.memref_slice %arg6[%dma_start3A_335, %add3A_329] : memref<2x320000xi32, #tpu.memory_space<hbm>> -> memref<1x128xi32, #tpu.memory_space<hbm>>
          %dma_start3A_339 = tpu.memref_squeeze %dma_start3A_338 : memref<1x128xi32, #tpu.memory_space<hbm>> -> memref<128xi32, #tpu.memory_space<hbm>>
          tpu.enqueue_dma source(%dma_start3A_339 : memref<128xi32, #tpu.memory_space<hbm>>) target(%arg18 : memref<128xi32, #tpu.memory_space<vmem>>) target_semaphore(%arg28 : memref<!tpu.dma_semaphore, #tpu.memory_space<semaphore_mem>>)
        } else {
        }
        %add3A_170 = arith.constant 2 : i32
        %add3A_171 = arith.addi %add3A_155, %add3A_170 : i32
        %lt3A_172 = arith.constant 156 : i32
        %lt3A_173 = arith.cmpi slt, %add3A_171, %lt3A_172 : i32
        %convert_element_type3A_174 = arith.extui %lt3A_173 : i1 to i32
        %cond3A_175 = arith.constant 0 : i32
        %cond3A_176 = arith.cmpi ne, %convert_element_type3A_174, %cond3A_175 : i32
        scf.if %cond3A_176 {
          %dma_wait3A_325 = arith.constant 0 : i32
          %dma_wait3A_326 = arith.constant 0 : i32
          %dma_wait3A_327 = tpu.memref_slice %arg6[%dma_wait3A_325, %dma_wait3A_326] : memref<2x320000xi32, #tpu.memory_space<hbm>> -> memref<1x128xi32, #tpu.memory_space<hbm>>
          %dma_wait3A_328 = tpu.memref_squeeze %dma_wait3A_327 : memref<1x128xi32, #tpu.memory_space<hbm>> -> memref<128xi32, #tpu.memory_space<hbm>>
          %dma_wait3A_329 = arith.constant 0 : i32
          %dma_wait3A_330 = tpu.memref_slice %arg6[%dma_wait3A_325, %dma_wait3A_329] : memref<2x320000xi32, #tpu.memory_space<hbm>> -> memref<1x128xi32, #tpu.memory_space<hbm>>
          %dma_wait3A_331 = tpu.memref_squeeze %dma_wait3A_330 : memref<1x128xi32, #tpu.memory_space<hbm>> -> memref<128xi32, #tpu.memory_space<hbm>>
          tpu.wait_dma2 semaphore(%arg26 : memref<!tpu.dma_semaphore, #tpu.memory_space<semaphore_mem>>) src(%dma_wait3A_331 : memref<128xi32, #tpu.memory_space<hbm>>) dst(%arg10 : memref<128xi32, #tpu.memory_space<vmem>>)
          %dma_wait3A_332 = arith.constant 1 : i32
          %dma_wait3A_333 = arith.constant 0 : i32
          %dma_wait3A_334 = tpu.memref_slice %arg6[%dma_wait3A_332, %dma_wait3A_333] : memref<2x320000xi32, #tpu.memory_space<hbm>> -> memref<1x128xi32, #tpu.memory_space<hbm>>
          %dma_wait3A_335 = tpu.memref_squeeze %dma_wait3A_334 : memref<1x128xi32, #tpu.memory_space<hbm>> -> memref<128xi32, #tpu.memory_space<hbm>>
          %dma_wait3A_336 = arith.constant 0 : i32
          %dma_wait3A_337 = tpu.memref_slice %arg6[%dma_wait3A_332, %dma_wait3A_336] : memref<2x320000xi32, #tpu.memory_space<hbm>> -> memref<1x128xi32, #tpu.memory_space<hbm>>
          %dma_wait3A_338 = tpu.memref_squeeze %dma_wait3A_337 : memref<1x128xi32, #tpu.memory_space<hbm>> -> memref<128xi32, #tpu.memory_space<hbm>>
          tpu.wait_dma2 semaphore(%arg26 : memref<!tpu.dma_semaphore, #tpu.memory_space<semaphore_mem>>) src(%dma_wait3A_338 : memref<128xi32, #tpu.memory_space<hbm>>) dst(%arg16 : memref<128xi32, #tpu.memory_space<vmem>>)
          %dma_start3A_339 = arith.constant 0 : i32
          %dma_start3A_340 = arith.constant 0 : i32
          %dma_start3A_341 = tpu.memref_slice %arg2[%dma_start3A_339, %dma_start3A_340] : memref<10000x128xf32, #tpu.memory_space<hbm>> -> memref<10000x128xf32, #tpu.memory_space<hbm>>
          tpu.enqueue_indirect_dma source(%dma_start3A_341 : memref<10000x128xf32, #tpu.memory_space<hbm>>) target(%arg22 : memref<128x128xf32, #tpu.memory_space<vmem>>) offsets(%arg10 : memref<128xi32, #tpu.memory_space<vmem>>) semaphore(%arg32 : memref<!tpu.dma_semaphore, #tpu.memory_space<semaphore_mem>>)
        } else {
        }
        %dma_start3A_177 = arith.constant 0 : i32
        %dma_start3A_178 = arith.constant 0 : i32
        %dma_start3A_179 = tpu.memref_slice %arg23[%dma_start3A_177, %dma_start3A_178] : memref<10000x128xf32, #tpu.memory_space<vmem_shared>> -> memref<10000x128xf32, #tpu.memory_space<vmem_shared>>
        tpu.enqueue_indirect_dma source(%arg20 : memref<128x128xf32, #tpu.memory_space<vmem>>) target(%dma_start3A_179 : memref<10000x128xf32, #tpu.memory_space<vmem_shared>>) offsets(%arg14 : memref<128xi32, #tpu.memory_space<vmem>>) semaphore(%arg33 : memref<!tpu.dma_semaphore, #tpu.memory_space<semaphore_mem>>) {add = true}
        %mul3A_180 = arith.constant 6 : i32
        %mul3A_181 = arith.muli %scan3A_151, %mul3A_180 : i32
        %add3A_182 = arith.constant 1 : i32
        %add3A_183 = arith.addi %mul3A_181, %add3A_182 : i32
        %dma_wait3A_184 = arith.constant 0 : i32
        %dma_wait3A_185 = arith.constant 0 : i32
        %dma_wait3A_186 = tpu.memref_slice %arg2[%dma_wait3A_184, %dma_wait3A_185] : memref<10000x128xf32, #tpu.memory_space<hbm>> -> memref<10000x128xf32, #tpu.memory_space<hbm>>
        tpu.wait_indirect_dma semaphore(%arg31 : memref<!tpu.dma_semaphore, #tpu.memory_space<semaphore_mem>>) src(%dma_wait3A_186 : memref<10000x128xf32, #tpu.memory_space<hbm>>) dst(%arg21 : memref<128x128xf32, #tpu.memory_space<vmem>>)
        %ge3A_187 = arith.constant 1 : i32
        %ge3A_188 = arith.cmpi sge, %add3A_183, %ge3A_187 : i32
        %convert_element_type3A_189 = arith.extui %ge3A_188 : i1 to i32
        %cond3A_190 = arith.constant 0 : i32
        %cond3A_191 = arith.cmpi ne, %convert_element_type3A_189, %cond3A_190 : i32
        scf.if %cond3A_191 {
          %dma_wait3A_325 = arith.constant 0 : i32
          %dma_wait3A_326 = arith.constant 0 : i32
          %dma_wait3A_327 = tpu.memref_slice %arg23[%dma_wait3A_325, %dma_wait3A_326] : memref<10000x128xf32, #tpu.memory_space<vmem_shared>> -> memref<10000x128xf32, #tpu.memory_space<vmem_shared>>
          tpu.wait_indirect_dma semaphore(%arg33 : memref<!tpu.dma_semaphore, #tpu.memory_space<semaphore_mem>>) src(%arg20 : memref<128x128xf32, #tpu.memory_space<vmem>>) dst(%dma_wait3A_327 : memref<10000x128xf32, #tpu.memory_space<vmem_shared>>)
        } else {
        }
        %add3A_192 = arith.constant 4 : i32
        %add3A_193 = arith.addi %add3A_183, %add3A_192 : i32
        %lt3A_194 = arith.constant 156 : i32
        %lt3A_195 = arith.cmpi slt, %add3A_193, %lt3A_194 : i32
        %convert_element_type3A_196 = arith.extui %lt3A_195 : i1 to i32
        %cond3A_197 = arith.constant 0 : i32
        %cond3A_198 = arith.cmpi ne, %convert_element_type3A_196, %cond3A_197 : i32
        scf.if %cond3A_198 {
          %add3A_325 = arith.constant 4 : i32
          %add3A_326 = arith.addi %add3A_183, %add3A_325 : i32
          %mul3A_327 = arith.constant 128 : i32
          %mul3A_328 = arith.muli %add3A_326, %mul3A_327 : i32
          %add3A_329 = arith.addi %mul3A_60, %mul3A_328 : i32
          %dma_start3A_330 = arith.constant 0 : i32
          %dma_start3A_331 = tpu.memref_slice %arg6[%dma_start3A_330, %add3A_329] : memref<2x320000xi32, #tpu.memory_space<hbm>> -> memref<1x128xi32, #tpu.memory_space<hbm>>
          %dma_start3A_332 = tpu.memref_squeeze %dma_start3A_331 : memref<1x128xi32, #tpu.memory_space<hbm>> -> memref<128xi32, #tpu.memory_space<hbm>>
          %dma_start3A_333 = tpu.memref_slice %arg6[%dma_start3A_330, %add3A_329] : memref<2x320000xi32, #tpu.memory_space<hbm>> -> memref<1x128xi32, #tpu.memory_space<hbm>>
          %dma_start3A_334 = tpu.memref_squeeze %dma_start3A_333 : memref<1x128xi32, #tpu.memory_space<hbm>> -> memref<128xi32, #tpu.memory_space<hbm>>
          tpu.enqueue_dma source(%dma_start3A_334 : memref<128xi32, #tpu.memory_space<hbm>>) target(%arg13 : memref<128xi32, #tpu.memory_space<vmem>>) target_semaphore(%arg29 : memref<!tpu.dma_semaphore, #tpu.memory_space<semaphore_mem>>)
          %dma_start3A_335 = arith.constant 1 : i32
          %dma_start3A_336 = tpu.memref_slice %arg6[%dma_start3A_335, %add3A_329] : memref<2x320000xi32, #tpu.memory_space<hbm>> -> memref<1x128xi32, #tpu.memory_space<hbm>>
          %dma_start3A_337 = tpu.memref_squeeze %dma_start3A_336 : memref<1x128xi32, #tpu.memory_space<hbm>> -> memref<128xi32, #tpu.memory_space<hbm>>
          %dma_start3A_338 = tpu.memref_slice %arg6[%dma_start3A_335, %add3A_329] : memref<2x320000xi32, #tpu.memory_space<hbm>> -> memref<1x128xi32, #tpu.memory_space<hbm>>
          %dma_start3A_339 = tpu.memref_squeeze %dma_start3A_338 : memref<1x128xi32, #tpu.memory_space<hbm>> -> memref<128xi32, #tpu.memory_space<hbm>>
          tpu.enqueue_dma source(%dma_start3A_339 : memref<128xi32, #tpu.memory_space<hbm>>) target(%arg19 : memref<128xi32, #tpu.memory_space<vmem>>) target_semaphore(%arg29 : memref<!tpu.dma_semaphore, #tpu.memory_space<semaphore_mem>>)
        } else {
        }
        %add3A_199 = arith.constant 2 : i32
        %add3A_200 = arith.addi %add3A_183, %add3A_199 : i32
        %lt3A_201 = arith.constant 156 : i32
        %lt3A_202 = arith.cmpi slt, %add3A_200, %lt3A_201 : i32
        %convert_element_type3A_203 = arith.extui %lt3A_202 : i1 to i32
        %cond3A_204 = arith.constant 0 : i32
        %cond3A_205 = arith.cmpi ne, %convert_element_type3A_203, %cond3A_204 : i32
        scf.if %cond3A_205 {
          %dma_wait3A_325 = arith.constant 0 : i32
          %dma_wait3A_326 = arith.constant 0 : i32
          %dma_wait3A_327 = tpu.memref_slice %arg6[%dma_wait3A_325, %dma_wait3A_326] : memref<2x320000xi32, #tpu.memory_space<hbm>> -> memref<1x128xi32, #tpu.memory_space<hbm>>
          %dma_wait3A_328 = tpu.memref_squeeze %dma_wait3A_327 : memref<1x128xi32, #tpu.memory_space<hbm>> -> memref<128xi32, #tpu.memory_space<hbm>>
          %dma_wait3A_329 = arith.constant 0 : i32
          %dma_wait3A_330 = tpu.memref_slice %arg6[%dma_wait3A_325, %dma_wait3A_329] : memref<2x320000xi32, #tpu.memory_space<hbm>> -> memref<1x128xi32, #tpu.memory_space<hbm>>
          %dma_wait3A_331 = tpu.memref_squeeze %dma_wait3A_330 : memref<1x128xi32, #tpu.memory_space<hbm>> -> memref<128xi32, #tpu.memory_space<hbm>>
          tpu.wait_dma2 semaphore(%arg27 : memref<!tpu.dma_semaphore, #tpu.memory_space<semaphore_mem>>) src(%dma_wait3A_331 : memref<128xi32, #tpu.memory_space<hbm>>) dst(%arg11 : memref<128xi32, #tpu.memory_space<vmem>>)
          %dma_wait3A_332 = arith.constant 1 : i32
          %dma_wait3A_333 = arith.constant 0 : i32
          %dma_wait3A_334 = tpu.memref_slice %arg6[%dma_wait3A_332, %dma_wait3A_333] : memref<2x320000xi32, #tpu.memory_space<hbm>> -> memref<1x128xi32, #tpu.memory_space<hbm>>
          %dma_wait3A_335 = tpu.memref_squeeze %dma_wait3A_334 : memref<1x128xi32, #tpu.memory_space<hbm>> -> memref<128xi32, #tpu.memory_space<hbm>>
          %dma_wait3A_336 = arith.constant 0 : i32
          %dma_wait3A_337 = tpu.memref_slice %arg6[%dma_wait3A_332, %dma_wait3A_336] : memref<2x320000xi32, #tpu.memory_space<hbm>> -> memref<1x128xi32, #tpu.memory_space<hbm>>
          %dma_wait3A_338 = tpu.memref_squeeze %dma_wait3A_337 : memref<1x128xi32, #tpu.memory_space<hbm>> -> memref<128xi32, #tpu.memory_space<hbm>>
          tpu.wait_dma2 semaphore(%arg27 : memref<!tpu.dma_semaphore, #tpu.memory_space<semaphore_mem>>) src(%dma_wait3A_338 : memref<128xi32, #tpu.memory_space<hbm>>) dst(%arg17 : memref<128xi32, #tpu.memory_space<vmem>>)
          %dma_start3A_339 = arith.constant 0 : i32
          %dma_start3A_340 = arith.constant 0 : i32
          %dma_start3A_341 = tpu.memref_slice %arg2[%dma_start3A_339, %dma_start3A_340] : memref<10000x128xf32, #tpu.memory_space<hbm>> -> memref<10000x128xf32, #tpu.memory_space<hbm>>
          tpu.enqueue_indirect_dma source(%dma_start3A_341 : memref<10000x128xf32, #tpu.memory_space<hbm>>) target(%arg20 : memref<128x128xf32, #tpu.memory_space<vmem>>) offsets(%arg11 : memref<128xi32, #tpu.memory_space<vmem>>) semaphore(%arg30 : memref<!tpu.dma_semaphore, #tpu.memory_space<semaphore_mem>>)
        } else {
        }
        %dma_start3A_206 = arith.constant 0 : i32
        %dma_start3A_207 = arith.constant 0 : i32
        %dma_start3A_208 = tpu.memref_slice %arg23[%dma_start3A_206, %dma_start3A_207] : memref<10000x128xf32, #tpu.memory_space<vmem_shared>> -> memref<10000x128xf32, #tpu.memory_space<vmem_shared>>
        tpu.enqueue_indirect_dma source(%arg21 : memref<128x128xf32, #tpu.memory_space<vmem>>) target(%dma_start3A_208 : memref<10000x128xf32, #tpu.memory_space<vmem_shared>>) offsets(%arg15 : memref<128xi32, #tpu.memory_space<vmem>>) semaphore(%arg34 : memref<!tpu.dma_semaphore, #tpu.memory_space<semaphore_mem>>) {add = true}
        %mul3A_209 = arith.constant 6 : i32
        %mul3A_210 = arith.muli %scan3A_151, %mul3A_209 : i32
        %add3A_211 = arith.constant 2 : i32
        %add3A_212 = arith.addi %mul3A_210, %add3A_211 : i32
        %dma_wait3A_213 = arith.constant 0 : i32
        %dma_wait3A_214 = arith.constant 0 : i32
        %dma_wait3A_215 = tpu.memref_slice %arg2[%dma_wait3A_213, %dma_wait3A_214] : memref<10000x128xf32, #tpu.memory_space<hbm>> -> memref<10000x128xf32, #tpu.memory_space<hbm>>
        tpu.wait_indirect_dma semaphore(%arg32 : memref<!tpu.dma_semaphore, #tpu.memory_space<semaphore_mem>>) src(%dma_wait3A_215 : memref<10000x128xf32, #tpu.memory_space<hbm>>) dst(%arg22 : memref<128x128xf32, #tpu.memory_space<vmem>>)
        %ge3A_216 = arith.constant 1 : i32
        %ge3A_217 = arith.cmpi sge, %add3A_212, %ge3A_216 : i32
        %convert_element_type3A_218 = arith.extui %ge3A_217 : i1 to i32
        %cond3A_219 = arith.constant 0 : i32
        %cond3A_220 = arith.cmpi ne, %convert_element_type3A_218, %cond3A_219 : i32
        scf.if %cond3A_220 {
          %dma_wait3A_325 = arith.constant 0 : i32
          %dma_wait3A_326 = arith.constant 0 : i32
          %dma_wait3A_327 = tpu.memref_slice %arg23[%dma_wait3A_325, %dma_wait3A_326] : memref<10000x128xf32, #tpu.memory_space<vmem_shared>> -> memref<10000x128xf32, #tpu.memory_space<vmem_shared>>
          tpu.wait_indirect_dma semaphore(%arg34 : memref<!tpu.dma_semaphore, #tpu.memory_space<semaphore_mem>>) src(%arg21 : memref<128x128xf32, #tpu.memory_space<vmem>>) dst(%dma_wait3A_327 : memref<10000x128xf32, #tpu.memory_space<vmem_shared>>)
        } else {
        }
        %add3A_221 = arith.constant 4 : i32
        %add3A_222 = arith.addi %add3A_212, %add3A_221 : i32
        %lt3A_223 = arith.constant 156 : i32
        %lt3A_224 = arith.cmpi slt, %add3A_222, %lt3A_223 : i32
        %convert_element_type3A_225 = arith.extui %lt3A_224 : i1 to i32
        %cond3A_226 = arith.constant 0 : i32
        %cond3A_227 = arith.cmpi ne, %convert_element_type3A_225, %cond3A_226 : i32
        scf.if %cond3A_227 {
          %add3A_325 = arith.constant 4 : i32
          %add3A_326 = arith.addi %add3A_212, %add3A_325 : i32
          %mul3A_327 = arith.constant 128 : i32
          %mul3A_328 = arith.muli %add3A_326, %mul3A_327 : i32
          %add3A_329 = arith.addi %mul3A_60, %mul3A_328 : i32
          %dma_start3A_330 = arith.constant 0 : i32
          %dma_start3A_331 = tpu.memref_slice %arg6[%dma_start3A_330, %add3A_329] : memref<2x320000xi32, #tpu.memory_space<hbm>> -> memref<1x128xi32, #tpu.memory_space<hbm>>
          %dma_start3A_332 = tpu.memref_squeeze %dma_start3A_331 : memref<1x128xi32, #tpu.memory_space<hbm>> -> memref<128xi32, #tpu.memory_space<hbm>>
          %dma_start3A_333 = tpu.memref_slice %arg6[%dma_start3A_330, %add3A_329] : memref<2x320000xi32, #tpu.memory_space<hbm>> -> memref<1x128xi32, #tpu.memory_space<hbm>>
          %dma_start3A_334 = tpu.memref_squeeze %dma_start3A_333 : memref<1x128xi32, #tpu.memory_space<hbm>> -> memref<128xi32, #tpu.memory_space<hbm>>
          tpu.enqueue_dma source(%dma_start3A_334 : memref<128xi32, #tpu.memory_space<hbm>>) target(%arg8 : memref<128xi32, #tpu.memory_space<vmem>>) target_semaphore(%arg24 : memref<!tpu.dma_semaphore, #tpu.memory_space<semaphore_mem>>)
          %dma_start3A_335 = arith.constant 1 : i32
          %dma_start3A_336 = tpu.memref_slice %arg6[%dma_start3A_335, %add3A_329] : memref<2x320000xi32, #tpu.memory_space<hbm>> -> memref<1x128xi32, #tpu.memory_space<hbm>>
          %dma_start3A_337 = tpu.memref_squeeze %dma_start3A_336 : memref<1x128xi32, #tpu.memory_space<hbm>> -> memref<128xi32, #tpu.memory_space<hbm>>
          %dma_start3A_338 = tpu.memref_slice %arg6[%dma_start3A_335, %add3A_329] : memref<2x320000xi32, #tpu.memory_space<hbm>> -> memref<1x128xi32, #tpu.memory_space<hbm>>
          %dma_start3A_339 = tpu.memref_squeeze %dma_start3A_338 : memref<1x128xi32, #tpu.memory_space<hbm>> -> memref<128xi32, #tpu.memory_space<hbm>>
          tpu.enqueue_dma source(%dma_start3A_339 : memref<128xi32, #tpu.memory_space<hbm>>) target(%arg14 : memref<128xi32, #tpu.memory_space<vmem>>) target_semaphore(%arg24 : memref<!tpu.dma_semaphore, #tpu.memory_space<semaphore_mem>>)
        } else {
        }
        %add3A_228 = arith.constant 2 : i32
        %add3A_229 = arith.addi %add3A_212, %add3A_228 : i32
        %lt3A_230 = arith.constant 156 : i32
        %lt3A_231 = arith.cmpi slt, %add3A_229, %lt3A_230 : i32
        %convert_element_type3A_232 = arith.extui %lt3A_231 : i1 to i32
        %cond3A_233 = arith.constant 0 : i32
        %cond3A_234 = arith.cmpi ne, %convert_element_type3A_232, %cond3A_233 : i32
        scf.if %cond3A_234 {
          %dma_wait3A_325 = arith.constant 0 : i32
          %dma_wait3A_326 = arith.constant 0 : i32
          %dma_wait3A_327 = tpu.memref_slice %arg6[%dma_wait3A_325, %dma_wait3A_326] : memref<2x320000xi32, #tpu.memory_space<hbm>> -> memref<1x128xi32, #tpu.memory_space<hbm>>
          %dma_wait3A_328 = tpu.memref_squeeze %dma_wait3A_327 : memref<1x128xi32, #tpu.memory_space<hbm>> -> memref<128xi32, #tpu.memory_space<hbm>>
          %dma_wait3A_329 = arith.constant 0 : i32
          %dma_wait3A_330 = tpu.memref_slice %arg6[%dma_wait3A_325, %dma_wait3A_329] : memref<2x320000xi32, #tpu.memory_space<hbm>> -> memref<1x128xi32, #tpu.memory_space<hbm>>
          %dma_wait3A_331 = tpu.memref_squeeze %dma_wait3A_330 : memref<1x128xi32, #tpu.memory_space<hbm>> -> memref<128xi32, #tpu.memory_space<hbm>>
          tpu.wait_dma2 semaphore(%arg28 : memref<!tpu.dma_semaphore, #tpu.memory_space<semaphore_mem>>) src(%dma_wait3A_331 : memref<128xi32, #tpu.memory_space<hbm>>) dst(%arg12 : memref<128xi32, #tpu.memory_space<vmem>>)
          %dma_wait3A_332 = arith.constant 1 : i32
          %dma_wait3A_333 = arith.constant 0 : i32
          %dma_wait3A_334 = tpu.memref_slice %arg6[%dma_wait3A_332, %dma_wait3A_333] : memref<2x320000xi32, #tpu.memory_space<hbm>> -> memref<1x128xi32, #tpu.memory_space<hbm>>
          %dma_wait3A_335 = tpu.memref_squeeze %dma_wait3A_334 : memref<1x128xi32, #tpu.memory_space<hbm>> -> memref<128xi32, #tpu.memory_space<hbm>>
          %dma_wait3A_336 = arith.constant 0 : i32
          %dma_wait3A_337 = tpu.memref_slice %arg6[%dma_wait3A_332, %dma_wait3A_336] : memref<2x320000xi32, #tpu.memory_space<hbm>> -> memref<1x128xi32, #tpu.memory_space<hbm>>
          %dma_wait3A_338 = tpu.memref_squeeze %dma_wait3A_337 : memref<1x128xi32, #tpu.memory_space<hbm>> -> memref<128xi32, #tpu.memory_space<hbm>>
          tpu.wait_dma2 semaphore(%arg28 : memref<!tpu.dma_semaphore, #tpu.memory_space<semaphore_mem>>) src(%dma_wait3A_338 : memref<128xi32, #tpu.memory_space<hbm>>) dst(%arg18 : memref<128xi32, #tpu.memory_space<vmem>>)
          %dma_start3A_339 = arith.constant 0 : i32
          %dma_start3A_340 = arith.constant 0 : i32
          %dma_start3A_341 = tpu.memref_slice %arg2[%dma_start3A_339, %dma_start3A_340] : memref<10000x128xf32, #tpu.memory_space<hbm>> -> memref<10000x128xf32, #tpu.memory_space<hbm>>
          tpu.enqueue_indirect_dma source(%dma_start3A_341 : memref<10000x128xf32, #tpu.memory_space<hbm>>) target(%arg21 : memref<128x128xf32, #tpu.memory_space<vmem>>) offsets(%arg12 : memref<128xi32, #tpu.memory_space<vmem>>) semaphore(%arg31 : memref<!tpu.dma_semaphore, #tpu.memory_space<semaphore_mem>>)
        } else {
        }
        %dma_start3A_235 = arith.constant 0 : i32
        %dma_start3A_236 = arith.constant 0 : i32
        %dma_start3A_237 = tpu.memref_slice %arg23[%dma_start3A_235, %dma_start3A_236] : memref<10000x128xf32, #tpu.memory_space<vmem_shared>> -> memref<10000x128xf32, #tpu.memory_space<vmem_shared>>
        tpu.enqueue_indirect_dma source(%arg22 : memref<128x128xf32, #tpu.memory_space<vmem>>) target(%dma_start3A_237 : memref<10000x128xf32, #tpu.memory_space<vmem_shared>>) offsets(%arg16 : memref<128xi32, #tpu.memory_space<vmem>>) semaphore(%arg35 : memref<!tpu.dma_semaphore, #tpu.memory_space<semaphore_mem>>) {add = true}
        %mul3A_238 = arith.constant 6 : i32
        %mul3A_239 = arith.muli %scan3A_151, %mul3A_238 : i32
        %add3A_240 = arith.constant 3 : i32
        %add3A_241 = arith.addi %mul3A_239, %add3A_240 : i32
        %dma_wait3A_242 = arith.constant 0 : i32
        %dma_wait3A_243 = arith.constant 0 : i32
        %dma_wait3A_244 = tpu.memref_slice %arg2[%dma_wait3A_242, %dma_wait3A_243] : memref<10000x128xf32, #tpu.memory_space<hbm>> -> memref<10000x128xf32, #tpu.memory_space<hbm>>
        tpu.wait_indirect_dma semaphore(%arg30 : memref<!tpu.dma_semaphore, #tpu.memory_space<semaphore_mem>>) src(%dma_wait3A_244 : memref<10000x128xf32, #tpu.memory_space<hbm>>) dst(%arg20 : memref<128x128xf32, #tpu.memory_space<vmem>>)
        %ge3A_245 = arith.constant 1 : i32
        %ge3A_246 = arith.cmpi sge, %add3A_241, %ge3A_245 : i32
        %convert_element_type3A_247 = arith.extui %ge3A_246 : i1 to i32
        %cond3A_248 = arith.constant 0 : i32
        %cond3A_249 = arith.cmpi ne, %convert_element_type3A_247, %cond3A_248 : i32
        scf.if %cond3A_249 {
          %dma_wait3A_325 = arith.constant 0 : i32
          %dma_wait3A_326 = arith.constant 0 : i32
          %dma_wait3A_327 = tpu.memref_slice %arg23[%dma_wait3A_325, %dma_wait3A_326] : memref<10000x128xf32, #tpu.memory_space<vmem_shared>> -> memref<10000x128xf32, #tpu.memory_space<vmem_shared>>
          tpu.wait_indirect_dma semaphore(%arg35 : memref<!tpu.dma_semaphore, #tpu.memory_space<semaphore_mem>>) src(%arg22 : memref<128x128xf32, #tpu.memory_space<vmem>>) dst(%dma_wait3A_327 : memref<10000x128xf32, #tpu.memory_space<vmem_shared>>)
        } else {
        }
        %add3A_250 = arith.constant 4 : i32
        %add3A_251 = arith.addi %add3A_241, %add3A_250 : i32
        %lt3A_252 = arith.constant 156 : i32
        %lt3A_253 = arith.cmpi slt, %add3A_251, %lt3A_252 : i32
        %convert_element_type3A_254 = arith.extui %lt3A_253 : i1 to i32
        %cond3A_255 = arith.constant 0 : i32
        %cond3A_256 = arith.cmpi ne, %convert_element_type3A_254, %cond3A_255 : i32
        scf.if %cond3A_256 {
          %add3A_325 = arith.constant 4 : i32
          %add3A_326 = arith.addi %add3A_241, %add3A_325 : i32
          %mul3A_327 = arith.constant 128 : i32
          %mul3A_328 = arith.muli %add3A_326, %mul3A_327 : i32
          %add3A_329 = arith.addi %mul3A_60, %mul3A_328 : i32
          %dma_start3A_330 = arith.constant 0 : i32
          %dma_start3A_331 = tpu.memref_slice %arg6[%dma_start3A_330, %add3A_329] : memref<2x320000xi32, #tpu.memory_space<hbm>> -> memref<1x128xi32, #tpu.memory_space<hbm>>
          %dma_start3A_332 = tpu.memref_squeeze %dma_start3A_331 : memref<1x128xi32, #tpu.memory_space<hbm>> -> memref<128xi32, #tpu.memory_space<hbm>>
          %dma_start3A_333 = tpu.memref_slice %arg6[%dma_start3A_330, %add3A_329] : memref<2x320000xi32, #tpu.memory_space<hbm>> -> memref<1x128xi32, #tpu.memory_space<hbm>>
          %dma_start3A_334 = tpu.memref_squeeze %dma_start3A_333 : memref<1x128xi32, #tpu.memory_space<hbm>> -> memref<128xi32, #tpu.memory_space<hbm>>
          tpu.enqueue_dma source(%dma_start3A_334 : memref<128xi32, #tpu.memory_space<hbm>>) target(%arg9 : memref<128xi32, #tpu.memory_space<vmem>>) target_semaphore(%arg25 : memref<!tpu.dma_semaphore, #tpu.memory_space<semaphore_mem>>)
          %dma_start3A_335 = arith.constant 1 : i32
          %dma_start3A_336 = tpu.memref_slice %arg6[%dma_start3A_335, %add3A_329] : memref<2x320000xi32, #tpu.memory_space<hbm>> -> memref<1x128xi32, #tpu.memory_space<hbm>>
          %dma_start3A_337 = tpu.memref_squeeze %dma_start3A_336 : memref<1x128xi32, #tpu.memory_space<hbm>> -> memref<128xi32, #tpu.memory_space<hbm>>
          %dma_start3A_338 = tpu.memref_slice %arg6[%dma_start3A_335, %add3A_329] : memref<2x320000xi32, #tpu.memory_space<hbm>> -> memref<1x128xi32, #tpu.memory_space<hbm>>
          %dma_start3A_339 = tpu.memref_squeeze %dma_start3A_338 : memref<1x128xi32, #tpu.memory_space<hbm>> -> memref<128xi32, #tpu.memory_space<hbm>>
          tpu.enqueue_dma source(%dma_start3A_339 : memref<128xi32, #tpu.memory_space<hbm>>) target(%arg15 : memref<128xi32, #tpu.memory_space<vmem>>) target_semaphore(%arg25 : memref<!tpu.dma_semaphore, #tpu.memory_space<semaphore_mem>>)
        } else {
        }
        %add3A_257 = arith.constant 2 : i32
        %add3A_258 = arith.addi %add3A_241, %add3A_257 : i32
        %lt3A_259 = arith.constant 156 : i32
        %lt3A_260 = arith.cmpi slt, %add3A_258, %lt3A_259 : i32
        %convert_element_type3A_261 = arith.extui %lt3A_260 : i1 to i32
        %cond3A_262 = arith.constant 0 : i32
        %cond3A_263 = arith.cmpi ne, %convert_element_type3A_261, %cond3A_262 : i32
        scf.if %cond3A_263 {
          %dma_wait3A_325 = arith.constant 0 : i32
          %dma_wait3A_326 = arith.constant 0 : i32
          %dma_wait3A_327 = tpu.memref_slice %arg6[%dma_wait3A_325, %dma_wait3A_326] : memref<2x320000xi32, #tpu.memory_space<hbm>> -> memref<1x128xi32, #tpu.memory_space<hbm>>
          %dma_wait3A_328 = tpu.memref_squeeze %dma_wait3A_327 : memref<1x128xi32, #tpu.memory_space<hbm>> -> memref<128xi32, #tpu.memory_space<hbm>>
          %dma_wait3A_329 = arith.constant 0 : i32
          %dma_wait3A_330 = tpu.memref_slice %arg6[%dma_wait3A_325, %dma_wait3A_329] : memref<2x320000xi32, #tpu.memory_space<hbm>> -> memref<1x128xi32, #tpu.memory_space<hbm>>
          %dma_wait3A_331 = tpu.memref_squeeze %dma_wait3A_330 : memref<1x128xi32, #tpu.memory_space<hbm>> -> memref<128xi32, #tpu.memory_space<hbm>>
          tpu.wait_dma2 semaphore(%arg29 : memref<!tpu.dma_semaphore, #tpu.memory_space<semaphore_mem>>) src(%dma_wait3A_331 : memref<128xi32, #tpu.memory_space<hbm>>) dst(%arg13 : memref<128xi32, #tpu.memory_space<vmem>>)
          %dma_wait3A_332 = arith.constant 1 : i32
          %dma_wait3A_333 = arith.constant 0 : i32
          %dma_wait3A_334 = tpu.memref_slice %arg6[%dma_wait3A_332, %dma_wait3A_333] : memref<2x320000xi32, #tpu.memory_space<hbm>> -> memref<1x128xi32, #tpu.memory_space<hbm>>
          %dma_wait3A_335 = tpu.memref_squeeze %dma_wait3A_334 : memref<1x128xi32, #tpu.memory_space<hbm>> -> memref<128xi32, #tpu.memory_space<hbm>>
          %dma_wait3A_336 = arith.constant 0 : i32
          %dma_wait3A_337 = tpu.memref_slice %arg6[%dma_wait3A_332, %dma_wait3A_336] : memref<2x320000xi32, #tpu.memory_space<hbm>> -> memref<1x128xi32, #tpu.memory_space<hbm>>
          %dma_wait3A_338 = tpu.memref_squeeze %dma_wait3A_337 : memref<1x128xi32, #tpu.memory_space<hbm>> -> memref<128xi32, #tpu.memory_space<hbm>>
          tpu.wait_dma2 semaphore(%arg29 : memref<!tpu.dma_semaphore, #tpu.memory_space<semaphore_mem>>) src(%dma_wait3A_338 : memref<128xi32, #tpu.memory_space<hbm>>) dst(%arg19 : memref<128xi32, #tpu.memory_space<vmem>>)
          %dma_start3A_339 = arith.constant 0 : i32
          %dma_start3A_340 = arith.constant 0 : i32
          %dma_start3A_341 = tpu.memref_slice %arg2[%dma_start3A_339, %dma_start3A_340] : memref<10000x128xf32, #tpu.memory_space<hbm>> -> memref<10000x128xf32, #tpu.memory_space<hbm>>
          tpu.enqueue_indirect_dma source(%dma_start3A_341 : memref<10000x128xf32, #tpu.memory_space<hbm>>) target(%arg22 : memref<128x128xf32, #tpu.memory_space<vmem>>) offsets(%arg13 : memref<128xi32, #tpu.memory_space<vmem>>) semaphore(%arg32 : memref<!tpu.dma_semaphore, #tpu.memory_space<semaphore_mem>>)
        } else {
        }
        %dma_start3A_264 = arith.constant 0 : i32
        %dma_start3A_265 = arith.constant 0 : i32
        %dma_start3A_266 = tpu.memref_slice %arg23[%dma_start3A_264, %dma_start3A_265] : memref<10000x128xf32, #tpu.memory_space<vmem_shared>> -> memref<10000x128xf32, #tpu.memory_space<vmem_shared>>
        tpu.enqueue_indirect_dma source(%arg20 : memref<128x128xf32, #tpu.memory_space<vmem>>) target(%dma_start3A_266 : memref<10000x128xf32, #tpu.memory_space<vmem_shared>>) offsets(%arg17 : memref<128xi32, #tpu.memory_space<vmem>>) semaphore(%arg33 : memref<!tpu.dma_semaphore, #tpu.memory_space<semaphore_mem>>) {add = true}
        %mul3A_267 = arith.constant 6 : i32
        %mul3A_268 = arith.muli %scan3A_151, %mul3A_267 : i32
        %add3A_269 = arith.constant 4 : i32
        %add3A_270 = arith.addi %mul3A_268, %add3A_269 : i32
        %dma_wait3A_271 = arith.constant 0 : i32
        %dma_wait3A_272 = arith.constant 0 : i32
        %dma_wait3A_273 = tpu.memref_slice %arg2[%dma_wait3A_271, %dma_wait3A_272] : memref<10000x128xf32, #tpu.memory_space<hbm>> -> memref<10000x128xf32, #tpu.memory_space<hbm>>
        tpu.wait_indirect_dma semaphore(%arg31 : memref<!tpu.dma_semaphore, #tpu.memory_space<semaphore_mem>>) src(%dma_wait3A_273 : memref<10000x128xf32, #tpu.memory_space<hbm>>) dst(%arg21 : memref<128x128xf32, #tpu.memory_space<vmem>>)
        %ge3A_274 = arith.constant 1 : i32
        %ge3A_275 = arith.cmpi sge, %add3A_270, %ge3A_274 : i32
        %convert_element_type3A_276 = arith.extui %ge3A_275 : i1 to i32
        %cond3A_277 = arith.constant 0 : i32
        %cond3A_278 = arith.cmpi ne, %convert_element_type3A_276, %cond3A_277 : i32
        scf.if %cond3A_278 {
          %dma_wait3A_325 = arith.constant 0 : i32
          %dma_wait3A_326 = arith.constant 0 : i32
          %dma_wait3A_327 = tpu.memref_slice %arg23[%dma_wait3A_325, %dma_wait3A_326] : memref<10000x128xf32, #tpu.memory_space<vmem_shared>> -> memref<10000x128xf32, #tpu.memory_space<vmem_shared>>
          tpu.wait_indirect_dma semaphore(%arg33 : memref<!tpu.dma_semaphore, #tpu.memory_space<semaphore_mem>>) src(%arg20 : memref<128x128xf32, #tpu.memory_space<vmem>>) dst(%dma_wait3A_327 : memref<10000x128xf32, #tpu.memory_space<vmem_shared>>)
        } else {
        }
        %add3A_279 = arith.constant 4 : i32
        %add3A_280 = arith.addi %add3A_270, %add3A_279 : i32
        %lt3A_281 = arith.constant 156 : i32
        %lt3A_282 = arith.cmpi slt, %add3A_280, %lt3A_281 : i32
        %convert_element_type3A_283 = arith.extui %lt3A_282 : i1 to i32
        %cond3A_284 = arith.constant 0 : i32
        %cond3A_285 = arith.cmpi ne, %convert_element_type3A_283, %cond3A_284 : i32
        scf.if %cond3A_285 {
          %add3A_325 = arith.constant 4 : i32
          %add3A_326 = arith.addi %add3A_270, %add3A_325 : i32
          %mul3A_327 = arith.constant 128 : i32
          %mul3A_328 = arith.muli %add3A_326, %mul3A_327 : i32
          %add3A_329 = arith.addi %mul3A_60, %mul3A_328 : i32
          %dma_start3A_330 = arith.constant 0 : i32
          %dma_start3A_331 = tpu.memref_slice %arg6[%dma_start3A_330, %add3A_329] : memref<2x320000xi32, #tpu.memory_space<hbm>> -> memref<1x128xi32, #tpu.memory_space<hbm>>
          %dma_start3A_332 = tpu.memref_squeeze %dma_start3A_331 : memref<1x128xi32, #tpu.memory_space<hbm>> -> memref<128xi32, #tpu.memory_space<hbm>>
          %dma_start3A_333 = tpu.memref_slice %arg6[%dma_start3A_330, %add3A_329] : memref<2x320000xi32, #tpu.memory_space<hbm>> -> memref<1x128xi32, #tpu.memory_space<hbm>>
          %dma_start3A_334 = tpu.memref_squeeze %dma_start3A_333 : memref<1x128xi32, #tpu.memory_space<hbm>> -> memref<128xi32, #tpu.memory_space<hbm>>
          tpu.enqueue_dma source(%dma_start3A_334 : memref<128xi32, #tpu.memory_space<hbm>>) target(%arg10 : memref<128xi32, #tpu.memory_space<vmem>>) target_semaphore(%arg26 : memref<!tpu.dma_semaphore, #tpu.memory_space<semaphore_mem>>)
          %dma_start3A_335 = arith.constant 1 : i32
          %dma_start3A_336 = tpu.memref_slice %arg6[%dma_start3A_335, %add3A_329] : memref<2x320000xi32, #tpu.memory_space<hbm>> -> memref<1x128xi32, #tpu.memory_space<hbm>>
          %dma_start3A_337 = tpu.memref_squeeze %dma_start3A_336 : memref<1x128xi32, #tpu.memory_space<hbm>> -> memref<128xi32, #tpu.memory_space<hbm>>
          %dma_start3A_338 = tpu.memref_slice %arg6[%dma_start3A_335, %add3A_329] : memref<2x320000xi32, #tpu.memory_space<hbm>> -> memref<1x128xi32, #tpu.memory_space<hbm>>
          %dma_start3A_339 = tpu.memref_squeeze %dma_start3A_338 : memref<1x128xi32, #tpu.memory_space<hbm>> -> memref<128xi32, #tpu.memory_space<hbm>>
          tpu.enqueue_dma source(%dma_start3A_339 : memref<128xi32, #tpu.memory_space<hbm>>) target(%arg16 : memref<128xi32, #tpu.memory_space<vmem>>) target_semaphore(%arg26 : memref<!tpu.dma_semaphore, #tpu.memory_space<semaphore_mem>>)
        } else {
        }
        %add3A_286 = arith.constant 2 : i32
        %add3A_287 = arith.addi %add3A_270, %add3A_286 : i32
        %lt3A_288 = arith.constant 156 : i32
        %lt3A_289 = arith.cmpi slt, %add3A_287, %lt3A_288 : i32
        %convert_element_type3A_290 = arith.extui %lt3A_289 : i1 to i32
        %cond3A_291 = arith.constant 0 : i32
        %cond3A_292 = arith.cmpi ne, %convert_element_type3A_290, %cond3A_291 : i32
        scf.if %cond3A_292 {
          %dma_wait3A_325 = arith.constant 0 : i32
          %dma_wait3A_326 = arith.constant 0 : i32
          %dma_wait3A_327 = tpu.memref_slice %arg6[%dma_wait3A_325, %dma_wait3A_326] : memref<2x320000xi32, #tpu.memory_space<hbm>> -> memref<1x128xi32, #tpu.memory_space<hbm>>
          %dma_wait3A_328 = tpu.memref_squeeze %dma_wait3A_327 : memref<1x128xi32, #tpu.memory_space<hbm>> -> memref<128xi32, #tpu.memory_space<hbm>>
          %dma_wait3A_329 = arith.constant 0 : i32
          %dma_wait3A_330 = tpu.memref_slice %arg6[%dma_wait3A_325, %dma_wait3A_329] : memref<2x320000xi32, #tpu.memory_space<hbm>> -> memref<1x128xi32, #tpu.memory_space<hbm>>
          %dma_wait3A_331 = tpu.memref_squeeze %dma_wait3A_330 : memref<1x128xi32, #tpu.memory_space<hbm>> -> memref<128xi32, #tpu.memory_space<hbm>>
          tpu.wait_dma2 semaphore(%arg24 : memref<!tpu.dma_semaphore, #tpu.memory_space<semaphore_mem>>) src(%dma_wait3A_331 : memref<128xi32, #tpu.memory_space<hbm>>) dst(%arg8 : memref<128xi32, #tpu.memory_space<vmem>>)
          %dma_wait3A_332 = arith.constant 1 : i32
          %dma_wait3A_333 = arith.constant 0 : i32
          %dma_wait3A_334 = tpu.memref_slice %arg6[%dma_wait3A_332, %dma_wait3A_333] : memref<2x320000xi32, #tpu.memory_space<hbm>> -> memref<1x128xi32, #tpu.memory_space<hbm>>
          %dma_wait3A_335 = tpu.memref_squeeze %dma_wait3A_334 : memref<1x128xi32, #tpu.memory_space<hbm>> -> memref<128xi32, #tpu.memory_space<hbm>>
          %dma_wait3A_336 = arith.constant 0 : i32
          %dma_wait3A_337 = tpu.memref_slice %arg6[%dma_wait3A_332, %dma_wait3A_336] : memref<2x320000xi32, #tpu.memory_space<hbm>> -> memref<1x128xi32, #tpu.memory_space<hbm>>
          %dma_wait3A_338 = tpu.memref_squeeze %dma_wait3A_337 : memref<1x128xi32, #tpu.memory_space<hbm>> -> memref<128xi32, #tpu.memory_space<hbm>>
          tpu.wait_dma2 semaphore(%arg24 : memref<!tpu.dma_semaphore, #tpu.memory_space<semaphore_mem>>) src(%dma_wait3A_338 : memref<128xi32, #tpu.memory_space<hbm>>) dst(%arg14 : memref<128xi32, #tpu.memory_space<vmem>>)
          %dma_start3A_339 = arith.constant 0 : i32
          %dma_start3A_340 = arith.constant 0 : i32
          %dma_start3A_341 = tpu.memref_slice %arg2[%dma_start3A_339, %dma_start3A_340] : memref<10000x128xf32, #tpu.memory_space<hbm>> -> memref<10000x128xf32, #tpu.memory_space<hbm>>
          tpu.enqueue_indirect_dma source(%dma_start3A_341 : memref<10000x128xf32, #tpu.memory_space<hbm>>) target(%arg20 : memref<128x128xf32, #tpu.memory_space<vmem>>) offsets(%arg8 : memref<128xi32, #tpu.memory_space<vmem>>) semaphore(%arg30 : memref<!tpu.dma_semaphore, #tpu.memory_space<semaphore_mem>>)
        } else {
        }
        %dma_start3A_293 = arith.constant 0 : i32
        %dma_start3A_294 = arith.constant 0 : i32
        %dma_start3A_295 = tpu.memref_slice %arg23[%dma_start3A_293, %dma_start3A_294] : memref<10000x128xf32, #tpu.memory_space<vmem_shared>> -> memref<10000x128xf32, #tpu.memory_space<vmem_shared>>
        tpu.enqueue_indirect_dma source(%arg21 : memref<128x128xf32, #tpu.memory_space<vmem>>) target(%dma_start3A_295 : memref<10000x128xf32, #tpu.memory_space<vmem_shared>>) offsets(%arg18 : memref<128xi32, #tpu.memory_space<vmem>>) semaphore(%arg34 : memref<!tpu.dma_semaphore, #tpu.memory_space<semaphore_mem>>) {add = true}
        %mul3A_296 = arith.constant 6 : i32
        %mul3A_297 = arith.muli %scan3A_151, %mul3A_296 : i32
        %add3A_298 = arith.constant 5 : i32
        %add3A_299 = arith.addi %mul3A_297, %add3A_298 : i32
        %dma_wait3A_300 = arith.constant 0 : i32
        %dma_wait3A_301 = arith.constant 0 : i32
        %dma_wait3A_302 = tpu.memref_slice %arg2[%dma_wait3A_300, %dma_wait3A_301] : memref<10000x128xf32, #tpu.memory_space<hbm>> -> memref<10000x128xf32, #tpu.memory_space<hbm>>
        tpu.wait_indirect_dma semaphore(%arg32 : memref<!tpu.dma_semaphore, #tpu.memory_space<semaphore_mem>>) src(%dma_wait3A_302 : memref<10000x128xf32, #tpu.memory_space<hbm>>) dst(%arg22 : memref<128x128xf32, #tpu.memory_space<vmem>>)
        %ge3A_303 = arith.constant 1 : i32
        %ge3A_304 = arith.cmpi sge, %add3A_299, %ge3A_303 : i32
        %convert_element_type3A_305 = arith.extui %ge3A_304 : i1 to i32
        %cond3A_306 = arith.constant 0 : i32
        %cond3A_307 = arith.cmpi ne, %convert_element_type3A_305, %cond3A_306 : i32
        scf.if %cond3A_307 {
          %dma_wait3A_325 = arith.constant 0 : i32
          %dma_wait3A_326 = arith.constant 0 : i32
          %dma_wait3A_327 = tpu.memref_slice %arg23[%dma_wait3A_325, %dma_wait3A_326] : memref<10000x128xf32, #tpu.memory_space<vmem_shared>> -> memref<10000x128xf32, #tpu.memory_space<vmem_shared>>
          tpu.wait_indirect_dma semaphore(%arg34 : memref<!tpu.dma_semaphore, #tpu.memory_space<semaphore_mem>>) src(%arg21 : memref<128x128xf32, #tpu.memory_space<vmem>>) dst(%dma_wait3A_327 : memref<10000x128xf32, #tpu.memory_space<vmem_shared>>)
        } else {
        }
        %add3A_308 = arith.constant 4 : i32
        %add3A_309 = arith.addi %add3A_299, %add3A_308 : i32
        %lt3A_310 = arith.constant 156 : i32
        %lt3A_311 = arith.cmpi slt, %add3A_309, %lt3A_310 : i32
        %convert_element_type3A_312 = arith.extui %lt3A_311 : i1 to i32
        %cond3A_313 = arith.constant 0 : i32
        %cond3A_314 = arith.cmpi ne, %convert_element_type3A_312, %cond3A_313 : i32
        scf.if %cond3A_314 {
          %add3A_325 = arith.constant 4 : i32
          %add3A_326 = arith.addi %add3A_299, %add3A_325 : i32
          %mul3A_327 = arith.constant 128 : i32
          %mul3A_328 = arith.muli %add3A_326, %mul3A_327 : i32
          %add3A_329 = arith.addi %mul3A_60, %mul3A_328 : i32
          %dma_start3A_330 = arith.constant 0 : i32
          %dma_start3A_331 = tpu.memref_slice %arg6[%dma_start3A_330, %add3A_329] : memref<2x320000xi32, #tpu.memory_space<hbm>> -> memref<1x128xi32, #tpu.memory_space<hbm>>
          %dma_start3A_332 = tpu.memref_squeeze %dma_start3A_331 : memref<1x128xi32, #tpu.memory_space<hbm>> -> memref<128xi32, #tpu.memory_space<hbm>>
          %dma_start3A_333 = tpu.memref_slice %arg6[%dma_start3A_330, %add3A_329] : memref<2x320000xi32, #tpu.memory_space<hbm>> -> memref<1x128xi32, #tpu.memory_space<hbm>>
          %dma_start3A_334 = tpu.memref_squeeze %dma_start3A_333 : memref<1x128xi32, #tpu.memory_space<hbm>> -> memref<128xi32, #tpu.memory_space<hbm>>
          tpu.enqueue_dma source(%dma_start3A_334 : memref<128xi32, #tpu.memory_space<hbm>>) target(%arg11 : memref<128xi32, #tpu.memory_space<vmem>>) target_semaphore(%arg27 : memref<!tpu.dma_semaphore, #tpu.memory_space<semaphore_mem>>)
          %dma_start3A_335 = arith.constant 1 : i32
          %dma_start3A_336 = tpu.memref_slice %arg6[%dma_start3A_335, %add3A_329] : memref<2x320000xi32, #tpu.memory_space<hbm>> -> memref<1x128xi32, #tpu.memory_space<hbm>>
          %dma_start3A_337 = tpu.memref_squeeze %dma_start3A_336 : memref<1x128xi32, #tpu.memory_space<hbm>> -> memref<128xi32, #tpu.memory_space<hbm>>
          %dma_start3A_338 = tpu.memref_slice %arg6[%dma_start3A_335, %add3A_329] : memref<2x320000xi32, #tpu.memory_space<hbm>> -> memref<1x128xi32, #tpu.memory_space<hbm>>
          %dma_start3A_339 = tpu.memref_squeeze %dma_start3A_338 : memref<1x128xi32, #tpu.memory_space<hbm>> -> memref<128xi32, #tpu.memory_space<hbm>>
          tpu.enqueue_dma source(%dma_start3A_339 : memref<128xi32, #tpu.memory_space<hbm>>) target(%arg17 : memref<128xi32, #tpu.memory_space<vmem>>) target_semaphore(%arg27 : memref<!tpu.dma_semaphore, #tpu.memory_space<semaphore_mem>>)
        } else {
        }
        %add3A_315 = arith.constant 2 : i32
        %add3A_316 = arith.addi %add3A_299, %add3A_315 : i32
        %lt3A_317 = arith.constant 156 : i32
        %lt3A_318 = arith.cmpi slt, %add3A_316, %lt3A_317 : i32
        %convert_element_type3A_319 = arith.extui %lt3A_318 : i1 to i32
        %cond3A_320 = arith.constant 0 : i32
        %cond3A_321 = arith.cmpi ne, %convert_element_type3A_319, %cond3A_320 : i32
        scf.if %cond3A_321 {
          %dma_wait3A_325 = arith.constant 0 : i32
          %dma_wait3A_326 = arith.constant 0 : i32
          %dma_wait3A_327 = tpu.memref_slice %arg6[%dma_wait3A_325, %dma_wait3A_326] : memref<2x320000xi32, #tpu.memory_space<hbm>> -> memref<1x128xi32, #tpu.memory_space<hbm>>
          %dma_wait3A_328 = tpu.memref_squeeze %dma_wait3A_327 : memref<1x128xi32, #tpu.memory_space<hbm>> -> memref<128xi32, #tpu.memory_space<hbm>>
          %dma_wait3A_329 = arith.constant 0 : i32
          %dma_wait3A_330 = tpu.memref_slice %arg6[%dma_wait3A_325, %dma_wait3A_329] : memref<2x320000xi32, #tpu.memory_space<hbm>> -> memref<1x128xi32, #tpu.memory_space<hbm>>
          %dma_wait3A_331 = tpu.memref_squeeze %dma_wait3A_330 : memref<1x128xi32, #tpu.memory_space<hbm>> -> memref<128xi32, #tpu.memory_space<hbm>>
          tpu.wait_dma2 semaphore(%arg25 : memref<!tpu.dma_semaphore, #tpu.memory_space<semaphore_mem>>) src(%dma_wait3A_331 : memref<128xi32, #tpu.memory_space<hbm>>) dst(%arg9 : memref<128xi32, #tpu.memory_space<vmem>>)
          %dma_wait3A_332 = arith.constant 1 : i32
          %dma_wait3A_333 = arith.constant 0 : i32
          %dma_wait3A_334 = tpu.memref_slice %arg6[%dma_wait3A_332, %dma_wait3A_333] : memref<2x320000xi32, #tpu.memory_space<hbm>> -> memref<1x128xi32, #tpu.memory_space<hbm>>
          %dma_wait3A_335 = tpu.memref_squeeze %dma_wait3A_334 : memref<1x128xi32, #tpu.memory_space<hbm>> -> memref<128xi32, #tpu.memory_space<hbm>>
          %dma_wait3A_336 = arith.constant 0 : i32
          %dma_wait3A_337 = tpu.memref_slice %arg6[%dma_wait3A_332, %dma_wait3A_336] : memref<2x320000xi32, #tpu.memory_space<hbm>> -> memref<1x128xi32, #tpu.memory_space<hbm>>
          %dma_wait3A_338 = tpu.memref_squeeze %dma_wait3A_337 : memref<1x128xi32, #tpu.memory_space<hbm>> -> memref<128xi32, #tpu.memory_space<hbm>>
          tpu.wait_dma2 semaphore(%arg25 : memref<!tpu.dma_semaphore, #tpu.memory_space<semaphore_mem>>) src(%dma_wait3A_338 : memref<128xi32, #tpu.memory_space<hbm>>) dst(%arg15 : memref<128xi32, #tpu.memory_space<vmem>>)
          %dma_start3A_339 = arith.constant 0 : i32
          %dma_start3A_340 = arith.constant 0 : i32
          %dma_start3A_341 = tpu.memref_slice %arg2[%dma_start3A_339, %dma_start3A_340] : memref<10000x128xf32, #tpu.memory_space<hbm>> -> memref<10000x128xf32, #tpu.memory_space<hbm>>
          tpu.enqueue_indirect_dma source(%dma_start3A_341 : memref<10000x128xf32, #tpu.memory_space<hbm>>) target(%arg21 : memref<128x128xf32, #tpu.memory_space<vmem>>) offsets(%arg9 : memref<128xi32, #tpu.memory_space<vmem>>) semaphore(%arg31 : memref<!tpu.dma_semaphore, #tpu.memory_space<semaphore_mem>>)
        } else {
        }
        %dma_start3A_322 = arith.constant 0 : i32
        %dma_start3A_323 = arith.constant 0 : i32
        %dma_start3A_324 = tpu.memref_slice %arg23[%dma_start3A_322, %dma_start3A_323] : memref<10000x128xf32, #tpu.memory_space<vmem_shared>> -> memref<10000x128xf32, #tpu.memory_space<vmem_shared>>
        tpu.enqueue_indirect_dma source(%arg22 : memref<128x128xf32, #tpu.memory_space<vmem>>) target(%dma_start3A_324 : memref<10000x128xf32, #tpu.memory_space<vmem_shared>>) offsets(%arg19 : memref<128xi32, #tpu.memory_space<vmem>>) semaphore(%arg35 : memref<!tpu.dma_semaphore, #tpu.memory_space<semaphore_mem>>) {add = true}
      }
      %scan3A_143 = arith.constant 26 : i32
      %dma_wait3A_144 = arith.constant 0 : i32
      %dma_wait3A_145 = arith.constant 0 : i32
      %dma_wait3A_146 = tpu.memref_slice %arg23[%dma_wait3A_144, %dma_wait3A_145] : memref<10000x128xf32, #tpu.memory_space<vmem_shared>> -> memref<10000x128xf32, #tpu.memory_space<vmem_shared>>
      tpu.wait_indirect_dma semaphore(%arg35 : memref<!tpu.dma_semaphore, #tpu.memory_space<semaphore_mem>>) src(%arg22 : memref<128x128xf32, #tpu.memory_space<vmem>>) dst(%dma_wait3A_146 : memref<10000x128xf32, #tpu.memory_space<vmem_shared>>)
      %lt3A = arith.constant 4 : i32
      %lt3A_147 = arith.cmpi slt, %arg1, %lt3A : i32
      %convert_element_type3A_148 = arith.extui %lt3A_147 : i1 to i32
      %cond3A_149 = arith.constant 0 : i32
      %cond3A_150 = arith.cmpi ne, %convert_element_type3A_148, %cond3A_149 : i32
      scf.if %cond3A_150 {
        %mul3A_151 = arith.constant 128 : i32
        %mul3A_152 = arith.muli %arg1, %mul3A_151 : i32
        %add3A_153 = arith.constant 319488 : i32
        %add3A_154 = arith.addi %add3A_153, %mul3A_152 : i32
        %dma_start3A_155 = arith.constant 0 : i32
        %dma_start3A_156 = tpu.memref_slice %arg6[%dma_start3A_155, %add3A_154] : memref<2x320000xi32, #tpu.memory_space<hbm>> -> memref<1x128xi32, #tpu.memory_space<hbm>>
        %dma_start3A_157 = tpu.memref_squeeze %dma_start3A_156 : memref<1x128xi32, #tpu.memory_space<hbm>> -> memref<128xi32, #tpu.memory_space<hbm>>
        %dma_start3A_158 = tpu.memref_slice %arg6[%dma_start3A_155, %add3A_154] : memref<2x320000xi32, #tpu.memory_space<hbm>> -> memref<1x128xi32, #tpu.memory_space<hbm>>
        %dma_start3A_159 = tpu.memref_squeeze %dma_start3A_158 : memref<1x128xi32, #tpu.memory_space<hbm>> -> memref<128xi32, #tpu.memory_space<hbm>>
        tpu.enqueue_dma source(%dma_start3A_159 : memref<128xi32, #tpu.memory_space<hbm>>) target(%arg8 : memref<128xi32, #tpu.memory_space<vmem>>) target_semaphore(%arg24 : memref<!tpu.dma_semaphore, #tpu.memory_space<semaphore_mem>>)
        %dma_start3A_160 = arith.constant 1 : i32
        %dma_start3A_161 = tpu.memref_slice %arg6[%dma_start3A_160, %add3A_154] : memref<2x320000xi32, #tpu.memory_space<hbm>> -> memref<1x128xi32, #tpu.memory_space<hbm>>
        %dma_start3A_162 = tpu.memref_squeeze %dma_start3A_161 : memref<1x128xi32, #tpu.memory_space<hbm>> -> memref<128xi32, #tpu.memory_space<hbm>>
        %dma_start3A_163 = tpu.memref_slice %arg6[%dma_start3A_160, %add3A_154] : memref<2x320000xi32, #tpu.memory_space<hbm>> -> memref<1x128xi32, #tpu.memory_space<hbm>>
        %dma_start3A_164 = tpu.memref_squeeze %dma_start3A_163 : memref<1x128xi32, #tpu.memory_space<hbm>> -> memref<128xi32, #tpu.memory_space<hbm>>
        tpu.enqueue_dma source(%dma_start3A_164 : memref<128xi32, #tpu.memory_space<hbm>>) target(%arg14 : memref<128xi32, #tpu.memory_space<vmem>>) target_semaphore(%arg24 : memref<!tpu.dma_semaphore, #tpu.memory_space<semaphore_mem>>)
        %dma_wait3A_165 = arith.constant 0 : i32
        %dma_wait3A_166 = arith.constant 0 : i32
        %dma_wait3A_167 = tpu.memref_slice %arg6[%dma_wait3A_165, %dma_wait3A_166] : memref<2x320000xi32, #tpu.memory_space<hbm>> -> memref<1x128xi32, #tpu.memory_space<hbm>>
        %dma_wait3A_168 = tpu.memref_squeeze %dma_wait3A_167 : memref<1x128xi32, #tpu.memory_space<hbm>> -> memref<128xi32, #tpu.memory_space<hbm>>
        %dma_wait3A_169 = arith.constant 0 : i32
        %dma_wait3A_170 = tpu.memref_slice %arg6[%dma_wait3A_165, %dma_wait3A_169] : memref<2x320000xi32, #tpu.memory_space<hbm>> -> memref<1x128xi32, #tpu.memory_space<hbm>>
        %dma_wait3A_171 = tpu.memref_squeeze %dma_wait3A_170 : memref<1x128xi32, #tpu.memory_space<hbm>> -> memref<128xi32, #tpu.memory_space<hbm>>
        tpu.wait_dma2 semaphore(%arg24 : memref<!tpu.dma_semaphore, #tpu.memory_space<semaphore_mem>>) src(%dma_wait3A_171 : memref<128xi32, #tpu.memory_space<hbm>>) dst(%arg8 : memref<128xi32, #tpu.memory_space<vmem>>)
        %dma_wait3A_172 = arith.constant 1 : i32
        %dma_wait3A_173 = arith.constant 0 : i32
        %dma_wait3A_174 = tpu.memref_slice %arg6[%dma_wait3A_172, %dma_wait3A_173] : memref<2x320000xi32, #tpu.memory_space<hbm>> -> memref<1x128xi32, #tpu.memory_space<hbm>>
        %dma_wait3A_175 = tpu.memref_squeeze %dma_wait3A_174 : memref<1x128xi32, #tpu.memory_space<hbm>> -> memref<128xi32, #tpu.memory_space<hbm>>
        %dma_wait3A_176 = arith.constant 0 : i32
        %dma_wait3A_177 = tpu.memref_slice %arg6[%dma_wait3A_172, %dma_wait3A_176] : memref<2x320000xi32, #tpu.memory_space<hbm>> -> memref<1x128xi32, #tpu.memory_space<hbm>>
        %dma_wait3A_178 = tpu.memref_squeeze %dma_wait3A_177 : memref<1x128xi32, #tpu.memory_space<hbm>> -> memref<128xi32, #tpu.memory_space<hbm>>
        tpu.wait_dma2 semaphore(%arg24 : memref<!tpu.dma_semaphore, #tpu.memory_space<semaphore_mem>>) src(%dma_wait3A_178 : memref<128xi32, #tpu.memory_space<hbm>>) dst(%arg14 : memref<128xi32, #tpu.memory_space<vmem>>)
        %dma_start3A_179 = arith.constant 0 : i32
        %dma_start3A_180 = arith.constant 0 : i32
        %dma_start3A_181 = tpu.memref_slice %arg2[%dma_start3A_179, %dma_start3A_180] : memref<10000x128xf32, #tpu.memory_space<hbm>> -> memref<10000x128xf32, #tpu.memory_space<hbm>>
        tpu.enqueue_indirect_dma source(%dma_start3A_181 : memref<10000x128xf32, #tpu.memory_space<hbm>>) target(%arg20 : memref<128x128xf32, #tpu.memory_space<vmem>>) offsets(%arg8 : memref<128xi32, #tpu.memory_space<vmem>>) semaphore(%arg30 : memref<!tpu.dma_semaphore, #tpu.memory_space<semaphore_mem>>)
        %dma_wait3A_182 = arith.constant 0 : i32
        %dma_wait3A_183 = arith.constant 0 : i32
        %dma_wait3A_184 = tpu.memref_slice %arg2[%dma_wait3A_182, %dma_wait3A_183] : memref<10000x128xf32, #tpu.memory_space<hbm>> -> memref<10000x128xf32, #tpu.memory_space<hbm>>
        tpu.wait_indirect_dma semaphore(%arg30 : memref<!tpu.dma_semaphore, #tpu.memory_space<semaphore_mem>>) src(%dma_wait3A_184 : memref<10000x128xf32, #tpu.memory_space<hbm>>) dst(%arg20 : memref<128x128xf32, #tpu.memory_space<vmem>>)
        "tpu.region"() ({
          %run_scoped3A = tpu.sem_alloc : memref<!tpu.dma_semaphore, #tpu.memory_space<semaphore_mem>>
          %dma_start3A_185 = arith.constant 0 : i32
          %dma_start3A_186 = arith.constant 0 : i32
          %dma_start3A_187 = tpu.memref_slice %arg23[%dma_start3A_185, %dma_start3A_186] : memref<10000x128xf32, #tpu.memory_space<vmem_shared>> -> memref<10000x128xf32, #tpu.memory_space<vmem_shared>>
          tpu.enqueue_indirect_dma source(%arg20 : memref<128x128xf32, #tpu.memory_space<vmem>>) target(%dma_start3A_187 : memref<10000x128xf32, #tpu.memory_space<vmem_shared>>) offsets(%arg14 : memref<128xi32, #tpu.memory_space<vmem>>) semaphore(%run_scoped3A : memref<!tpu.dma_semaphore, #tpu.memory_space<semaphore_mem>>) {add = true}
          %dma_wait3A_188 = arith.constant 0 : i32
          %dma_wait3A_189 = arith.constant 0 : i32
          %dma_wait3A_190 = tpu.memref_slice %arg23[%dma_wait3A_188, %dma_wait3A_189] : memref<10000x128xf32, #tpu.memory_space<vmem_shared>> -> memref<10000x128xf32, #tpu.memory_space<vmem_shared>>
          tpu.wait_indirect_dma semaphore(%run_scoped3A : memref<!tpu.dma_semaphore, #tpu.memory_space<semaphore_mem>>) src(%arg20 : memref<128x128xf32, #tpu.memory_space<vmem>>) dst(%dma_wait3A_190 : memref<10000x128xf32, #tpu.memory_space<vmem_shared>>)
          tpu.yield
        }) : () -> ()
      } else {
      }
    } else {
    }
    %barrier3A_47 = arith.constant 0 : index
    tpu.barrier barrier_id(%barrier3A_47)
    %eq3A_48 = arith.constant 0 : i32
    %eq3A_49 = arith.cmpi eq, %arg0, %eq3A_48 : i32
    %convert_element_type3A_50 = arith.extui %eq3A_49 : i1 to i32
    %cond3A_51 = arith.constant 0 : i32
    %cond3A_52 = arith.cmpi ne, %convert_element_type3A_50, %cond3A_51 : i32
    scf.if %cond3A_52 {
      %mul3A_59 = arith.constant 624 : i32
      %mul3A_60 = arith.muli %arg1, %mul3A_59 : i32
      %mul3A_61 = arith.constant 624 : i32
      %mul3A_62 = arith.muli %arg1, %mul3A_61 : i32
      %run_scoped3A = arith.constant 1 : i32
      "tpu.region"() ({
        %run_scoped3A_68 = tpu.sem_alloc : memref<!tpu.dma_semaphore, #tpu.memory_space<semaphore_mem>>
        %dma_start3A = arith.constant 0 : i32
        %dma_start3A_69 = tpu.memref_slice %arg7[%run_scoped3A, %mul3A_62, %dma_start3A] : memref<4x10000x128xf32, #tpu.memory_space<hbm>> -> memref<1x624x128xf32, #tpu.memory_space<hbm>>
        %dma_start3A_70 = tpu.memref_squeeze %dma_start3A_69 : memref<1x624x128xf32, #tpu.memory_space<hbm>> -> memref<624x128xf32, #tpu.memory_space<hbm>>
        %dma_start3A_71 = arith.constant 0 : i32
        %dma_start3A_72 = tpu.memref_slice %arg23[%mul3A_60, %dma_start3A_71] : memref<10000x128xf32, #tpu.memory_space<vmem_shared>> -> memref<624x128xf32, #tpu.memory_space<vmem_shared>>
        tpu.enqueue_dma source(%dma_start3A_72 : memref<624x128xf32, #tpu.memory_space<vmem_shared>>) target(%dma_start3A_70 : memref<624x128xf32, #tpu.memory_space<hbm>>) target_semaphore(%run_scoped3A_68 : memref<!tpu.dma_semaphore, #tpu.memory_space<semaphore_mem>>)
        %dma_wait3A = arith.constant 0 : i32
        %dma_wait3A_73 = tpu.memref_slice %arg7[%run_scoped3A, %mul3A_62, %dma_wait3A] : memref<4x10000x128xf32, #tpu.memory_space<hbm>> -> memref<1x624x128xf32, #tpu.memory_space<hbm>>
        %dma_wait3A_74 = tpu.memref_squeeze %dma_wait3A_73 : memref<1x624x128xf32, #tpu.memory_space<hbm>> -> memref<624x128xf32, #tpu.memory_space<hbm>>
        %dma_wait3A_75 = arith.constant 0 : i32
        %dma_wait3A_76 = tpu.memref_slice %arg23[%mul3A_60, %dma_wait3A_75] : memref<10000x128xf32, #tpu.memory_space<vmem_shared>> -> memref<624x128xf32, #tpu.memory_space<vmem_shared>>
        tpu.wait_dma2 semaphore(%run_scoped3A_68 : memref<!tpu.dma_semaphore, #tpu.memory_space<semaphore_mem>>) src(%dma_wait3A_76 : memref<624x128xf32, #tpu.memory_space<vmem_shared>>) dst(%dma_wait3A_74 : memref<624x128xf32, #tpu.memory_space<hbm>>)
        tpu.yield
      }) : () -> ()
      %eq3A_63 = arith.constant 0 : i32
      %eq3A_64 = arith.cmpi eq, %arg1, %eq3A_63 : i32
      %convert_element_type3A_65 = arith.extui %eq3A_64 : i1 to i32
      %cond3A_66 = arith.constant 0 : i32
      %cond3A_67 = arith.cmpi ne, %convert_element_type3A_65, %cond3A_66 : i32
      scf.if %cond3A_67 {
        %run_scoped3A_68 = arith.constant 1 : i32
        "tpu.region"() ({
          %run_scoped3A_69 = tpu.sem_alloc : memref<!tpu.dma_semaphore, #tpu.memory_space<semaphore_mem>>
          %dma_start3A = arith.constant 9984 : i32
          %dma_start3A_70 = arith.constant 0 : i32
          %dma_start3A_71 = tpu.memref_slice %arg7[%run_scoped3A_68, %dma_start3A, %dma_start3A_70] : memref<4x10000x128xf32, #tpu.memory_space<hbm>> -> memref<1x16x128xf32, #tpu.memory_space<hbm>>
          %dma_start3A_72 = tpu.memref_squeeze %dma_start3A_71 : memref<1x16x128xf32, #tpu.memory_space<hbm>> -> memref<16x128xf32, #tpu.memory_space<hbm>>
          %dma_start3A_73 = arith.constant 9984 : i32
          %dma_start3A_74 = arith.constant 0 : i32
          %dma_start3A_75 = tpu.memref_slice %arg23[%dma_start3A_73, %dma_start3A_74] : memref<10000x128xf32, #tpu.memory_space<vmem_shared>> -> memref<16x128xf32, #tpu.memory_space<vmem_shared>>
          tpu.enqueue_dma source(%dma_start3A_75 : memref<16x128xf32, #tpu.memory_space<vmem_shared>>) target(%dma_start3A_72 : memref<16x128xf32, #tpu.memory_space<hbm>>) target_semaphore(%run_scoped3A_69 : memref<!tpu.dma_semaphore, #tpu.memory_space<semaphore_mem>>)
          %dma_wait3A = arith.constant 9984 : i32
          %dma_wait3A_76 = arith.constant 0 : i32
          %dma_wait3A_77 = tpu.memref_slice %arg7[%run_scoped3A_68, %dma_wait3A, %dma_wait3A_76] : memref<4x10000x128xf32, #tpu.memory_space<hbm>> -> memref<1x16x128xf32, #tpu.memory_space<hbm>>
          %dma_wait3A_78 = tpu.memref_squeeze %dma_wait3A_77 : memref<1x16x128xf32, #tpu.memory_space<hbm>> -> memref<16x128xf32, #tpu.memory_space<hbm>>
          %dma_wait3A_79 = arith.constant 9984 : i32
          %dma_wait3A_80 = arith.constant 0 : i32
          %dma_wait3A_81 = tpu.memref_slice %arg23[%dma_wait3A_79, %dma_wait3A_80] : memref<10000x128xf32, #tpu.memory_space<vmem_shared>> -> memref<16x128xf32, #tpu.memory_space<vmem_shared>>
          tpu.wait_dma2 semaphore(%run_scoped3A_69 : memref<!tpu.dma_semaphore, #tpu.memory_space<semaphore_mem>>) src(%dma_wait3A_81 : memref<16x128xf32, #tpu.memory_space<vmem_shared>>) dst(%dma_wait3A_78 : memref<16x128xf32, #tpu.memory_space<hbm>>)
          tpu.yield
        }) : () -> ()
      } else {
      }
    } else {
    }
    %eq3A_53 = arith.constant 1 : i32
    %eq3A_54 = arith.cmpi eq, %arg0, %eq3A_53 : i32
    %convert_element_type3A_55 = arith.extui %eq3A_54 : i1 to i32
    %cond3A_56 = arith.constant 0 : i32
    %cond3A_57 = arith.cmpi ne, %convert_element_type3A_55, %cond3A_56 : i32
    scf.if %cond3A_57 {
      %mul3A_59 = arith.constant 624 : i32
      %mul3A_60 = arith.muli %arg1, %mul3A_59 : i32
      %mul3A_61 = arith.constant 624 : i32
      %mul3A_62 = arith.muli %arg1, %mul3A_61 : i32
      %run_scoped3A = arith.constant 3 : i32
      "tpu.region"() ({
        %run_scoped3A_68 = tpu.sem_alloc : memref<!tpu.dma_semaphore, #tpu.memory_space<semaphore_mem>>
        %dma_start3A = arith.constant 0 : i32
        %dma_start3A_69 = tpu.memref_slice %arg7[%run_scoped3A, %mul3A_62, %dma_start3A] : memref<4x10000x128xf32, #tpu.memory_space<hbm>> -> memref<1x624x128xf32, #tpu.memory_space<hbm>>
        %dma_start3A_70 = tpu.memref_squeeze %dma_start3A_69 : memref<1x624x128xf32, #tpu.memory_space<hbm>> -> memref<624x128xf32, #tpu.memory_space<hbm>>
        %dma_start3A_71 = arith.constant 0 : i32
        %dma_start3A_72 = tpu.memref_slice %arg23[%mul3A_60, %dma_start3A_71] : memref<10000x128xf32, #tpu.memory_space<vmem_shared>> -> memref<624x128xf32, #tpu.memory_space<vmem_shared>>
        tpu.enqueue_dma source(%dma_start3A_72 : memref<624x128xf32, #tpu.memory_space<vmem_shared>>) target(%dma_start3A_70 : memref<624x128xf32, #tpu.memory_space<hbm>>) target_semaphore(%run_scoped3A_68 : memref<!tpu.dma_semaphore, #tpu.memory_space<semaphore_mem>>)
        %dma_wait3A = arith.constant 0 : i32
        %dma_wait3A_73 = tpu.memref_slice %arg7[%run_scoped3A, %mul3A_62, %dma_wait3A] : memref<4x10000x128xf32, #tpu.memory_space<hbm>> -> memref<1x624x128xf32, #tpu.memory_space<hbm>>
        %dma_wait3A_74 = tpu.memref_squeeze %dma_wait3A_73 : memref<1x624x128xf32, #tpu.memory_space<hbm>> -> memref<624x128xf32, #tpu.memory_space<hbm>>
        %dma_wait3A_75 = arith.constant 0 : i32
        %dma_wait3A_76 = tpu.memref_slice %arg23[%mul3A_60, %dma_wait3A_75] : memref<10000x128xf32, #tpu.memory_space<vmem_shared>> -> memref<624x128xf32, #tpu.memory_space<vmem_shared>>
        tpu.wait_dma2 semaphore(%run_scoped3A_68 : memref<!tpu.dma_semaphore, #tpu.memory_space<semaphore_mem>>) src(%dma_wait3A_76 : memref<624x128xf32, #tpu.memory_space<vmem_shared>>) dst(%dma_wait3A_74 : memref<624x128xf32, #tpu.memory_space<hbm>>)
        tpu.yield
      }) : () -> ()
      %eq3A_63 = arith.constant 0 : i32
      %eq3A_64 = arith.cmpi eq, %arg1, %eq3A_63 : i32
      %convert_element_type3A_65 = arith.extui %eq3A_64 : i1 to i32
      %cond3A_66 = arith.constant 0 : i32
      %cond3A_67 = arith.cmpi ne, %convert_element_type3A_65, %cond3A_66 : i32
      scf.if %cond3A_67 {
        %run_scoped3A_68 = arith.constant 3 : i32
        "tpu.region"() ({
          %run_scoped3A_69 = tpu.sem_alloc : memref<!tpu.dma_semaphore, #tpu.memory_space<semaphore_mem>>
          %dma_start3A = arith.constant 9984 : i32
          %dma_start3A_70 = arith.constant 0 : i32
          %dma_start3A_71 = tpu.memref_slice %arg7[%run_scoped3A_68, %dma_start3A, %dma_start3A_70] : memref<4x10000x128xf32, #tpu.memory_space<hbm>> -> memref<1x16x128xf32, #tpu.memory_space<hbm>>
          %dma_start3A_72 = tpu.memref_squeeze %dma_start3A_71 : memref<1x16x128xf32, #tpu.memory_space<hbm>> -> memref<16x128xf32, #tpu.memory_space<hbm>>
          %dma_start3A_73 = arith.constant 9984 : i32
          %dma_start3A_74 = arith.constant 0 : i32
          %dma_start3A_75 = tpu.memref_slice %arg23[%dma_start3A_73, %dma_start3A_74] : memref<10000x128xf32, #tpu.memory_space<vmem_shared>> -> memref<16x128xf32, #tpu.memory_space<vmem_shared>>
          tpu.enqueue_dma source(%dma_start3A_75 : memref<16x128xf32, #tpu.memory_space<vmem_shared>>) target(%dma_start3A_72 : memref<16x128xf32, #tpu.memory_space<hbm>>) target_semaphore(%run_scoped3A_69 : memref<!tpu.dma_semaphore, #tpu.memory_space<semaphore_mem>>)
          %dma_wait3A = arith.constant 9984 : i32
          %dma_wait3A_76 = arith.constant 0 : i32
          %dma_wait3A_77 = tpu.memref_slice %arg7[%run_scoped3A_68, %dma_wait3A, %dma_wait3A_76] : memref<4x10000x128xf32, #tpu.memory_space<hbm>> -> memref<1x16x128xf32, #tpu.memory_space<hbm>>
          %dma_wait3A_78 = tpu.memref_squeeze %dma_wait3A_77 : memref<1x16x128xf32, #tpu.memory_space<hbm>> -> memref<16x128xf32, #tpu.memory_space<hbm>>
          %dma_wait3A_79 = arith.constant 9984 : i32
          %dma_wait3A_80 = arith.constant 0 : i32
          %dma_wait3A_81 = tpu.memref_slice %arg23[%dma_wait3A_79, %dma_wait3A_80] : memref<10000x128xf32, #tpu.memory_space<vmem_shared>> -> memref<16x128xf32, #tpu.memory_space<vmem_shared>>
          tpu.wait_dma2 semaphore(%run_scoped3A_69 : memref<!tpu.dma_semaphore, #tpu.memory_space<semaphore_mem>>) src(%dma_wait3A_81 : memref<16x128xf32, #tpu.memory_space<vmem_shared>>) dst(%dma_wait3A_78 : memref<16x128xf32, #tpu.memory_space<hbm>>)
          tpu.yield
        }) : () -> ()
      } else {
      }
    } else {
    }
    %barrier3A_58 = arith.constant 0 : index
    tpu.barrier barrier_id(%barrier3A_58)
    return
  }
}

#map = affine_map<(d0, d1) -> (0)>
module attributes {stable_mosaic.version = 14 : i64} {
  func.func @k(%arg0: i32, %arg1: i32, %arg2: memref<40000xf32, #tpu.memory_space<hbm>>, %arg3: memref<204800xi32, #tpu.memory_space<hbm>>, %arg4: memref<204800xf32, #tpu.memory_space<hbm>>, %arg5: memref<40000xf32, #tpu.memory_space<vmem>>, %arg6: memref<3200xi32, #tpu.memory_space<vmem>>, %arg7: memref<3200xi32, #tpu.memory_space<vmem>>, %arg8: memref<3200xf32, #tpu.memory_space<vmem>>, %arg9: memref<3200xf32, #tpu.memory_space<vmem>>) attributes {dimension_semantics = [#tpu.dimension_semantics<core_parallel>, #tpu.dimension_semantics<subcore_parallel>], iteration_bounds = array<i64: 2, 16>, scalar_prefetch = 0 : i64, scratch_operands = 5 : i64, tpu.core_type = #tpu.core_type<sc_vector_subcore>, window_params = [{transform_indices = #map}, {transform_indices = #map}, {transform_indices = #map}]} {
    %mul3A = arith.constant 2 : i32
    %mul3A_0 = arith.muli %arg1, %mul3A : i32
    %add3A = arith.addi %mul3A_0, %arg0 : i32
    %mul3A_1 = arith.constant 3200 : i32
    %mul3A_2 = arith.muli %add3A, %mul3A_1 : i32
    "tpu.region"() ({
      %run_scoped3A = tpu.sem_alloc : memref<!tpu.dma_semaphore, #tpu.memory_space<semaphore_mem>>
      tpu.enqueue_dma source(%arg2 : memref<40000xf32, #tpu.memory_space<hbm>>) target(%arg5 : memref<40000xf32, #tpu.memory_space<vmem>>) target_semaphore(%run_scoped3A : memref<!tpu.dma_semaphore, #tpu.memory_space<semaphore_mem>>)
      tpu.wait_dma2 semaphore(%run_scoped3A : memref<!tpu.dma_semaphore, #tpu.memory_space<semaphore_mem>>) src(%arg2 : memref<40000xf32, #tpu.memory_space<hbm>>) dst(%arg5 : memref<40000xf32, #tpu.memory_space<vmem>>)
      tpu.yield
    }) : () -> ()
    "tpu.region"() ({
      %run_scoped3A = tpu.sem_alloc : memref<!tpu.dma_semaphore, #tpu.memory_space<semaphore_mem>>
      %dma_start3A = tpu.memref_slice %arg3[%mul3A_2] : memref<204800xi32, #tpu.memory_space<hbm>> -> memref<3200xi32, #tpu.memory_space<hbm>>
      %dma_start3A_11 = tpu.memref_slice %arg3[%mul3A_2] : memref<204800xi32, #tpu.memory_space<hbm>> -> memref<3200xi32, #tpu.memory_space<hbm>>
      tpu.enqueue_dma source(%dma_start3A_11 : memref<3200xi32, #tpu.memory_space<hbm>>) target(%arg6 : memref<3200xi32, #tpu.memory_space<vmem>>) target_semaphore(%run_scoped3A : memref<!tpu.dma_semaphore, #tpu.memory_space<semaphore_mem>>)
      %dma_wait3A = tpu.memref_slice %arg3[%mul3A_2] : memref<204800xi32, #tpu.memory_space<hbm>> -> memref<3200xi32, #tpu.memory_space<hbm>>
      %dma_wait3A_12 = tpu.memref_slice %arg3[%mul3A_2] : memref<204800xi32, #tpu.memory_space<hbm>> -> memref<3200xi32, #tpu.memory_space<hbm>>
      tpu.wait_dma2 semaphore(%run_scoped3A : memref<!tpu.dma_semaphore, #tpu.memory_space<semaphore_mem>>) src(%dma_wait3A_12 : memref<3200xi32, #tpu.memory_space<hbm>>) dst(%arg6 : memref<3200xi32, #tpu.memory_space<vmem>>)
      tpu.yield
    }) : () -> ()
    %add3A_3 = arith.constant 102400 : i32
    %add3A_4 = arith.addi %add3A_3, %mul3A_2 : i32
    "tpu.region"() ({
      %run_scoped3A = tpu.sem_alloc : memref<!tpu.dma_semaphore, #tpu.memory_space<semaphore_mem>>
      %dma_start3A = tpu.memref_slice %arg3[%add3A_4] : memref<204800xi32, #tpu.memory_space<hbm>> -> memref<3200xi32, #tpu.memory_space<hbm>>
      %dma_start3A_11 = tpu.memref_slice %arg3[%add3A_4] : memref<204800xi32, #tpu.memory_space<hbm>> -> memref<3200xi32, #tpu.memory_space<hbm>>
      tpu.enqueue_dma source(%dma_start3A_11 : memref<3200xi32, #tpu.memory_space<hbm>>) target(%arg7 : memref<3200xi32, #tpu.memory_space<vmem>>) target_semaphore(%run_scoped3A : memref<!tpu.dma_semaphore, #tpu.memory_space<semaphore_mem>>)
      %dma_wait3A = tpu.memref_slice %arg3[%add3A_4] : memref<204800xi32, #tpu.memory_space<hbm>> -> memref<3200xi32, #tpu.memory_space<hbm>>
      %dma_wait3A_12 = tpu.memref_slice %arg3[%add3A_4] : memref<204800xi32, #tpu.memory_space<hbm>> -> memref<3200xi32, #tpu.memory_space<hbm>>
      tpu.wait_dma2 semaphore(%run_scoped3A : memref<!tpu.dma_semaphore, #tpu.memory_space<semaphore_mem>>) src(%dma_wait3A_12 : memref<3200xi32, #tpu.memory_space<hbm>>) dst(%arg7 : memref<3200xi32, #tpu.memory_space<vmem>>)
      tpu.yield
    }) : () -> ()
    %scan3A = arith.constant 0 : i32
    %scan3A_5 = arith.constant 200 : i32
    %scan3A_6 = arith.addi %scan3A, %scan3A_5 : i32
    %scan3A_7 = arith.constant 1 : i32
    scf.for %scan3A_11 = %scan3A to %scan3A_6 step %scan3A_7  : i32 {
      %mul3A_12 = arith.constant 16 : i32
      %mul3A_13 = arith.muli %scan3A_11, %mul3A_12 : i32
      %get3A = arith.index_cast %mul3A_13 : i32 to index
      %get3A_14 = tpu.vector_load %arg6[%get3A] {strides = array<i32>} : memref<3200xi32, #tpu.memory_space<vmem>>, vector<16xi32>,
      %mul3A_15 = arith.constant 4 : i32
      %mul3A_16 = vector.broadcast %mul3A_15 : i32 to vector<16xi32>
      %mul3A_17 = arith.muli %get3A_14, %mul3A_16 : vector<16xi32>
      %get3A_18 = arith.index_cast %mul3A_13 : i32 to index
      %get3A_19 = tpu.vector_load %arg7[%get3A_18] {strides = array<i32>} : memref<3200xi32, #tpu.memory_space<vmem>>, vector<16xi32>,
      %mul3A_20 = arith.constant 4 : i32
      %mul3A_21 = vector.broadcast %mul3A_20 : i32 to vector<16xi32>
      %mul3A_22 = arith.muli %get3A_19, %mul3A_21 : vector<16xi32>
      %gather3A = tpu.vector_load_idx %arg5[%mul3A_17] : memref<40000xf32, #tpu.memory_space<vmem>>[vector<16xi32>], vector<16xf32>,
      %add3A_23 = arith.constant 2 : i32
      %add3A_24 = vector.broadcast %add3A_23 : i32 to vector<16xi32>
      %add3A_25 = arith.addi %mul3A_22, %add3A_24 : vector<16xi32>
      %gather3A_26 = tpu.vector_load_idx %arg5[%add3A_25] : memref<40000xf32, #tpu.memory_space<vmem>>[vector<16xi32>], vector<16xf32>,
      %add3A_27 = arith.constant 1 : i32
      %add3A_28 = vector.broadcast %add3A_27 : i32 to vector<16xi32>
      %add3A_29 = arith.addi %mul3A_17, %add3A_28 : vector<16xi32>
      %gather3A_30 = tpu.vector_load_idx %arg5[%add3A_29] : memref<40000xf32, #tpu.memory_space<vmem>>[vector<16xi32>], vector<16xf32>,
      %add3A_31 = arith.constant 3 : i32
      %add3A_32 = vector.broadcast %add3A_31 : i32 to vector<16xi32>
      %add3A_33 = arith.addi %mul3A_22, %add3A_32 : vector<16xi32>
      %gather3A_34 = tpu.vector_load_idx %arg5[%add3A_33] : memref<40000xf32, #tpu.memory_space<vmem>>[vector<16xi32>], vector<16xf32>,
      %add3A_35 = arith.addf %gather3A, %gather3A_26 : vector<16xf32>
      %swap3A = arith.index_cast %mul3A_13 : i32 to index
      %swap3A_36 = tpu.vector_load %arg8[%swap3A] {strides = array<i32>} : memref<3200xf32, #tpu.memory_space<vmem>>, vector<16xf32>,
      tpu.vector_store %arg8[%swap3A], %add3A_35 {strides = array<i32>} : memref<3200xf32, #tpu.memory_space<vmem>>, vector<16xf32>,
      %add3A_37 = arith.addf %gather3A_30, %gather3A_34 : vector<16xf32>
      %swap3A_38 = arith.index_cast %mul3A_13 : i32 to index
      %swap3A_39 = tpu.vector_load %arg9[%swap3A_38] {strides = array<i32>} : memref<3200xf32, #tpu.memory_space<vmem>>, vector<16xf32>,
      tpu.vector_store %arg9[%swap3A_38], %add3A_37 {strides = array<i32>} : memref<3200xf32, #tpu.memory_space<vmem>>, vector<16xf32>,
    }
    %scan3A_8 = arith.constant 200 : i32
    "tpu.region"() ({
      %run_scoped3A = tpu.sem_alloc : memref<!tpu.dma_semaphore, #tpu.memory_space<semaphore_mem>>
      %dma_start3A = tpu.memref_slice %arg4[%mul3A_2] : memref<204800xf32, #tpu.memory_space<hbm>> -> memref<3200xf32, #tpu.memory_space<hbm>>
      %dma_start3A_11 = tpu.memref_slice %arg4[%mul3A_2] : memref<204800xf32, #tpu.memory_space<hbm>> -> memref<3200xf32, #tpu.memory_space<hbm>>
      tpu.enqueue_dma source(%arg8 : memref<3200xf32, #tpu.memory_space<vmem>>) target(%dma_start3A_11 : memref<3200xf32, #tpu.memory_space<hbm>>) target_semaphore(%run_scoped3A : memref<!tpu.dma_semaphore, #tpu.memory_space<semaphore_mem>>)
      %dma_wait3A = tpu.memref_slice %arg4[%mul3A_2] : memref<204800xf32, #tpu.memory_space<hbm>> -> memref<3200xf32, #tpu.memory_space<hbm>>
      %dma_wait3A_12 = tpu.memref_slice %arg4[%mul3A_2] : memref<204800xf32, #tpu.memory_space<hbm>> -> memref<3200xf32, #tpu.memory_space<hbm>>
      tpu.wait_dma2 semaphore(%run_scoped3A : memref<!tpu.dma_semaphore, #tpu.memory_space<semaphore_mem>>) src(%arg8 : memref<3200xf32, #tpu.memory_space<vmem>>) dst(%dma_wait3A_12 : memref<3200xf32, #tpu.memory_space<hbm>>)
      tpu.yield
    }) : () -> ()
    %add3A_9 = arith.constant 102400 : i32
    %add3A_10 = arith.addi %add3A_9, %mul3A_2 : i32
    "tpu.region"() ({
      %run_scoped3A = tpu.sem_alloc : memref<!tpu.dma_semaphore, #tpu.memory_space<semaphore_mem>>
      %dma_start3A = tpu.memref_slice %arg4[%add3A_10] : memref<204800xf32, #tpu.memory_space<hbm>> -> memref<3200xf32, #tpu.memory_space<hbm>>
      %dma_start3A_11 = tpu.memref_slice %arg4[%add3A_10] : memref<204800xf32, #tpu.memory_space<hbm>> -> memref<3200xf32, #tpu.memory_space<hbm>>
      tpu.enqueue_dma source(%arg9 : memref<3200xf32, #tpu.memory_space<vmem>>) target(%dma_start3A_11 : memref<3200xf32, #tpu.memory_space<hbm>>) target_semaphore(%run_scoped3A : memref<!tpu.dma_semaphore, #tpu.memory_space<semaphore_mem>>)
      %dma_wait3A = tpu.memref_slice %arg4[%add3A_10] : memref<204800xf32, #tpu.memory_space<hbm>> -> memref<3200xf32, #tpu.memory_space<hbm>>
      %dma_wait3A_12 = tpu.memref_slice %arg4[%add3A_10] : memref<204800xf32, #tpu.memory_space<hbm>> -> memref<3200xf32, #tpu.memory_space<hbm>>
      tpu.wait_dma2 semaphore(%run_scoped3A : memref<!tpu.dma_semaphore, #tpu.memory_space<semaphore_mem>>) src(%arg9 : memref<3200xf32, #tpu.memory_space<vmem>>) dst(%dma_wait3A_12 : memref<3200xf32, #tpu.memory_space<hbm>>)
      tpu.yield
    }) : () -> ()
    return
  }
}

module attributes {stable_mosaic.version = 14 : i64} {
  func.func @_tc0_body(%arg0: i32, %arg1: memref<2000x128xf32, #tpu.memory_space<vmem>>, %arg2: memref<128x128xf32, #tpu.memory_space<vmem>>, %arg3: memref<1x128xf32, #tpu.memory_space<vmem>>, %arg4: memref<2000x128xf32, #tpu.memory_space<vmem>>) attributes {dimension_semantics = [#tpu.dimension_semantics<arbitrary>], iteration_bounds = array<i64: 5>, scalar_prefetch = 0 : i64, scratch_operands = 0 : i64, tpu.core_type = #tpu.core_type<tc>, window_params = [{transform_indices = @transform_0, window_bounds = array<i64: 2000, 128>}, {pipeline_mode = #tpu.pipeline_mode<synchronous>, transform_indices = @transform_1, window_bounds = array<i64: 128, 128>}, {pipeline_mode = #tpu.pipeline_mode<synchronous>, transform_indices = @transform_2, window_bounds = array<i64: 1, 128>}, {transform_indices = @transform_3, window_bounds = array<i64: 2000, 128>}]} {
    %get3A = arith.constant 0 : index
    %get3A_0 = arith.constant 0 : index
    %get3A_1 = vector.load %arg1[%get3A, %get3A_0] : memref<2000x128xf32, #tpu.memory_space<vmem>>, vector<2000x128xf32>
    %get3A_2 = arith.constant 0 : index
    %get3A_3 = arith.constant 0 : index
    %get3A_4 = vector.load %arg2[%get3A_2, %get3A_3] : memref<128x128xf32, #tpu.memory_space<vmem>>, vector<128x128xf32>
    %dot_general3A = arith.constant dense<0.000000e+00> : vector<2000x128xf32>
    %dot_general3A_5 = tpu.matmul %get3A_1, %get3A_4, %dot_general3A {dimension_numbers = #tpu.dot_dimension_numbers<[1], [0], [0], [1], [0, 0, 1, 1], [], []>, transpose_lhs_hint = false} : vector<2000x128xf32>, vector<128x128xf32>, vector<2000x128xf32> -> vector<2000x128xf32>
    %get3A_6 = arith.constant 0 : index
    %get3A_7 = arith.constant 0 : index
    %get3A_8 = vector.load %arg3[%get3A_6, %get3A_7] : memref<1x128xf32, #tpu.memory_space<vmem>>, vector<1x128xf32>
    %add3A = vector.broadcast %get3A_8 : vector<1x128xf32> to vector<2000x128xf32>
    %add3A_9 = arith.addf %dot_general3A_5, %add3A : vector<2000x128xf32>
    %gt3A = arith.constant 0.000000e+00 : f32
    %gt3A_10 = vector.broadcast %gt3A : f32 to vector<2000x128xf32>
    %gt3A_11 = arith.cmpf ogt, %add3A_9, %gt3A_10 : vector<2000x128xf32>
    %min3A = arith.constant 0.000000e+00 : f32
    %min3A_12 = vector.broadcast %min3A : f32 to vector<2000x128xf32>
    %min3A_13 = arith.minimumf %add3A_9, %min3A_12 : vector<2000x128xf32>
    %exp3A = math.exp %min3A_13 : vector<2000x128xf32>
    %sub3A = arith.constant 1.000000e+00 : f32
    %sub3A_14 = vector.broadcast %sub3A : f32 to vector<2000x128xf32>
    %sub3A_15 = arith.subf %exp3A, %sub3A_14 : vector<2000x128xf32>
    %select_n3A = arith.select %gt3A_11, %add3A_9, %sub3A_15 : vector<2000x128xi1>, vector<2000x128xf32>
    %swap3A = arith.constant 0 : index
    %swap3A_16 = arith.constant 0 : index
    %swap3A_17 = vector.load %arg4[%swap3A, %swap3A_16] : memref<2000x128xf32, #tpu.memory_space<vmem>>, vector<2000x128xf32>
    tpu.vector_store %arg4[%swap3A, %swap3A_16], %select_n3A {strides = array<i32>} : memref<2000x128xf32, #tpu.memory_space<vmem>>, vector<2000x128xf32>,
    return
  }
  func.func @transform_0(%arg0: i32) -> (i32, i32) {
    %c0_i32 = arith.constant 0 : i32
    %c0_i32_0 = arith.constant 0 : i32
    return %arg0, %c0_i32 : i32, i32
  }
  func.func @transform_1(%arg0: i32) -> (i32, i32) {
    %c0_i32 = arith.constant 0 : i32
    %c0_i32_0 = arith.constant 0 : i32
    %c0_i32_1 = arith.constant 0 : i32
    return %c0_i32, %c0_i32_0 : i32, i32
  }
  func.func @transform_2(%arg0: i32) -> (i32, i32) {
    %c0_i32 = arith.constant 0 : i32
    %c0_i32_0 = arith.constant 0 : i32
    %c0_i32_1 = arith.constant 0 : i32
    return %c0_i32, %c0_i32_0 : i32, i32
  }
  func.func @transform_3(%arg0: i32) -> (i32, i32) {
    %c0_i32 = arith.constant 0 : i32
    %c0_i32_0 = arith.constant 0 : i32
    return %arg0, %c0_i32 : i32, i32
  }
}

module attributes {stable_mosaic.version = 14 : i64} {
  func.func @_tc12_body(%arg0: i32, %arg1: memref<4x2000x128xf32, #tpu.memory_space<vmem>>, %arg2: memref<4x128x128xf32, #tpu.memory_space<vmem>>, %arg3: memref<4x1x128xf32, #tpu.memory_space<vmem>>, %arg4: memref<2x128x64xf32, #tpu.memory_space<vmem>>, %arg5: memref<2x1x64xf32, #tpu.memory_space<vmem>>, %arg6: memref<2x1x64xf32, #tpu.memory_space<vmem>>, %arg7: memref<2x128x128xf32, #tpu.memory_space<vmem>>, %arg8: memref<1x128xf32, #tpu.memory_space<vmem>>, %arg9: memref<128x4xf32, #tpu.memory_space<vmem>>, %arg10: memref<2000x128xf32, #tpu.memory_space<vmem>>, %arg11: memref<2000x4xf32, #tpu.memory_space<vmem>>, %arg12: memref<4x10000x128xf32, #tpu.memory_space<vmem>>, %arg13: memref<4xf32, #tpu.memory_space<smem>>) attributes {dimension_semantics = [#tpu.dimension_semantics<arbitrary>], iteration_bounds = array<i64: 10>, scalar_prefetch = 0 : i64, scratch_operands = 2 : i64, tpu.core_type = #tpu.core_type<tc>, window_params = [{transform_indices = @transform_0, window_bounds = array<i64: 4, 2000, 128>}, {pipeline_mode = #tpu.pipeline_mode<synchronous>, transform_indices = @transform_1, window_bounds = array<i64: 4, 128, 128>}, {pipeline_mode = #tpu.pipeline_mode<synchronous>, transform_indices = @transform_2, window_bounds = array<i64: 4, 1, 128>}, {pipeline_mode = #tpu.pipeline_mode<synchronous>, transform_indices = @transform_3, window_bounds = array<i64: 2, 128, 64>}, {pipeline_mode = #tpu.pipeline_mode<synchronous>, transform_indices = @transform_4, window_bounds = array<i64: 2, 1, 64>}, {pipeline_mode = #tpu.pipeline_mode<synchronous>, transform_indices = @transform_5, window_bounds = array<i64: 2, 1, 64>}, {pipeline_mode = #tpu.pipeline_mode<synchronous>, transform_indices = @transform_6, window_bounds = array<i64: 2, 128, 128>}, {pipeline_mode = #tpu.pipeline_mode<synchronous>, transform_indices = @transform_7, window_bounds = array<i64: 1, 128>}, {pipeline_mode = #tpu.pipeline_mode<synchronous>, transform_indices = @transform_8, window_bounds = array<i64: 128, 4>}, {transform_indices = @transform_9, window_bounds = array<i64: 2000, 128>}, {transform_indices = @transform_10, window_bounds = array<i64: 2000, 4>}]} {
    %lt3A = arith.constant 5 : i32
    %lt3A_0 = arith.cmpi slt, %arg0, %lt3A : i32
    %convert_element_type3A = arith.extui %lt3A_0 : i1 to i32
    %cond3A = arith.constant 0 : i32
    %cond3A_1 = arith.cmpi ne, %convert_element_type3A, %cond3A : i32
    scf.if %cond3A_1 {
      %get3A = arith.constant 0 : index
      %get3A_6 = arith.constant 0 : index
      %get3A_7 = arith.constant 0 : index
      %get3A_8 = vector.load %arg1[%get3A, %get3A_6, %get3A_7] : memref<4x2000x128xf32, #tpu.memory_space<vmem>>, vector<1x2000x128xf32>
      %get3A_9 = vector.shape_cast %get3A_8 : vector<1x2000x128xf32> to vector<2000x128xf32>
      %get3A_10 = arith.constant 0 : index
      %get3A_11 = arith.constant 0 : index
      %get3A_12 = arith.constant 0 : index
      %get3A_13 = vector.load %arg2[%get3A_10, %get3A_11, %get3A_12] : memref<4x128x128xf32, #tpu.memory_space<vmem>>, vector<1x128x128xf32>
      %get3A_14 = vector.shape_cast %get3A_13 : vector<1x128x128xf32> to vector<128x128xf32>
      %dot_general3A = arith.constant dense<0.000000e+00> : vector<2000x128xf32>
      %dot_general3A_15 = tpu.matmul %get3A_9, %get3A_14, %dot_general3A {dimension_numbers = #tpu.dot_dimension_numbers<[1], [0], [0], [1], [0, 0, 1, 1], [], []>, transpose_lhs_hint = false} : vector<2000x128xf32>, vector<128x128xf32>, vector<2000x128xf32> -> vector<2000x128xf32>
      %get3A_16 = arith.constant 0 : index
      %get3A_17 = arith.constant 0 : index
      %get3A_18 = arith.constant 0 : index
      %get3A_19 = vector.load %arg3[%get3A_16, %get3A_17, %get3A_18] : memref<4x1x128xf32, #tpu.memory_space<vmem>>, vector<1x1x128xf32>
      %get3A_20 = vector.shape_cast %get3A_19 : vector<1x1x128xf32> to vector<1x128xf32>
      %add3A = vector.broadcast %get3A_20 : vector<1x128xf32> to vector<2000x128xf32>
      %add3A_21 = arith.addf %dot_general3A_15, %add3A : vector<2000x128xf32>
      %gt3A = arith.constant 0.000000e+00 : f32
      %gt3A_22 = vector.broadcast %gt3A : f32 to vector<2000x128xf32>
      %gt3A_23 = arith.cmpf ogt, %add3A_21, %gt3A_22 : vector<2000x128xf32>
      %min3A = arith.constant 0.000000e+00 : f32
      %min3A_24 = vector.broadcast %min3A : f32 to vector<2000x128xf32>
      %min3A_25 = arith.minimumf %add3A_21, %min3A_24 : vector<2000x128xf32>
      %exp3A = math.exp %min3A_25 : vector<2000x128xf32>
      %sub3A = arith.constant 1.000000e+00 : f32
      %sub3A_26 = vector.broadcast %sub3A : f32 to vector<2000x128xf32>
      %sub3A_27 = arith.subf %exp3A, %sub3A_26 : vector<2000x128xf32>
      %select_n3A = arith.select %gt3A_23, %add3A_21, %sub3A_27 : vector<2000x128xi1>, vector<2000x128xf32>
      %mul3A = arith.constant 2000 : i32
      %mul3A_28 = arith.muli %arg0, %mul3A : i32
      %swap3A = arith.constant 0 : index
      %swap3A_29 = arith.index_cast %mul3A_28 : i32 to index
      %swap3A_30 = arith.constant 0 : index
      %swap3A_31 = vector.load %arg12[%swap3A, %swap3A_29, %swap3A_30] : memref<4x10000x128xf32, #tpu.memory_space<vmem>>, vector<1x2000x128xf32>
      %swap3A_32 = vector.shape_cast %swap3A_31 : vector<1x2000x128xf32> to vector<2000x128xf32>
      %swap3A_33 = vector.shape_cast %select_n3A : vector<2000x128xf32> to vector<1x2000x128xf32>
      tpu.vector_store %arg12[%swap3A, %swap3A_29, %swap3A_30], %swap3A_33 {strides = array<i32>} : memref<4x10000x128xf32, #tpu.memory_space<vmem>>, vector<1x2000x128xf32>,
      %get3A_34 = arith.constant 0 : index
      %get3A_35 = arith.constant 0 : index
      %get3A_36 = arith.constant 0 : index
      %get3A_37 = vector.load %arg4[%get3A_34, %get3A_35, %get3A_36] : memref<2x128x64xf32, #tpu.memory_space<vmem>>, vector<1x128x64xf32>
      %get3A_38 = vector.shape_cast %get3A_37 : vector<1x128x64xf32> to vector<128x64xf32>
      %dot_general3A_39 = arith.constant dense<0.000000e+00> : vector<2000x64xf32>
      %dot_general3A_40 = tpu.matmul %select_n3A, %get3A_38, %dot_general3A_39 {dimension_numbers = #tpu.dot_dimension_numbers<[1], [0], [0], [1], [0, 0, 1, 1], [], []>, transpose_lhs_hint = false} : vector<2000x128xf32>, vector<128x64xf32>, vector<2000x64xf32> -> vector<2000x64xf32>
      %get3A_41 = arith.constant 0 : index
      %get3A_42 = arith.constant 0 : index
      %get3A_43 = arith.constant 0 : index
      %get3A_44 = vector.load %arg5[%get3A_41, %get3A_42, %get3A_43] : memref<2x1x64xf32, #tpu.memory_space<vmem>>, vector<1x1x64xf32>
      %get3A_45 = vector.shape_cast %get3A_44 : vector<1x1x64xf32> to vector<1x64xf32>
      %add3A_46 = vector.broadcast %get3A_45 : vector<1x64xf32> to vector<2000x64xf32>
      %add3A_47 = arith.addf %dot_general3A_40, %add3A_46 : vector<2000x64xf32>
      %tanh3A = math.tanh %add3A_47 : vector<2000x64xf32>
      %eq3A = arith.constant 0 : i32
      %eq3A_48 = arith.cmpi eq, %arg0, %eq3A : i32
      %get3A_49 = arith.constant 0 : index
      %get3A_50 = memref.load %arg13[%get3A_49] : memref<4xf32, #tpu.memory_space<smem>>
      %jit3A = arith.constant 0.000000e+00 : f32
      %select_n3A_51 = arith.select %eq3A_48, %jit3A, %get3A_50 : f32
      %get3A_52 = arith.constant 0 : index
      %get3A_53 = arith.constant 0 : index
      %get3A_54 = arith.constant 0 : index
      %get3A_55 = vector.load %arg6[%get3A_52, %get3A_53, %get3A_54] : memref<2x1x64xf32, #tpu.memory_space<vmem>>, vector<1x1x64xf32>
      %get3A_56 = vector.shape_cast %get3A_55 : vector<1x1x64xf32> to vector<1x64xf32>
      %mul3A_57 = vector.broadcast %get3A_56 : vector<1x64xf32> to vector<2000x64xf32>
      %mul3A_58 = arith.mulf %tanh3A, %mul3A_57 : vector<2000x64xf32>
      %reduce_sum3A = vector.shape_cast %mul3A_58 : vector<2000x64xf32> to vector<1x2000x64xf32>
      %reduce_sum3A_59 = arith.constant dense<0.000000e+00> : vector<1xf32>
      %reduce_sum3A_60 = vector.multi_reduction <add>, %reduce_sum3A, %reduce_sum3A_59 [1, 2] : vector<1x2000x64xf32> to vector<1xf32>
      %reduce_sum3A_61 = vector.shape_cast %reduce_sum3A_60 : vector<1xf32> to vector<1x1x1xf32>
      %reduce_sum3A_62 = vector.extract %reduce_sum3A_61[0, 0, 0] : f32 from vector<1x1x1xf32>
      %add3A_63 = arith.addf %select_n3A_51, %reduce_sum3A_62 : f32
      %swap3A_64 = arith.constant 0 : index
      %swap3A_65 = memref.load %arg13[%swap3A_64] : memref<4xf32, #tpu.memory_space<smem>>
      memref.store %add3A_63, %arg13[%swap3A_64] : memref<4xf32, #tpu.memory_space<smem>>
      %get3A_66 = arith.constant 1 : index
      %get3A_67 = arith.constant 0 : index
      %get3A_68 = arith.constant 0 : index
      %get3A_69 = vector.load %arg1[%get3A_66, %get3A_67, %get3A_68] : memref<4x2000x128xf32, #tpu.memory_space<vmem>>, vector<1x2000x128xf32>
      %get3A_70 = vector.shape_cast %get3A_69 : vector<1x2000x128xf32> to vector<2000x128xf32>
      %get3A_71 = arith.constant 1 : index
      %get3A_72 = arith.constant 0 : index
      %get3A_73 = arith.constant 0 : index
      %get3A_74 = vector.load %arg2[%get3A_71, %get3A_72, %get3A_73] : memref<4x128x128xf32, #tpu.memory_space<vmem>>, vector<1x128x128xf32>
      %get3A_75 = vector.shape_cast %get3A_74 : vector<1x128x128xf32> to vector<128x128xf32>
      %dot_general3A_76 = arith.constant dense<0.000000e+00> : vector<2000x128xf32>
      %dot_general3A_77 = tpu.matmul %get3A_70, %get3A_75, %dot_general3A_76 {dimension_numbers = #tpu.dot_dimension_numbers<[1], [0], [0], [1], [0, 0, 1, 1], [], []>, transpose_lhs_hint = false} : vector<2000x128xf32>, vector<128x128xf32>, vector<2000x128xf32> -> vector<2000x128xf32>
      %get3A_78 = arith.constant 1 : index
      %get3A_79 = arith.constant 0 : index
      %get3A_80 = arith.constant 0 : index
      %get3A_81 = vector.load %arg3[%get3A_78, %get3A_79, %get3A_80] : memref<4x1x128xf32, #tpu.memory_space<vmem>>, vector<1x1x128xf32>
      %get3A_82 = vector.shape_cast %get3A_81 : vector<1x1x128xf32> to vector<1x128xf32>
      %add3A_83 = vector.broadcast %get3A_82 : vector<1x128xf32> to vector<2000x128xf32>
      %add3A_84 = arith.addf %dot_general3A_77, %add3A_83 : vector<2000x128xf32>
      %gt3A_85 = arith.constant 0.000000e+00 : f32
      %gt3A_86 = vector.broadcast %gt3A_85 : f32 to vector<2000x128xf32>
      %gt3A_87 = arith.cmpf ogt, %add3A_84, %gt3A_86 : vector<2000x128xf32>
      %min3A_88 = arith.constant 0.000000e+00 : f32
      %min3A_89 = vector.broadcast %min3A_88 : f32 to vector<2000x128xf32>
      %min3A_90 = arith.minimumf %add3A_84, %min3A_89 : vector<2000x128xf32>
      %exp3A_91 = math.exp %min3A_90 : vector<2000x128xf32>
      %sub3A_92 = arith.constant 1.000000e+00 : f32
      %sub3A_93 = vector.broadcast %sub3A_92 : f32 to vector<2000x128xf32>
      %sub3A_94 = arith.subf %exp3A_91, %sub3A_93 : vector<2000x128xf32>
      %select_n3A_95 = arith.select %gt3A_87, %add3A_84, %sub3A_94 : vector<2000x128xi1>, vector<2000x128xf32>
      %mul3A_96 = arith.constant 2000 : i32
      %mul3A_97 = arith.muli %arg0, %mul3A_96 : i32
      %swap3A_98 = arith.constant 1 : index
      %swap3A_99 = arith.index_cast %mul3A_97 : i32 to index
      %swap3A_100 = arith.constant 0 : index
      %swap3A_101 = vector.load %arg12[%swap3A_98, %swap3A_99, %swap3A_100] : memref<4x10000x128xf32, #tpu.memory_space<vmem>>, vector<1x2000x128xf32>
      %swap3A_102 = vector.shape_cast %swap3A_101 : vector<1x2000x128xf32> to vector<2000x128xf32>
      %swap3A_103 = vector.shape_cast %select_n3A_95 : vector<2000x128xf32> to vector<1x2000x128xf32>
      tpu.vector_store %arg12[%swap3A_98, %swap3A_99, %swap3A_100], %swap3A_103 {strides = array<i32>} : memref<4x10000x128xf32, #tpu.memory_space<vmem>>, vector<1x2000x128xf32>,
      %get3A_104 = arith.constant 0 : index
      %get3A_105 = arith.constant 0 : index
      %get3A_106 = arith.constant 0 : index
      %get3A_107 = vector.load %arg4[%get3A_104, %get3A_105, %get3A_106] : memref<2x128x64xf32, #tpu.memory_space<vmem>>, vector<1x128x64xf32>
      %get3A_108 = vector.shape_cast %get3A_107 : vector<1x128x64xf32> to vector<128x64xf32>
      %dot_general3A_109 = arith.constant dense<0.000000e+00> : vector<2000x64xf32>
      %dot_general3A_110 = tpu.matmul %select_n3A_95, %get3A_108, %dot_general3A_109 {dimension_numbers = #tpu.dot_dimension_numbers<[1], [0], [0], [1], [0, 0, 1, 1], [], []>, transpose_lhs_hint = false} : vector<2000x128xf32>, vector<128x64xf32>, vector<2000x64xf32> -> vector<2000x64xf32>
      %get3A_111 = arith.constant 0 : index
      %get3A_112 = arith.constant 0 : index
      %get3A_113 = arith.constant 0 : index
      %get3A_114 = vector.load %arg5[%get3A_111, %get3A_112, %get3A_113] : memref<2x1x64xf32, #tpu.memory_space<vmem>>, vector<1x1x64xf32>
      %get3A_115 = vector.shape_cast %get3A_114 : vector<1x1x64xf32> to vector<1x64xf32>
      %add3A_116 = vector.broadcast %get3A_115 : vector<1x64xf32> to vector<2000x64xf32>
      %add3A_117 = arith.addf %dot_general3A_110, %add3A_116 : vector<2000x64xf32>
      %tanh3A_118 = math.tanh %add3A_117 : vector<2000x64xf32>
      %eq3A_119 = arith.constant 0 : i32
      %eq3A_120 = arith.cmpi eq, %arg0, %eq3A_119 : i32
      %get3A_121 = arith.constant 1 : index
      %get3A_122 = memref.load %arg13[%get3A_121] : memref<4xf32, #tpu.memory_space<smem>>
      %jit3A_123 = arith.constant 0.000000e+00 : f32
      %select_n3A_124 = arith.select %eq3A_120, %jit3A_123, %get3A_122 : f32
      %get3A_125 = arith.constant 0 : index
      %get3A_126 = arith.constant 0 : index
      %get3A_127 = arith.constant 0 : index
      %get3A_128 = vector.load %arg6[%get3A_125, %get3A_126, %get3A_127] : memref<2x1x64xf32, #tpu.memory_space<vmem>>, vector<1x1x64xf32>
      %get3A_129 = vector.shape_cast %get3A_128 : vector<1x1x64xf32> to vector<1x64xf32>
      %mul3A_130 = vector.broadcast %get3A_129 : vector<1x64xf32> to vector<2000x64xf32>
      %mul3A_131 = arith.mulf %tanh3A_118, %mul3A_130 : vector<2000x64xf32>
      %reduce_sum3A_132 = vector.shape_cast %mul3A_131 : vector<2000x64xf32> to vector<1x2000x64xf32>
      %reduce_sum3A_133 = arith.constant dense<0.000000e+00> : vector<1xf32>
      %reduce_sum3A_134 = vector.multi_reduction <add>, %reduce_sum3A_132, %reduce_sum3A_133 [1, 2] : vector<1x2000x64xf32> to vector<1xf32>
      %reduce_sum3A_135 = vector.shape_cast %reduce_sum3A_134 : vector<1xf32> to vector<1x1x1xf32>
      %reduce_sum3A_136 = vector.extract %reduce_sum3A_135[0, 0, 0] : f32 from vector<1x1x1xf32>
      %add3A_137 = arith.addf %select_n3A_124, %reduce_sum3A_136 : f32
      %swap3A_138 = arith.constant 1 : index
      %swap3A_139 = memref.load %arg13[%swap3A_138] : memref<4xf32, #tpu.memory_space<smem>>
      memref.store %add3A_137, %arg13[%swap3A_138] : memref<4xf32, #tpu.memory_space<smem>>
      %get3A_140 = arith.constant 2 : index
      %get3A_141 = arith.constant 0 : index
      %get3A_142 = arith.constant 0 : index
      %get3A_143 = vector.load %arg1[%get3A_140, %get3A_141, %get3A_142] : memref<4x2000x128xf32, #tpu.memory_space<vmem>>, vector<1x2000x128xf32>
      %get3A_144 = vector.shape_cast %get3A_143 : vector<1x2000x128xf32> to vector<2000x128xf32>
      %get3A_145 = arith.constant 2 : index
      %get3A_146 = arith.constant 0 : index
      %get3A_147 = arith.constant 0 : index
      %get3A_148 = vector.load %arg2[%get3A_145, %get3A_146, %get3A_147] : memref<4x128x128xf32, #tpu.memory_space<vmem>>, vector<1x128x128xf32>
      %get3A_149 = vector.shape_cast %get3A_148 : vector<1x128x128xf32> to vector<128x128xf32>
      %dot_general3A_150 = arith.constant dense<0.000000e+00> : vector<2000x128xf32>
      %dot_general3A_151 = tpu.matmul %get3A_144, %get3A_149, %dot_general3A_150 {dimension_numbers = #tpu.dot_dimension_numbers<[1], [0], [0], [1], [0, 0, 1, 1], [], []>, transpose_lhs_hint = false} : vector<2000x128xf32>, vector<128x128xf32>, vector<2000x128xf32> -> vector<2000x128xf32>
      %get3A_152 = arith.constant 2 : index
      %get3A_153 = arith.constant 0 : index
      %get3A_154 = arith.constant 0 : index
      %get3A_155 = vector.load %arg3[%get3A_152, %get3A_153, %get3A_154] : memref<4x1x128xf32, #tpu.memory_space<vmem>>, vector<1x1x128xf32>
      %get3A_156 = vector.shape_cast %get3A_155 : vector<1x1x128xf32> to vector<1x128xf32>
      %add3A_157 = vector.broadcast %get3A_156 : vector<1x128xf32> to vector<2000x128xf32>
      %add3A_158 = arith.addf %dot_general3A_151, %add3A_157 : vector<2000x128xf32>
      %gt3A_159 = arith.constant 0.000000e+00 : f32
      %gt3A_160 = vector.broadcast %gt3A_159 : f32 to vector<2000x128xf32>
      %gt3A_161 = arith.cmpf ogt, %add3A_158, %gt3A_160 : vector<2000x128xf32>
      %min3A_162 = arith.constant 0.000000e+00 : f32
      %min3A_163 = vector.broadcast %min3A_162 : f32 to vector<2000x128xf32>
      %min3A_164 = arith.minimumf %add3A_158, %min3A_163 : vector<2000x128xf32>
      %exp3A_165 = math.exp %min3A_164 : vector<2000x128xf32>
      %sub3A_166 = arith.constant 1.000000e+00 : f32
      %sub3A_167 = vector.broadcast %sub3A_166 : f32 to vector<2000x128xf32>
      %sub3A_168 = arith.subf %exp3A_165, %sub3A_167 : vector<2000x128xf32>
      %select_n3A_169 = arith.select %gt3A_161, %add3A_158, %sub3A_168 : vector<2000x128xi1>, vector<2000x128xf32>
      %mul3A_170 = arith.constant 2000 : i32
      %mul3A_171 = arith.muli %arg0, %mul3A_170 : i32
      %swap3A_172 = arith.constant 2 : index
      %swap3A_173 = arith.index_cast %mul3A_171 : i32 to index
      %swap3A_174 = arith.constant 0 : index
      %swap3A_175 = vector.load %arg12[%swap3A_172, %swap3A_173, %swap3A_174] : memref<4x10000x128xf32, #tpu.memory_space<vmem>>, vector<1x2000x128xf32>
      %swap3A_176 = vector.shape_cast %swap3A_175 : vector<1x2000x128xf32> to vector<2000x128xf32>
      %swap3A_177 = vector.shape_cast %select_n3A_169 : vector<2000x128xf32> to vector<1x2000x128xf32>
      tpu.vector_store %arg12[%swap3A_172, %swap3A_173, %swap3A_174], %swap3A_177 {strides = array<i32>} : memref<4x10000x128xf32, #tpu.memory_space<vmem>>, vector<1x2000x128xf32>,
      %get3A_178 = arith.constant 1 : index
      %get3A_179 = arith.constant 0 : index
      %get3A_180 = arith.constant 0 : index
      %get3A_181 = vector.load %arg4[%get3A_178, %get3A_179, %get3A_180] : memref<2x128x64xf32, #tpu.memory_space<vmem>>, vector<1x128x64xf32>
      %get3A_182 = vector.shape_cast %get3A_181 : vector<1x128x64xf32> to vector<128x64xf32>
      %dot_general3A_183 = arith.constant dense<0.000000e+00> : vector<2000x64xf32>
      %dot_general3A_184 = tpu.matmul %select_n3A_169, %get3A_182, %dot_general3A_183 {dimension_numbers = #tpu.dot_dimension_numbers<[1], [0], [0], [1], [0, 0, 1, 1], [], []>, transpose_lhs_hint = false} : vector<2000x128xf32>, vector<128x64xf32>, vector<2000x64xf32> -> vector<2000x64xf32>
      %get3A_185 = arith.constant 1 : index
      %get3A_186 = arith.constant 0 : index
      %get3A_187 = arith.constant 0 : index
      %get3A_188 = vector.load %arg5[%get3A_185, %get3A_186, %get3A_187] : memref<2x1x64xf32, #tpu.memory_space<vmem>>, vector<1x1x64xf32>
      %get3A_189 = vector.shape_cast %get3A_188 : vector<1x1x64xf32> to vector<1x64xf32>
      %add3A_190 = vector.broadcast %get3A_189 : vector<1x64xf32> to vector<2000x64xf32>
      %add3A_191 = arith.addf %dot_general3A_184, %add3A_190 : vector<2000x64xf32>
      %tanh3A_192 = math.tanh %add3A_191 : vector<2000x64xf32>
      %eq3A_193 = arith.constant 0 : i32
      %eq3A_194 = arith.cmpi eq, %arg0, %eq3A_193 : i32
      %get3A_195 = arith.constant 2 : index
      %get3A_196 = memref.load %arg13[%get3A_195] : memref<4xf32, #tpu.memory_space<smem>>
      %jit3A_197 = arith.constant 0.000000e+00 : f32
      %select_n3A_198 = arith.select %eq3A_194, %jit3A_197, %get3A_196 : f32
      %get3A_199 = arith.constant 1 : index
      %get3A_200 = arith.constant 0 : index
      %get3A_201 = arith.constant 0 : index
      %get3A_202 = vector.load %arg6[%get3A_199, %get3A_200, %get3A_201] : memref<2x1x64xf32, #tpu.memory_space<vmem>>, vector<1x1x64xf32>
      %get3A_203 = vector.shape_cast %get3A_202 : vector<1x1x64xf32> to vector<1x64xf32>
      %mul3A_204 = vector.broadcast %get3A_203 : vector<1x64xf32> to vector<2000x64xf32>
      %mul3A_205 = arith.mulf %tanh3A_192, %mul3A_204 : vector<2000x64xf32>
      %reduce_sum3A_206 = vector.shape_cast %mul3A_205 : vector<2000x64xf32> to vector<1x2000x64xf32>
      %reduce_sum3A_207 = arith.constant dense<0.000000e+00> : vector<1xf32>
      %reduce_sum3A_208 = vector.multi_reduction <add>, %reduce_sum3A_206, %reduce_sum3A_207 [1, 2] : vector<1x2000x64xf32> to vector<1xf32>
      %reduce_sum3A_209 = vector.shape_cast %reduce_sum3A_208 : vector<1xf32> to vector<1x1x1xf32>
      %reduce_sum3A_210 = vector.extract %reduce_sum3A_209[0, 0, 0] : f32 from vector<1x1x1xf32>
      %add3A_211 = arith.addf %select_n3A_198, %reduce_sum3A_210 : f32
      %swap3A_212 = arith.constant 2 : index
      %swap3A_213 = memref.load %arg13[%swap3A_212] : memref<4xf32, #tpu.memory_space<smem>>
      memref.store %add3A_211, %arg13[%swap3A_212] : memref<4xf32, #tpu.memory_space<smem>>
      %get3A_214 = arith.constant 3 : index
      %get3A_215 = arith.constant 0 : index
      %get3A_216 = arith.constant 0 : index
      %get3A_217 = vector.load %arg1[%get3A_214, %get3A_215, %get3A_216] : memref<4x2000x128xf32, #tpu.memory_space<vmem>>, vector<1x2000x128xf32>
      %get3A_218 = vector.shape_cast %get3A_217 : vector<1x2000x128xf32> to vector<2000x128xf32>
      %get3A_219 = arith.constant 3 : index
      %get3A_220 = arith.constant 0 : index
      %get3A_221 = arith.constant 0 : index
      %get3A_222 = vector.load %arg2[%get3A_219, %get3A_220, %get3A_221] : memref<4x128x128xf32, #tpu.memory_space<vmem>>, vector<1x128x128xf32>
      %get3A_223 = vector.shape_cast %get3A_222 : vector<1x128x128xf32> to vector<128x128xf32>
      %dot_general3A_224 = arith.constant dense<0.000000e+00> : vector<2000x128xf32>
      %dot_general3A_225 = tpu.matmul %get3A_218, %get3A_223, %dot_general3A_224 {dimension_numbers = #tpu.dot_dimension_numbers<[1], [0], [0], [1], [0, 0, 1, 1], [], []>, transpose_lhs_hint = false} : vector<2000x128xf32>, vector<128x128xf32>, vector<2000x128xf32> -> vector<2000x128xf32>
      %get3A_226 = arith.constant 3 : index
      %get3A_227 = arith.constant 0 : index
      %get3A_228 = arith.constant 0 : index
      %get3A_229 = vector.load %arg3[%get3A_226, %get3A_227, %get3A_228] : memref<4x1x128xf32, #tpu.memory_space<vmem>>, vector<1x1x128xf32>
      %get3A_230 = vector.shape_cast %get3A_229 : vector<1x1x128xf32> to vector<1x128xf32>
      %add3A_231 = vector.broadcast %get3A_230 : vector<1x128xf32> to vector<2000x128xf32>
      %add3A_232 = arith.addf %dot_general3A_225, %add3A_231 : vector<2000x128xf32>
      %gt3A_233 = arith.constant 0.000000e+00 : f32
      %gt3A_234 = vector.broadcast %gt3A_233 : f32 to vector<2000x128xf32>
      %gt3A_235 = arith.cmpf ogt, %add3A_232, %gt3A_234 : vector<2000x128xf32>
      %min3A_236 = arith.constant 0.000000e+00 : f32
      %min3A_237 = vector.broadcast %min3A_236 : f32 to vector<2000x128xf32>
      %min3A_238 = arith.minimumf %add3A_232, %min3A_237 : vector<2000x128xf32>
      %exp3A_239 = math.exp %min3A_238 : vector<2000x128xf32>
      %sub3A_240 = arith.constant 1.000000e+00 : f32
      %sub3A_241 = vector.broadcast %sub3A_240 : f32 to vector<2000x128xf32>
      %sub3A_242 = arith.subf %exp3A_239, %sub3A_241 : vector<2000x128xf32>
      %select_n3A_243 = arith.select %gt3A_235, %add3A_232, %sub3A_242 : vector<2000x128xi1>, vector<2000x128xf32>
      %mul3A_244 = arith.constant 2000 : i32
      %mul3A_245 = arith.muli %arg0, %mul3A_244 : i32
      %swap3A_246 = arith.constant 3 : index
      %swap3A_247 = arith.index_cast %mul3A_245 : i32 to index
      %swap3A_248 = arith.constant 0 : index
      %swap3A_249 = vector.load %arg12[%swap3A_246, %swap3A_247, %swap3A_248] : memref<4x10000x128xf32, #tpu.memory_space<vmem>>, vector<1x2000x128xf32>
      %swap3A_250 = vector.shape_cast %swap3A_249 : vector<1x2000x128xf32> to vector<2000x128xf32>
      %swap3A_251 = vector.shape_cast %select_n3A_243 : vector<2000x128xf32> to vector<1x2000x128xf32>
      tpu.vector_store %arg12[%swap3A_246, %swap3A_247, %swap3A_248], %swap3A_251 {strides = array<i32>} : memref<4x10000x128xf32, #tpu.memory_space<vmem>>, vector<1x2000x128xf32>,
      %get3A_252 = arith.constant 1 : index
      %get3A_253 = arith.constant 0 : index
      %get3A_254 = arith.constant 0 : index
      %get3A_255 = vector.load %arg4[%get3A_252, %get3A_253, %get3A_254] : memref<2x128x64xf32, #tpu.memory_space<vmem>>, vector<1x128x64xf32>
      %get3A_256 = vector.shape_cast %get3A_255 : vector<1x128x64xf32> to vector<128x64xf32>
      %dot_general3A_257 = arith.constant dense<0.000000e+00> : vector<2000x64xf32>
      %dot_general3A_258 = tpu.matmul %select_n3A_243, %get3A_256, %dot_general3A_257 {dimension_numbers = #tpu.dot_dimension_numbers<[1], [0], [0], [1], [0, 0, 1, 1], [], []>, transpose_lhs_hint = false} : vector<2000x128xf32>, vector<128x64xf32>, vector<2000x64xf32> -> vector<2000x64xf32>
      %get3A_259 = arith.constant 1 : index
      %get3A_260 = arith.constant 0 : index
      %get3A_261 = arith.constant 0 : index
      %get3A_262 = vector.load %arg5[%get3A_259, %get3A_260, %get3A_261] : memref<2x1x64xf32, #tpu.memory_space<vmem>>, vector<1x1x64xf32>
      %get3A_263 = vector.shape_cast %get3A_262 : vector<1x1x64xf32> to vector<1x64xf32>
      %add3A_264 = vector.broadcast %get3A_263 : vector<1x64xf32> to vector<2000x64xf32>
      %add3A_265 = arith.addf %dot_general3A_258, %add3A_264 : vector<2000x64xf32>
      %tanh3A_266 = math.tanh %add3A_265 : vector<2000x64xf32>
      %eq3A_267 = arith.constant 0 : i32
      %eq3A_268 = arith.cmpi eq, %arg0, %eq3A_267 : i32
      %get3A_269 = arith.constant 3 : index
      %get3A_270 = memref.load %arg13[%get3A_269] : memref<4xf32, #tpu.memory_space<smem>>
      %jit3A_271 = arith.constant 0.000000e+00 : f32
      %select_n3A_272 = arith.select %eq3A_268, %jit3A_271, %get3A_270 : f32
      %get3A_273 = arith.constant 1 : index
      %get3A_274 = arith.constant 0 : index
      %get3A_275 = arith.constant 0 : index
      %get3A_276 = vector.load %arg6[%get3A_273, %get3A_274, %get3A_275] : memref<2x1x64xf32, #tpu.memory_space<vmem>>, vector<1x1x64xf32>
      %get3A_277 = vector.shape_cast %get3A_276 : vector<1x1x64xf32> to vector<1x64xf32>
      %mul3A_278 = vector.broadcast %get3A_277 : vector<1x64xf32> to vector<2000x64xf32>
      %mul3A_279 = arith.mulf %tanh3A_266, %mul3A_278 : vector<2000x64xf32>
      %reduce_sum3A_280 = vector.shape_cast %mul3A_279 : vector<2000x64xf32> to vector<1x2000x64xf32>
      %reduce_sum3A_281 = arith.constant dense<0.000000e+00> : vector<1xf32>
      %reduce_sum3A_282 = vector.multi_reduction <add>, %reduce_sum3A_280, %reduce_sum3A_281 [1, 2] : vector<1x2000x64xf32> to vector<1xf32>
      %reduce_sum3A_283 = vector.shape_cast %reduce_sum3A_282 : vector<1xf32> to vector<1x1x1xf32>
      %reduce_sum3A_284 = vector.extract %reduce_sum3A_283[0, 0, 0] : f32 from vector<1x1x1xf32>
      %add3A_285 = arith.addf %select_n3A_272, %reduce_sum3A_284 : f32
      %swap3A_286 = arith.constant 3 : index
      %swap3A_287 = memref.load %arg13[%swap3A_286] : memref<4xf32, #tpu.memory_space<smem>>
      memref.store %add3A_285, %arg13[%swap3A_286] : memref<4xf32, #tpu.memory_space<smem>>
    } else {
    }
    %ge3A = arith.constant 5 : i32
    %ge3A_2 = arith.cmpi sge, %arg0, %ge3A : i32
    %convert_element_type3A_3 = arith.extui %ge3A_2 : i1 to i32
    %cond3A_4 = arith.constant 0 : i32
    %cond3A_5 = arith.cmpi ne, %convert_element_type3A_3, %cond3A_4 : i32
    scf.if %cond3A_5 {
      %sub3A = arith.constant 5 : i32
      %sub3A_6 = arith.subi %arg0, %sub3A : i32
      %mul3A = arith.constant 2000 : i32
      %mul3A_7 = arith.muli %sub3A_6, %mul3A : i32
      %get3A = arith.constant 0 : index
      %get3A_8 = memref.load %arg13[%get3A] : memref<4xf32, #tpu.memory_space<smem>>
      %div3A = arith.constant 1.000000e+04 : f32
      %div3A_9 = arith.divf %get3A_8, %div3A : f32
      %get3A_10 = arith.constant 1 : index
      %get3A_11 = memref.load %arg13[%get3A_10] : memref<4xf32, #tpu.memory_space<smem>>
      %div3A_12 = arith.constant 1.000000e+04 : f32
      %div3A_13 = arith.divf %get3A_11, %div3A_12 : f32
      %get3A_14 = arith.constant 2 : index
      %get3A_15 = memref.load %arg13[%get3A_14] : memref<4xf32, #tpu.memory_space<smem>>
      %div3A_16 = arith.constant 1.000000e+04 : f32
      %div3A_17 = arith.divf %get3A_15, %div3A_16 : f32
      %get3A_18 = arith.constant 3 : index
      %get3A_19 = memref.load %arg13[%get3A_18] : memref<4xf32, #tpu.memory_space<smem>>
      %div3A_20 = arith.constant 1.000000e+04 : f32
      %div3A_21 = arith.divf %get3A_19, %div3A_20 : f32
      %max3A = arith.maximumf %div3A_9, %div3A_13 : f32
      %sub3A_22 = arith.subf %div3A_9, %max3A : f32
      %exp3A = math.exp %sub3A_22 : f32
      %max3A_23 = arith.maximumf %div3A_9, %div3A_13 : f32
      %sub3A_24 = arith.subf %div3A_13, %max3A_23 : f32
      %exp3A_25 = math.exp %sub3A_24 : f32
      %max3A_26 = arith.maximumf %div3A_17, %div3A_21 : f32
      %sub3A_27 = arith.subf %div3A_17, %max3A_26 : f32
      %exp3A_28 = math.exp %sub3A_27 : f32
      %max3A_29 = arith.maximumf %div3A_17, %div3A_21 : f32
      %sub3A_30 = arith.subf %div3A_21, %max3A_29 : f32
      %exp3A_31 = math.exp %sub3A_30 : f32
      %get3A_32 = arith.constant 0 : index
      %get3A_33 = arith.index_cast %mul3A_7 : i32 to index
      %get3A_34 = arith.constant 0 : index
      %get3A_35 = vector.load %arg12[%get3A_32, %get3A_33, %get3A_34] : memref<4x10000x128xf32, #tpu.memory_space<vmem>>, vector<1x2000x128xf32>
      %get3A_36 = vector.shape_cast %get3A_35 : vector<1x2000x128xf32> to vector<2000x128xf32>
      %mul3A_37 = vector.broadcast %exp3A : f32 to vector<2000x128xf32>
      %mul3A_38 = arith.mulf %mul3A_37, %get3A_36 : vector<2000x128xf32>
      %get3A_39 = arith.constant 1 : index
      %get3A_40 = arith.index_cast %mul3A_7 : i32 to index
      %get3A_41 = arith.constant 0 : index
      %get3A_42 = vector.load %arg12[%get3A_39, %get3A_40, %get3A_41] : memref<4x10000x128xf32, #tpu.memory_space<vmem>>, vector<1x2000x128xf32>
      %get3A_43 = vector.shape_cast %get3A_42 : vector<1x2000x128xf32> to vector<2000x128xf32>
      %mul3A_44 = vector.broadcast %exp3A_25 : f32 to vector<2000x128xf32>
      %mul3A_45 = arith.mulf %mul3A_44, %get3A_43 : vector<2000x128xf32>
      %add3A = arith.addf %mul3A_38, %mul3A_45 : vector<2000x128xf32>
      %add3A_46 = arith.addf %exp3A, %exp3A_25 : f32
      %div3A_47 = vector.broadcast %add3A_46 : f32 to vector<2000x128xf32>
      %div3A_48 = arith.divf %add3A, %div3A_47 : vector<2000x128xf32>
      %get3A_49 = arith.constant 2 : index
      %get3A_50 = arith.index_cast %mul3A_7 : i32 to index
      %get3A_51 = arith.constant 0 : index
      %get3A_52 = vector.load %arg12[%get3A_49, %get3A_50, %get3A_51] : memref<4x10000x128xf32, #tpu.memory_space<vmem>>, vector<1x2000x128xf32>
      %get3A_53 = vector.shape_cast %get3A_52 : vector<1x2000x128xf32> to vector<2000x128xf32>
      %mul3A_54 = vector.broadcast %exp3A_28 : f32 to vector<2000x128xf32>
      %mul3A_55 = arith.mulf %mul3A_54, %get3A_53 : vector<2000x128xf32>
      %get3A_56 = arith.constant 3 : index
      %get3A_57 = arith.index_cast %mul3A_7 : i32 to index
      %get3A_58 = arith.constant 0 : index
      %get3A_59 = vector.load %arg12[%get3A_56, %get3A_57, %get3A_58] : memref<4x10000x128xf32, #tpu.memory_space<vmem>>, vector<1x2000x128xf32>
      %get3A_60 = vector.shape_cast %get3A_59 : vector<1x2000x128xf32> to vector<2000x128xf32>
      %mul3A_61 = vector.broadcast %exp3A_31 : f32 to vector<2000x128xf32>
      %mul3A_62 = arith.mulf %mul3A_61, %get3A_60 : vector<2000x128xf32>
      %add3A_63 = arith.addf %mul3A_55, %mul3A_62 : vector<2000x128xf32>
      %add3A_64 = arith.addf %exp3A_28, %exp3A_31 : f32
      %div3A_65 = vector.broadcast %add3A_64 : f32 to vector<2000x128xf32>
      %div3A_66 = arith.divf %add3A_63, %div3A_65 : vector<2000x128xf32>
      %get3A_67 = arith.constant 0 : index
      %get3A_68 = arith.constant 0 : index
      %get3A_69 = arith.constant 0 : index
      %get3A_70 = vector.load %arg7[%get3A_67, %get3A_68, %get3A_69] : memref<2x128x128xf32, #tpu.memory_space<vmem>>, vector<1x128x128xf32>
      %get3A_71 = vector.shape_cast %get3A_70 : vector<1x128x128xf32> to vector<128x128xf32>
      %dot_general3A = arith.constant dense<0.000000e+00> : vector<2000x128xf32>
      %dot_general3A_72 = tpu.matmul %div3A_48, %get3A_71, %dot_general3A {dimension_numbers = #tpu.dot_dimension_numbers<[1], [0], [0], [1], [0, 0, 1, 1], [], []>, transpose_lhs_hint = false} : vector<2000x128xf32>, vector<128x128xf32>, vector<2000x128xf32> -> vector<2000x128xf32>
      %get3A_73 = arith.constant 1 : index
      %get3A_74 = arith.constant 0 : index
      %get3A_75 = arith.constant 0 : index
      %get3A_76 = vector.load %arg7[%get3A_73, %get3A_74, %get3A_75] : memref<2x128x128xf32, #tpu.memory_space<vmem>>, vector<1x128x128xf32>
      %get3A_77 = vector.shape_cast %get3A_76 : vector<1x128x128xf32> to vector<128x128xf32>
      %dot_general3A_78 = arith.constant dense<0.000000e+00> : vector<2000x128xf32>
      %dot_general3A_79 = tpu.matmul %div3A_66, %get3A_77, %dot_general3A_78 {dimension_numbers = #tpu.dot_dimension_numbers<[1], [0], [0], [1], [0, 0, 1, 1], [], []>, transpose_lhs_hint = false} : vector<2000x128xf32>, vector<128x128xf32>, vector<2000x128xf32> -> vector<2000x128xf32>
      %add3A_80 = arith.addf %dot_general3A_72, %dot_general3A_79 : vector<2000x128xf32>
      %get3A_81 = arith.constant 0 : index
      %get3A_82 = arith.constant 0 : index
      %get3A_83 = vector.load %arg8[%get3A_81, %get3A_82] : memref<1x128xf32, #tpu.memory_space<vmem>>, vector<1x128xf32>
      %add3A_84 = vector.broadcast %get3A_83 : vector<1x128xf32> to vector<2000x128xf32>
      %add3A_85 = arith.addf %add3A_80, %add3A_84 : vector<2000x128xf32>
      %gt3A = arith.constant 0.000000e+00 : f32
      %gt3A_86 = vector.broadcast %gt3A : f32 to vector<2000x128xf32>
      %gt3A_87 = arith.cmpf ogt, %add3A_85, %gt3A_86 : vector<2000x128xf32>
      %min3A = arith.constant 0.000000e+00 : f32
      %min3A_88 = vector.broadcast %min3A : f32 to vector<2000x128xf32>
      %min3A_89 = arith.minimumf %add3A_85, %min3A_88 : vector<2000x128xf32>
      %exp3A_90 = math.exp %min3A_89 : vector<2000x128xf32>
      %sub3A_91 = arith.constant 1.000000e+00 : f32
      %sub3A_92 = vector.broadcast %sub3A_91 : f32 to vector<2000x128xf32>
      %sub3A_93 = arith.subf %exp3A_90, %sub3A_92 : vector<2000x128xf32>
      %select_n3A = arith.select %gt3A_87, %add3A_85, %sub3A_93 : vector<2000x128xi1>, vector<2000x128xf32>
      %swap3A = arith.constant 0 : index
      %swap3A_94 = arith.constant 0 : index
      %swap3A_95 = vector.load %arg10[%swap3A, %swap3A_94] : memref<2000x128xf32, #tpu.memory_space<vmem>>, vector<2000x128xf32>
      tpu.vector_store %arg10[%swap3A, %swap3A_94], %select_n3A {strides = array<i32>} : memref<2000x128xf32, #tpu.memory_space<vmem>>, vector<2000x128xf32>,
      %get3A_96 = arith.constant 0 : index
      %get3A_97 = arith.constant 0 : index
      %get3A_98 = vector.load %arg9[%get3A_96, %get3A_97] : memref<128x4xf32, #tpu.memory_space<vmem>>, vector<128x4xf32>
      %dot_general3A_99 = arith.constant dense<0.000000e+00> : vector<2000x4xf32>
      %dot_general3A_100 = tpu.matmul %select_n3A, %get3A_98, %dot_general3A_99 {dimension_numbers = #tpu.dot_dimension_numbers<[1], [0], [0], [1], [0, 0, 1, 1], [], []>, transpose_lhs_hint = false} : vector<2000x128xf32>, vector<128x4xf32>, vector<2000x4xf32> -> vector<2000x4xf32>
      %swap3A_101 = arith.constant 0 : index
      %swap3A_102 = arith.constant 0 : index
      %swap3A_103 = vector.load %arg11[%swap3A_101, %swap3A_102] : memref<2000x4xf32, #tpu.memory_space<vmem>>, vector<2000x4xf32>
      tpu.vector_store %arg11[%swap3A_101, %swap3A_102], %dot_general3A_100 {strides = array<i32>} : memref<2000x4xf32, #tpu.memory_space<vmem>>, vector<2000x4xf32>,
    } else {
    }
    return
  }
  func.func @transform_0(%arg0: i32) -> (i32, i32, i32) {
    %min3A = arith.constant 4 : i32
    %min3A_0 = arith.minsi %arg0, %min3A : i32
    %c0_i32 = arith.constant 0 : i32
    %c0_i32_1 = arith.constant 0 : i32
    %c0_i32_2 = arith.constant 0 : i32
    return %c0_i32, %min3A_0, %c0_i32_1 : i32, i32, i32
  }
  func.func @transform_1(%arg0: i32) -> (i32, i32, i32) {
    %c0_i32 = arith.constant 0 : i32
    %c0_i32_0 = arith.constant 0 : i32
    %c0_i32_1 = arith.constant 0 : i32
    %c0_i32_2 = arith.constant 0 : i32
    return %c0_i32, %c0_i32_0, %c0_i32_1 : i32, i32, i32
  }
  func.func @transform_2(%arg0: i32) -> (i32, i32, i32) {
    %c0_i32 = arith.constant 0 : i32
    %c0_i32_0 = arith.constant 0 : i32
    %c0_i32_1 = arith.constant 0 : i32
    %c0_i32_2 = arith.constant 0 : i32
    return %c0_i32, %c0_i32_0, %c0_i32_1 : i32, i32, i32
  }
  func.func @transform_3(%arg0: i32) -> (i32, i32, i32) {
    %c0_i32 = arith.constant 0 : i32
    %c0_i32_0 = arith.constant 0 : i32
    %c0_i32_1 = arith.constant 0 : i32
    %c0_i32_2 = arith.constant 0 : i32
    return %c0_i32, %c0_i32_0, %c0_i32_1 : i32, i32, i32
  }
  func.func @transform_4(%arg0: i32) -> (i32, i32, i32) {
    %c0_i32 = arith.constant 0 : i32
    %c0_i32_0 = arith.constant 0 : i32
    %c0_i32_1 = arith.constant 0 : i32
    %c0_i32_2 = arith.constant 0 : i32
    return %c0_i32, %c0_i32_0, %c0_i32_1 : i32, i32, i32
  }
  func.func @transform_5(%arg0: i32) -> (i32, i32, i32) {
    %c0_i32 = arith.constant 0 : i32
    %c0_i32_0 = arith.constant 0 : i32
    %c0_i32_1 = arith.constant 0 : i32
    %c0_i32_2 = arith.constant 0 : i32
    return %c0_i32, %c0_i32_0, %c0_i32_1 : i32, i32, i32
  }
  func.func @transform_6(%arg0: i32) -> (i32, i32, i32) {
    %c0_i32 = arith.constant 0 : i32
    %c0_i32_0 = arith.constant 0 : i32
    %c0_i32_1 = arith.constant 0 : i32
    %c0_i32_2 = arith.constant 0 : i32
    return %c0_i32, %c0_i32_0, %c0_i32_1 : i32, i32, i32
  }
  func.func @transform_7(%arg0: i32) -> (i32, i32) {
    %c0_i32 = arith.constant 0 : i32
    %c0_i32_0 = arith.constant 0 : i32
    %c0_i32_1 = arith.constant 0 : i32
    return %c0_i32, %c0_i32_0 : i32, i32
  }
  func.func @transform_8(%arg0: i32) -> (i32, i32) {
    %c0_i32 = arith.constant 0 : i32
    %c0_i32_0 = arith.constant 0 : i32
    %c0_i32_1 = arith.constant 0 : i32
    return %c0_i32, %c0_i32_0 : i32, i32
  }
  func.func @transform_9(%arg0: i32) -> (i32, i32) {
    %sub3A = arith.constant 5 : i32
    %sub3A_0 = arith.subi %arg0, %sub3A : i32
    %max3A = arith.constant 0 : i32
    %max3A_1 = arith.maxsi %sub3A_0, %max3A : i32
    %c0_i32 = arith.constant 0 : i32
    %c0_i32_2 = arith.constant 0 : i32
    return %max3A_1, %c0_i32 : i32, i32
  }
  func.func @transform_10(%arg0: i32) -> (i32, i32) {
    %sub3A = arith.constant 5 : i32
    %sub3A_0 = arith.subi %arg0, %sub3A : i32
    %max3A = arith.constant 0 : i32
    %max3A_1 = arith.maxsi %sub3A_0, %max3A : i32
    %c0_i32 = arith.constant 0 : i32
    %c0_i32_2 = arith.constant 0 : i32
    return %max3A_1, %c0_i32 : i32, i32
  }
}

</mosaic_0001>

<sc_bundles>
// kernel: kernel.6.cloned.1.call-start
scs
__scs_entry_jumppad:
0x0: {  	(pc) =	sbr.rel $0x88, $3  }
0x1: {  	(tag) =	ssettag $0x0;
	lr =	simm.s32 $0x1  }
0x2: {  	[smem:$0x3F88] =	sst lr;
	_ =	strace $0xD0000000  }
0x3: {  	_ = 	snop  }
0x4: {  	_ = 	snop  }
0x5: {  	_ = 	snop  }
0x6: {  	_ = 	snop  }
0x7: {  	_ = 	snop  }
__scs_overlays_trampoline_lowered:
0x8: {  	[smem:$0x3F97] =	sst s0  }
0x9: {  	[smem:$0x3F98] =	sst s1  }
0xa: {  	[smem:$0x3F99] =	sst s2  }
0xb: {  	[smem:$0x3F9A] =	sst s3  }
0xc: {  	[smem:$0x3F9B] =	sst s4  }
0xd: {  	[smem:$0x3F9C] =	sst s5  }
0xe: {  	[smem:$0x3F9D] =	sst s6  }
0xf: {  	[smem:$0x3F9E] =	sst s7  }
0x10: {  	[smem:$0x3F9F] =	sst s8  }
0x11: {  	[smem:$0x3FA0] =	sst s9;
	s0 =	simm.s32 @!p0 $0x0  }
0x12: {  	s1 =	sld [smem:$0x3F86];
	s0 =	simm.s32 @p0 $0x1  }
0x13: {  	[smem:$0x3FA1] =	sst s0;
	s0 =	simm.s32 @!p1 $0x0  }
0x14: {  	s2 =	sld [smem:$0x3F85];
	s0 =	simm.s32 @p1 $0x1  }
0x15: {  	[smem:$0x3FA2] =	sst s0;
	s0 =	simm.s32 @!p2 $0x0  }
0x16: {  	s3 =	sld [smem:$0x3FDB];
	s0 =	simm.s32 @p2 $0x1  }
0x17: {  	s4 =	simm.s32 $0x1BF5;
	[smem:$0x3FA4] =	sst s0  }
0x18: {  	s0 =	sld [smem:$0x3F87];
	_ =	swait.ge [sflag:s4], $0x0  }
0x19: {  	s7 =	sld [smem:$0x3F88]  }
0x1a: {  	s8 =	sadd.s32 $0xFFFFE003, lr  }
0x1b: {  	s9 =	sadd.s32 $0xFFFFFEF7, lr;
	s5 =	simm.s32 $0xFFFFFFFF;
	p2 =	slt.u32 s8, $0xFFFFF086  }
0x1c: {  	p1 =	slt.u32 s9, $0xF7A;
	s5 =	simm.s32 @!p2 $0x0  }
0x1d: {  	s5 =	simm.s32 @p1 $0x1;
	p0 =	seq.s32 s7, s2  }
0x1e: {  	s7 =	smul.u32 @!p0 $0xF7A, s2;
	p2 =	seq.s32 @!p0 s5, $0x0  }
0x1f: {  	s9 =	smul.u32 $0xF7A, s1;
	s8 =	simm.s32 @!p0 $0x1BF5;
	p2 =	por !p2, p0  }
0x20: {  	[sflag:s8] =	ssyncset.s32 @!p0 $0xFFFFF086;
	s6 =	sadd.s32 @!p0 s3, s7;
	s7 =	simm.s32 @!p0 $0x108  }
0x21: {  	s3 =	sadd.s32 s3, s9;
	s6 =	sadd.s32 @!p0 $0x88, s6;
	s7 =	simm.s32 @p2 $0x1082  }
0x22: {  	[simem:s7], [sflag:s8] =	dma.local @!p0 [hbm:s6], $0xF7A  }
0x23: {  	s9 =	sor.u32 $0xD0000000, s2;
	s6 =	simm.s32 $0x108;
	_ =	swait.ge @!p0 [sflag:s8], $0x0  }
0x24: {  	s3 =	sadd.s32 $0x88, s3;
	s6 =	simm.s32 @!p1 $0x1082;
	[sflag:s4] =	ssyncset.s32 $0xFFFFF086  }
0x25: {  	[simem:s6], [sflag:s4] =	dma.local [hbm:s3], $0xF7A  }
0x26: {  	[smem:$0x3F88] =	sst s1;
	(tag) =	ssettag s2;
	_ =	strace s9  }
0x27: {  	s1 =	sld [smem:$0x3F98]  }
0x28: {  	s2 =	sld [smem:$0x3F99]  }
0x29: {  	s4 =	sld [smem:$0x3F9B]  }
0x2a: {  	p0 =	seq.s32 s5, $0x0;
	s5 =	sld [smem:$0x3F9C]  }
0x2b: {  	s6 =	sld [smem:$0x3F9D]  }
0x2c: {  	s7 =	sld [smem:$0x3F9E]  }
0x2d: {  	s3 =	simm.s32 $0x108;
	s8 =	sld [smem:$0x3F9F]  }
0x2e: {  	s3 =	simm.s32 @!p0 $0x1082;
	s9 =	sld [smem:$0x3FA0]  }
0x2f: {  	lr =	sadd.s32 s0, s3;
	s0 =	sld [smem:$0x3F97]  }
0x30: {  	s3 =	sld [smem:$0x3F9A]  }
0x31: {  	[smem:$0x3FA3] =	sst s10  }
0x32: {  	s10 =	sld [smem:$0x3FA1];
	_ =	sdelay $0x3  }
0x33: {  	p0 =	seq.s32 s10, $0x1;
	s10 =	sld [smem:$0x3FA3];
	_ =	sdelay $0x3  }
0x34: {  	[smem:$0x3FA3] =	sst s10  }
0x35: {  	s10 =	sld [smem:$0x3FA2];
	_ =	sdelay $0x3  }
0x36: {  	p1 =	seq.s32 s10, $0x1;
	s10 =	sld [smem:$0x3FA3];
	_ =	sdelay $0x3  }
0x37: {  	[smem:$0x3FA3] =	sst s10  }
0x38: {  	s10 =	sld [smem:$0x3FA4]  }
0x39: {  	_ = 	snop;
	(pc) =	sbr.ind lr, $3  }
0x3a: {  	_ = 	snop  }
0x3b: {  	_ = 	snop  }
0x3c: {  	p2 =	seq.s32 s10, $0x1;
	s10 =	sld [smem:$0x3FA3]  }
0x3d: {  	_ =	shalt  }
0x3e: {  	_ =	shalt  }
0x3f: {  	_ =	shalt  }
0x40: {  	_ =	shalt  }
0x41: {  	_ =	shalt  }
0x42: {  	_ =	shalt  }
0x43: {  	_ =	shalt  }
0x44: {  	_ =	shalt  }
0x45: {  	_ =	shalt  }
0x46: {  	_ =	shalt  }
0x47: {  	_ =	shalt  }
0x48: {  	_ =	shalt  }
0x49: {  	_ =	shalt  }
0x4a: {  	_ =	shalt  }
0x4b: {  	_ =	shalt  }
0x4c: {  	_ =	shalt  }
0x4d: {  	_ =	shalt  }
0x4e: {  	_ =	shalt  }
0x4f: {  	_ =	shalt  }
0x50: {  	_ =	shalt  }
0x51: {  	_ =	shalt  }
0x52: {  	_ =	shalt  }
0x53: {  	_ =	shalt  }
0x54: {  	_ =	shalt  }
0x55: {  	_ =	shalt  }
0x56: {  	_ =	shalt  }
0x57: {  	_ =	shalt  }
0x58: {  	_ =	shalt  }
0x59: {  	_ =	shalt  }
0x5a: {  	_ =	shalt  }
0x5b: {  	_ =	shalt  }
0x5c: {  	_ =	shalt  }
0x5d: {  	_ =	shalt  }
0x5e: {  	_ =	shalt  }
0x5f: {  	_ =	shalt  }
0x60: {  	_ =	shalt  }
0x61: {  	_ =	shalt  }
0x62: {  	_ =	shalt  }
0x63: {  	_ =	shalt  }
0x64: {  	_ =	shalt  }
0x65: {  	_ =	shalt  }
0x66: {  	_ =	shalt  }
0x67: {  	_ =	shalt  }
0x68: {  	_ =	shalt  }
0x69: {  	_ =	shalt  }
0x6a: {  	_ =	shalt  }
0x6b: {  	_ =	shalt  }
0x6c: {  	_ =	shalt  }
0x6d: {  	_ =	shalt  }
0x6e: {  	_ =	shalt  }
0x6f: {  	_ =	shalt  }
0x70: {  	_ =	shalt  }
0x71: {  	_ =	shalt  }
0x72: {  	_ =	shalt  }
0x73: {  	_ =	shalt  }
0x74: {  	_ =	shalt  }
0x75: {  	_ =	shalt  }
0x76: {  	_ =	shalt  }
0x77: {  	_ =	shalt  }
0x78: {  	_ =	shalt  }
0x79: {  	_ =	shalt  }
0x7a: {  	_ =	shalt  }
0x7b: {  	_ =	shalt  }
0x7c: {  	_ =	shalt  }
0x7d: {  	_ =	shalt  }
0x7e: {  	_ =	shalt  }
0x7f: {  	_ =	shalt  }
0x80: {  	_ =	shalt  }
0x81: {  	_ =	shalt  }
0x82: {  	_ =	shalt  }
0x83: {  	_ =	shalt  }
0x84: {  	_ =	shalt  }
0x85: {  	_ =	shalt  }
0x86: {  	_ =	shalt  }
0x87: {  	_ =	shalt  }
.Lfunc_end0:
.L_simem_size_0:
called_computation_lowered:
.L_overlay_start_0:
0x88: {  	s2 =	sld [smem:$0x3FD9]  }
0x89: {  	s3 =	sld [smem:$0x3FFE];
	_ =	sdelay $0x1  }
0x8a: {  	s1 =	srdreg.scid  }
0x8b: {  	s0 =	sand.u32 $0x1, s1  }
0x8c: {  	s14 =	sshll.u32 s0, $0xA;
	s2 =	sadd.s32 s3, s2  }
0x8d: {  	s2 =	sadd.s32 s2, s14  }
0x8e: {  	[smem:$0x3FAF] =	sst s2  }
0x8f: {  	_ = 	snop  }
0x90: {  	s2 =	sld [smem:$0x3FD0];
	_ =	sdelay $0x2  }
0x91: {  	s15 =	simm.s32 $0xA;
	s4 =	simm.s32 $0x10  }
0x92: {  	[smem:s4], [sflag:s15] =	dma.local [hbm:s2], $0x1  }
0x93: {  	_ =	swait.eq [sflag:s15], $0x1  }
0x94: {  	[sflag:s15] =	ssyncset.done $0x0  }
0x95: {  	[sflag:s15] =	ssyncadd.s32 $0xFFFFFFFF  }
0x96: {  	s16 =	sld [smem:$0x10];
	(tm) =	ssettm $0x1  }
0x97: {  	s17 =	sld [smem:$0x3FFB];
	_ =	sdelay $0x3  }
0x98: {  	_ =	strace s17  }
0x99: {  	s3 =	sld [smem:$0x3FFC];
	_ =	sdelay $0x3  }
0x9a: {  	_ =	strace s3  }
0x9b: {  	s3 =	sld [smem:$0x3FFD];
	_ =	sdelay $0x3  }
0x9c: {  	_ =	strace s3  }
0x9d: {  	_ =	strace $0x8FFFFFFF  }
0x9e: {  	s18 =	sld [smem:$0x3FDB];
	_ =	sdelay $0x1  }
0x9f: {  	s19 =	simm.s32 $_scs_section_size  }
0xa0: {  	s5 =	simm.s32 $_size__tile_overlayer_lowered;
	s6 =	simm.s32 $_tile_overlayer_lowered  }
0xa1: {  	s22 =	simm.s32 $0x1BFF;
	s21 =	sshll.u32 s6, $0x1;
	s3 =	sadd.s32 s19, s18  }
0xa2: {  	s7 =	simm.s32 $0x0;
	s20 =	sshll.u32 s5, $0x1;
	s5 =	sadd.s32 s21, s3  }
0xa3: {  	[timem:s7], [sflag:s22] =	dma.local [hbm:s5], s20  }
0xa4: {  	_ =	swait.ge [sflag:s22], s20  }
0xa5: {  	s4 =	ssub.s32 $0x0, s20;
	[sflag:s22] =	ssyncset.done $0x0  }
0xa6: {  	[sflag:s22] =	ssyncadd.s32 s4;
	_ =	sdelay $0x1  }
0xa7: {  	s23 =	simm.s32 $0x1B8B  }
0xa8: {  	_ =	swait.ge [sflag:s23], $0x1  }
0xa9: {  	[sflag:s23] =	ssyncset.done $0x0  }
0xaa: {  	s25 =	simm.s32 $0x1B8E;
	s24 =	sld [smem:$0x3FFE];
	[sflag:s23] =	ssyncadd.s32 $0xFFFFFFFF  }
0xab: {  	s26 =	simm.s32 $execute0_lowered;
	[smem:$0x3FD2] =	sst s25  }
0xac: {  	s5 =	sshll.u32 s26, $0x1;
	_ =	strace $0x80000046;
	[dreg:$0x1] =	wrdreg $0xFFFFFFFF  }
0xad: {  	s28 =	simm.s32 $_size_execute0_lowered;
	s3 =	sadd.s32 s3, s5;
	[dreg:$0x0] =	wrdreg $0x0  }
0xae: {  	s5 =	sshll.u32 s28, $0x1;
	[dreg:$0x2] =	wrdreg s3  }
0xaf: {  	[dreg:$0x3] =	wrdreg s5  }
0xb0: {  	[dreg:$0x4] =	wrdreg $0xC0  }
0xb1: {  	_ =	task [dreg:s7], $0x5FFFF  }
0xb2: {  	[dreg:$0x1] =	wrdreg $0xFFFFFFFF  }
0xb3: {  	[dreg:$0x0] =	wrdreg $0x60  }
0xb4: {  	[dreg:$0x2] =	wrdreg s16  }
0xb5: {  	[dreg:$0x3] =	wrdreg s24  }
0xb6: {  	[dreg:$0x4] =	wrdreg $0xC6000  }
0xb7: {  	[dreg:$0x5] =	wrdreg $0x9  }
0xb8: {  	_ =	task.clear_ibuf [dreg:s7], $0x6FFFF;
	_ =	strace $0x90000046  }
0xb9: {  	s29 =	simm.s32 $0x9;
	_ =	strace $0x80000048  }
0xba: {  	_ =	swait.ge [sflag:s29], $0x1  }
0xbb: {  	[sflag:s29] =	ssyncadd.s32 $0xFFFFFFFF  }
0xbc: {  	_ =	strace $0x90000048  }
0xbd: {  	_ =	sfence  }
0xbe: {  	s30 =	sld [smem:$0x0];
	_ =	sdelay $0x2  }
0xbf: {  	s31 =	sshll.u32 s1, $0xD;
	s1 =	sshrl.u32 s1, $0x2  }
0xc0: {  	s3 =	sand.u32 $0x4000, s31;
	s1 =	sadd.s32 s1, s30  }
0xc1: {  	s0 =	sor.u32 s3, s0;
	s1 =	sshll.u32 s1, $0x11  }
0xc2: {  	s0 =	sor.u32 s1, s0  }
0xc3: {  	s0 =	sadd.s32 $0x8F2B, s0  }
0xc4: {  	[sflag:s0] =	ssyncadd.remote.s32 $0x1  }
0xc5: {  	_ =	sfence.sel $0xFFFF  }
0xc6: {  	[dreg:$0x0] =	wrdreg $0xFFFFFFFF;
	(pc) =	sbr.abs _section_cstart, $3  }
0xc7: {  	[dreg:$0x1] =	wrdreg $0xFFFFFFFF  }
0xc8: {  	_ =	task.clear_ibuf [dreg:s7], $0x2FFFF;
	_ =	strace $0x9FFFFFFF  }
0xc9: {  	(tm) =	ssettm $0x7FFFFFFF  }
tec
execute0_lowered:
.L_overlay_start_1:
0x0: {  	(tag) =	ssettag $0x1  }
0x1: {  	s3 =	stileid.u32  }
0x2: {  	s6 =	smul.u32 $0x4E00, s3;
	_ =	sdelay $0x1  }
0x3: {  	s1 =	rddreg [dreg:$0x1];
	s6 =	sshrl.u32 s6, $0x3  }
0x4: {  	s0 =	simm.s32 $0x0;
	s8 =	sadd.s32 $0x2D200, s1;
	s24 =	sadd.s32 $0x9C40, s6  }
0x5: {  	[smem:$0x7FF] =	sst s0;
	s11 =	sadd.s32 $0x9C50, s6;
	s12 =	sadd.s32 s8, s24  }
0x6: {  	s26 =	sadd.s32 $0x9C60, s6;
	s25 =	sadd.s32 s8, s11;
	[dreg:$0x5] =	wrdreg s12  }
0x7: {  	s5 =	sadd.s32 $0x5E00, s1;
	s13 =	sadd.s32 s8, s26;
	[dreg:$0x6] =	wrdreg s25  }
0x8: {  	s16 =	sadd.s32 s5, s24;
	[dreg:$0x7] =	wrdreg s13  }
0x9: {  	s18 =	sadd.s32 s5, s11;
	[dreg:$0x9] =	wrdreg s16  }
0xa: {  	s10 =	sadd.s32 $0x40C00, s1;
	s19 =	sadd.s32 s5, s26;
	[dreg:$0xa] =	wrdreg s18  }
0xb: {  	s7 =	sadd.s32 $0x19800, s1;
	s17 =	sadd.s32 s10, s24;
	[dreg:$0xb] =	wrdreg s19  }
0xc: {  	s14 =	sadd.s32 s8, s6;
	s20 =	sadd.s32 s10, s11;
	[dreg:$0xd] =	wrdreg s17  }
0xd: {  	s15 =	sadd.s32 s5, s6;
	s21 =	sadd.s32 s10, s26;
	[dreg:$0xe] =	wrdreg s20  }
0xe: {  	s22 =	sadd.s32 s7, s24;
	s23 =	sadd.s32 s7, s11;
	[dreg:$0xf] =	wrdreg s21  }
0xf: {  	s24 =	sadd.s32 s7, s26;
	s26 =	sshll.u32 s3, $0x4;
	[dreg:$0x11] =	wrdreg s22  }
0x10: {  	s13 =	sadd.s32 $0x9C70, s6;
	s16 =	sadd.s32 s10, s6;
	[dreg:$0x12] =	wrdreg s23  }
0x11: {  	s17 =	sadd.s32 s7, s6;
	[dreg:$0x13] =	wrdreg s24;
	s18 =	sadd.s32 s26, s8  }
0x12: {  	s20 =	sadd.s32 s26, s5;
	s21 =	sadd.s32 s26, s10;
	s23 =	rddreg [dreg:$0x0]  }
0x13: {  	s6 =	sadd.s32 s26, s7;
	s26 =	rddreg [dreg:$0x2];
	s25 =	sadd.s32 s8, s13  }
0x14: {  	s11 =	sadd.s32 s5, s13;
	[dreg:$0x14] =	wrdreg s25  }
0x15: {  	s19 =	smul.u32 $0x9C0, s3;
	s12 =	sadd.s32 s10, s13;
	[dreg:$0x15] =	wrdreg s11  }
0x16: {  	s2 =	srdreg.scid;
	s13 =	sadd.s32 s7, s13;
	[dreg:$0x16] =	wrdreg s12  }
0x17: {  	s4 =	sand.u32 $0x1, s2;
	[dreg:$0x17] =	wrdreg s13;
	s8 =	sadd.s32 s19, s8  }
0x18: {  	s2 =	ssub.s32 $0x2, s4;
	s5 =	sadd.s32 s19, s5;
	[dreg:$0x18] =	wrdreg s8  }
0x19: {  	s24 =	smul.u32 $0x13800, s3;
	s22 =	sadd.s32 s19, s10;
	[dreg:$0x19] =	wrdreg s5  }
0x1a: {  	p0 =	sne.s32 s4, $0x0;
	s7 =	sadd.s32 s19, s7;
	[dreg:$0x1a] =	wrdreg s22  }
0x1b: {  	s25 =	sshrl.u32 s24, $0x3;
	[dreg:$0x1b] =	wrdreg s7;
	s5 =	sadd.s32 s24, s26  }
0x1c: {  	s4 =	sadd.s32 s23, s25;
	_ =	strace $0x80000047;
	[dreg:$0x1c] =	wrdreg s5  }
0x1d: {  	s9 =	sshrl.u32 s2, $0x1;
	s8 =	sadd.s32 $0x9C00, s18;
	[dreg:$0x1d] =	wrdreg s4  }
0x1e: {  	s2 =	ssub.s32 s2, s9;
	s9 =	sadd.s32 $0x13840, s18;
	[dreg:$0x1f] =	wrdreg s8  }
0x1f: {  	s10 =	sadd.s32 $0x9C00, s20;
	[smem:$0x7E0] =	sst s9  }
0x20: {  	s11 =	sadd.s32 $0x13840, s20;
	[smem:$0x7E1] =	sst s10  }
0x21: {  	s12 =	sadd.s32 $0x9C00, s21;
	[smem:$0x7E2] =	sst s11  }
0x22: {  	s13 =	sadd.s32 $0x13840, s21;
	[smem:$0x7E3] =	sst s12  }
0x23: {  	s18 =	sadd.s32 $0x9C00, s6;
	[smem:$0x7E4] =	sst s13  }
0x24: {  	s19 =	sadd.s32 $0x13840, s6;
	[smem:$0x7E5] =	sst s18  }
0x25: {  	s6 =	sadd.s32 $0xF0900, s1;
	[smem:$0x7E6] =	sst s19  }
0x26: {  	[smem:$0x7ED] =	sst s6  }
0x27: {  	[dreg:$0x4] =	wrdreg s14  }
0x28: {  	p1 =	sne.s32 s3, $0x0;
	p2 =	sgt.u32 s3, $0x3;
	[dreg:$0x8] =	wrdreg s15  }
0x29: {  	p3 =	seq.s32 s3, $0x0;
	s3 =	sshll.u32 s3, $0x6;
	[dreg:$0xc] =	wrdreg s16  }
0x2a: {  	s7 =	sadd.s32 s25, s1;
	s22 =	sor.u32 $0x1C0D, s3;
	[dreg:$0x10] =	wrdreg s17  }
0x2b: {  	s20 =	sadd.s32 $0xA2800, s7;
	[dreg:$0x1e] =	wrdreg s22  }
0x2c: {  	s21 =	sadd.s32 $0x54600, s7;
	[smem:$0x7E7] =	sst s20  }
0x2d: {  	s24 =	sadd.s32 $0xC9900, s7;
	[smem:$0x7E8] =	sst s21  }
0x2e: {  	s25 =	sadd.s32 $0x7B700, s7;
	[smem:$0x7E9] =	sst s24  }
0x2f: {  	s4 =	sadd.s32 $0xC9800, s1;
	[smem:$0x7EA] =	sst s25  }
0x30: {  	s5 =	sadd.s32 $0x7B600, s1;
	[smem:$0x7EB] =	sst s4  }
0x31: {  	s1 =	sadd.s32 $0xA2700, s1;
	[smem:$0x7EC] =	sst s5  }
0x32: {  	s7 =	smax.u32 s2, $0x1;
	[smem:$0x7EE] =	sst s1  }
0x33: {  	s8 =	sadd.s32 $0x138000, s26;
	[smem:$0x7EF] =	sst s7  }
0x34: {  	s9 =	sadd.s32 $0x27000, s23;
	[smem:$0x7F0] =	sst s8  }
0x35: {  	s10 =	sadd.s32 $0x10, s14;
	[smem:$0x7F1] =	sst s9  }
0x36: {  	s11 =	sadd.s32 $0x20, s14;
	[smem:$0x7F2] =	sst s10  }
0x37: {  	s12 =	sadd.s32 $0x30, s14;
	[smem:$0x7F3] =	sst s11  }
0x38: {  	s29 =	simm.s32 $0xA;
	s13 =	sadd.s32 $0x10, s15;
	[smem:$0x7F4] =	sst s12  }
0x39: {  	s28 =	simm.s32 $0x580;
	s14 =	sadd.s32 $0x20, s15;
	[smem:$0x7F5] =	sst s13  }
0x3a: {  	s30 =	simm.s32 $0x9;
	s15 =	sadd.s32 $0x30, s15;
	[smem:$0x7F6] =	sst s14  }
0x3b: {  	s31 =	simm.s32 $0xB;
	s18 =	sadd.s32 $0x10, s16;
	[smem:$0x7F7] =	sst s15  }
0x3c: {  	s3 =	simm.s32 $0x80;
	s19 =	sadd.s32 $0x20, s16;
	[smem:$0x7F8] =	sst s18  }
0x3d: {  	s6 =	simm.s32 $0x0;
	[smem:$0x7F9] =	sst s19;
	s20 =	sadd.s32 $0x30, s16  }
0x3e: {  	s21 =	sadd.s32 $0x10, s17;
	s24 =	sadd.s32 $0x20, s17;
	s25 =	sadd.s32 $0x30, s17  }
0x3f: {  	s5 =	simm.s32 $0xD;
	s10 =	simm.s32 $0x400;
	s11 =	simm.s32 $0x480  }
0x40: {  	s12 =	simm.s32 $0x1;
	s19 =	simm.s32 $0x600;
	s13 =	simm.s32 $0x4600  }
.Ltmp0:
0x41: {  	s15 =	simm.s32 $0x7;
	[smem:$0x7FA] =	sst s20;
	(pc) =	sbr.rel .LBB2_1-.Ltmp0, $4  }
0x42: {  	s14 =	simm.s32 $0x500;
	s4 =	simm.s32 $0x3;
	[smem:$0x7FB] =	sst s21  }
0x43: {  	s8 =	simm.s32 $0x8600;
	s9 =	simm.s32 $0x8;
	[smem:$0x7FC] =	sst s24  }
0x44: {  	s18 =	simm.s32 $0x4;
	s7 =	simm.s32 $0x5;
	[smem:$0x7FD] =	sst s25  }
0x45: {  	s25 =	simm.s32 $0x100;
	s20 =	simm.s32 $0x2;
	s21 =	simm.s32 $0x6  }
.LBB2_24:
0x46: {  	s1 =	sld [smem:$0x7F0];
	_ =	sdelay $0x2  }
0x47: {  	s1 =	sshrl.u32 s1, $0x3  }
0x48: {  	[hbm:s2], [sflag:s22] =	dma.local [spmem:s1], $0x100  }
0x49: {  	_ =	swait.ge [sflag:s5], $0x100  }
0x4a: {  	[sflag:s5] =	ssyncset.done $0x0  }
0x4b: {  	[sflag:s5] =	ssyncadd.s32 $0xFFFFFF00  }
.LBB2_25:
0x4c: {  	s1 =	sld [smem:$0x7EF];
	_ =	sdelay $0x1  }
0x4d: {  	s6 =	sadd.s32 $0x1, s6  }
0x4e: {  	p4 =	sne.s32 s6, s1  }
.Ltmp1:
0x4f: {  	_ = 	snop;
	(pc) =	sbr.rel @!p4 .LBB2_26-.Ltmp1, $3  }
0x50: {  	_ =	sdelay $0x1  }
0x51: {  	[bflag:$0x0] =	sbarrier.arrive $0xFFFF  }
0x52: {  	s11 =	simm.s32 $0x480;
	s14 =	simm.s32 $0x500  }
.LBB2_1:
0x53: {  	[smem:$0x7DE] =	sst s6  }
0x54: {  	s1 =	rddreg [dreg:$0x1c]  }
0x55: {  	s24 =	rddreg [dreg:$0x1d];
	s2 =	sshrl.u32 s1, $0x3  }
0x56: {  	[smem:$0x7DF] =	sst s2  }
0x57: {  	[spmem:s2], [sflag:s22] =	dma.local [hbm:s24], $0x2700  }
0x58: {  	_ =	swait.ge [sflag:s5], $0x2700  }
0x59: {  	s1 =	sld [smem:$0x7F0];
	_ =	sdelay $0x2  }
0x5a: {  	s2 =	sshrl.u32 @!p1 s1, $0x3;
	s1 =	sld [smem:$0x7F1]  }
0x5b: {  	[sflag:s5] =	ssyncset.done $0x0  }
0x5c: {  	[sflag:s5] =	ssyncadd.s32 $0xFFFFD900  }
0x5d: {  	[spmem:s2], [sflag:s22] =	dma.local @!p1 [hbm:s1], $0x100  }
0x5e: {  	s2 =	simm.s32 @!p1 $0xD  }
.Ltmp2:
0x5f: {  	_ =	swait.ge @!p1 [sflag:s2], $0x100;
	(pc) =	sbr.rel @p0 .LBB2_5-.Ltmp2, $4  }
0x60: {  	[sflag:s2] =	ssyncset.done @!p1 $0x0  }
0x61: {  	[sflag:s2] =	ssyncadd.s32 @!p1 $0xFFFFFF00  }
0x62: {  	[bflag:$0x0] =	sbarrier.arrive $0xFFFF  }
0x63: {  	s22 =	simm.s32 $0x0  }
0x64: {  	s1 =	rddreg [dreg:$0x8]  }
0x65: {  	[tilespmem:s22], [sflag:$0x1] =	stream.linear.gather [hbm4b:s1+s22], $0x80, $0x38;
	[tilespmem:$0x1FE80] =	vst v63  }
0x66: {  	s24 =	rddreg [dreg:$0x9];
	s2 =	simm.s32 $0x300  }
0x67: {  	[tilespmem:s2], [sflag:$0x1] =	stream.linear.gather [hbm4b:s24+s22], $0x80, $0x38;
	[tilespmem:$0x1FE80] =	vst v63  }
0x68: {  	s2 =	sld [smem:$0x7F5];
	_ =	sdelay $0x1  }
0x69: {  	s5 =	rddreg [dreg:$0xa]  }
0x6a: {  	[tilespmem:s3], [sflag:$0x2] =	stream.linear.gather [hbm4b:s2+s22], $0x80, $0x38;
	[tilespmem:$0x1FE80] =	vst v63  }
0x6b: {  	s6 =	simm.s32 $0x380;
	s14 =	sld [smem:$0x7F6]  }
0x6c: {  	[tilespmem:s6], [sflag:$0x2] =	stream.linear.gather [hbm4b:s5+s22], $0x80, $0x38;
	[tilespmem:$0x1FE80] =	vst v63  }
0x6d: {  	s16 =	rddreg [dreg:$0xb]  }
0x6e: {  	[tilespmem:s25], [sflag:$0x3] =	stream.linear.gather [hbm4b:s14+s22], $0x80, $0x38;
	[tilespmem:$0x1FE80] =	vst v63  }
0x6f: {  	s17 =	sld [smem:$0x7F7]  }
0x70: {  	[tilespmem:s10], [sflag:$0x3] =	stream.linear.gather [hbm4b:s16+s22], $0x80, $0x38;
	[tilespmem:$0x1FE80] =	vst v63  }
0x71: {  	s6 =	simm.s32 $0x180  }
0x72: {  	[tilespmem:s6], [sflag:$0x4] =	stream.linear.gather [hbm4b:s17+s22], $0x80, $0x38;
	[tilespmem:$0x1FE80] =	vst v63  }
0x73: {  	s24 =	rddreg [dreg:$0x15]  }
0x74: {  	[tilespmem:s11], [sflag:$0x4] =	stream.linear.gather [hbm4b:s24+s22], $0x80, $0x38;
	[tilespmem:$0x1FE80] =	vst v63  }
0x75: {  	_ =	swait.ge [sflag:s12], $0x80  }
0x76: {  	[sflag:s12] =	ssyncset.done $0x0  }
0x77: {  	[sflag:s12] =	ssyncadd.s32 $0xFFFFFF80  }
0x78: {  	_ =	swait.ge [sflag:s12], $0x80  }
0x79: {  	[sflag:s12] =	ssyncset.done $0x0  }
0x7a: {  	[sflag:s12] =	ssyncadd.s32 $0xFFFFFF80  }
0x7b: {  	[tilespmem:s19], [sflag:$0x7] =	stream.indirect.gather [hbm4b:s23+s3], $0x80, s22, s3, $0xb8;
	[tilespmem:$0x1FE80] =	vst v63  }
0x7c: {  	_ =	swait.ge [sflag:s20], $0x80  }
0x7d: {  	[sflag:s20] =	ssyncset.done $0x0  }
0x7e: {  	[sflag:s20] =	ssyncadd.s32 $0xFFFFFF80  }
0x7f: {  	_ =	swait.ge [sflag:s20], $0x80  }
0x80: {  	[sflag:s20] =	ssyncset.done $0x0  }
0x81: {  	s16 =	simm.s32 $0x480;
	s24 =	simm.s32 $0x500;
	[sflag:s20] =	ssyncadd.s32 $0xFFFFFF80  }
0x82: {  	[tilespmem:s13], [sflag:$0x8] =	stream.indirect.gather [hbm4b:s23+s3], $0x80, s3, s3, $0xb8;
	[tilespmem:$0x1FE80] =	vst v63  }
.LBB2_3:
0x83: {  	_ =	swait.ge [sflag:s15], $0x4000  }
0x84: {  	p4 =	seq.s32 s22, $0x0;
	[sflag:s15] =	ssyncset.done $0x0  }
0x85: {  	s14 =	simm.s32 @!p4 $0xC;
	[sflag:s15] =	ssyncadd.s32 $0xFFFFC000  }
0x86: {  	_ =	swait.ge @!p4 [sflag:s14], $0x4000  }
0x87: {  	s1 =	rddreg [dreg:$0x19]  }
0x88: {  	[sflag:s14] =	ssyncset.done @!p4 $0x0;
	s2 =	sadd.s32 s22, s1  }
0x89: {  	s17 =	simm.s32 $0x200;
	[sflag:s14] =	ssyncadd.s32 @!p4 $0xFFFFC000;
	s10 =	sadd.s32 $0x40, s2  }
0x8a: {  	[tilespmem:s17], [sflag:$0x5] =	stream.linear.gather [hbm4b:s10+s0], $0x80, $0x38;
	[tilespmem:$0x1FE80] =	vst v63  }
0x8b: {  	s11 =	sadd.s32 $0x9C80, s2  }
0x8c: {  	[tilespmem:s24], [sflag:$0x5] =	stream.linear.gather [hbm4b:s11+s0], $0x80, $0x38;
	[tilespmem:$0x1FE80] =	vst v63  }
0x8d: {  	_ =	swait.ge [sflag:s4], $0x80  }
0x8e: {  	[sflag:s4] =	ssyncset.done $0x0  }
0x8f: {  	[sflag:s4] =	ssyncadd.s32 $0xFFFFFF80  }
0x90: {  	_ =	swait.ge [sflag:s4], $0x80  }
0x91: {  	[sflag:s4] =	ssyncset.done $0x0  }
0x92: {  	[sflag:s4] =	ssyncadd.s32 $0xFFFFFF80  }
0x93: {  	[tilespmem:s8], [sflag:$0x9] =	stream.indirect.gather [hbm4b:s23+s3], $0x80, s25, s3, $0xb8;
	[tilespmem:$0x1FE80] =	vst v63  }
0x94: {  	s5 =	simm.s32 $0x300  }
0x95: {  	[spmem:s26] =	stream.indirect.scatter.add.f32 [tilespmem:s19], [sflag:$0xA], $0x80, s5, s3, $0xb8;
	[tilespmem:$0x1FE80] =	vst v63  }
0x96: {  	_ =	swait.ge [sflag:s9], $0x4000  }
0x97: {  	[sflag:s9] =	ssyncset.done $0x0  }
0x98: {  	[sflag:s9] =	ssyncadd.s32 $0xFFFFC000  }
0x99: {  	_ =	swait.ge [sflag:s29], $0x4000  }
0x9a: {  	[sflag:s29] =	ssyncset.done $0x0  }
0x9b: {  	s11 =	simm.s32 $0x280;
	s5 =	sadd.s32 $0x50, s2;
	[sflag:s29] =	ssyncadd.s32 $0xFFFFC000  }
0x9c: {  	[tilespmem:s11], [sflag:$0x6] =	stream.linear.gather [hbm4b:s5+s0], $0x80, $0x38;
	[tilespmem:$0x1FE80] =	vst v63  }
0x9d: {  	s10 =	sadd.s32 $0x9C90, s2  }
0x9e: {  	[tilespmem:s28], [sflag:$0x6] =	stream.linear.gather [hbm4b:s10+s0], $0x80, $0x38;
	[tilespmem:$0x1FE80] =	vst v63  }
0x9f: {  	_ =	swait.ge [sflag:s18], $0x80  }
0xa0: {  	[sflag:s18] =	ssyncset.done $0x0  }
0xa1: {  	[sflag:s18] =	ssyncadd.s32 $0xFFFFFF80  }
0xa2: {  	_ =	swait.ge [sflag:s18], $0x80  }
0xa3: {  	[sflag:s18] =	ssyncset.done $0x0  }
0xa4: {  	[sflag:s18] =	ssyncadd.s32 $0xFFFFFF80  }
0xa5: {  	[tilespmem:s19], [sflag:$0x7] =	stream.indirect.gather [hbm4b:s23+s3], $0x80, s6, s3, $0xb8;
	[tilespmem:$0x1FE80] =	vst v63  }
0xa6: {  	s14 =	simm.s32 $0x380  }
0xa7: {  	[spmem:s26] =	stream.indirect.scatter.add.f32 [tilespmem:s13], [sflag:$0xB], $0x80, s14, s3, $0xb8;
	[tilespmem:$0x1FE80] =	vst v63  }
0xa8: {  	_ =	swait.ge [sflag:s30], $0x4000  }
0xa9: {  	[sflag:s30] =	ssyncset.done $0x0  }
0xaa: {  	[sflag:s30] =	ssyncadd.s32 $0xFFFFC000  }
0xab: {  	p4 =	seq.s32 s22, $0x960;
	_ =	swait.ge [sflag:s31], $0x4000  }
0xac: {  	s14 =	sadd.s32 @!p4 s22, s1;
	[sflag:s31] =	ssyncset.done $0x0  }
0xad: {  	s1 =	simm.s32 @!p4 $0x0;
	s25 =	sadd.s32 @!p4 $0x60, s14;
	[sflag:s31] =	ssyncadd.s32 $0xFFFFC000  }
0xae: {  	[tilespmem:s1], [sflag:$0x1] =	stream.linear.gather @!p4 [hbm4b:s25+s1], $0x80, $0x38;
	[tilespmem:$0x1FE80] =	vst v63  }
0xaf: {  	s5 =	simm.s32 @!p4 $0x300;
	s25 =	sadd.s32 @!p4 $0x9CA0, s14  }
0xb0: {  	[tilespmem:s5], [sflag:$0x1] =	stream.linear.gather @!p4 [hbm4b:s25+s1], $0x80, $0x38;
	[tilespmem:$0x1FE80] =	vst v63  }
0xb1: {  	_ =	swait.ge [sflag:s7], $0x80  }
0xb2: {  	[sflag:s7] =	ssyncset.done $0x0  }
0xb3: {  	[sflag:s7] =	ssyncadd.s32 $0xFFFFFF80  }
0xb4: {  	_ =	swait.ge [sflag:s7], $0x80  }
0xb5: {  	[sflag:s7] =	ssyncset.done $0x0  }
0xb6: {  	[sflag:s7] =	ssyncadd.s32 $0xFFFFFF80  }
0xb7: {  	[tilespmem:s13], [sflag:$0x8] =	stream.indirect.gather [hbm4b:s23+s3], $0x80, s17, s3, $0xb8;
	[tilespmem:$0x1FE80] =	vst v63  }
0xb8: {  	s17 =	simm.s32 $0x400  }
0xb9: {  	[spmem:s26] =	stream.indirect.scatter.add.f32 [tilespmem:s8], [sflag:$0xC], $0x80, s17, s3, $0xb8;
	[tilespmem:$0x1FE80] =	vst v63  }
0xba: {  	_ =	swait.ge [sflag:s15], $0x4000  }
0xbb: {  	[sflag:s15] =	ssyncset.done $0x0  }
0xbc: {  	s25 =	simm.s32 $0xC;
	[sflag:s15] =	ssyncadd.s32 $0xFFFFC000  }
0xbd: {  	_ =	swait.ge [sflag:s25], $0x4000  }
0xbe: {  	[sflag:s25] =	ssyncset.done $0x0  }
0xbf: {  	s5 =	sadd.s32 @!p4 $0x70, s14;
	[sflag:s25] =	ssyncadd.s32 $0xFFFFC000;
	s25 =	simm.s32 @!p4 $0x80  }
0xc0: {  	[tilespmem:s25], [sflag:$0x2] =	stream.linear.gather @!p4 [hbm4b:s5+s1], $0x80, $0x38;
	[tilespmem:$0x1FE80] =	vst v63  }
0xc1: {  	s5 =	sadd.s32 @!p4 $0x9CB0, s14;
	s14 =	simm.s32 @!p4 $0x380  }
0xc2: {  	[tilespmem:s14], [sflag:$0x2] =	stream.linear.gather @!p4 [hbm4b:s5+s1], $0x80, $0x38;
	[tilespmem:$0x1FE80] =	vst v63  }
0xc3: {  	_ =	swait.ge [sflag:s21], $0x80  }
0xc4: {  	[sflag:s21] =	ssyncset.done $0x0  }
0xc5: {  	[sflag:s21] =	ssyncadd.s32 $0xFFFFFF80  }
0xc6: {  	_ =	swait.ge [sflag:s21], $0x80  }
0xc7: {  	[sflag:s21] =	ssyncset.done $0x0  }
0xc8: {  	[sflag:s21] =	ssyncadd.s32 $0xFFFFFF80  }
0xc9: {  	[tilespmem:s8], [sflag:$0x9] =	stream.indirect.gather [hbm4b:s23+s3], $0x80, s11, s3, $0xb8;
	[tilespmem:$0x1FE80] =	vst v63  }
0xca: {  	_ = 	snop  }
0xcb: {  	[spmem:s26] =	stream.indirect.scatter.add.f32 [tilespmem:s19], [sflag:$0xA], $0x80, s16, s3, $0xb8;
	[tilespmem:$0x1FE80] =	vst v63  }
0xcc: {  	_ =	swait.ge [sflag:s9], $0x4000  }
.Ltmp3:
0xcd: {  	[sflag:s9] =	ssyncset.done $0x0;
	(pc) =	sbr.rel @p4 .LBB2_10-.Ltmp3, $4  }
0xce: {  	[sflag:s9] =	ssyncadd.s32 $0xFFFFC000  }
0xcf: {  	_ =	swait.ge [sflag:s29], $0x4000  }
0xd0: {  	s10 =	simm.s32 $0x100;
	[sflag:s29] =	ssyncset.done $0x0  }
0xd1: {  	s6 =	simm.s32 $0x180;
	s5 =	simm.s32 $0x480;
	[sflag:s29] =	ssyncadd.s32 $0xFFFFC000  }
0xd2: {  	s1 =	sadd.s32 $0x80, s2  }
0xd3: {  	[tilespmem:s10], [sflag:$0x3] =	stream.linear.gather [hbm4b:s1+s0], $0x80, $0x38;
	[tilespmem:$0x1FE80] =	vst v63  }
0xd4: {  	s14 =	sadd.s32 $0x9CC0, s2;
	s16 =	simm.s32 $0x400  }
0xd5: {  	[tilespmem:s16], [sflag:$0x3] =	stream.linear.gather [hbm4b:s14+s0], $0x80, $0x38;
	[tilespmem:$0x1FE80] =	vst v63  }
0xd6: {  	_ =	swait.ge [sflag:s12], $0x80  }
0xd7: {  	[sflag:s12] =	ssyncset.done $0x0  }
0xd8: {  	[sflag:s12] =	ssyncadd.s32 $0xFFFFFF80  }
0xd9: {  	_ =	swait.ge [sflag:s12], $0x80  }
0xda: {  	[sflag:s12] =	ssyncset.done $0x0  }
0xdb: {  	[sflag:s12] =	ssyncadd.s32 $0xFFFFFF80  }
0xdc: {  	[tilespmem:s19], [sflag:$0x7] =	stream.indirect.gather [hbm4b:s23+s3], $0x80, s0, s3, $0xb8;
	[tilespmem:$0x1FE80] =	vst v63  }
0xdd: {  	_ = 	snop  }
0xde: {  	[spmem:s26] =	stream.indirect.scatter.add.f32 [tilespmem:s13], [sflag:$0xB], $0x80, s24, s3, $0xb8;
	[tilespmem:$0x1FE80] =	vst v63  }
0xdf: {  	_ =	swait.ge [sflag:s30], $0x4000  }
0xe0: {  	[sflag:s30] =	ssyncset.done $0x0  }
0xe1: {  	[sflag:s30] =	ssyncadd.s32 $0xFFFFC000  }
0xe2: {  	_ =	swait.ge [sflag:s31], $0x4000  }
0xe3: {  	[sflag:s31] =	ssyncset.done $0x0  }
0xe4: {  	s17 =	sadd.s32 $0x90, s2;
	[sflag:s31] =	ssyncadd.s32 $0xFFFFC000  }
0xe5: {  	[tilespmem:s6], [sflag:$0x4] =	stream.linear.gather [hbm4b:s17+s0], $0x80, $0x38;
	[tilespmem:$0x1FE80] =	vst v63  }
0xe6: {  	s25 =	sadd.s32 $0x9CD0, s2  }
0xe7: {  	[tilespmem:s5], [sflag:$0x4] =	stream.linear.gather [hbm4b:s25+s0], $0x80, $0x38;
	[tilespmem:$0x1FE80] =	vst v63  }
0xe8: {  	_ =	swait.ge [sflag:s20], $0x80  }
0xe9: {  	[sflag:s20] =	ssyncset.done $0x0  }
0xea: {  	[sflag:s20] =	ssyncadd.s32 $0xFFFFFF80  }
0xeb: {  	_ =	swait.ge [sflag:s20], $0x80  }
.Ltmp4:
0xec: {  	[sflag:s20] =	ssyncset.done $0x0;
	(pc) =	sbr.rel .LBB2_3-.Ltmp4, $4  }
0xed: {  	s22 =	sadd.s32 $0x60, s22;
	[sflag:s20] =	ssyncadd.s32 $0xFFFFFF80  }
0xee: {  	[tilespmem:s13], [sflag:$0x8] =	stream.indirect.gather [hbm4b:s23+s3], $0x80, s3, s3, $0xb8;
	[tilespmem:$0x1FE80] =	vst v63  }
0xef: {  	s16 =	simm.s32 $0x480;
	s6 =	simm.s32 $0x180;
	s25 =	simm.s32 $0x100  }
0xf0: {  	[spmem:s26] =	stream.indirect.scatter.add.f32 [tilespmem:s8], [sflag:$0xC], $0x80, s28, s3, $0xb8;
	[tilespmem:$0x1FE80] =	vst v63  }
.LBB2_5:
0xf1: {  	s1 =	rddreg [dreg:$0x4]  }
0xf2: {  	s17 =	rddreg [dreg:$0x5]  }
0xf3: {  	[tilespmem:s22], [sflag:$0x1] =	stream.linear.gather [hbm4b:s1+s22], $0x80, $0x38;
	[tilespmem:$0x1FE80] =	vst v63  }
0xf4: {  	s2 =	simm.s32 $0x300;
	s24 =	sld [smem:$0x7F2]  }
0xf5: {  	[tilespmem:s2], [sflag:$0x1] =	stream.linear.gather [hbm4b:s17+s22], $0x80, $0x38;
	[tilespmem:$0x1FE80] =	vst v63  }
0xf6: {  	s6 =	sld [smem:$0x7F3]  }
0xf7: {  	[tilespmem:s3], [sflag:$0x2] =	stream.linear.gather [hbm4b:s24+s22], $0x80, $0x38;
	[tilespmem:$0x1FE80] =	vst v63  }
0xf8: {  	s5 =	simm.s32 $0x380;
	s2 =	rddreg [dreg:$0x6]  }
0xf9: {  	[tilespmem:s5], [sflag:$0x2] =	stream.linear.gather [hbm4b:s2+s22], $0x80, $0x38;
	[tilespmem:$0x1FE80] =	vst v63  }
0xfa: {  	s16 =	rddreg [dreg:$0x7]  }
0xfb: {  	[tilespmem:s25], [sflag:$0x3] =	stream.linear.gather [hbm4b:s6+s22], $0x80, $0x38;
	[tilespmem:$0x1FE80] =	vst v63  }
0xfc: {  	s17 =	sld [smem:$0x7F4]  }
0xfd: {  	[tilespmem:s10], [sflag:$0x3] =	stream.linear.gather [hbm4b:s16+s22], $0x80, $0x38;
	[tilespmem:$0x1FE80] =	vst v63  }
0xfe: {  	s6 =	simm.s32 $0x180  }
0xff: {  	[tilespmem:s6], [sflag:$0x4] =	stream.linear.gather [hbm4b:s17+s22], $0x80, $0x38;
	[tilespmem:$0x1FE80] =	vst v63  }
0x100: {  	s24 =	rddreg [dreg:$0x14]  }
0x101: {  	[tilespmem:s11], [sflag:$0x4] =	stream.linear.gather [hbm4b:s24+s22], $0x80, $0x38;
	[tilespmem:$0x1FE80] =	vst v63  }
0x102: {  	_ =	swait.ge [sflag:s12], $0x80  }
0x103: {  	[sflag:s12] =	ssyncset.done $0x0  }
0x104: {  	[sflag:s12] =	ssyncadd.s32 $0xFFFFFF80  }
0x105: {  	_ =	swait.ge [sflag:s12], $0x80  }
0x106: {  	[sflag:s12] =	ssyncset.done $0x0  }
0x107: {  	[sflag:s12] =	ssyncadd.s32 $0xFFFFFF80  }
0x108: {  	[tilespmem:s19], [sflag:$0x7] =	stream.indirect.gather [hbm4b:s23+s3], $0x80, s22, s3, $0xb8;
	[tilespmem:$0x1FE80] =	vst v63  }
0x109: {  	_ =	swait.ge [sflag:s20], $0x80  }
0x10a: {  	[sflag:s20] =	ssyncset.done $0x0  }
0x10b: {  	[sflag:s20] =	ssyncadd.s32 $0xFFFFFF80  }
0x10c: {  	_ =	swait.ge [sflag:s20], $0x80  }
0x10d: {  	[sflag:s20] =	ssyncset.done $0x0  }
0x10e: {  	s16 =	simm.s32 $0x480;
	[sflag:s20] =	ssyncadd.s32 $0xFFFFFF80  }
0x10f: {  	[tilespmem:s13], [sflag:$0x8] =	stream.indirect.gather [hbm4b:s23+s3], $0x80, s3, s3, $0xb8;
	[tilespmem:$0x1FE80] =	vst v63  }
.LBB2_6:
0x110: {  	_ =	swait.ge [sflag:s15], $0x4000  }
0x111: {  	p4 =	seq.s32 s22, $0x0;
	[sflag:s15] =	ssyncset.done $0x0  }
0x112: {  	s1 =	simm.s32 @!p4 $0xC;
	[sflag:s15] =	ssyncadd.s32 $0xFFFFC000  }
0x113: {  	_ =	swait.ge @!p4 [sflag:s1], $0x4000  }
0x114: {  	s5 =	rddreg [dreg:$0x18]  }
0x115: {  	[sflag:s1] =	ssyncset.done @!p4 $0x0;
	s2 =	sadd.s32 s22, s5  }
0x116: {  	s17 =	simm.s32 $0x200;
	[sflag:s1] =	ssyncadd.s32 @!p4 $0xFFFFC000;
	s10 =	sadd.s32 $0x40, s2  }
0x117: {  	[tilespmem:s17], [sflag:$0x5] =	stream.linear.gather [hbm4b:s10+s0], $0x80, $0x38;
	[tilespmem:$0x1FE80] =	vst v63  }
0x118: {  	s11 =	sadd.s32 $0x9C80, s2  }
0x119: {  	[tilespmem:s14], [sflag:$0x5] =	stream.linear.gather [hbm4b:s11+s0], $0x80, $0x38;
	[tilespmem:$0x1FE80] =	vst v63  }
0x11a: {  	_ =	swait.ge [sflag:s4], $0x80  }
0x11b: {  	[sflag:s4] =	ssyncset.done $0x0  }
0x11c: {  	[sflag:s4] =	ssyncadd.s32 $0xFFFFFF80  }
0x11d: {  	_ =	swait.ge [sflag:s4], $0x80  }
0x11e: {  	[sflag:s4] =	ssyncset.done $0x0  }
0x11f: {  	[sflag:s4] =	ssyncadd.s32 $0xFFFFFF80  }
0x120: {  	[tilespmem:s8], [sflag:$0x9] =	stream.indirect.gather [hbm4b:s23+s3], $0x80, s25, s3, $0xb8;
	[tilespmem:$0x1FE80] =	vst v63  }
0x121: {  	s24 =	simm.s32 $0x300  }
0x122: {  	[spmem:s26] =	stream.indirect.scatter.add.f32 [tilespmem:s19], [sflag:$0xA], $0x80, s24, s3, $0xb8;
	[tilespmem:$0x1FE80] =	vst v63  }
0x123: {  	_ =	swait.ge [sflag:s9], $0x4000  }
0x124: {  	[sflag:s9] =	ssyncset.done $0x0  }
0x125: {  	[sflag:s9] =	ssyncadd.s32 $0xFFFFC000  }
0x126: {  	_ =	swait.ge [sflag:s29], $0x4000  }
0x127: {  	[sflag:s29] =	ssyncset.done $0x0  }
0x128: {  	s11 =	simm.s32 $0x280;
	s25 =	sadd.s32 $0x50, s2;
	[sflag:s29] =	ssyncadd.s32 $0xFFFFC000  }
0x129: {  	[tilespmem:s11], [sflag:$0x6] =	stream.linear.gather [hbm4b:s25+s0], $0x80, $0x38;
	[tilespmem:$0x1FE80] =	vst v63  }
0x12a: {  	s10 =	sadd.s32 $0x9C90, s2  }
0x12b: {  	[tilespmem:s28], [sflag:$0x6] =	stream.linear.gather [hbm4b:s10+s0], $0x80, $0x38;
	[tilespmem:$0x1FE80] =	vst v63  }
0x12c: {  	_ =	swait.ge [sflag:s18], $0x80  }
0x12d: {  	[sflag:s18] =	ssyncset.done $0x0  }
0x12e: {  	[sflag:s18] =	ssyncadd.s32 $0xFFFFFF80  }
0x12f: {  	_ =	swait.ge [sflag:s18], $0x80  }
0x130: {  	[sflag:s18] =	ssyncset.done $0x0  }
0x131: {  	[sflag:s18] =	ssyncadd.s32 $0xFFFFFF80  }
0x132: {  	[tilespmem:s19], [sflag:$0x7] =	stream.indirect.gather [hbm4b:s23+s3], $0x80, s6, s3, $0xb8;
	[tilespmem:$0x1FE80] =	vst v63  }
0x133: {  	s14 =	simm.s32 $0x380  }
0x134: {  	[spmem:s26] =	stream.indirect.scatter.add.f32 [tilespmem:s13], [sflag:$0xB], $0x80, s14, s3, $0xb8;
	[tilespmem:$0x1FE80] =	vst v63  }
0x135: {  	_ =	swait.ge [sflag:s30], $0x4000  }
0x136: {  	[sflag:s30] =	ssyncset.done $0x0  }
0x137: {  	[sflag:s30] =	ssyncadd.s32 $0xFFFFC000  }
0x138: {  	p4 =	seq.s32 s22, $0x960;
	_ =	swait.ge [sflag:s31], $0x4000  }
0x139: {  	s1 =	sadd.s32 @!p4 s22, s5;
	[sflag:s31] =	ssyncset.done $0x0  }
0x13a: {  	s5 =	sadd.s32 @!p4 $0x60, s1;
	s14 =	simm.s32 @!p4 $0x0;
	[sflag:s31] =	ssyncadd.s32 $0xFFFFC000  }
0x13b: {  	[tilespmem:s14], [sflag:$0x1] =	stream.linear.gather @!p4 [hbm4b:s5+s14], $0x80, $0x38;
	[tilespmem:$0x1FE80] =	vst v63  }
0x13c: {  	s25 =	simm.s32 @!p4 $0x300;
	s5 =	sadd.s32 @!p4 $0x9CA0, s1  }
0x13d: {  	[tilespmem:s25], [sflag:$0x1] =	stream.linear.gather @!p4 [hbm4b:s5+s14], $0x80, $0x38;
	[tilespmem:$0x1FE80] =	vst v63  }
0x13e: {  	_ =	swait.ge [sflag:s7], $0x80  }
0x13f: {  	[sflag:s7] =	ssyncset.done $0x0  }
0x140: {  	[sflag:s7] =	ssyncadd.s32 $0xFFFFFF80  }
0x141: {  	_ =	swait.ge [sflag:s7], $0x80  }
0x142: {  	[sflag:s7] =	ssyncset.done $0x0  }
0x143: {  	[sflag:s7] =	ssyncadd.s32 $0xFFFFFF80  }
0x144: {  	[tilespmem:s13], [sflag:$0x8] =	stream.indirect.gather [hbm4b:s23+s3], $0x80, s17, s3, $0xb8;
	[tilespmem:$0x1FE80] =	vst v63  }
0x145: {  	s17 =	simm.s32 $0x400  }
0x146: {  	[spmem:s26] =	stream.indirect.scatter.add.f32 [tilespmem:s8], [sflag:$0xC], $0x80, s17, s3, $0xb8;
	[tilespmem:$0x1FE80] =	vst v63  }
0x147: {  	_ =	swait.ge [sflag:s15], $0x4000  }
0x148: {  	[sflag:s15] =	ssyncset.done $0x0  }
0x149: {  	s25 =	simm.s32 $0xC;
	[sflag:s15] =	ssyncadd.s32 $0xFFFFC000  }
0x14a: {  	_ =	swait.ge [sflag:s25], $0x4000  }
0x14b: {  	[sflag:s25] =	ssyncset.done $0x0  }
0x14c: {  	s5 =	sadd.s32 @!p4 $0x70, s1;
	[sflag:s25] =	ssyncadd.s32 $0xFFFFC000;
	s25 =	simm.s32 @!p4 $0x80  }
0x14d: {  	[tilespmem:s25], [sflag:$0x2] =	stream.linear.gather @!p4 [hbm4b:s5+s14], $0x80, $0x38;
	[tilespmem:$0x1FE80] =	vst v63  }
0x14e: {  	s1 =	sadd.s32 @!p4 $0x9CB0, s1;
	s5 =	simm.s32 @!p4 $0x380  }
0x14f: {  	[tilespmem:s5], [sflag:$0x2] =	stream.linear.gather @!p4 [hbm4b:s1+s14], $0x80, $0x38;
	[tilespmem:$0x1FE80] =	vst v63  }
0x150: {  	_ =	swait.ge [sflag:s21], $0x80  }
0x151: {  	[sflag:s21] =	ssyncset.done $0x0  }
0x152: {  	[sflag:s21] =	ssyncadd.s32 $0xFFFFFF80  }
0x153: {  	_ =	swait.ge [sflag:s21], $0x80  }
0x154: {  	[sflag:s21] =	ssyncset.done $0x0  }
0x155: {  	[sflag:s21] =	ssyncadd.s32 $0xFFFFFF80  }
0x156: {  	[tilespmem:s8], [sflag:$0x9] =	stream.indirect.gather [hbm4b:s23+s3], $0x80, s11, s3, $0xb8;
	[tilespmem:$0x1FE80] =	vst v63  }
0x157: {  	_ = 	snop  }
0x158: {  	[spmem:s26] =	stream.indirect.scatter.add.f32 [tilespmem:s19], [sflag:$0xA], $0x80, s16, s3, $0xb8;
	[tilespmem:$0x1FE80] =	vst v63  }
0x159: {  	_ =	swait.ge [sflag:s9], $0x4000  }
.Ltmp5:
0x15a: {  	[sflag:s9] =	ssyncset.done $0x0;
	(pc) =	sbr.rel @p4 .LBB2_8-.Ltmp5, $4  }
0x15b: {  	[sflag:s9] =	ssyncadd.s32 $0xFFFFC000  }
0x15c: {  	_ =	swait.ge [sflag:s29], $0x4000  }
0x15d: {  	s24 =	simm.s32 $0x500;
	s10 =	simm.s32 $0x100;
	[sflag:s29] =	ssyncset.done $0x0  }
0x15e: {  	s6 =	simm.s32 $0x180;
	s5 =	simm.s32 $0x480;
	[sflag:s29] =	ssyncadd.s32 $0xFFFFC000  }
0x15f: {  	s1 =	sadd.s32 $0x80, s2  }
0x160: {  	[tilespmem:s10], [sflag:$0x3] =	stream.linear.gather [hbm4b:s1+s0], $0x80, $0x38;
	[tilespmem:$0x1FE80] =	vst v63  }
0x161: {  	s16 =	sadd.s32 $0x9CC0, s2;
	s17 =	simm.s32 $0x400  }
0x162: {  	[tilespmem:s17], [sflag:$0x3] =	stream.linear.gather [hbm4b:s16+s0], $0x80, $0x38;
	[tilespmem:$0x1FE80] =	vst v63  }
0x163: {  	_ =	swait.ge [sflag:s12], $0x80  }
0x164: {  	[sflag:s12] =	ssyncset.done $0x0  }
0x165: {  	[sflag:s12] =	ssyncadd.s32 $0xFFFFFF80  }
0x166: {  	_ =	swait.ge [sflag:s12], $0x80  }
0x167: {  	[sflag:s12] =	ssyncset.done $0x0  }
0x168: {  	[sflag:s12] =	ssyncadd.s32 $0xFFFFFF80  }
0x169: {  	[tilespmem:s19], [sflag:$0x7] =	stream.indirect.gather [hbm4b:s23+s3], $0x80, s0, s3, $0xb8;
	[tilespmem:$0x1FE80] =	vst v63  }
0x16a: {  	_ = 	snop  }
0x16b: {  	[spmem:s26] =	stream.indirect.scatter.add.f32 [tilespmem:s13], [sflag:$0xB], $0x80, s24, s3, $0xb8;
	[tilespmem:$0x1FE80] =	vst v63  }
0x16c: {  	_ =	swait.ge [sflag:s30], $0x4000  }
0x16d: {  	[sflag:s30] =	ssyncset.done $0x0  }
0x16e: {  	[sflag:s30] =	ssyncadd.s32 $0xFFFFC000  }
0x16f: {  	_ =	swait.ge [sflag:s31], $0x4000  }
0x170: {  	[sflag:s31] =	ssyncset.done $0x0  }
0x171: {  	s24 =	sadd.s32 $0x90, s2;
	[sflag:s31] =	ssyncadd.s32 $0xFFFFC000  }
0x172: {  	[tilespmem:s6], [sflag:$0x4] =	stream.linear.gather [hbm4b:s24+s0], $0x80, $0x38;
	[tilespmem:$0x1FE80] =	vst v63  }
0x173: {  	s25 =	sadd.s32 $0x9CD0, s2  }
0x174: {  	[tilespmem:s5], [sflag:$0x4] =	stream.linear.gather [hbm4b:s25+s0], $0x80, $0x38;
	[tilespmem:$0x1FE80] =	vst v63  }
0x175: {  	_ =	swait.ge [sflag:s20], $0x80  }
0x176: {  	[sflag:s20] =	ssyncset.done $0x0  }
0x177: {  	[sflag:s20] =	ssyncadd.s32 $0xFFFFFF80  }
0x178: {  	_ =	swait.ge [sflag:s20], $0x80  }
.Ltmp6:
0x179: {  	[sflag:s20] =	ssyncset.done $0x0;
	(pc) =	sbr.rel .LBB2_6-.Ltmp6, $4  }
0x17a: {  	s22 =	sadd.s32 $0x60, s22;
	s14 =	simm.s32 $0x500;
	[sflag:s20] =	ssyncadd.s32 $0xFFFFFF80  }
0x17b: {  	[tilespmem:s13], [sflag:$0x8] =	stream.indirect.gather [hbm4b:s23+s3], $0x80, s3, s3, $0xb8;
	[tilespmem:$0x1FE80] =	vst v63  }
0x17c: {  	s16 =	simm.s32 $0x480;
	s6 =	simm.s32 $0x180;
	s25 =	simm.s32 $0x100  }
0x17d: {  	[spmem:s26] =	stream.indirect.scatter.add.f32 [tilespmem:s8], [sflag:$0xC], $0x80, s28, s3, $0xb8;
	[tilespmem:$0x1FE80] =	vst v63  }
.LBB2_10:
0x17e: {  	[spmem:s26] =	stream.indirect.scatter.add.f32 [tilespmem:s13], [sflag:$0xB], $0x80, s24, s3, $0xb8;
	[tilespmem:$0x1FE80] =	vst v63  }
0x17f: {  	_ =	swait.ge [sflag:s30], $0x4000  }
0x180: {  	[sflag:s30] =	ssyncset.done $0x0  }
0x181: {  	[sflag:s30] =	ssyncadd.s32 $0xFFFFC000  }
0x182: {  	_ =	swait.ge [sflag:s31], $0x4000  }
0x183: {  	[sflag:s31] =	ssyncset.done $0x0  }
0x184: {  	s1 =	simm.s32 $0xC;
	[sflag:s31] =	ssyncadd.s32 $0xFFFFC000  }
0x185: {  	[spmem:s26] =	stream.indirect.scatter.add.f32 [tilespmem:s8], [sflag:$0xC], $0x80, s28, s3, $0xb8;
	[tilespmem:$0x1FE80] =	vst v63  }
0x186: {  	_ =	swait.ge [sflag:s1], $0x4000  }
0x187: {  	s2 =	sld [smem:$0x7E1]  }
0x188: {  	[sflag:s1] =	ssyncset.done $0x0  }
0x189: {  	s5 =	sld [smem:$0x7E2];
	[sflag:s1] =	ssyncadd.s32 $0xFFFFC000;
	s1 =	simm.s32 @!p2 $0x0  }
0x18a: {  	[tilespmem:s1], [sflag:$0x1] =	stream.linear.gather @!p2 [hbm4b:s2+s1], $0x80, $0x38;
	[tilespmem:$0x1FE80] =	vst v63  }
0x18b: {  	s2 =	simm.s32 @!p2 $0x300  }
0x18c: {  	[tilespmem:s2], [sflag:$0x1] =	stream.linear.gather @!p2 [hbm4b:s5+s1], $0x80, $0x38;
	[tilespmem:$0x1FE80] =	vst v63  }
0x18d: {  	s5 =	simm.s32 @!p2 $0x1  }
0x18e: {  	_ =	swait.ge @!p2 [sflag:s5], $0x80  }
0x18f: {  	[sflag:s5] =	ssyncset.done @!p2 $0x0  }
0x190: {  	[sflag:s5] =	ssyncadd.s32 @!p2 $0xFFFFFF80  }
0x191: {  	_ =	swait.ge @!p2 [sflag:s5], $0x80  }
0x192: {  	[sflag:s5] =	ssyncset.done @!p2 $0x0  }
0x193: {  	s14 =	simm.s32 @!p2 $0x600;
	[sflag:s5] =	ssyncadd.s32 @!p2 $0xFFFFFF80;
	s5 =	simm.s32 @!p2 $0x80  }
0x194: {  	[tilespmem:s14], [sflag:$0x7] =	stream.indirect.gather @!p2 [hbm4b:s23+s5], $0x80, s1, s5, $0xb8;
	[tilespmem:$0x1FE80] =	vst v63  }
0x195: {  	s1 =	simm.s32 @!p2 $0x7  }
0x196: {  	_ =	swait.ge @!p2 [sflag:s1], $0x4000  }
0x197: {  	[sflag:s1] =	ssyncset.done @!p2 $0x0  }
0x198: {  	[sflag:s1] =	ssyncadd.s32 @!p2 $0xFFFFC000;
	s1 =	simm.s32 @!p2 $0xD  }
0x199: {  	[spmem:s26] =	stream.indirect.scatter.add.f32 @!p2 [tilespmem:s14], [sflag:$0xD], $0x80, s2, s5, $0xb8;
	[tilespmem:$0x1FE80] =	vst v63  }
0x19a: {  	_ =	swait.ge @!p2 [sflag:s1], $0x4000  }
0x19b: {  	[sflag:s1] =	ssyncset.done @!p2 $0x0  }
0x19c: {  	[sflag:s1] =	ssyncadd.s32 @!p2 $0xFFFFC000  }
0x19d: {  	[bflag:$0x0] =	sbarrier.arrive $0xFFFF  }
0x19e: {  	s25 =	sld [smem:$0x7E8]  }
0x19f: {  	s6 =	sld [smem:$0x7DF];
	_ =	sdelay $0x1  }
.Ltmp7:
0x1a0: {  	s14 =	simm.s32 $0xD;
	s5 =	rddreg [dreg:$0x1e];
	(pc) =	sbr.rel @p3 .LBB2_9-.Ltmp7, $4  }
0x1a1: {  	[hbm:s25], [sflag:s5] =	dma.local [spmem:s6], $0x2700  }
0x1a2: {  	_ =	swait.ge [sflag:s14], $0x2700  }
0x1a3: {  	[sflag:s14] =	ssyncset.done $0x0  }
0x1a4: {  	s25 =	simm.s32 $0x100;
	s2 =	sld [smem:$0x7EC];
	[sflag:s14] =	ssyncadd.s32 $0xFFFFD900  }
0x1a5: {  	[bflag:$0x0] =	sbarrier.arrive $0xFFFF  }
.Ltmp8:
0x1a6: {  	s1 =	rddreg [dreg:$0x1d];
	(pc) =	sbr.rel .LBB2_12-.Ltmp8, $4  }
0x1a7: {  	[spmem:s6], [sflag:s5] =	dma.local [hbm:s1], $0x2700  }
0x1a8: {  	_ =	swait.ge [sflag:s14], $0x2700  }
0x1a9: {  	[sflag:s14] =	ssyncset.done $0x0  }
0x1aa: {  	s10 =	simm.s32 $0x180;
	s5 =	simm.s32 $0x400;
	[sflag:s14] =	ssyncadd.s32 $0xFFFFD900  }
.LBB2_8:
0x1ab: {  	[spmem:s26] =	stream.indirect.scatter.add.f32 [tilespmem:s13], [sflag:$0xB], $0x80, s24, s3, $0xb8;
	[tilespmem:$0x1FE80] =	vst v63  }
0x1ac: {  	_ =	swait.ge [sflag:s30], $0x4000  }
0x1ad: {  	[sflag:s30] =	ssyncset.done $0x0  }
0x1ae: {  	[sflag:s30] =	ssyncadd.s32 $0xFFFFC000  }
0x1af: {  	_ =	swait.ge [sflag:s31], $0x4000  }
0x1b0: {  	[sflag:s31] =	ssyncset.done $0x0  }
0x1b1: {  	s1 =	simm.s32 $0xC;
	[sflag:s31] =	ssyncadd.s32 $0xFFFFC000  }
0x1b2: {  	[spmem:s26] =	stream.indirect.scatter.add.f32 [tilespmem:s8], [sflag:$0xC], $0x80, s28, s3, $0xb8;
	[tilespmem:$0x1FE80] =	vst v63  }
0x1b3: {  	_ =	swait.ge [sflag:s1], $0x4000  }
0x1b4: {  	[sflag:s1] =	ssyncset.done $0x0;
	s2 =	rddreg [dreg:$0x1f]  }
0x1b5: {  	s5 =	sld [smem:$0x7E0];
	[sflag:s1] =	ssyncadd.s32 $0xFFFFC000;
	s1 =	simm.s32 @!p2 $0x0  }
0x1b6: {  	[tilespmem:s1], [sflag:$0x1] =	stream.linear.gather @!p2 [hbm4b:s2+s1], $0x80, $0x38;
	[tilespmem:$0x1FE80] =	vst v63  }
0x1b7: {  	s2 =	simm.s32 @!p2 $0x300  }
0x1b8: {  	[tilespmem:s2], [sflag:$0x1] =	stream.linear.gather @!p2 [hbm4b:s5+s1], $0x80, $0x38;
	[tilespmem:$0x1FE80] =	vst v63  }
0x1b9: {  	s5 =	simm.s32 @!p2 $0x1  }
0x1ba: {  	_ =	swait.ge @!p2 [sflag:s5], $0x80  }
0x1bb: {  	[sflag:s5] =	ssyncset.done @!p2 $0x0  }
0x1bc: {  	[sflag:s5] =	ssyncadd.s32 @!p2 $0xFFFFFF80  }
0x1bd: {  	_ =	swait.ge @!p2 [sflag:s5], $0x80  }
0x1be: {  	[sflag:s5] =	ssyncset.done @!p2 $0x0  }
0x1bf: {  	s14 =	simm.s32 @!p2 $0x600;
	[sflag:s5] =	ssyncadd.s32 @!p2 $0xFFFFFF80;
	s5 =	simm.s32 @!p2 $0x80  }
0x1c0: {  	[tilespmem:s14], [sflag:$0x7] =	stream.indirect.gather @!p2 [hbm4b:s23+s5], $0x80, s1, s5, $0xb8;
	[tilespmem:$0x1FE80] =	vst v63  }
0x1c1: {  	s1 =	simm.s32 @!p2 $0x7  }
0x1c2: {  	_ =	swait.ge @!p2 [sflag:s1], $0x4000  }
0x1c3: {  	[sflag:s1] =	ssyncset.done @!p2 $0x0  }
0x1c4: {  	[sflag:s1] =	ssyncadd.s32 @!p2 $0xFFFFC000;
	s1 =	simm.s32 @!p2 $0xD  }
0x1c5: {  	[spmem:s26] =	stream.indirect.scatter.add.f32 @!p2 [tilespmem:s14], [sflag:$0xD], $0x80, s2, s5, $0xb8;
	[tilespmem:$0x1FE80] =	vst v63  }
0x1c6: {  	_ =	swait.ge @!p2 [sflag:s1], $0x4000  }
0x1c7: {  	[sflag:s1] =	ssyncset.done @!p2 $0x0  }
0x1c8: {  	[sflag:s1] =	ssyncadd.s32 @!p2 $0xFFFFC000  }
0x1c9: {  	[bflag:$0x0] =	sbarrier.arrive $0xFFFF  }
0x1ca: {  	s25 =	sld [smem:$0x7E7]  }
0x1cb: {  	s6 =	sld [smem:$0x7DF];
	_ =	sdelay $0x1  }
.Ltmp9:
0x1cc: {  	s14 =	simm.s32 $0xD;
	s5 =	rddreg [dreg:$0x1e];
	(pc) =	sbr.rel @!p1 .LBB2_9-.Ltmp9, $4  }
0x1cd: {  	[hbm:s25], [sflag:s5] =	dma.local [spmem:s6], $0x2700  }
0x1ce: {  	_ =	swait.ge [sflag:s14], $0x2700  }
0x1cf: {  	[sflag:s14] =	ssyncset.done $0x0  }
0x1d0: {  	s25 =	simm.s32 $0x100;
	s2 =	sld [smem:$0x7EB];
	[sflag:s14] =	ssyncadd.s32 $0xFFFFD900  }
0x1d1: {  	[bflag:$0x0] =	sbarrier.arrive $0xFFFF  }
0x1d2: {  	s1 =	rddreg [dreg:$0x1d]  }
0x1d3: {  	[spmem:s6], [sflag:s5] =	dma.local [hbm:s1], $0x2700  }
.Ltmp10:
0x1d4: {  	_ =	swait.ge [sflag:s14], $0x2700;
	(pc) =	sbr.rel .LBB2_18-.Ltmp10, $4  }
0x1d5: {  	[sflag:s14] =	ssyncset.done $0x0  }
0x1d6: {  	[sflag:s14] =	ssyncadd.s32 $0xFFFFD900  }
0x1d7: {  	s10 =	simm.s32 $0x180;
	[bflag:$0x0] =	sbarrier.arrive $0xFFFF  }
0x1d8: {  	s5 =	simm.s32 $0x400;
	s6 =	simm.s32 $0x480;
	s14 =	simm.s32 $0x500  }
.LBB2_9:
0x1d9: {  	s1 =	sld [smem:$0x7F0];
	_ =	sdelay $0x2  }
0x1da: {  	s1 =	sshrl.u32 s1, $0x3  }
0x1db: {  	[hbm:s2], [sflag:s5] =	dma.local [spmem:s1], $0x100  }
0x1dc: {  	_ =	swait.ge [sflag:s14], $0x100  }
0x1dd: {  	[sflag:s14] =	ssyncset.done $0x0  }
0x1de: {  	[sflag:s14] =	ssyncadd.s32 $0xFFFFFF00  }
0x1df: {  	[bflag:$0x0] =	sbarrier.arrive $0xFFFF  }
0x1e0: {  	s22 =	rddreg [dreg:$0x1d]  }
0x1e1: {  	[spmem:s6], [sflag:s5] =	dma.local [hbm:s22], $0x2700  }
0x1e2: {  	_ =	swait.ge [sflag:s14], $0x2700  }
0x1e3: {  	s24 =	sld [smem:$0x7F1]  }
0x1e4: {  	[sflag:s14] =	ssyncset.done $0x0  }
0x1e5: {  	[sflag:s14] =	ssyncadd.s32 $0xFFFFD900  }
0x1e6: {  	[spmem:s1], [sflag:s5] =	dma.local [hbm:s24], $0x100  }
0x1e7: {  	_ =	swait.ge [sflag:s14], $0x100  }
0x1e8: {  	[sflag:s14] =	ssyncset.done $0x0  }
0x1e9: {  	s10 =	simm.s32 $0x180;
	s5 =	simm.s32 $0x400;
	[sflag:s14] =	ssyncadd.s32 $0xFFFFFF00  }
.LBB2_12:
.Ltmp11:
0x1ea: {  	(pc) =	sbr.rel @p0 .LBB2_18-.Ltmp11, $3  }
0x1eb: {  	_ =	sdelay $0x1  }
0x1ec: {  	[bflag:$0x0] =	sbarrier.arrive $0xFFFF  }
0x1ed: {  	s6 =	simm.s32 $0x480;
	s14 =	simm.s32 $0x500  }
0x1ee: {  	s1 =	rddreg [dreg:$0x10]  }
0x1ef: {  	s22 =	simm.s32 $0x0;
	s11 =	rddreg [dreg:$0x11]  }
0x1f0: {  	[tilespmem:s22], [sflag:$0x1] =	stream.linear.gather [hbm4b:s1+s22], $0x80, $0x38;
	[tilespmem:$0x1FE80] =	vst v63  }
0x1f1: {  	s2 =	simm.s32 $0x300;
	s16 =	sld [smem:$0x7FB]  }
0x1f2: {  	[tilespmem:s2], [sflag:$0x1] =	stream.linear.gather [hbm4b:s11+s22], $0x80, $0x38;
	[tilespmem:$0x1FE80] =	vst v63  }
0x1f3: {  	s17 =	rddreg [dreg:$0x12]  }
0x1f4: {  	[tilespmem:s3], [sflag:$0x2] =	stream.linear.gather [hbm4b:s16+s22], $0x80, $0x38;
	[tilespmem:$0x1FE80] =	vst v63  }
0x1f5: {  	s24 =	simm.s32 $0x380;
	s11 =	sld [smem:$0x7FC]  }
0x1f6: {  	[tilespmem:s24], [sflag:$0x2] =	stream.linear.gather [hbm4b:s17+s22], $0x80, $0x38;
	[tilespmem:$0x1FE80] =	vst v63  }
0x1f7: {  	s16 =	rddreg [dreg:$0x13]  }
0x1f8: {  	[tilespmem:s25], [sflag:$0x3] =	stream.linear.gather [hbm4b:s11+s22], $0x80, $0x38;
	[tilespmem:$0x1FE80] =	vst v63  }
0x1f9: {  	s17 =	sld [smem:$0x7FD]  }
0x1fa: {  	[tilespmem:s5], [sflag:$0x3] =	stream.linear.gather [hbm4b:s16+s22], $0x80, $0x38;
	[tilespmem:$0x1FE80] =	vst v63  }
0x1fb: {  	_ = 	snop  }
0x1fc: {  	[tilespmem:s10], [sflag:$0x4] =	stream.linear.gather [hbm4b:s17+s22], $0x80, $0x38;
	[tilespmem:$0x1FE80] =	vst v63  }
0x1fd: {  	s24 =	rddreg [dreg:$0x17]  }
0x1fe: {  	[tilespmem:s6], [sflag:$0x4] =	stream.linear.gather [hbm4b:s24+s22], $0x80, $0x38;
	[tilespmem:$0x1FE80] =	vst v63  }
0x1ff: {  	_ =	swait.ge [sflag:s12], $0x80  }
0x200: {  	[sflag:s12] =	ssyncset.done $0x0  }
0x201: {  	[sflag:s12] =	ssyncadd.s32 $0xFFFFFF80  }
0x202: {  	_ =	swait.ge [sflag:s12], $0x80  }
0x203: {  	[sflag:s12] =	ssyncset.done $0x0  }
0x204: {  	[sflag:s12] =	ssyncadd.s32 $0xFFFFFF80  }
0x205: {  	[tilespmem:s19], [sflag:$0x7] =	stream.indirect.gather [hbm4b:s23+s3], $0x80, s22, s3, $0xb8;
	[tilespmem:$0x1FE80] =	vst v63  }
0x206: {  	_ =	swait.ge [sflag:s20], $0x80  }
0x207: {  	[sflag:s20] =	ssyncset.done $0x0  }
0x208: {  	[sflag:s20] =	ssyncadd.s32 $0xFFFFFF80  }
0x209: {  	_ =	swait.ge [sflag:s20], $0x80  }
0x20a: {  	[sflag:s20] =	ssyncset.done $0x0  }
0x20b: {  	s16 =	simm.s32 $0x480;
	[sflag:s20] =	ssyncadd.s32 $0xFFFFFF80  }
0x20c: {  	[tilespmem:s13], [sflag:$0x8] =	stream.indirect.gather [hbm4b:s23+s3], $0x80, s3, s3, $0xb8;
	[tilespmem:$0x1FE80] =	vst v63  }
.LBB2_14:
0x20d: {  	_ =	swait.ge [sflag:s15], $0x4000  }
0x20e: {  	p4 =	seq.s32 s22, $0x0;
	[sflag:s15] =	ssyncset.done $0x0  }
0x20f: {  	s1 =	simm.s32 @!p4 $0xC;
	[sflag:s15] =	ssyncadd.s32 $0xFFFFC000  }
0x210: {  	_ =	swait.ge @!p4 [sflag:s1], $0x4000  }
0x211: {  	s5 =	rddreg [dreg:$0x1b]  }
0x212: {  	[sflag:s1] =	ssyncset.done @!p4 $0x0;
	s2 =	sadd.s32 s22, s5  }
0x213: {  	s17 =	simm.s32 $0x200;
	[sflag:s1] =	ssyncadd.s32 @!p4 $0xFFFFC000;
	s6 =	sadd.s32 $0x40, s2  }
0x214: {  	[tilespmem:s17], [sflag:$0x5] =	stream.linear.gather [hbm4b:s6+s0], $0x80, $0x38;
	[tilespmem:$0x1FE80] =	vst v63  }
0x215: {  	s11 =	sadd.s32 $0x9C80, s2  }
0x216: {  	[tilespmem:s14], [sflag:$0x5] =	stream.linear.gather [hbm4b:s11+s0], $0x80, $0x38;
	[tilespmem:$0x1FE80] =	vst v63  }
0x217: {  	_ =	swait.ge [sflag:s4], $0x80  }
0x218: {  	[sflag:s4] =	ssyncset.done $0x0  }
0x219: {  	[sflag:s4] =	ssyncadd.s32 $0xFFFFFF80  }
0x21a: {  	_ =	swait.ge [sflag:s4], $0x80  }
0x21b: {  	[sflag:s4] =	ssyncset.done $0x0  }
0x21c: {  	[sflag:s4] =	ssyncadd.s32 $0xFFFFFF80  }
0x21d: {  	[tilespmem:s8], [sflag:$0x9] =	stream.indirect.gather [hbm4b:s23+s3], $0x80, s25, s3, $0xb8;
	[tilespmem:$0x1FE80] =	vst v63  }
0x21e: {  	s24 =	simm.s32 $0x300  }
0x21f: {  	[spmem:s26] =	stream.indirect.scatter.add.f32 [tilespmem:s19], [sflag:$0xA], $0x80, s24, s3, $0xb8;
	[tilespmem:$0x1FE80] =	vst v63  }
0x220: {  	_ =	swait.ge [sflag:s9], $0x4000  }
0x221: {  	[sflag:s9] =	ssyncset.done $0x0  }
0x222: {  	[sflag:s9] =	ssyncadd.s32 $0xFFFFC000  }
0x223: {  	_ =	swait.ge [sflag:s29], $0x4000  }
0x224: {  	[sflag:s29] =	ssyncset.done $0x0  }
0x225: {  	s11 =	simm.s32 $0x280;
	s25 =	sadd.s32 $0x50, s2;
	[sflag:s29] =	ssyncadd.s32 $0xFFFFC000  }
0x226: {  	[tilespmem:s11], [sflag:$0x6] =	stream.linear.gather [hbm4b:s25+s0], $0x80, $0x38;
	[tilespmem:$0x1FE80] =	vst v63  }
0x227: {  	s6 =	sadd.s32 $0x9C90, s2  }
0x228: {  	[tilespmem:s28], [sflag:$0x6] =	stream.linear.gather [hbm4b:s6+s0], $0x80, $0x38;
	[tilespmem:$0x1FE80] =	vst v63  }
0x229: {  	_ =	swait.ge [sflag:s18], $0x80  }
0x22a: {  	[sflag:s18] =	ssyncset.done $0x0  }
0x22b: {  	[sflag:s18] =	ssyncadd.s32 $0xFFFFFF80  }
0x22c: {  	_ =	swait.ge [sflag:s18], $0x80  }
0x22d: {  	[sflag:s18] =	ssyncset.done $0x0  }
0x22e: {  	[sflag:s18] =	ssyncadd.s32 $0xFFFFFF80  }
0x22f: {  	[tilespmem:s19], [sflag:$0x7] =	stream.indirect.gather [hbm4b:s23+s3], $0x80, s10, s3, $0xb8;
	[tilespmem:$0x1FE80] =	vst v63  }
0x230: {  	s14 =	simm.s32 $0x380  }
0x231: {  	[spmem:s26] =	stream.indirect.scatter.add.f32 [tilespmem:s13], [sflag:$0xB], $0x80, s14, s3, $0xb8;
	[tilespmem:$0x1FE80] =	vst v63  }
0x232: {  	_ =	swait.ge [sflag:s30], $0x4000  }
0x233: {  	[sflag:s30] =	ssyncset.done $0x0  }
0x234: {  	[sflag:s30] =	ssyncadd.s32 $0xFFFFC000  }
0x235: {  	p4 =	seq.s32 s22, $0x960;
	_ =	swait.ge [sflag:s31], $0x4000  }
0x236: {  	s1 =	sadd.s32 @!p4 s22, s5;
	[sflag:s31] =	ssyncset.done $0x0  }
0x237: {  	s5 =	sadd.s32 @!p4 $0x60, s1;
	s14 =	simm.s32 @!p4 $0x0;
	[sflag:s31] =	ssyncadd.s32 $0xFFFFC000  }
0x238: {  	[tilespmem:s14], [sflag:$0x1] =	stream.linear.gather @!p4 [hbm4b:s5+s14], $0x80, $0x38;
	[tilespmem:$0x1FE80] =	vst v63  }
0x239: {  	s25 =	simm.s32 @!p4 $0x300;
	s5 =	sadd.s32 @!p4 $0x9CA0, s1  }
0x23a: {  	[tilespmem:s25], [sflag:$0x1] =	stream.linear.gather @!p4 [hbm4b:s5+s14], $0x80, $0x38;
	[tilespmem:$0x1FE80] =	vst v63  }
0x23b: {  	_ =	swait.ge [sflag:s7], $0x80  }
0x23c: {  	[sflag:s7] =	ssyncset.done $0x0  }
0x23d: {  	[sflag:s7] =	ssyncadd.s32 $0xFFFFFF80  }
0x23e: {  	_ =	swait.ge [sflag:s7], $0x80  }
0x23f: {  	[sflag:s7] =	ssyncset.done $0x0  }
0x240: {  	[sflag:s7] =	ssyncadd.s32 $0xFFFFFF80  }
0x241: {  	[tilespmem:s13], [sflag:$0x8] =	stream.indirect.gather [hbm4b:s23+s3], $0x80, s17, s3, $0xb8;
	[tilespmem:$0x1FE80] =	vst v63  }
0x242: {  	s17 =	simm.s32 $0x400  }
0x243: {  	[spmem:s26] =	stream.indirect.scatter.add.f32 [tilespmem:s8], [sflag:$0xC], $0x80, s17, s3, $0xb8;
	[tilespmem:$0x1FE80] =	vst v63  }
0x244: {  	_ =	swait.ge [sflag:s15], $0x4000  }
0x245: {  	[sflag:s15] =	ssyncset.done $0x0  }
0x246: {  	s25 =	simm.s32 $0xC;
	[sflag:s15] =	ssyncadd.s32 $0xFFFFC000  }
0x247: {  	_ =	swait.ge [sflag:s25], $0x4000  }
0x248: {  	[sflag:s25] =	ssyncset.done $0x0  }
0x249: {  	s5 =	sadd.s32 @!p4 $0x70, s1;
	[sflag:s25] =	ssyncadd.s32 $0xFFFFC000;
	s25 =	simm.s32 @!p4 $0x80  }
0x24a: {  	[tilespmem:s25], [sflag:$0x2] =	stream.linear.gather @!p4 [hbm4b:s5+s14], $0x80, $0x38;
	[tilespmem:$0x1FE80] =	vst v63  }
0x24b: {  	s1 =	sadd.s32 @!p4 $0x9CB0, s1;
	s5 =	simm.s32 @!p4 $0x380  }
0x24c: {  	[tilespmem:s5], [sflag:$0x2] =	stream.linear.gather @!p4 [hbm4b:s1+s14], $0x80, $0x38;
	[tilespmem:$0x1FE80] =	vst v63  }
0x24d: {  	_ =	swait.ge [sflag:s21], $0x80  }
0x24e: {  	[sflag:s21] =	ssyncset.done $0x0  }
0x24f: {  	[sflag:s21] =	ssyncadd.s32 $0xFFFFFF80  }
0x250: {  	_ =	swait.ge [sflag:s21], $0x80  }
0x251: {  	[sflag:s21] =	ssyncset.done $0x0  }
0x252: {  	[sflag:s21] =	ssyncadd.s32 $0xFFFFFF80  }
0x253: {  	[tilespmem:s8], [sflag:$0x9] =	stream.indirect.gather [hbm4b:s23+s3], $0x80, s11, s3, $0xb8;
	[tilespmem:$0x1FE80] =	vst v63  }
0x254: {  	_ = 	snop  }
0x255: {  	[spmem:s26] =	stream.indirect.scatter.add.f32 [tilespmem:s19], [sflag:$0xA], $0x80, s16, s3, $0xb8;
	[tilespmem:$0x1FE80] =	vst v63  }
0x256: {  	_ =	swait.ge [sflag:s9], $0x4000  }
.Ltmp12:
0x257: {  	[sflag:s9] =	ssyncset.done $0x0;
	(pc) =	sbr.rel @p4 .LBB2_16-.Ltmp12, $4  }
0x258: {  	[sflag:s9] =	ssyncadd.s32 $0xFFFFC000  }
0x259: {  	_ =	swait.ge [sflag:s29], $0x4000  }
0x25a: {  	s24 =	simm.s32 $0x500;
	s6 =	simm.s32 $0x180;
	[sflag:s29] =	ssyncset.done $0x0  }
0x25b: {  	s10 =	simm.s32 $0x100;
	s5 =	simm.s32 $0x480;
	[sflag:s29] =	ssyncadd.s32 $0xFFFFC000  }
0x25c: {  	s1 =	sadd.s32 $0x80, s2  }
0x25d: {  	[tilespmem:s10], [sflag:$0x3] =	stream.linear.gather [hbm4b:s1+s0], $0x80, $0x38;
	[tilespmem:$0x1FE80] =	vst v63  }
0x25e: {  	s16 =	sadd.s32 $0x9CC0, s2;
	s17 =	simm.s32 $0x400  }
0x25f: {  	[tilespmem:s17], [sflag:$0x3] =	stream.linear.gather [hbm4b:s16+s0], $0x80, $0x38;
	[tilespmem:$0x1FE80] =	vst v63  }
0x260: {  	_ =	swait.ge [sflag:s12], $0x80  }
0x261: {  	[sflag:s12] =	ssyncset.done $0x0  }
0x262: {  	[sflag:s12] =	ssyncadd.s32 $0xFFFFFF80  }
0x263: {  	_ =	swait.ge [sflag:s12], $0x80  }
0x264: {  	[sflag:s12] =	ssyncset.done $0x0  }
0x265: {  	[sflag:s12] =	ssyncadd.s32 $0xFFFFFF80  }
0x266: {  	[tilespmem:s19], [sflag:$0x7] =	stream.indirect.gather [hbm4b:s23+s3], $0x80, s0, s3, $0xb8;
	[tilespmem:$0x1FE80] =	vst v63  }
0x267: {  	_ = 	snop  }
0x268: {  	[spmem:s26] =	stream.indirect.scatter.add.f32 [tilespmem:s13], [sflag:$0xB], $0x80, s24, s3, $0xb8;
	[tilespmem:$0x1FE80] =	vst v63  }
0x269: {  	_ =	swait.ge [sflag:s30], $0x4000  }
0x26a: {  	[sflag:s30] =	ssyncset.done $0x0  }
0x26b: {  	[sflag:s30] =	ssyncadd.s32 $0xFFFFC000  }
0x26c: {  	_ =	swait.ge [sflag:s31], $0x4000  }
0x26d: {  	[sflag:s31] =	ssyncset.done $0x0  }
0x26e: {  	s24 =	sadd.s32 $0x90, s2;
	[sflag:s31] =	ssyncadd.s32 $0xFFFFC000  }
0x26f: {  	[tilespmem:s6], [sflag:$0x4] =	stream.linear.gather [hbm4b:s24+s0], $0x80, $0x38;
	[tilespmem:$0x1FE80] =	vst v63  }
0x270: {  	s25 =	sadd.s32 $0x9CD0, s2  }
0x271: {  	[tilespmem:s5], [sflag:$0x4] =	stream.linear.gather [hbm4b:s25+s0], $0x80, $0x38;
	[tilespmem:$0x1FE80] =	vst v63  }
0x272: {  	_ =	swait.ge [sflag:s20], $0x80  }
0x273: {  	[sflag:s20] =	ssyncset.done $0x0  }
0x274: {  	[sflag:s20] =	ssyncadd.s32 $0xFFFFFF80  }
0x275: {  	_ =	swait.ge [sflag:s20], $0x80  }
.Ltmp13:
0x276: {  	[sflag:s20] =	ssyncset.done $0x0;
	(pc) =	sbr.rel .LBB2_14-.Ltmp13, $4  }
0x277: {  	s22 =	sadd.s32 $0x60, s22;
	s14 =	simm.s32 $0x500;
	[sflag:s20] =	ssyncadd.s32 $0xFFFFFF80  }
0x278: {  	[tilespmem:s13], [sflag:$0x8] =	stream.indirect.gather [hbm4b:s23+s3], $0x80, s3, s3, $0xb8;
	[tilespmem:$0x1FE80] =	vst v63  }
0x279: {  	s10 =	simm.s32 $0x180;
	s16 =	simm.s32 $0x480;
	s25 =	simm.s32 $0x100  }
0x27a: {  	[spmem:s26] =	stream.indirect.scatter.add.f32 [tilespmem:s8], [sflag:$0xC], $0x80, s28, s3, $0xb8;
	[tilespmem:$0x1FE80] =	vst v63  }
.LBB2_18:
0x27b: {  	s1 =	rddreg [dreg:$0xc]  }
0x27c: {  	s22 =	simm.s32 $0x0;
	s24 =	rddreg [dreg:$0xd]  }
0x27d: {  	[tilespmem:s22], [sflag:$0x1] =	stream.linear.gather [hbm4b:s1+s22], $0x80, $0x38;
	[tilespmem:$0x1FE80] =	vst v63  }
0x27e: {  	s2 =	simm.s32 $0x300;
	s28 =	sld [smem:$0x7F8]  }
0x27f: {  	[tilespmem:s2], [sflag:$0x1] =	stream.linear.gather [hbm4b:s24+s22], $0x80, $0x38;
	[tilespmem:$0x1FE80] =	vst v63  }
0x280: {  	s16 =	sld [smem:$0x7F9]  }
0x281: {  	[tilespmem:s3], [sflag:$0x2] =	stream.linear.gather [hbm4b:s28+s22], $0x80, $0x38;
	[tilespmem:$0x1FE80] =	vst v63  }
0x282: {  	s11 =	simm.s32 $0x380;
	s2 =	rddreg [dreg:$0xe]  }
0x283: {  	[tilespmem:s11], [sflag:$0x2] =	stream.linear.gather [hbm4b:s2+s22], $0x80, $0x38;
	[tilespmem:$0x1FE80] =	vst v63  }
0x284: {  	s17 =	rddreg [dreg:$0xf]  }
0x285: {  	[tilespmem:s25], [sflag:$0x3] =	stream.linear.gather [hbm4b:s16+s22], $0x80, $0x38;
	[tilespmem:$0x1FE80] =	vst v63  }
0x286: {  	s24 =	sld [smem:$0x7FA]  }
0x287: {  	[tilespmem:s5], [sflag:$0x3] =	stream.linear.gather [hbm4b:s17+s22], $0x80, $0x38;
	[tilespmem:$0x1FE80] =	vst v63  }
0x288: {  	_ = 	snop  }
0x289: {  	[tilespmem:s10], [sflag:$0x4] =	stream.linear.gather [hbm4b:s24+s22], $0x80, $0x38;
	[tilespmem:$0x1FE80] =	vst v63  }
0x28a: {  	s28 =	rddreg [dreg:$0x16]  }
0x28b: {  	[tilespmem:s6], [sflag:$0x4] =	stream.linear.gather [hbm4b:s28+s22], $0x80, $0x38;
	[tilespmem:$0x1FE80] =	vst v63  }
0x28c: {  	_ =	swait.ge [sflag:s12], $0x80  }
0x28d: {  	[sflag:s12] =	ssyncset.done $0x0  }
0x28e: {  	[sflag:s12] =	ssyncadd.s32 $0xFFFFFF80  }
0x28f: {  	_ =	swait.ge [sflag:s12], $0x80  }
0x290: {  	[sflag:s12] =	ssyncset.done $0x0  }
0x291: {  	[sflag:s12] =	ssyncadd.s32 $0xFFFFFF80  }
0x292: {  	[tilespmem:s19], [sflag:$0x7] =	stream.indirect.gather [hbm4b:s23+s3], $0x80, s22, s3, $0xb8;
	[tilespmem:$0x1FE80] =	vst v63  }
0x293: {  	_ =	swait.ge [sflag:s20], $0x80  }
0x294: {  	[sflag:s20] =	ssyncset.done $0x0  }
0x295: {  	[sflag:s20] =	ssyncadd.s32 $0xFFFFFF80  }
0x296: {  	_ =	swait.ge [sflag:s20], $0x80  }
0x297: {  	[sflag:s20] =	ssyncset.done $0x0  }
0x298: {  	s16 =	simm.s32 $0x480;
	s6 =	simm.s32 $0x580;
	[sflag:s20] =	ssyncadd.s32 $0xFFFFFF80  }
0x299: {  	[tilespmem:s13], [sflag:$0x8] =	stream.indirect.gather [hbm4b:s23+s3], $0x80, s3, s3, $0xb8;
	[tilespmem:$0x1FE80] =	vst v63  }
.LBB2_19:
0x29a: {  	_ =	swait.ge [sflag:s15], $0x4000  }
0x29b: {  	p4 =	seq.s32 s22, $0x0;
	[sflag:s15] =	ssyncset.done $0x0  }
0x29c: {  	s1 =	simm.s32 @!p4 $0xC;
	[sflag:s15] =	ssyncadd.s32 $0xFFFFC000  }
0x29d: {  	_ =	swait.ge @!p4 [sflag:s1], $0x4000  }
0x29e: {  	s5 =	rddreg [dreg:$0x1a]  }
0x29f: {  	[sflag:s1] =	ssyncset.done @!p4 $0x0;
	s2 =	sadd.s32 s22, s5  }
0x2a0: {  	s17 =	simm.s32 $0x200;
	[sflag:s1] =	ssyncadd.s32 @!p4 $0xFFFFC000;
	s28 =	sadd.s32 $0x40, s2  }
0x2a1: {  	[tilespmem:s17], [sflag:$0x5] =	stream.linear.gather [hbm4b:s28+s0], $0x80, $0x38;
	[tilespmem:$0x1FE80] =	vst v63  }
0x2a2: {  	s11 =	sadd.s32 $0x9C80, s2  }
0x2a3: {  	[tilespmem:s14], [sflag:$0x5] =	stream.linear.gather [hbm4b:s11+s0], $0x80, $0x38;
	[tilespmem:$0x1FE80] =	vst v63  }
0x2a4: {  	_ =	swait.ge [sflag:s4], $0x80  }
0x2a5: {  	[sflag:s4] =	ssyncset.done $0x0  }
0x2a6: {  	[sflag:s4] =	ssyncadd.s32 $0xFFFFFF80  }
0x2a7: {  	_ =	swait.ge [sflag:s4], $0x80  }
0x2a8: {  	[sflag:s4] =	ssyncset.done $0x0  }
0x2a9: {  	[sflag:s4] =	ssyncadd.s32 $0xFFFFFF80  }
0x2aa: {  	[tilespmem:s8], [sflag:$0x9] =	stream.indirect.gather [hbm4b:s23+s3], $0x80, s25, s3, $0xb8;
	[tilespmem:$0x1FE80] =	vst v63  }
0x2ab: {  	s14 =	simm.s32 $0x300  }
0x2ac: {  	[spmem:s26] =	stream.indirect.scatter.add.f32 [tilespmem:s19], [sflag:$0xA], $0x80, s14, s3, $0xb8;
	[tilespmem:$0x1FE80] =	vst v63  }
0x2ad: {  	_ =	swait.ge [sflag:s9], $0x4000  }
0x2ae: {  	[sflag:s9] =	ssyncset.done $0x0  }
0x2af: {  	[sflag:s9] =	ssyncadd.s32 $0xFFFFC000  }
0x2b0: {  	_ =	swait.ge [sflag:s29], $0x4000  }
0x2b1: {  	[sflag:s29] =	ssyncset.done $0x0  }
0x2b2: {  	s24 =	sadd.s32 $0x50, s2;
	s28 =	simm.s32 $0x280;
	[sflag:s29] =	ssyncadd.s32 $0xFFFFC000  }
0x2b3: {  	[tilespmem:s28], [sflag:$0x6] =	stream.linear.gather [hbm4b:s24+s0], $0x80, $0x38;
	[tilespmem:$0x1FE80] =	vst v63  }
0x2b4: {  	s25 =	sadd.s32 $0x9C90, s2  }
0x2b5: {  	[tilespmem:s6], [sflag:$0x6] =	stream.linear.gather [hbm4b:s25+s0], $0x80, $0x38;
	[tilespmem:$0x1FE80] =	vst v63  }
0x2b6: {  	_ =	swait.ge [sflag:s18], $0x80  }
0x2b7: {  	[sflag:s18] =	ssyncset.done $0x0  }
0x2b8: {  	[sflag:s18] =	ssyncadd.s32 $0xFFFFFF80  }
0x2b9: {  	_ =	swait.ge [sflag:s18], $0x80  }
0x2ba: {  	[sflag:s18] =	ssyncset.done $0x0  }
0x2bb: {  	[sflag:s18] =	ssyncadd.s32 $0xFFFFFF80  }
0x2bc: {  	[tilespmem:s19], [sflag:$0x7] =	stream.indirect.gather [hbm4b:s23+s3], $0x80, s10, s3, $0xb8;
	[tilespmem:$0x1FE80] =	vst v63  }
0x2bd: {  	s14 =	simm.s32 $0x380  }
0x2be: {  	[spmem:s26] =	stream.indirect.scatter.add.f32 [tilespmem:s13], [sflag:$0xB], $0x80, s14, s3, $0xb8;
	[tilespmem:$0x1FE80] =	vst v63  }
0x2bf: {  	_ =	swait.ge [sflag:s30], $0x4000  }
0x2c0: {  	[sflag:s30] =	ssyncset.done $0x0  }
0x2c1: {  	[sflag:s30] =	ssyncadd.s32 $0xFFFFC000  }
0x2c2: {  	p4 =	seq.s32 s22, $0x960;
	_ =	swait.ge [sflag:s31], $0x4000  }
0x2c3: {  	s1 =	sadd.s32 @!p4 s22, s5;
	[sflag:s31] =	ssyncset.done $0x0  }
0x2c4: {  	s5 =	sadd.s32 @!p4 $0x60, s1;
	s14 =	simm.s32 @!p4 $0x0;
	[sflag:s31] =	ssyncadd.s32 $0xFFFFC000  }
0x2c5: {  	[tilespmem:s14], [sflag:$0x1] =	stream.linear.gather @!p4 [hbm4b:s5+s14], $0x80, $0x38;
	[tilespmem:$0x1FE80] =	vst v63  }
0x2c6: {  	s25 =	simm.s32 @!p4 $0x300;
	s5 =	sadd.s32 @!p4 $0x9CA0, s1  }
0x2c7: {  	[tilespmem:s25], [sflag:$0x1] =	stream.linear.gather @!p4 [hbm4b:s5+s14], $0x80, $0x38;
	[tilespmem:$0x1FE80] =	vst v63  }
0x2c8: {  	_ =	swait.ge [sflag:s7], $0x80  }
0x2c9: {  	[sflag:s7] =	ssyncset.done $0x0  }
0x2ca: {  	[sflag:s7] =	ssyncadd.s32 $0xFFFFFF80  }
0x2cb: {  	_ =	swait.ge [sflag:s7], $0x80  }
0x2cc: {  	[sflag:s7] =	ssyncset.done $0x0  }
0x2cd: {  	[sflag:s7] =	ssyncadd.s32 $0xFFFFFF80  }
0x2ce: {  	[tilespmem:s13], [sflag:$0x8] =	stream.indirect.gather [hbm4b:s23+s3], $0x80, s17, s3, $0xb8;
	[tilespmem:$0x1FE80] =	vst v63  }
0x2cf: {  	s17 =	simm.s32 $0x400  }
0x2d0: {  	[spmem:s26] =	stream.indirect.scatter.add.f32 [tilespmem:s8], [sflag:$0xC], $0x80, s17, s3, $0xb8;
	[tilespmem:$0x1FE80] =	vst v63  }
0x2d1: {  	_ =	swait.ge [sflag:s15], $0x4000  }
0x2d2: {  	[sflag:s15] =	ssyncset.done $0x0  }
0x2d3: {  	s25 =	simm.s32 $0xC;
	[sflag:s15] =	ssyncadd.s32 $0xFFFFC000  }
0x2d4: {  	_ =	swait.ge [sflag:s25], $0x4000  }
0x2d5: {  	[sflag:s25] =	ssyncset.done $0x0  }
0x2d6: {  	s5 =	sadd.s32 @!p4 $0x70, s1;
	[sflag:s25] =	ssyncadd.s32 $0xFFFFC000;
	s25 =	simm.s32 @!p4 $0x80  }
0x2d7: {  	[tilespmem:s25], [sflag:$0x2] =	stream.linear.gather @!p4 [hbm4b:s5+s14], $0x80, $0x38;
	[tilespmem:$0x1FE80] =	vst v63  }
0x2d8: {  	s1 =	sadd.s32 @!p4 $0x9CB0, s1;
	s5 =	simm.s32 @!p4 $0x380  }
0x2d9: {  	[tilespmem:s5], [sflag:$0x2] =	stream.linear.gather @!p4 [hbm4b:s1+s14], $0x80, $0x38;
	[tilespmem:$0x1FE80] =	vst v63  }
0x2da: {  	_ =	swait.ge [sflag:s21], $0x80  }
0x2db: {  	[sflag:s21] =	ssyncset.done $0x0  }
0x2dc: {  	[sflag:s21] =	ssyncadd.s32 $0xFFFFFF80  }
0x2dd: {  	_ =	swait.ge [sflag:s21], $0x80  }
0x2de: {  	[sflag:s21] =	ssyncset.done $0x0  }
0x2df: {  	[sflag:s21] =	ssyncadd.s32 $0xFFFFFF80  }
0x2e0: {  	[tilespmem:s8], [sflag:$0x9] =	stream.indirect.gather [hbm4b:s23+s3], $0x80, s28, s3, $0xb8;
	[tilespmem:$0x1FE80] =	vst v63  }
0x2e1: {  	_ = 	snop  }
0x2e2: {  	[spmem:s26] =	stream.indirect.scatter.add.f32 [tilespmem:s19], [sflag:$0xA], $0x80, s16, s3, $0xb8;
	[tilespmem:$0x1FE80] =	vst v63  }
0x2e3: {  	_ =	swait.ge [sflag:s9], $0x4000  }
.Ltmp14:
0x2e4: {  	[sflag:s9] =	ssyncset.done $0x0;
	(pc) =	sbr.rel @p4 .LBB2_21-.Ltmp14, $4  }
0x2e5: {  	[sflag:s9] =	ssyncadd.s32 $0xFFFFC000  }
0x2e6: {  	s11 =	simm.s32 $0x580;
	_ =	swait.ge [sflag:s29], $0x4000  }
0x2e7: {  	s24 =	simm.s32 $0x500;
	s6 =	simm.s32 $0x180;
	[sflag:s29] =	ssyncset.done $0x0  }
0x2e8: {  	s10 =	simm.s32 $0x100;
	s5 =	simm.s32 $0x480;
	[sflag:s29] =	ssyncadd.s32 $0xFFFFC000  }
0x2e9: {  	s1 =	sadd.s32 $0x80, s2  }
0x2ea: {  	[tilespmem:s10], [sflag:$0x3] =	stream.linear.gather [hbm4b:s1+s0], $0x80, $0x38;
	[tilespmem:$0x1FE80] =	vst v63  }
0x2eb: {  	s16 =	sadd.s32 $0x9CC0, s2;
	s17 =	simm.s32 $0x400  }
0x2ec: {  	[tilespmem:s17], [sflag:$0x3] =	stream.linear.gather [hbm4b:s16+s0], $0x80, $0x38;
	[tilespmem:$0x1FE80] =	vst v63  }
0x2ed: {  	_ =	swait.ge [sflag:s12], $0x80  }
0x2ee: {  	[sflag:s12] =	ssyncset.done $0x0  }
0x2ef: {  	[sflag:s12] =	ssyncadd.s32 $0xFFFFFF80  }
0x2f0: {  	_ =	swait.ge [sflag:s12], $0x80  }
0x2f1: {  	[sflag:s12] =	ssyncset.done $0x0  }
0x2f2: {  	[sflag:s12] =	ssyncadd.s32 $0xFFFFFF80  }
0x2f3: {  	[tilespmem:s19], [sflag:$0x7] =	stream.indirect.gather [hbm4b:s23+s3], $0x80, s0, s3, $0xb8;
	[tilespmem:$0x1FE80] =	vst v63  }
0x2f4: {  	_ = 	snop  }
0x2f5: {  	[spmem:s26] =	stream.indirect.scatter.add.f32 [tilespmem:s13], [sflag:$0xB], $0x80, s24, s3, $0xb8;
	[tilespmem:$0x1FE80] =	vst v63  }
0x2f6: {  	_ =	swait.ge [sflag:s30], $0x4000  }
0x2f7: {  	[sflag:s30] =	ssyncset.done $0x0  }
0x2f8: {  	[sflag:s30] =	ssyncadd.s32 $0xFFFFC000  }
0x2f9: {  	_ =	swait.ge [sflag:s31], $0x4000  }
0x2fa: {  	[sflag:s31] =	ssyncset.done $0x0  }
0x2fb: {  	s25 =	sadd.s32 $0x90, s2;
	[sflag:s31] =	ssyncadd.s32 $0xFFFFC000  }
0x2fc: {  	[tilespmem:s6], [sflag:$0x4] =	stream.linear.gather [hbm4b:s25+s0], $0x80, $0x38;
	[tilespmem:$0x1FE80] =	vst v63  }
0x2fd: {  	s28 =	sadd.s32 $0x9CD0, s2  }
0x2fe: {  	[tilespmem:s5], [sflag:$0x4] =	stream.linear.gather [hbm4b:s28+s0], $0x80, $0x38;
	[tilespmem:$0x1FE80] =	vst v63  }
0x2ff: {  	_ =	swait.ge [sflag:s20], $0x80  }
0x300: {  	[sflag:s20] =	ssyncset.done $0x0  }
0x301: {  	[sflag:s20] =	ssyncadd.s32 $0xFFFFFF80  }
0x302: {  	_ =	swait.ge [sflag:s20], $0x80  }
.Ltmp15:
0x303: {  	s22 =	sadd.s32 $0x60, s22;
	[sflag:s20] =	ssyncset.done $0x0;
	(pc) =	sbr.rel .LBB2_19-.Ltmp15, $4  }
0x304: {  	s14 =	simm.s32 $0x500;
	s10 =	simm.s32 $0x180;
	[sflag:s20] =	ssyncadd.s32 $0xFFFFFF80  }
0x305: {  	[tilespmem:s13], [sflag:$0x8] =	stream.indirect.gather [hbm4b:s23+s3], $0x80, s3, s3, $0xb8;
	[tilespmem:$0x1FE80] =	vst v63  }
0x306: {  	s16 =	simm.s32 $0x480;
	s6 =	simm.s32 $0x580;
	s25 =	simm.s32 $0x100  }
0x307: {  	[spmem:s26] =	stream.indirect.scatter.add.f32 [tilespmem:s8], [sflag:$0xC], $0x80, s6, s3, $0xb8;
	[tilespmem:$0x1FE80] =	vst v63  }
.LBB2_21:
0x308: {  	[spmem:s26] =	stream.indirect.scatter.add.f32 [tilespmem:s13], [sflag:$0xB], $0x80, s24, s3, $0xb8;
	[tilespmem:$0x1FE80] =	vst v63  }
0x309: {  	_ =	swait.ge [sflag:s30], $0x4000  }
0x30a: {  	[sflag:s30] =	ssyncset.done $0x0  }
0x30b: {  	[sflag:s30] =	ssyncadd.s32 $0xFFFFC000  }
0x30c: {  	_ =	swait.ge [sflag:s31], $0x4000  }
0x30d: {  	[sflag:s31] =	ssyncset.done $0x0  }
0x30e: {  	s1 =	simm.s32 $0xC;
	[sflag:s31] =	ssyncadd.s32 $0xFFFFC000  }
0x30f: {  	[spmem:s26] =	stream.indirect.scatter.add.f32 [tilespmem:s8], [sflag:$0xC], $0x80, s11, s3, $0xb8;
	[tilespmem:$0x1FE80] =	vst v63  }
0x310: {  	_ =	swait.ge [sflag:s1], $0x4000  }
0x311: {  	s2 =	sld [smem:$0x7E3]  }
0x312: {  	[sflag:s1] =	ssyncset.done $0x0  }
0x313: {  	s5 =	sld [smem:$0x7E4];
	[sflag:s1] =	ssyncadd.s32 $0xFFFFC000;
	s1 =	simm.s32 @!p2 $0x0  }
0x314: {  	[tilespmem:s1], [sflag:$0x1] =	stream.linear.gather @!p2 [hbm4b:s2+s1], $0x80, $0x38;
	[tilespmem:$0x1FE80] =	vst v63  }
0x315: {  	s2 =	simm.s32 @!p2 $0x300  }
0x316: {  	[tilespmem:s2], [sflag:$0x1] =	stream.linear.gather @!p2 [hbm4b:s5+s1], $0x80, $0x38;
	[tilespmem:$0x1FE80] =	vst v63  }
0x317: {  	s5 =	simm.s32 @!p2 $0x1  }
0x318: {  	_ =	swait.ge @!p2 [sflag:s5], $0x80  }
0x319: {  	[sflag:s5] =	ssyncset.done @!p2 $0x0  }
0x31a: {  	[sflag:s5] =	ssyncadd.s32 @!p2 $0xFFFFFF80  }
0x31b: {  	_ =	swait.ge @!p2 [sflag:s5], $0x80  }
0x31c: {  	[sflag:s5] =	ssyncset.done @!p2 $0x0  }
0x31d: {  	s14 =	simm.s32 @!p2 $0x600;
	[sflag:s5] =	ssyncadd.s32 @!p2 $0xFFFFFF80;
	s5 =	simm.s32 @!p2 $0x80  }
0x31e: {  	[tilespmem:s14], [sflag:$0x7] =	stream.indirect.gather @!p2 [hbm4b:s23+s5], $0x80, s1, s5, $0xb8;
	[tilespmem:$0x1FE80] =	vst v63  }
0x31f: {  	s1 =	simm.s32 @!p2 $0x7  }
0x320: {  	_ =	swait.ge @!p2 [sflag:s1], $0x4000  }
0x321: {  	[sflag:s1] =	ssyncset.done @!p2 $0x0  }
0x322: {  	[sflag:s1] =	ssyncadd.s32 @!p2 $0xFFFFC000;
	s1 =	simm.s32 @!p2 $0xD  }
0x323: {  	[spmem:s26] =	stream.indirect.scatter.add.f32 @!p2 [tilespmem:s14], [sflag:$0xD], $0x80, s2, s5, $0xb8;
	[tilespmem:$0x1FE80] =	vst v63  }
.Ltmp16:
0x324: {  	_ =	swait.ge @!p2 [sflag:s1], $0x4000;
	(pc) =	sbr.rel @!p0 .LBB2_22-.Ltmp16, $4  }
0x325: {  	[sflag:s1] =	ssyncset.done @!p2 $0x0  }
0x326: {  	[sflag:s1] =	ssyncadd.s32 @!p2 $0xFFFFC000  }
0x327: {  	[bflag:$0x0] =	sbarrier.arrive $0xFFFF  }
0x328: {  	s25 =	simm.s32 $0x100;
	s28 =	simm.s32 $0x580  }
0x329: {  	s1 =	sld [smem:$0x7E9]  }
0x32a: {  	s2 =	sld [smem:$0x7DF];
	_ =	sdelay $0x1  }
0x32b: {  	s22 =	rddreg [dreg:$0x1e]  }
0x32c: {  	[hbm:s1], [sflag:s22] =	dma.local [spmem:s2], $0x2700  }
.Ltmp17:
0x32d: {  	_ = 	snop;
	(pc) =	sbr.rel @p1 .LBB2_25-.Ltmp17, $4  }
.Ltmp18:
0x32e: {  	s5 =	simm.s32 $0xD;
	(pc) =	sbr.rel @!p1 .LBB2_24-.Ltmp18, $4  }
0x32f: {  	_ =	swait.ge [sflag:s5], $0x2700  }
0x330: {  	[sflag:s5] =	ssyncset.done $0x0;
	s2 =	sld [smem:$0x7ED]  }
0x331: {  	s10 =	simm.s32 $0x400;
	s6 =	sld [smem:$0x7DE];
	[sflag:s5] =	ssyncadd.s32 $0xFFFFD900  }
0x332: {  	_ = 	snop  }
.LBB2_16:
0x333: {  	[spmem:s26] =	stream.indirect.scatter.add.f32 [tilespmem:s13], [sflag:$0xB], $0x80, s24, s3, $0xb8;
	[tilespmem:$0x1FE80] =	vst v63  }
0x334: {  	_ =	swait.ge [sflag:s30], $0x4000  }
0x335: {  	[sflag:s30] =	ssyncset.done $0x0  }
0x336: {  	[sflag:s30] =	ssyncadd.s32 $0xFFFFC000  }
0x337: {  	_ =	swait.ge [sflag:s31], $0x4000  }
0x338: {  	[sflag:s31] =	ssyncset.done $0x0  }
0x339: {  	s1 =	simm.s32 $0xC;
	[sflag:s31] =	ssyncadd.s32 $0xFFFFC000  }
0x33a: {  	[spmem:s26] =	stream.indirect.scatter.add.f32 [tilespmem:s8], [sflag:$0xC], $0x80, s28, s3, $0xb8;
	[tilespmem:$0x1FE80] =	vst v63  }
0x33b: {  	_ =	swait.ge [sflag:s1], $0x4000  }
0x33c: {  	s2 =	sld [smem:$0x7E5]  }
0x33d: {  	[sflag:s1] =	ssyncset.done $0x0  }
0x33e: {  	s5 =	sld [smem:$0x7E6];
	[sflag:s1] =	ssyncadd.s32 $0xFFFFC000;
	s1 =	simm.s32 @!p2 $0x0  }
0x33f: {  	[tilespmem:s1], [sflag:$0x1] =	stream.linear.gather @!p2 [hbm4b:s2+s1], $0x80, $0x38;
	[tilespmem:$0x1FE80] =	vst v63  }
0x340: {  	s2 =	simm.s32 @!p2 $0x300  }
0x341: {  	[tilespmem:s2], [sflag:$0x1] =	stream.linear.gather @!p2 [hbm4b:s5+s1], $0x80, $0x38;
	[tilespmem:$0x1FE80] =	vst v63  }
0x342: {  	s5 =	simm.s32 @!p2 $0x1  }
0x343: {  	_ =	swait.ge @!p2 [sflag:s5], $0x80  }
0x344: {  	[sflag:s5] =	ssyncset.done @!p2 $0x0  }
0x345: {  	[sflag:s5] =	ssyncadd.s32 @!p2 $0xFFFFFF80  }
0x346: {  	_ =	swait.ge @!p2 [sflag:s5], $0x80  }
0x347: {  	[sflag:s5] =	ssyncset.done @!p2 $0x0  }
0x348: {  	s14 =	simm.s32 @!p2 $0x600;
	[sflag:s5] =	ssyncadd.s32 @!p2 $0xFFFFFF80;
	s5 =	simm.s32 @!p2 $0x80  }
0x349: {  	[tilespmem:s14], [sflag:$0x7] =	stream.indirect.gather @!p2 [hbm4b:s23+s5], $0x80, s1, s5, $0xb8;
	[tilespmem:$0x1FE80] =	vst v63  }
0x34a: {  	s1 =	simm.s32 @!p2 $0x7  }
0x34b: {  	_ =	swait.ge @!p2 [sflag:s1], $0x4000  }
0x34c: {  	[sflag:s1] =	ssyncset.done @!p2 $0x0  }
0x34d: {  	[sflag:s1] =	ssyncadd.s32 @!p2 $0xFFFFC000;
	s1 =	simm.s32 @!p2 $0xD  }
0x34e: {  	[spmem:s26] =	stream.indirect.scatter.add.f32 @!p2 [tilespmem:s14], [sflag:$0xD], $0x80, s2, s5, $0xb8;
	[tilespmem:$0x1FE80] =	vst v63  }
0x34f: {  	_ =	swait.ge @!p2 [sflag:s1], $0x4000  }
0x350: {  	[sflag:s1] =	ssyncset.done @!p2 $0x0  }
0x351: {  	[sflag:s1] =	ssyncadd.s32 @!p2 $0xFFFFC000  }
0x352: {  	s25 =	simm.s32 $0x100;
	[bflag:$0x0] =	sbarrier.arrive $0xFFFF  }
.LBB2_22:
0x353: {  	s1 =	sld [smem:$0x7EA]  }
0x354: {  	s2 =	sld [smem:$0x7DF];
	_ =	sdelay $0x1  }
0x355: {  	s22 =	rddreg [dreg:$0x1e]  }
0x356: {  	[hbm:s1], [sflag:s22] =	dma.local [spmem:s2], $0x2700  }
.Ltmp19:
0x357: {  	_ = 	snop;
	(pc) =	sbr.rel @!p3 .LBB2_25-.Ltmp19, $4  }
.Ltmp20:
0x358: {  	s5 =	simm.s32 $0xD;
	(pc) =	sbr.rel @p3 .LBB2_24-.Ltmp20, $4  }
0x359: {  	_ =	swait.ge [sflag:s5], $0x2700  }
0x35a: {  	[sflag:s5] =	ssyncset.done $0x0;
	s2 =	sld [smem:$0x7EE]  }
0x35b: {  	s10 =	simm.s32 $0x400;
	s6 =	sld [smem:$0x7DE];
	[sflag:s5] =	ssyncadd.s32 $0xFFFFD900  }
0x35c: {  	_ = 	snop  }
.LBB2_26:
0x35d: {  	_ =	sfence.sel $0x180000  }
0x35e: {  	[bflag:$0x0] =	sbarrier.arrive $0xFFFF  }
0x35f: {  	_ =	strace $0x90000047  }
0x360: {  	[bflag:$0x2] =	sbarrier.arrive $0xFFFF  }
0x361: {  	s0 =	rddreg [dreg:$0x3]  }
0x362: {  	s0 =	sadd.s32 @!p1 $0x100000, s0  }
0x363: {  	[sflag:s0] =	ssyncadd.tile.s32 @!p1 $0x1;
	_ =	shalt  }
.Lfunc_end2:
_tile_overlayer_lowered:
.L_overlay_start_2:
0x364: {  	(tag) =	ssettag $0x2  }
0x365: {  	s0 =	rddreg [dreg:$0x0];
	s2 =	stileid.u32  }
0x366: {  	s1 =	rddreg [dreg:$0x1];
	p0 =	sne.s32 s2, $0x0  }
0x367: {  	s3 =	rddreg [dreg:$0x2];
	[bflag:$0x3] =	sbarrier.arrive $0xFFFF;
	s2 =	simm.s32 @!p0 $0x1C0D  }
0x368: {  	[timem:s3], [sflag:s2] =	dma.local @!p0 [hbm:s0], s1  }
0x369: {  	s0 =	simm.s32 @!p0 $0xD  }
0x36a: {  	_ =	swait.ge @!p0 [sflag:s0], s1  }
0x36b: {  	s1 =	ssub.s32 @!p0 $0x0, s1;
	[sflag:s0] =	ssyncset.done @!p0 $0x0  }
0x36c: {  	[sflag:s0] =	ssyncadd.s32 @!p0 s1  }
0x36d: {  	[bflag:$0x3] =	sbarrier.arrive $0xFFFF  }
0x36e: {  	_ =	shalt  }

// kernel: kernel.9.cloned.1.call-start
scs
__scs_entry_jumppad:
0x0: {  	(pc) =	sbr.rel $0x88, $3  }
0x1: {  	(tag) =	ssettag $0x0;
	lr =	simm.s32 $0x1  }
0x2: {  	[smem:$0x3F88] =	sst lr;
	_ =	strace $0xD0000000  }
0x3: {  	_ = 	snop  }
0x4: {  	_ = 	snop  }
0x5: {  	_ = 	snop  }
0x6: {  	_ = 	snop  }
0x7: {  	_ = 	snop  }
__scs_overlays_trampoline_lowered:
0x8: {  	[smem:$0x3F97] =	sst s0  }
0x9: {  	[smem:$0x3F98] =	sst s1  }
0xa: {  	[smem:$0x3F99] =	sst s2  }
0xb: {  	[smem:$0x3F9A] =	sst s3  }
0xc: {  	[smem:$0x3F9B] =	sst s4  }
0xd: {  	[smem:$0x3F9C] =	sst s5  }
0xe: {  	[smem:$0x3F9D] =	sst s6  }
0xf: {  	[smem:$0x3F9E] =	sst s7  }
0x10: {  	[smem:$0x3F9F] =	sst s8  }
0x11: {  	[smem:$0x3FA0] =	sst s9;
	s0 =	simm.s32 @!p0 $0x0  }
0x12: {  	s1 =	sld [smem:$0x3F86];
	s0 =	simm.s32 @p0 $0x1  }
0x13: {  	[smem:$0x3FA1] =	sst s0;
	s0 =	simm.s32 @!p1 $0x0  }
0x14: {  	s2 =	sld [smem:$0x3F85];
	s0 =	simm.s32 @p1 $0x1  }
0x15: {  	[smem:$0x3FA2] =	sst s0;
	s0 =	simm.s32 @!p2 $0x0  }
0x16: {  	s3 =	sld [smem:$0x3FDB];
	s0 =	simm.s32 @p2 $0x1  }
0x17: {  	s4 =	simm.s32 $0x1BF5;
	[smem:$0x3FA4] =	sst s0  }
0x18: {  	s0 =	sld [smem:$0x3F87];
	_ =	swait.ge [sflag:s4], $0x0  }
0x19: {  	s7 =	sld [smem:$0x3F88]  }
0x1a: {  	s8 =	sadd.s32 $0xFFFFE003, lr  }
0x1b: {  	s9 =	sadd.s32 $0xFFFFFEF7, lr;
	s5 =	simm.s32 $0xFFFFFFFF;
	p2 =	slt.u32 s8, $0xFFFFF086  }
0x1c: {  	p1 =	slt.u32 s9, $0xF7A;
	s5 =	simm.s32 @!p2 $0x0  }
0x1d: {  	s5 =	simm.s32 @p1 $0x1;
	p0 =	seq.s32 s7, s2  }
0x1e: {  	s7 =	smul.u32 @!p0 $0xF7A, s2;
	p2 =	seq.s32 @!p0 s5, $0x0  }
0x1f: {  	s9 =	smul.u32 $0xF7A, s1;
	s8 =	simm.s32 @!p0 $0x1BF5;
	p2 =	por !p2, p0  }
0x20: {  	[sflag:s8] =	ssyncset.s32 @!p0 $0xFFFFF086;
	s6 =	sadd.s32 @!p0 s3, s7;
	s7 =	simm.s32 @!p0 $0x108  }
0x21: {  	s3 =	sadd.s32 s3, s9;
	s6 =	sadd.s32 @!p0 $0x88, s6;
	s7 =	simm.s32 @p2 $0x1082  }
0x22: {  	[simem:s7], [sflag:s8] =	dma.local @!p0 [hbm:s6], $0xF7A  }
0x23: {  	s9 =	sor.u32 $0xD0000000, s2;
	s6 =	simm.s32 $0x108;
	_ =	swait.ge @!p0 [sflag:s8], $0x0  }
0x24: {  	s3 =	sadd.s32 $0x88, s3;
	s6 =	simm.s32 @!p1 $0x1082;
	[sflag:s4] =	ssyncset.s32 $0xFFFFF086  }
0x25: {  	[simem:s6], [sflag:s4] =	dma.local [hbm:s3], $0xF7A  }
0x26: {  	[smem:$0x3F88] =	sst s1;
	(tag) =	ssettag s2;
	_ =	strace s9  }
0x27: {  	s1 =	sld [smem:$0x3F98]  }
0x28: {  	s2 =	sld [smem:$0x3F99]  }
0x29: {  	s4 =	sld [smem:$0x3F9B]  }
0x2a: {  	p0 =	seq.s32 s5, $0x0;
	s5 =	sld [smem:$0x3F9C]  }
0x2b: {  	s6 =	sld [smem:$0x3F9D]  }
0x2c: {  	s7 =	sld [smem:$0x3F9E]  }
0x2d: {  	s3 =	simm.s32 $0x108;
	s8 =	sld [smem:$0x3F9F]  }
0x2e: {  	s3 =	simm.s32 @!p0 $0x1082;
	s9 =	sld [smem:$0x3FA0]  }
0x2f: {  	lr =	sadd.s32 s0, s3;
	s0 =	sld [smem:$0x3F97]  }
0x30: {  	s3 =	sld [smem:$0x3F9A]  }
0x31: {  	[smem:$0x3FA3] =	sst s10  }
0x32: {  	s10 =	sld [smem:$0x3FA1];
	_ =	sdelay $0x3  }
0x33: {  	p0 =	seq.s32 s10, $0x1;
	s10 =	sld [smem:$0x3FA3];
	_ =	sdelay $0x3  }
0x34: {  	[smem:$0x3FA3] =	sst s10  }
0x35: {  	s10 =	sld [smem:$0x3FA2];
	_ =	sdelay $0x3  }
0x36: {  	p1 =	seq.s32 s10, $0x1;
	s10 =	sld [smem:$0x3FA3];
	_ =	sdelay $0x3  }
0x37: {  	[smem:$0x3FA3] =	sst s10  }
0x38: {  	s10 =	sld [smem:$0x3FA4]  }
0x39: {  	_ = 	snop;
	(pc) =	sbr.ind lr, $3  }
0x3a: {  	_ = 	snop  }
0x3b: {  	_ = 	snop  }
0x3c: {  	p2 =	seq.s32 s10, $0x1;
	s10 =	sld [smem:$0x3FA3]  }
0x3d: {  	_ =	shalt  }
0x3e: {  	_ =	shalt  }
0x3f: {  	_ =	shalt  }
0x40: {  	_ =	shalt  }
0x41: {  	_ =	shalt  }
0x42: {  	_ =	shalt  }
0x43: {  	_ =	shalt  }
0x44: {  	_ =	shalt  }
0x45: {  	_ =	shalt  }
0x46: {  	_ =	shalt  }
0x47: {  	_ =	shalt  }
0x48: {  	_ =	shalt  }
0x49: {  	_ =	shalt  }
0x4a: {  	_ =	shalt  }
0x4b: {  	_ =	shalt  }
0x4c: {  	_ =	shalt  }
0x4d: {  	_ =	shalt  }
0x4e: {  	_ =	shalt  }
0x4f: {  	_ =	shalt  }
0x50: {  	_ =	shalt  }
0x51: {  	_ =	shalt  }
0x52: {  	_ =	shalt  }
0x53: {  	_ =	shalt  }
0x54: {  	_ =	shalt  }
0x55: {  	_ =	shalt  }
0x56: {  	_ =	shalt  }
0x57: {  	_ =	shalt  }
0x58: {  	_ =	shalt  }
0x59: {  	_ =	shalt  }
0x5a: {  	_ =	shalt  }
0x5b: {  	_ =	shalt  }
0x5c: {  	_ =	shalt  }
0x5d: {  	_ =	shalt  }
0x5e: {  	_ =	shalt  }
0x5f: {  	_ =	shalt  }
0x60: {  	_ =	shalt  }
0x61: {  	_ =	shalt  }
0x62: {  	_ =	shalt  }
0x63: {  	_ =	shalt  }
0x64: {  	_ =	shalt  }
0x65: {  	_ =	shalt  }
0x66: {  	_ =	shalt  }
0x67: {  	_ =	shalt  }
0x68: {  	_ =	shalt  }
0x69: {  	_ =	shalt  }
0x6a: {  	_ =	shalt  }
0x6b: {  	_ =	shalt  }
0x6c: {  	_ =	shalt  }
0x6d: {  	_ =	shalt  }
0x6e: {  	_ =	shalt  }
0x6f: {  	_ =	shalt  }
0x70: {  	_ =	shalt  }
0x71: {  	_ =	shalt  }
0x72: {  	_ =	shalt  }
0x73: {  	_ =	shalt  }
0x74: {  	_ =	shalt  }
0x75: {  	_ =	shalt  }
0x76: {  	_ =	shalt  }
0x77: {  	_ =	shalt  }
0x78: {  	_ =	shalt  }
0x79: {  	_ =	shalt  }
0x7a: {  	_ =	shalt  }
0x7b: {  	_ =	shalt  }
0x7c: {  	_ =	shalt  }
0x7d: {  	_ =	shalt  }
0x7e: {  	_ =	shalt  }
0x7f: {  	_ =	shalt  }
0x80: {  	_ =	shalt  }
0x81: {  	_ =	shalt  }
0x82: {  	_ =	shalt  }
0x83: {  	_ =	shalt  }
0x84: {  	_ =	shalt  }
0x85: {  	_ =	shalt  }
0x86: {  	_ =	shalt  }
0x87: {  	_ =	shalt  }
.Lfunc_end0:
.L_simem_size_0:
called_computation.1_lowered:
.L_overlay_start_0:
0x88: {  	s2 =	sld [smem:$0x3FD9]  }
0x89: {  	s3 =	sld [smem:$0x3FFE];
	_ =	sdelay $0x1  }
0x8a: {  	s1 =	srdreg.scid  }
0x8b: {  	s0 =	sand.u32 $0x1, s1  }
0x8c: {  	s14 =	sshll.u32 s0, $0xA;
	s2 =	sadd.s32 s3, s2  }
0x8d: {  	s2 =	sadd.s32 s2, s14  }
0x8e: {  	[smem:$0x3FAF] =	sst s2  }
0x8f: {  	_ = 	snop  }
0x90: {  	s2 =	sld [smem:$0x3FD0];
	_ =	sdelay $0x2  }
0x91: {  	s15 =	simm.s32 $0xA;
	s4 =	simm.s32 $0x10  }
0x92: {  	[smem:s4], [sflag:s15] =	dma.local [hbm:s2], $0x1  }
0x93: {  	_ =	swait.eq [sflag:s15], $0x1  }
0x94: {  	[sflag:s15] =	ssyncset.done $0x0  }
0x95: {  	[sflag:s15] =	ssyncadd.s32 $0xFFFFFFFF  }
0x96: {  	s16 =	sld [smem:$0x11];
	(tm) =	ssettm $0x1  }
0x97: {  	s17 =	sld [smem:$0x3FFB];
	_ =	sdelay $0x3  }
0x98: {  	_ =	strace s17  }
0x99: {  	s3 =	sld [smem:$0x3FFC];
	_ =	sdelay $0x3  }
0x9a: {  	_ =	strace s3  }
0x9b: {  	s3 =	sld [smem:$0x3FFD];
	_ =	sdelay $0x3  }
0x9c: {  	_ =	strace s3  }
0x9d: {  	_ =	strace $0x8FFFFFFF  }
0x9e: {  	s18 =	sld [smem:$0x3FDB];
	_ =	sdelay $0x1  }
0x9f: {  	s19 =	simm.s32 $_scs_section_size  }
0xa0: {  	s5 =	simm.s32 $_size__tile_overlayer_lowered;
	s6 =	simm.s32 $_tile_overlayer_lowered  }
0xa1: {  	s22 =	simm.s32 $0x1BFF;
	s21 =	sshll.u32 s6, $0x1;
	s3 =	sadd.s32 s19, s18  }
0xa2: {  	s7 =	simm.s32 $0x0;
	s20 =	sshll.u32 s5, $0x1;
	s5 =	sadd.s32 s21, s3  }
0xa3: {  	[timem:s7], [sflag:s22] =	dma.local [hbm:s5], s20  }
0xa4: {  	_ =	swait.ge [sflag:s22], s20  }
0xa5: {  	s4 =	ssub.s32 $0x0, s20;
	[sflag:s22] =	ssyncset.done $0x0  }
0xa6: {  	[sflag:s22] =	ssyncadd.s32 s4;
	_ =	sdelay $0x1  }
0xa7: {  	s23 =	simm.s32 $0x1B8B  }
0xa8: {  	_ =	swait.ge [sflag:s23], $0x1  }
0xa9: {  	[sflag:s23] =	ssyncset.done $0x0  }
0xaa: {  	s25 =	simm.s32 $0x1B8E;
	s24 =	sld [smem:$0x3FFE];
	[sflag:s23] =	ssyncadd.s32 $0xFFFFFFFF  }
0xab: {  	s26 =	simm.s32 $execute0_lowered;
	[smem:$0x3FD2] =	sst s25  }
0xac: {  	s5 =	sshll.u32 s26, $0x1;
	_ =	strace $0x80000049;
	[dreg:$0x1] =	wrdreg $0xFFFFFFFF  }
0xad: {  	s28 =	simm.s32 $_size_execute0_lowered;
	s3 =	sadd.s32 s3, s5;
	[dreg:$0x0] =	wrdreg $0x0  }
0xae: {  	s5 =	sshll.u32 s28, $0x1;
	[dreg:$0x2] =	wrdreg s3  }
0xaf: {  	[dreg:$0x3] =	wrdreg s5  }
0xb0: {  	[dreg:$0x4] =	wrdreg $0xC0  }
0xb1: {  	_ =	task [dreg:s7], $0x5FFFF  }
0xb2: {  	[dreg:$0x1] =	wrdreg $0xFFFFFFFF  }
0xb3: {  	[dreg:$0x0] =	wrdreg $0x60  }
0xb4: {  	[dreg:$0x2] =	wrdreg s16  }
0xb5: {  	[dreg:$0x3] =	wrdreg s24  }
0xb6: {  	[dreg:$0x4] =	wrdreg $0x9  }
0xb7: {  	_ =	task.clear_ibuf [dreg:s7], $0x5FFFF;
	_ =	strace $0x90000049  }
0xb8: {  	s29 =	simm.s32 $0x9;
	_ =	strace $0x8000004B  }
0xb9: {  	_ =	swait.ge [sflag:s29], $0x1  }
0xba: {  	[sflag:s29] =	ssyncadd.s32 $0xFFFFFFFF  }
0xbb: {  	_ =	strace $0x9000004B  }
0xbc: {  	_ =	sfence  }
0xbd: {  	s30 =	sld [smem:$0x0];
	_ =	sdelay $0x2  }
0xbe: {  	s31 =	sshll.u32 s1, $0xD;
	s1 =	sshrl.u32 s1, $0x2  }
0xbf: {  	s3 =	sand.u32 $0x4000, s31;
	s1 =	sadd.s32 s1, s30  }
0xc0: {  	s0 =	sor.u32 s3, s0;
	s1 =	sshll.u32 s1, $0x11  }
0xc1: {  	s0 =	sor.u32 s1, s0  }
0xc2: {  	s0 =	sadd.s32 $0x8F2B, s0  }
0xc3: {  	[sflag:s0] =	ssyncadd.remote.s32 $0x1  }
0xc4: {  	_ =	sfence.sel $0xFFFF  }
0xc5: {  	[dreg:$0x0] =	wrdreg $0xFFFFFFFF;
	(pc) =	sbr.abs _section_cstart, $3  }
0xc6: {  	[dreg:$0x1] =	wrdreg $0xFFFFFFFF  }
0xc7: {  	_ =	task.clear_ibuf [dreg:s7], $0x2FFFF;
	_ =	strace $0x9FFFFFFF  }
0xc8: {  	(tm) =	ssettm $0x7FFFFFFF  }
0xc9: {  	_ =	shalt  }
tec
execute0_lowered:
.L_overlay_start_1:
0x0: {  	(tag) =	ssettag $0x1  }
0x1: {  	s2 =	rddreg [dreg:$0x0]  }
0x2: {  	s1 =	srdreg.scid;
	s0 =	stileid.u32  }
0x3: {  	s4 =	rddreg [dreg:$0x1];
	s3 =	simm.s32 $0x0;
	s11 =	simm.s32 $0xA8C0  }
0x4: {  	s12 =	simm.s32 $0xB540;
	s5 =	sand.u32 $0x1, s1;
	s6 =	sshll.u32 s0, $0x1  }
0x5: {  	s13 =	simm.s32 $0xC1C0;
	s1 =	rddreg [dreg:$0x2];
	s6 =	sor.u32 s5, s6  }
0x6: {  	s14 =	simm.s32 $0x0;
	[smem:$0x7FF] =	sst s3;
	s6 =	smul.u32 $0xC80, s6  }
0x7: {  	s7 =	sadd.s32 $0xF0A00, s4;
	s8 =	sadd.s32 $0x5E00, s4;
	s5 =	ssub.s32 $0x2, s5  }
0x8: {  	_ =	strace $0x8000004A;
	s31 =	sshrl.u32 s5, $0x1;
	s6 =	sshrl.u32 s6, $0x3  }
0x9: {  	s10 =	ssub.s32 s5, s31;
	s9 =	sadd.s32 $0x3200, s6;
	s4 =	sadd.s32 s7, s6  }
0xa: {  	s6 =	sadd.s32 s8, s6;
	s5 =	sadd.s32 s7, s9;
	s7 =	sadd.s32 s8, s9  }
0xb: {  	s8 =	smax.u32 s10, $0x1;
	s9 =	simm.s32 $0x1;
	s10 =	simm.s32 $0x9C40  }
.LBB2_1:
0xc: {  	[tilespmem:s3], [sflag:$0x1] =	stream.linear.gather [hbm4b:s2+s3], $0x9C40, $0x38;
	[tilespmem:$0xCE40] =	vst v63  }
0xd: {  	_ =	swait.ge [sflag:s9], $0x9C40  }
0xe: {  	[sflag:s9] =	ssyncset.done $0x0  }
0xf: {  	[sflag:s9] =	ssyncadd.s32 $0xFFFF63C0  }
0x10: {  	[tilespmem:s10], [sflag:$0x1] =	stream.linear.gather [hbm4b:s4+s3], $0xC80, $0x38;
	[tilespmem:$0xCE40] =	vst v63  }
0x11: {  	_ =	swait.ge [sflag:s9], $0xC80  }
0x12: {  	[sflag:s9] =	ssyncset.done $0x0  }
0x13: {  	[sflag:s9] =	ssyncadd.s32 $0xFFFFF380  }
0x14: {  	[tilespmem:s11], [sflag:$0x1] =	stream.linear.gather [hbm4b:s5+s3], $0xC80, $0x38;
	[tilespmem:$0xCE40] =	vst v63  }
0x15: {  	_ =	swait.ge [sflag:s9], $0xC80  }
0x16: {  	[sflag:s9] =	ssyncset.done $0x0  }
0x17: {  	s16 =	simm.s32 $0x0;
	[sflag:s9] =	ssyncadd.s32 $0xFFFFF380  }
0x18: {  	v0 =	vld [tilespmem:s16+$0xA8C0]  }
0x19: {  	v1 =	vld [tilespmem:s16+$0x9C40];
	_ =	sdelay $0x4  }
0x1a: {  	v0 =	vshll.u32 v0, $0x2;
	v3 =	vshll.u32 v1, $0x2  }
0x1b: {  	v4 =	vor.u32 $0x3, v0  }
0x1c: {  	s15 =	simm.s32 $0x10;
	v5 =	vor.u32 $0x1, v3  }
0x1d: {  	v2 =	vld [tilespmem:s15+$0xA8C0];
	v6 =	vor.u32 $0x2, v0  }
0x1e: {  	v1 =	vld [tilespmem:s15+$0x9C40]  }
0x1f: {  	v0 =	vld.idx.msk [tilespmem:v3+s3+$0x0], $0xffff  }
0x20: {  	v3 =	vld.idx.msk [tilespmem:v4+s3+$0x0], $0xffff  }
0x21: {  	v5 =	vld.idx.msk [tilespmem:v5+s3+$0x0], $0xffff  }
0x22: {  	s17 =	simm.s32 $0x80;
	v4 =	vld.idx.msk [tilespmem:v6+s3+$0x0], $0xffff  }
.LBB2_2:
0x23: {  	p0 =	sne.s32 s17, $0x31C0;
	v2 =	vshll.u32 v2, $0x2;
	s18 =	smov.u32 s17;
	s17 =	sadd.s32 $0x40, s17  }
0x24: {  	v6 =	vor.u32 $0x2, v2;
	v7 =	vor.u32 $0x3, v2  }
0x25: {  	v8 =	vshll.u32 v1, $0x2  }
0x26: {  	v9 =	vor.u32 $0x1, v8;
	v1 =	vadd.f32 v3, v5  }
0x27: {  	s18 =	sshra.s32 s18, $0x2;
	v0 =	vadd.f32 v4, v0  }
0x28: {  	v2 =	vld [tilespmem:s18+$0xA8C0];
	[tilespmem:s16+$0xC1C0] =	vst v1  }
.Ltmp0:
0x29: {  	v1 =	vld [tilespmem:s18+$0x9C40];
	[tilespmem:s16+$0xB540] =	vst v0;
	s16 =	smov.u32 s15;
	s15 =	smov.u32 s18;
	(pc) =	sbr.rel @p0 .LBB2_2-.Ltmp0, $4  }
0x2a: {  	v0 =	vld.idx.msk [tilespmem:v8+s3+$0x0], $0xffff  }
0x2b: {  	v3 =	vld.idx.msk [tilespmem:v7+s3+$0x0], $0xffff  }
0x2c: {  	v5 =	vld.idx.msk [tilespmem:v9+s3+$0x0], $0xffff  }
0x2d: {  	v4 =	vld.idx.msk [tilespmem:v6+s3+$0x0], $0xffff  }
0x2e: {  	_ =	sdelay $0x1  }
0x2f: {  	v2 =	vshll.u32 v2, $0x2;
	v1 =	vshll.u32 v1, $0x2  }
0x30: {  	v6 =	vor.u32 $0x3, v2;
	v3 =	vadd.f32 v3, v5  }
0x31: {  	v62 =	vor.u32 $0x1, v1;
	v0 =	vadd.f32 v4, v0  }
0x32: {  	v2 =	vor.u32 $0x2, v2;
	[tilespmem:s16+$0xC1C0] =	vst v3  }
0x33: {  	[tilespmem:s16+$0xB540] =	vst v0  }
0x34: {  	v0 =	vld.idx.msk [tilespmem:v1+s3+$0x0], $0xffff  }
0x35: {  	v63 =	vld.idx.msk [tilespmem:v6+s3+$0x0], $0xffff  }
0x36: {  	v3 =	vld.idx.msk [tilespmem:v62+s3+$0x0], $0xffff  }
0x37: {  	v2 =	vld.idx.msk [tilespmem:v2+s3+$0x0], $0xffff;
	_ =	sdelay $0x3  }
0x38: {  	v1 =	vadd.f32 v63, v3  }
0x39: {  	v0 =	vadd.f32 v2, v0  }
0x3a: {  	[tilespmem:s15+$0xC1C0] =	vst v1  }
0x3b: {  	[tilespmem:s15+$0xB540] =	vst v0  }
0x3c: {  	[hbm4b:s6+s3] =	stream.linear.scatter [tilespmem:s12], [sflag:$0x1], $0xC80, $0x38;
	[tilespmem:$0xCE40] =	vst v63  }
0x3d: {  	s14 =	sadd.s32 $0x1, s14;
	_ =	swait.ge [sflag:s9], $0xC80  }
0x3e: {  	p0 =	sne.s32 s14, s8;
	[sflag:s9] =	ssyncset.done $0x0  }
.Ltmp1:
0x3f: {  	[sflag:s9] =	ssyncadd.s32 $0xFFFFF380;
	(pc) =	sbr.rel @p0 .LBB2_1-.Ltmp1, $4  }
0x40: {  	[hbm4b:s7+s3] =	stream.linear.scatter [tilespmem:s13], [sflag:$0x1], $0xC80, $0x38;
	[tilespmem:$0xCE40] =	vst v63  }
0x41: {  	_ =	swait.ge [sflag:s9], $0xC80  }
0x42: {  	[sflag:s9] =	ssyncset.done $0x0  }
0x43: {  	[sflag:s9] =	ssyncadd.s32 $0xFFFFF380  }
0x44: {  	_ =	sfence.sel $0x180000  }
0x45: {  	[bflag:$0x0] =	sbarrier.arrive $0xFFFF  }
0x46: {  	p0 =	sne.s32 s0, $0x0;
	_ =	strace $0x9000004A  }
0x47: {  	s0 =	sadd.s32 @!p0 $0x100000, s1;
	[bflag:$0x2] =	sbarrier.arrive $0xFFFF  }
0x48: {  	[sflag:s0] =	ssyncadd.tile.s32 @!p0 $0x1;
	_ =	shalt  }
.Lfunc_end2:
_tile_overlayer_lowered:
.L_overlay_start_2:
0x49: {  	(tag) =	ssettag $0x2  }
0x4a: {  	s0 =	rddreg [dreg:$0x0];
	s2 =	stileid.u32  }
0x4b: {  	s1 =	rddreg [dreg:$0x1];
	p0 =	sne.s32 s2, $0x0  }
0x4c: {  	s3 =	rddreg [dreg:$0x2];
	[bflag:$0x3] =	sbarrier.arrive $0xFFFF;
	s2 =	simm.s32 @!p0 $0x1C01  }
0x4d: {  	[timem:s3], [sflag:s2] =	dma.local @!p0 [hbm:s0], s1  }
0x4e: {  	s0 =	simm.s32 @!p0 $0x1  }
0x4f: {  	_ =	swait.ge @!p0 [sflag:s0], s1  }
0x50: {  	s1 =	ssub.s32 @!p0 $0x0, s1;
	[sflag:s0] =	ssyncset.done @!p0 $0x0  }
0x51: {  	[sflag:s0] =	ssyncadd.s32 @!p0 s1  }
0x52: {  	[bflag:$0x3] =	sbarrier.arrive $0xFFFF  }
0x53: {  	_ =	shalt  }

</sc_bundles>
